<compile_context>
chip_gen: v7x
topology: tpu7x:2x2x1
jax: 0.10.2.dev20260603
libtpu: 0.0.44.dev20260713+nightly
codegen_flags: <defaults>
</compile_context>

<pallas_src>
import functools

import jax
import jax.numpy as jnp
from jax import lax
from jax.experimental import pallas as pl
from jax.experimental.pallas import tpu as pltpu
from jax.experimental.pallas import tpu_sc as plsc

IMAGE_TOKEN_INDEX = -200
LANES = 16
D = 128
CHUNK = 128
DEPTH = 6


def _build(bs_total, vocab):
    info = plsc.get_sparse_core_info()
    nw = info.num_cores * info.num_subcores
    per_w = bs_total // nw
    n_chunks = per_w // CHUNK
    gpc = CHUNK // LANES
    n_groups = per_w // LANES

    mesh = plsc.VectorSubcoreMesh(core_axis_name="c", subcore_axis_name="s")

    @functools.partial(
        pl.kernel,
        mesh=mesh,
        out_type=jax.ShapeDtypeStruct((bs_total, D), jnp.float32),
        scratch_types=[
            pltpu.VMEM((per_w,), jnp.int32),
            pltpu.VMEM((n_chunks, CHUNK), jnp.int32),
            pltpu.VMEM((DEPTH, CHUNK, D), jnp.float32),
            pltpu.VMEM((LANES, D), jnp.float32),
        ] + [pltpu.SemaphoreType.DMA] * (2 * DEPTH + 2),
    )
    def emb(ids_hbm, table_hbm, out_hbm,
            ids_v, sidx_v, rows_v, zeros_v, *sems):
        g_sem = sems[:DEPTH]
        s_sem = sems[DEPTH:2 * DEPTH]
        zsem = sems[2 * DEPTH]
        tsem = sems[2 * DEPTH + 1]
        wid = lax.axis_index("s") * info.num_cores + lax.axis_index("c")
        base = wid * per_w

        pltpu.sync_copy(ids_hbm.at[pl.ds(base, per_w)], ids_v)

        zero = jnp.zeros((LANES,), jnp.float32)
        iota = lax.iota(jnp.int32, LANES)
        for r in range(LANES):
            for seg in range(D // LANES):
                zeros_v[r, pl.ds(seg * LANES, LANES)] = zero

        def prep_chunk(j):
            for gl in range(gpc):
                g = j * gpc + gl
                v = ids_v[pl.ds(g * LANES, LANES)]
                m = v == IMAGE_TOKEN_INDEX
                s = jnp.where(m, 0, jnp.clip(v, 0, vocab - 1))
                sidx_v[j, pl.ds(gl * LANES, LANES)] = s

        gath = [None] * n_chunks
        scat = [None] * n_chunks
        for b in range(min(DEPTH, n_chunks)):
            prep_chunk(b)
            gath[b] = pltpu.async_copy(
                table_hbm.at[sidx_v.at[b]], rows_v.at[b], g_sem[b])
        for j in range(DEPTH, n_chunks):
            prep_chunk(j)

        for j in range(n_chunks):
            b = j % DEPTH
            gath[j].wait()
            scat[j] = pltpu.async_copy(
                rows_v.at[b],
                out_hbm.at[pl.ds(base + j * CHUNK, CHUNK)], s_sem[b])
            jn = j + DEPTH
            if jn < n_chunks:
                scat[j].wait()
                gath[jn] = pltpu.async_copy(
                    table_hbm.at[sidx_v.at[jn]], rows_v.at[b], g_sem[b])
        for j in range(max(0, n_chunks - DEPTH), n_chunks):
            scat[j].wait()

        def zfire(g, cnt):
            v = ids_v[pl.ds(g * LANES, LANES)]
            mi = jnp.where(v == IMAGE_TOKEN_INDEX, 1, 0)
            for l in range(LANES):

                @pl.when(mi[l] > 0)
                def _():
                    pltpu.async_copy(
                        zeros_v.at[pl.ds(0, 1)],
                        out_hbm.at[pl.ds(base + g * LANES + l, 1)], zsem)

                cnt = cnt + mi[l]
            return cnt

        cnt = lax.fori_loop(0, n_groups, zfire, jnp.int32(0))

        def zdrain(i, carry):
            pltpu.make_async_copy(
                out_hbm.at[pl.ds(0, 1)], zeros_v.at[pl.ds(0, 1)], zsem
            ).wait()
            return carry

        lax.fori_loop(0, cnt, zdrain, 0)

    return emb


def kernel(input_ids, table):
    b, s = input_ids.shape
    ids = input_ids.reshape(-1).astype(jnp.int32)
    emb = _build(b * s, table.shape[0])
    out = emb(ids, table)
    return out.reshape(b, s, D)

# --- scband reference (transcript-rebuilt; emitter-appended) ---
"""Pipeline reference for scband-fast-vlmembedding-wrapper-39883066311077 (READ-ONLY COPY).

The authoritative reference and input builder live on the scoring server;
editing this copy changes nothing except your own understanding.
"""

import jax, jax.numpy as jnp
import numpy as np

IMAGE_TOKEN_INDEX = -200
PAD_TOKEN_ID = 0
VOCAB = 100000
EMBED_DIM = 128
B, S = 4, 8192


def setup_inputs(seed: int = 0) -> dict:
    key = jax.random.key(seed)
    k1, k2, k3 = jax.random.split(key, 3)
    input_ids = jax.random.randint(k1, (B, S), 0, VOCAB, dtype=jnp.int64)
    # sprinkle some image tokens (like a VLM prompt) so the mask path is exercised
    img_mask = jax.random.uniform(k3, (B, S)) < 0.02
    input_ids = jnp.where(img_mask, jnp.int64(IMAGE_TOKEN_INDEX), input_ids)
    table = jax.random.normal(k2, (VOCAB, EMBED_DIM), dtype=jnp.float32) * 0.02
    return {"input_ids": input_ids, "table": table}


def reference(input_ids, table):
    image_mask = input_ids == IMAGE_TOKEN_INDEX
    safe_input_ids = jnp.where(image_mask, jnp.int64(PAD_TOKEN_ID), input_ids)
    safe_input_ids = jnp.clip(safe_input_ids, 0, table.shape[0] - 1)
    embeddings = jnp.take(table, safe_input_ids, axis=0)
    embeddings = jnp.where(image_mask[..., None], jnp.zeros((), dtype=embeddings.dtype), embeddings)
    return embeddings

if __name__ == "__main__":
    import jax
    _d = setup_inputs()
    print(jax.jit(kernel)(*tuple(_d.values())))

</pallas_src>

<mosaic_0001>
#map = affine_map<(d0, d1) -> (0)>
#map1 = affine_map<(d0, d1) -> (0, 0)>
module attributes {stable_mosaic.version = 14 : i64} {
  func.func @emb(%arg0: i32, %arg1: i32, %arg2: memref<32768xi32, #tpu.memory_space<hbm>>, %arg3: memref<100000x128xf32, #tpu.memory_space<hbm>>, %arg4: memref<32768x128xf32, #tpu.memory_space<hbm>>, %arg5: memref<1024xi32, #tpu.memory_space<vmem>>, %arg6: memref<8x128xi32, #tpu.memory_space<vmem>>, %arg7: memref<6x128x128xf32, #tpu.memory_space<vmem>>, %arg8: memref<16x128xf32, #tpu.memory_space<vmem>>, %arg9: memref<!tpu.dma_semaphore, #tpu.memory_space<semaphore_mem>>, %arg10: memref<!tpu.dma_semaphore, #tpu.memory_space<semaphore_mem>>, %arg11: memref<!tpu.dma_semaphore, #tpu.memory_space<semaphore_mem>>, %arg12: memref<!tpu.dma_semaphore, #tpu.memory_space<semaphore_mem>>, %arg13: memref<!tpu.dma_semaphore, #tpu.memory_space<semaphore_mem>>, %arg14: memref<!tpu.dma_semaphore, #tpu.memory_space<semaphore_mem>>, %arg15: memref<!tpu.dma_semaphore, #tpu.memory_space<semaphore_mem>>, %arg16: memref<!tpu.dma_semaphore, #tpu.memory_space<semaphore_mem>>, %arg17: memref<!tpu.dma_semaphore, #tpu.memory_space<semaphore_mem>>, %arg18: memref<!tpu.dma_semaphore, #tpu.memory_space<semaphore_mem>>, %arg19: memref<!tpu.dma_semaphore, #tpu.memory_space<semaphore_mem>>, %arg20: memref<!tpu.dma_semaphore, #tpu.memory_space<semaphore_mem>>, %arg21: memref<!tpu.dma_semaphore, #tpu.memory_space<semaphore_mem>>, %arg22: memref<!tpu.dma_semaphore, #tpu.memory_space<semaphore_mem>>) attributes {dimension_semantics = [#tpu.dimension_semantics<core_parallel>, #tpu.dimension_semantics<subcore_parallel>], iteration_bounds = array<i64: 2, 16>, scalar_prefetch = 0 : i64, scratch_operands = 18 : i64, tpu.core_type = #tpu.core_type<sc_vector_subcore>, window_params = [{transform_indices = #map}, {transform_indices = #map1}, {transform_indices = #map1}]} {
    %mul3A = arith.constant 2 : i32
    %mul3A_0 = arith.muli %arg1, %mul3A : i32
    %add3A = arith.addi %mul3A_0, %arg0 : i32
    %mul3A_1 = arith.constant 1024 : i32
    %mul3A_2 = arith.muli %add3A, %mul3A_1 : i32
    "tpu.region"() ({
      %run_scoped3A = tpu.sem_alloc : memref<!tpu.dma_semaphore, #tpu.memory_space<semaphore_mem>>
      %dma_start3A_2538 = tpu.memref_slice %arg2[%mul3A_2] : memref<32768xi32, #tpu.memory_space<hbm>> -> memref<1024xi32, #tpu.memory_space<hbm>>
      %dma_start3A_2539 = tpu.memref_slice %arg2[%mul3A_2] : memref<32768xi32, #tpu.memory_space<hbm>> -> memref<1024xi32, #tpu.memory_space<hbm>>
      tpu.enqueue_dma source(%dma_start3A_2539 : memref<1024xi32, #tpu.memory_space<hbm>>) target(%arg5 : memref<1024xi32, #tpu.memory_space<vmem>>) target_semaphore(%run_scoped3A : memref<!tpu.dma_semaphore, #tpu.memory_space<semaphore_mem>>)
      %dma_wait3A_2540 = tpu.memref_slice %arg2[%mul3A_2] : memref<32768xi32, #tpu.memory_space<hbm>> -> memref<1024xi32, #tpu.memory_space<hbm>>
      %dma_wait3A_2541 = tpu.memref_slice %arg2[%mul3A_2] : memref<32768xi32, #tpu.memory_space<hbm>> -> memref<1024xi32, #tpu.memory_space<hbm>>
      tpu.wait_dma2 semaphore(%run_scoped3A : memref<!tpu.dma_semaphore, #tpu.memory_space<semaphore_mem>>) src(%dma_wait3A_2541 : memref<1024xi32, #tpu.memory_space<hbm>>) dst(%arg5 : memref<1024xi32, #tpu.memory_space<vmem>>)
      tpu.yield
    }) : () -> ()
    %broadcast_in_dim3A = arith.constant 0.000000e+00 : f32
    %broadcast_in_dim3A_3 = vector.broadcast %broadcast_in_dim3A : f32 to vector<16xf32>
    %iota3A = tpu.iota {dimensions = array<i32: 0>} : vector<16xi32>
    %swap3A = arith.constant 0 : i32
    %swap3A_4 = arith.index_cast %swap3A : i32 to index
    %swap3A_5 = arith.constant 0 : index
    %swap3A_6 = tpu.vector_load %arg8[%swap3A_4, %swap3A_5] {strides = array<i32>} : memref<16x128xf32, #tpu.memory_space<vmem>>, vector<1x16xf32>,
    %swap3A_7 = vector.shape_cast %swap3A_6 : vector<1x16xf32> to vector<16xf32>
    %swap3A_8 = vector.shape_cast %broadcast_in_dim3A_3 : vector<16xf32> to vector<1x16xf32>
    tpu.vector_store %arg8[%swap3A_4, %swap3A_5], %swap3A_8 {strides = array<i32>} : memref<16x128xf32, #tpu.memory_space<vmem>>, vector<1x16xf32>,
    %swap3A_9 = arith.constant 0 : i32
    %swap3A_10 = arith.index_cast %swap3A_9 : i32 to index
    %swap3A_11 = arith.constant 16 : index
    %swap3A_12 = tpu.vector_load %arg8[%swap3A_10, %swap3A_11] {strides = array<i32>} : memref<16x128xf32, #tpu.memory_space<vmem>>, vector<1x16xf32>,
    %swap3A_13 = vector.shape_cast %swap3A_12 : vector<1x16xf32> to vector<16xf32>
    %swap3A_14 = vector.shape_cast %broadcast_in_dim3A_3 : vector<16xf32> to vector<1x16xf32>
    tpu.vector_store %arg8[%swap3A_10, %swap3A_11], %swap3A_14 {strides = array<i32>} : memref<16x128xf32, #tpu.memory_space<vmem>>, vector<1x16xf32>,
    %swap3A_15 = arith.constant 0 : i32
    %swap3A_16 = arith.index_cast %swap3A_15 : i32 to index
    %swap3A_17 = arith.constant 32 : index
    %swap3A_18 = tpu.vector_load %arg8[%swap3A_16, %swap3A_17] {strides = array<i32>} : memref<16x128xf32, #tpu.memory_space<vmem>>, vector<1x16xf32>,
    %swap3A_19 = vector.shape_cast %swap3A_18 : vector<1x16xf32> to vector<16xf32>
    %swap3A_20 = vector.shape_cast %broadcast_in_dim3A_3 : vector<16xf32> to vector<1x16xf32>
    tpu.vector_store %arg8[%swap3A_16, %swap3A_17], %swap3A_20 {strides = array<i32>} : memref<16x128xf32, #tpu.memory_space<vmem>>, vector<1x16xf32>,
    %swap3A_21 = arith.constant 0 : i32
    %swap3A_22 = arith.index_cast %swap3A_21 : i32 to index
    %swap3A_23 = arith.constant 48 : index
    %swap3A_24 = tpu.vector_load %arg8[%swap3A_22, %swap3A_23] {strides = array<i32>} : memref<16x128xf32, #tpu.memory_space<vmem>>, vector<1x16xf32>,
    %swap3A_25 = vector.shape_cast %swap3A_24 : vector<1x16xf32> to vector<16xf32>
    %swap3A_26 = vector.shape_cast %broadcast_in_dim3A_3 : vector<16xf32> to vector<1x16xf32>
    tpu.vector_store %arg8[%swap3A_22, %swap3A_23], %swap3A_26 {strides = array<i32>} : memref<16x128xf32, #tpu.memory_space<vmem>>, vector<1x16xf32>,
    %swap3A_27 = arith.constant 0 : i32
    %swap3A_28 = arith.index_cast %swap3A_27 : i32 to index
    %swap3A_29 = arith.constant 64 : index
    %swap3A_30 = tpu.vector_load %arg8[%swap3A_28, %swap3A_29] {strides = array<i32>} : memref<16x128xf32, #tpu.memory_space<vmem>>, vector<1x16xf32>,
    %swap3A_31 = vector.shape_cast %swap3A_30 : vector<1x16xf32> to vector<16xf32>
    %swap3A_32 = vector.shape_cast %broadcast_in_dim3A_3 : vector<16xf32> to vector<1x16xf32>
    tpu.vector_store %arg8[%swap3A_28, %swap3A_29], %swap3A_32 {strides = array<i32>} : memref<16x128xf32, #tpu.memory_space<vmem>>, vector<1x16xf32>,
    %swap3A_33 = arith.constant 0 : i32
    %swap3A_34 = arith.index_cast %swap3A_33 : i32 to index
    %swap3A_35 = arith.constant 80 : index
    %swap3A_36 = tpu.vector_load %arg8[%swap3A_34, %swap3A_35] {strides = array<i32>} : memref<16x128xf32, #tpu.memory_space<vmem>>, vector<1x16xf32>,
    %swap3A_37 = vector.shape_cast %swap3A_36 : vector<1x16xf32> to vector<16xf32>
    %swap3A_38 = vector.shape_cast %broadcast_in_dim3A_3 : vector<16xf32> to vector<1x16xf32>
    tpu.vector_store %arg8[%swap3A_34, %swap3A_35], %swap3A_38 {strides = array<i32>} : memref<16x128xf32, #tpu.memory_space<vmem>>, vector<1x16xf32>,
    %swap3A_39 = arith.constant 0 : i32
    %swap3A_40 = arith.index_cast %swap3A_39 : i32 to index
    %swap3A_41 = arith.constant 96 : index
    %swap3A_42 = tpu.vector_load %arg8[%swap3A_40, %swap3A_41] {strides = array<i32>} : memref<16x128xf32, #tpu.memory_space<vmem>>, vector<1x16xf32>,
    %swap3A_43 = vector.shape_cast %swap3A_42 : vector<1x16xf32> to vector<16xf32>
    %swap3A_44 = vector.shape_cast %broadcast_in_dim3A_3 : vector<16xf32> to vector<1x16xf32>
    tpu.vector_store %arg8[%swap3A_40, %swap3A_41], %swap3A_44 {strides = array<i32>} : memref<16x128xf32, #tpu.memory_space<vmem>>, vector<1x16xf32>,
    %swap3A_45 = arith.constant 0 : i32
    %swap3A_46 = arith.index_cast %swap3A_45 : i32 to index
    %swap3A_47 = arith.constant 112 : index
    %swap3A_48 = tpu.vector_load %arg8[%swap3A_46, %swap3A_47] {strides = array<i32>} : memref<16x128xf32, #tpu.memory_space<vmem>>, vector<1x16xf32>,
    %swap3A_49 = vector.shape_cast %swap3A_48 : vector<1x16xf32> to vector<16xf32>
    %swap3A_50 = vector.shape_cast %broadcast_in_dim3A_3 : vector<16xf32> to vector<1x16xf32>
    tpu.vector_store %arg8[%swap3A_46, %swap3A_47], %swap3A_50 {strides = array<i32>} : memref<16x128xf32, #tpu.memory_space<vmem>>, vector<1x16xf32>,
    %swap3A_51 = arith.constant 1 : i32
    %swap3A_52 = arith.index_cast %swap3A_51 : i32 to index
    %swap3A_53 = arith.constant 0 : index
    %swap3A_54 = tpu.vector_load %arg8[%swap3A_52, %swap3A_53] {strides = array<i32>} : memref<16x128xf32, #tpu.memory_space<vmem>>, vector<1x16xf32>,
    %swap3A_55 = vector.shape_cast %swap3A_54 : vector<1x16xf32> to vector<16xf32>
    %swap3A_56 = vector.shape_cast %broadcast_in_dim3A_3 : vector<16xf32> to vector<1x16xf32>
    tpu.vector_store %arg8[%swap3A_52, %swap3A_53], %swap3A_56 {strides = array<i32>} : memref<16x128xf32, #tpu.memory_space<vmem>>, vector<1x16xf32>,
    %swap3A_57 = arith.constant 1 : i32
    %swap3A_58 = arith.index_cast %swap3A_57 : i32 to index
    %swap3A_59 = arith.constant 16 : index
    %swap3A_60 = tpu.vector_load %arg8[%swap3A_58, %swap3A_59] {strides = array<i32>} : memref<16x128xf32, #tpu.memory_space<vmem>>, vector<1x16xf32>,
    %swap3A_61 = vector.shape_cast %swap3A_60 : vector<1x16xf32> to vector<16xf32>
    %swap3A_62 = vector.shape_cast %broadcast_in_dim3A_3 : vector<16xf32> to vector<1x16xf32>
    tpu.vector_store %arg8[%swap3A_58, %swap3A_59], %swap3A_62 {strides = array<i32>} : memref<16x128xf32, #tpu.memory_space<vmem>>, vector<1x16xf32>,
    %swap3A_63 = arith.constant 1 : i32
    %swap3A_64 = arith.index_cast %swap3A_63 : i32 to index
    %swap3A_65 = arith.constant 32 : index
    %swap3A_66 = tpu.vector_load %arg8[%swap3A_64, %swap3A_65] {strides = array<i32>} : memref<16x128xf32, #tpu.memory_space<vmem>>, vector<1x16xf32>,
    %swap3A_67 = vector.shape_cast %swap3A_66 : vector<1x16xf32> to vector<16xf32>
    %swap3A_68 = vector.shape_cast %broadcast_in_dim3A_3 : vector<16xf32> to vector<1x16xf32>
    tpu.vector_store %arg8[%swap3A_64, %swap3A_65], %swap3A_68 {strides = array<i32>} : memref<16x128xf32, #tpu.memory_space<vmem>>, vector<1x16xf32>,
    %swap3A_69 = arith.constant 1 : i32
    %swap3A_70 = arith.index_cast %swap3A_69 : i32 to index
    %swap3A_71 = arith.constant 48 : index
    %swap3A_72 = tpu.vector_load %arg8[%swap3A_70, %swap3A_71] {strides = array<i32>} : memref<16x128xf32, #tpu.memory_space<vmem>>, vector<1x16xf32>,
    %swap3A_73 = vector.shape_cast %swap3A_72 : vector<1x16xf32> to vector<16xf32>
    %swap3A_74 = vector.shape_cast %broadcast_in_dim3A_3 : vector<16xf32> to vector<1x16xf32>
    tpu.vector_store %arg8[%swap3A_70, %swap3A_71], %swap3A_74 {strides = array<i32>} : memref<16x128xf32, #tpu.memory_space<vmem>>, vector<1x16xf32>,
    %swap3A_75 = arith.constant 1 : i32
    %swap3A_76 = arith.index_cast %swap3A_75 : i32 to index
    %swap3A_77 = arith.constant 64 : index
    %swap3A_78 = tpu.vector_load %arg8[%swap3A_76, %swap3A_77] {strides = array<i32>} : memref<16x128xf32, #tpu.memory_space<vmem>>, vector<1x16xf32>,
    %swap3A_79 = vector.shape_cast %swap3A_78 : vector<1x16xf32> to vector<16xf32>
    %swap3A_80 = vector.shape_cast %broadcast_in_dim3A_3 : vector<16xf32> to vector<1x16xf32>
    tpu.vector_store %arg8[%swap3A_76, %swap3A_77], %swap3A_80 {strides = array<i32>} : memref<16x128xf32, #tpu.memory_space<vmem>>, vector<1x16xf32>,
    %swap3A_81 = arith.constant 1 : i32
    %swap3A_82 = arith.index_cast %swap3A_81 : i32 to index
    %swap3A_83 = arith.constant 80 : index
    %swap3A_84 = tpu.vector_load %arg8[%swap3A_82, %swap3A_83] {strides = array<i32>} : memref<16x128xf32, #tpu.memory_space<vmem>>, vector<1x16xf32>,
    %swap3A_85 = vector.shape_cast %swap3A_84 : vector<1x16xf32> to vector<16xf32>
    %swap3A_86 = vector.shape_cast %broadcast_in_dim3A_3 : vector<16xf32> to vector<1x16xf32>
    tpu.vector_store %arg8[%swap3A_82, %swap3A_83], %swap3A_86 {strides = array<i32>} : memref<16x128xf32, #tpu.memory_space<vmem>>, vector<1x16xf32>,
    %swap3A_87 = arith.constant 1 : i32
    %swap3A_88 = arith.index_cast %swap3A_87 : i32 to index
    %swap3A_89 = arith.constant 96 : index
    %swap3A_90 = tpu.vector_load %arg8[%swap3A_88, %swap3A_89] {strides = array<i32>} : memref<16x128xf32, #tpu.memory_space<vmem>>, vector<1x16xf32>,
    %swap3A_91 = vector.shape_cast %swap3A_90 : vector<1x16xf32> to vector<16xf32>
    %swap3A_92 = vector.shape_cast %broadcast_in_dim3A_3 : vector<16xf32> to vector<1x16xf32>
    tpu.vector_store %arg8[%swap3A_88, %swap3A_89], %swap3A_92 {strides = array<i32>} : memref<16x128xf32, #tpu.memory_space<vmem>>, vector<1x16xf32>,
    %swap3A_93 = arith.constant 1 : i32
    %swap3A_94 = arith.index_cast %swap3A_93 : i32 to index
    %swap3A_95 = arith.constant 112 : index
    %swap3A_96 = tpu.vector_load %arg8[%swap3A_94, %swap3A_95] {strides = array<i32>} : memref<16x128xf32, #tpu.memory_space<vmem>>, vector<1x16xf32>,
    %swap3A_97 = vector.shape_cast %swap3A_96 : vector<1x16xf32> to vector<16xf32>
    %swap3A_98 = vector.shape_cast %broadcast_in_dim3A_3 : vector<16xf32> to vector<1x16xf32>
    tpu.vector_store %arg8[%swap3A_94, %swap3A_95], %swap3A_98 {strides = array<i32>} : memref<16x128xf32, #tpu.memory_space<vmem>>, vector<1x16xf32>,
    %swap3A_99 = arith.constant 2 : i32
    %swap3A_100 = arith.index_cast %swap3A_99 : i32 to index
    %swap3A_101 = arith.constant 0 : index
    %swap3A_102 = tpu.vector_load %arg8[%swap3A_100, %swap3A_101] {strides = array<i32>} : memref<16x128xf32, #tpu.memory_space<vmem>>, vector<1x16xf32>,
    %swap3A_103 = vector.shape_cast %swap3A_102 : vector<1x16xf32> to vector<16xf32>
    %swap3A_104 = vector.shape_cast %broadcast_in_dim3A_3 : vector<16xf32> to vector<1x16xf32>
    tpu.vector_store %arg8[%swap3A_100, %swap3A_101], %swap3A_104 {strides = array<i32>} : memref<16x128xf32, #tpu.memory_space<vmem>>, vector<1x16xf32>,
    %swap3A_105 = arith.constant 2 : i32
    %swap3A_106 = arith.index_cast %swap3A_105 : i32 to index
    %swap3A_107 = arith.constant 16 : index
    %swap3A_108 = tpu.vector_load %arg8[%swap3A_106, %swap3A_107] {strides = array<i32>} : memref<16x128xf32, #tpu.memory_space<vmem>>, vector<1x16xf32>,
    %swap3A_109 = vector.shape_cast %swap3A_108 : vector<1x16xf32> to vector<16xf32>
    %swap3A_110 = vector.shape_cast %broadcast_in_dim3A_3 : vector<16xf32> to vector<1x16xf32>
    tpu.vector_store %arg8[%swap3A_106, %swap3A_107], %swap3A_110 {strides = array<i32>} : memref<16x128xf32, #tpu.memory_space<vmem>>, vector<1x16xf32>,
    %swap3A_111 = arith.constant 2 : i32
    %swap3A_112 = arith.index_cast %swap3A_111 : i32 to index
    %swap3A_113 = arith.constant 32 : index
    %swap3A_114 = tpu.vector_load %arg8[%swap3A_112, %swap3A_113] {strides = array<i32>} : memref<16x128xf32, #tpu.memory_space<vmem>>, vector<1x16xf32>,
    %swap3A_115 = vector.shape_cast %swap3A_114 : vector<1x16xf32> to vector<16xf32>
    %swap3A_116 = vector.shape_cast %broadcast_in_dim3A_3 : vector<16xf32> to vector<1x16xf32>
    tpu.vector_store %arg8[%swap3A_112, %swap3A_113], %swap3A_116 {strides = array<i32>} : memref<16x128xf32, #tpu.memory_space<vmem>>, vector<1x16xf32>,
    %swap3A_117 = arith.constant 2 : i32
    %swap3A_118 = arith.index_cast %swap3A_117 : i32 to index
    %swap3A_119 = arith.constant 48 : index
    %swap3A_120 = tpu.vector_load %arg8[%swap3A_118, %swap3A_119] {strides = array<i32>} : memref<16x128xf32, #tpu.memory_space<vmem>>, vector<1x16xf32>,
    %swap3A_121 = vector.shape_cast %swap3A_120 : vector<1x16xf32> to vector<16xf32>
    %swap3A_122 = vector.shape_cast %broadcast_in_dim3A_3 : vector<16xf32> to vector<1x16xf32>
    tpu.vector_store %arg8[%swap3A_118, %swap3A_119], %swap3A_122 {strides = array<i32>} : memref<16x128xf32, #tpu.memory_space<vmem>>, vector<1x16xf32>,
    %swap3A_123 = arith.constant 2 : i32
    %swap3A_124 = arith.index_cast %swap3A_123 : i32 to index
    %swap3A_125 = arith.constant 64 : index
    %swap3A_126 = tpu.vector_load %arg8[%swap3A_124, %swap3A_125] {strides = array<i32>} : memref<16x128xf32, #tpu.memory_space<vmem>>, vector<1x16xf32>,
    %swap3A_127 = vector.shape_cast %swap3A_126 : vector<1x16xf32> to vector<16xf32>
    %swap3A_128 = vector.shape_cast %broadcast_in_dim3A_3 : vector<16xf32> to vector<1x16xf32>
    tpu.vector_store %arg8[%swap3A_124, %swap3A_125], %swap3A_128 {strides = array<i32>} : memref<16x128xf32, #tpu.memory_space<vmem>>, vector<1x16xf32>,
    %swap3A_129 = arith.constant 2 : i32
    %swap3A_130 = arith.index_cast %swap3A_129 : i32 to index
    %swap3A_131 = arith.constant 80 : index
    %swap3A_132 = tpu.vector_load %arg8[%swap3A_130, %swap3A_131] {strides = array<i32>} : memref<16x128xf32, #tpu.memory_space<vmem>>, vector<1x16xf32>,
    %swap3A_133 = vector.shape_cast %swap3A_132 : vector<1x16xf32> to vector<16xf32>
    %swap3A_134 = vector.shape_cast %broadcast_in_dim3A_3 : vector<16xf32> to vector<1x16xf32>
    tpu.vector_store %arg8[%swap3A_130, %swap3A_131], %swap3A_134 {strides = array<i32>} : memref<16x128xf32, #tpu.memory_space<vmem>>, vector<1x16xf32>,
    %swap3A_135 = arith.constant 2 : i32
    %swap3A_136 = arith.index_cast %swap3A_135 : i32 to index
    %swap3A_137 = arith.constant 96 : index
    %swap3A_138 = tpu.vector_load %arg8[%swap3A_136, %swap3A_137] {strides = array<i32>} : memref<16x128xf32, #tpu.memory_space<vmem>>, vector<1x16xf32>,
    %swap3A_139 = vector.shape_cast %swap3A_138 : vector<1x16xf32> to vector<16xf32>
    %swap3A_140 = vector.shape_cast %broadcast_in_dim3A_3 : vector<16xf32> to vector<1x16xf32>
    tpu.vector_store %arg8[%swap3A_136, %swap3A_137], %swap3A_140 {strides = array<i32>} : memref<16x128xf32, #tpu.memory_space<vmem>>, vector<1x16xf32>,
    %swap3A_141 = arith.constant 2 : i32
    %swap3A_142 = arith.index_cast %swap3A_141 : i32 to index
    %swap3A_143 = arith.constant 112 : index
    %swap3A_144 = tpu.vector_load %arg8[%swap3A_142, %swap3A_143] {strides = array<i32>} : memref<16x128xf32, #tpu.memory_space<vmem>>, vector<1x16xf32>,
    %swap3A_145 = vector.shape_cast %swap3A_144 : vector<1x16xf32> to vector<16xf32>
    %swap3A_146 = vector.shape_cast %broadcast_in_dim3A_3 : vector<16xf32> to vector<1x16xf32>
    tpu.vector_store %arg8[%swap3A_142, %swap3A_143], %swap3A_146 {strides = array<i32>} : memref<16x128xf32, #tpu.memory_space<vmem>>, vector<1x16xf32>,
    %swap3A_147 = arith.constant 3 : i32
    %swap3A_148 = arith.index_cast %swap3A_147 : i32 to index
    %swap3A_149 = arith.constant 0 : index
    %swap3A_150 = tpu.vector_load %arg8[%swap3A_148, %swap3A_149] {strides = array<i32>} : memref<16x128xf32, #tpu.memory_space<vmem>>, vector<1x16xf32>,
    %swap3A_151 = vector.shape_cast %swap3A_150 : vector<1x16xf32> to vector<16xf32>
    %swap3A_152 = vector.shape_cast %broadcast_in_dim3A_3 : vector<16xf32> to vector<1x16xf32>
    tpu.vector_store %arg8[%swap3A_148, %swap3A_149], %swap3A_152 {strides = array<i32>} : memref<16x128xf32, #tpu.memory_space<vmem>>, vector<1x16xf32>,
    %swap3A_153 = arith.constant 3 : i32
    %swap3A_154 = arith.index_cast %swap3A_153 : i32 to index
    %swap3A_155 = arith.constant 16 : index
    %swap3A_156 = tpu.vector_load %arg8[%swap3A_154, %swap3A_155] {strides = array<i32>} : memref<16x128xf32, #tpu.memory_space<vmem>>, vector<1x16xf32>,
    %swap3A_157 = vector.shape_cast %swap3A_156 : vector<1x16xf32> to vector<16xf32>
    %swap3A_158 = vector.shape_cast %broadcast_in_dim3A_3 : vector<16xf32> to vector<1x16xf32>
    tpu.vector_store %arg8[%swap3A_154, %swap3A_155], %swap3A_158 {strides = array<i32>} : memref<16x128xf32, #tpu.memory_space<vmem>>, vector<1x16xf32>,
    %swap3A_159 = arith.constant 3 : i32
    %swap3A_160 = arith.index_cast %swap3A_159 : i32 to index
    %swap3A_161 = arith.constant 32 : index
    %swap3A_162 = tpu.vector_load %arg8[%swap3A_160, %swap3A_161] {strides = array<i32>} : memref<16x128xf32, #tpu.memory_space<vmem>>, vector<1x16xf32>,
    %swap3A_163 = vector.shape_cast %swap3A_162 : vector<1x16xf32> to vector<16xf32>
    %swap3A_164 = vector.shape_cast %broadcast_in_dim3A_3 : vector<16xf32> to vector<1x16xf32>
    tpu.vector_store %arg8[%swap3A_160, %swap3A_161], %swap3A_164 {strides = array<i32>} : memref<16x128xf32, #tpu.memory_space<vmem>>, vector<1x16xf32>,
    %swap3A_165 = arith.constant 3 : i32
    %swap3A_166 = arith.index_cast %swap3A_165 : i32 to index
    %swap3A_167 = arith.constant 48 : index
    %swap3A_168 = tpu.vector_load %arg8[%swap3A_166, %swap3A_167] {strides = array<i32>} : memref<16x128xf32, #tpu.memory_space<vmem>>, vector<1x16xf32>,
    %swap3A_169 = vector.shape_cast %swap3A_168 : vector<1x16xf32> to vector<16xf32>
    %swap3A_170 = vector.shape_cast %broadcast_in_dim3A_3 : vector<16xf32> to vector<1x16xf32>
    tpu.vector_store %arg8[%swap3A_166, %swap3A_167], %swap3A_170 {strides = array<i32>} : memref<16x128xf32, #tpu.memory_space<vmem>>, vector<1x16xf32>,
    %swap3A_171 = arith.constant 3 : i32
    %swap3A_172 = arith.index_cast %swap3A_171 : i32 to index
    %swap3A_173 = arith.constant 64 : index
    %swap3A_174 = tpu.vector_load %arg8[%swap3A_172, %swap3A_173] {strides = array<i32>} : memref<16x128xf32, #tpu.memory_space<vmem>>, vector<1x16xf32>,
    %swap3A_175 = vector.shape_cast %swap3A_174 : vector<1x16xf32> to vector<16xf32>
    %swap3A_176 = vector.shape_cast %broadcast_in_dim3A_3 : vector<16xf32> to vector<1x16xf32>
    tpu.vector_store %arg8[%swap3A_172, %swap3A_173], %swap3A_176 {strides = array<i32>} : memref<16x128xf32, #tpu.memory_space<vmem>>, vector<1x16xf32>,
    %swap3A_177 = arith.constant 3 : i32
    %swap3A_178 = arith.index_cast %swap3A_177 : i32 to index
    %swap3A_179 = arith.constant 80 : index
    %swap3A_180 = tpu.vector_load %arg8[%swap3A_178, %swap3A_179] {strides = array<i32>} : memref<16x128xf32, #tpu.memory_space<vmem>>, vector<1x16xf32>,
    %swap3A_181 = vector.shape_cast %swap3A_180 : vector<1x16xf32> to vector<16xf32>
    %swap3A_182 = vector.shape_cast %broadcast_in_dim3A_3 : vector<16xf32> to vector<1x16xf32>
    tpu.vector_store %arg8[%swap3A_178, %swap3A_179], %swap3A_182 {strides = array<i32>} : memref<16x128xf32, #tpu.memory_space<vmem>>, vector<1x16xf32>,
    %swap3A_183 = arith.constant 3 : i32
    %swap3A_184 = arith.index_cast %swap3A_183 : i32 to index
    %swap3A_185 = arith.constant 96 : index
    %swap3A_186 = tpu.vector_load %arg8[%swap3A_184, %swap3A_185] {strides = array<i32>} : memref<16x128xf32, #tpu.memory_space<vmem>>, vector<1x16xf32>,
    %swap3A_187 = vector.shape_cast %swap3A_186 : vector<1x16xf32> to vector<16xf32>
    %swap3A_188 = vector.shape_cast %broadcast_in_dim3A_3 : vector<16xf32> to vector<1x16xf32>
    tpu.vector_store %arg8[%swap3A_184, %swap3A_185], %swap3A_188 {strides = array<i32>} : memref<16x128xf32, #tpu.memory_space<vmem>>, vector<1x16xf32>,
    %swap3A_189 = arith.constant 3 : i32
    %swap3A_190 = arith.index_cast %swap3A_189 : i32 to index
    %swap3A_191 = arith.constant 112 : index
    %swap3A_192 = tpu.vector_load %arg8[%swap3A_190, %swap3A_191] {strides = array<i32>} : memref<16x128xf32, #tpu.memory_space<vmem>>, vector<1x16xf32>,
    %swap3A_193 = vector.shape_cast %swap3A_192 : vector<1x16xf32> to vector<16xf32>
    %swap3A_194 = vector.shape_cast %broadcast_in_dim3A_3 : vector<16xf32> to vector<1x16xf32>
    tpu.vector_store %arg8[%swap3A_190, %swap3A_191], %swap3A_194 {strides = array<i32>} : memref<16x128xf32, #tpu.memory_space<vmem>>, vector<1x16xf32>,
    %swap3A_195 = arith.constant 4 : i32
    %swap3A_196 = arith.index_cast %swap3A_195 : i32 to index
    %swap3A_197 = arith.constant 0 : index
    %swap3A_198 = tpu.vector_load %arg8[%swap3A_196, %swap3A_197] {strides = array<i32>} : memref<16x128xf32, #tpu.memory_space<vmem>>, vector<1x16xf32>,
    %swap3A_199 = vector.shape_cast %swap3A_198 : vector<1x16xf32> to vector<16xf32>
    %swap3A_200 = vector.shape_cast %broadcast_in_dim3A_3 : vector<16xf32> to vector<1x16xf32>
    tpu.vector_store %arg8[%swap3A_196, %swap3A_197], %swap3A_200 {strides = array<i32>} : memref<16x128xf32, #tpu.memory_space<vmem>>, vector<1x16xf32>,
    %swap3A_201 = arith.constant 4 : i32
    %swap3A_202 = arith.index_cast %swap3A_201 : i32 to index
    %swap3A_203 = arith.constant 16 : index
    %swap3A_204 = tpu.vector_load %arg8[%swap3A_202, %swap3A_203] {strides = array<i32>} : memref<16x128xf32, #tpu.memory_space<vmem>>, vector<1x16xf32>,
    %swap3A_205 = vector.shape_cast %swap3A_204 : vector<1x16xf32> to vector<16xf32>
    %swap3A_206 = vector.shape_cast %broadcast_in_dim3A_3 : vector<16xf32> to vector<1x16xf32>
    tpu.vector_store %arg8[%swap3A_202, %swap3A_203], %swap3A_206 {strides = array<i32>} : memref<16x128xf32, #tpu.memory_space<vmem>>, vector<1x16xf32>,
    %swap3A_207 = arith.constant 4 : i32
    %swap3A_208 = arith.index_cast %swap3A_207 : i32 to index
    %swap3A_209 = arith.constant 32 : index
    %swap3A_210 = tpu.vector_load %arg8[%swap3A_208, %swap3A_209] {strides = array<i32>} : memref<16x128xf32, #tpu.memory_space<vmem>>, vector<1x16xf32>,
    %swap3A_211 = vector.shape_cast %swap3A_210 : vector<1x16xf32> to vector<16xf32>
    %swap3A_212 = vector.shape_cast %broadcast_in_dim3A_3 : vector<16xf32> to vector<1x16xf32>
    tpu.vector_store %arg8[%swap3A_208, %swap3A_209], %swap3A_212 {strides = array<i32>} : memref<16x128xf32, #tpu.memory_space<vmem>>, vector<1x16xf32>,
    %swap3A_213 = arith.constant 4 : i32
    %swap3A_214 = arith.index_cast %swap3A_213 : i32 to index
    %swap3A_215 = arith.constant 48 : index
    %swap3A_216 = tpu.vector_load %arg8[%swap3A_214, %swap3A_215] {strides = array<i32>} : memref<16x128xf32, #tpu.memory_space<vmem>>, vector<1x16xf32>,
    %swap3A_217 = vector.shape_cast %swap3A_216 : vector<1x16xf32> to vector<16xf32>
    %swap3A_218 = vector.shape_cast %broadcast_in_dim3A_3 : vector<16xf32> to vector<1x16xf32>
    tpu.vector_store %arg8[%swap3A_214, %swap3A_215], %swap3A_218 {strides = array<i32>} : memref<16x128xf32, #tpu.memory_space<vmem>>, vector<1x16xf32>,
    %swap3A_219 = arith.constant 4 : i32
    %swap3A_220 = arith.index_cast %swap3A_219 : i32 to index
    %swap3A_221 = arith.constant 64 : index
    %swap3A_222 = tpu.vector_load %arg8[%swap3A_220, %swap3A_221] {strides = array<i32>} : memref<16x128xf32, #tpu.memory_space<vmem>>, vector<1x16xf32>,
    %swap3A_223 = vector.shape_cast %swap3A_222 : vector<1x16xf32> to vector<16xf32>
    %swap3A_224 = vector.shape_cast %broadcast_in_dim3A_3 : vector<16xf32> to vector<1x16xf32>
    tpu.vector_store %arg8[%swap3A_220, %swap3A_221], %swap3A_224 {strides = array<i32>} : memref<16x128xf32, #tpu.memory_space<vmem>>, vector<1x16xf32>,
    %swap3A_225 = arith.constant 4 : i32
    %swap3A_226 = arith.index_cast %swap3A_225 : i32 to index
    %swap3A_227 = arith.constant 80 : index
    %swap3A_228 = tpu.vector_load %arg8[%swap3A_226, %swap3A_227] {strides = array<i32>} : memref<16x128xf32, #tpu.memory_space<vmem>>, vector<1x16xf32>,
    %swap3A_229 = vector.shape_cast %swap3A_228 : vector<1x16xf32> to vector<16xf32>
    %swap3A_230 = vector.shape_cast %broadcast_in_dim3A_3 : vector<16xf32> to vector<1x16xf32>
    tpu.vector_store %arg8[%swap3A_226, %swap3A_227], %swap3A_230 {strides = array<i32>} : memref<16x128xf32, #tpu.memory_space<vmem>>, vector<1x16xf32>,
    %swap3A_231 = arith.constant 4 : i32
    %swap3A_232 = arith.index_cast %swap3A_231 : i32 to index
    %swap3A_233 = arith.constant 96 : index
    %swap3A_234 = tpu.vector_load %arg8[%swap3A_232, %swap3A_233] {strides = array<i32>} : memref<16x128xf32, #tpu.memory_space<vmem>>, vector<1x16xf32>,
    %swap3A_235 = vector.shape_cast %swap3A_234 : vector<1x16xf32> to vector<16xf32>
    %swap3A_236 = vector.shape_cast %broadcast_in_dim3A_3 : vector<16xf32> to vector<1x16xf32>
    tpu.vector_store %arg8[%swap3A_232, %swap3A_233], %swap3A_236 {strides = array<i32>} : memref<16x128xf32, #tpu.memory_space<vmem>>, vector<1x16xf32>,
    %swap3A_237 = arith.constant 4 : i32
    %swap3A_238 = arith.index_cast %swap3A_237 : i32 to index
    %swap3A_239 = arith.constant 112 : index
    %swap3A_240 = tpu.vector_load %arg8[%swap3A_238, %swap3A_239] {strides = array<i32>} : memref<16x128xf32, #tpu.memory_space<vmem>>, vector<1x16xf32>,
    %swap3A_241 = vector.shape_cast %swap3A_240 : vector<1x16xf32> to vector<16xf32>
    %swap3A_242 = vector.shape_cast %broadcast_in_dim3A_3 : vector<16xf32> to vector<1x16xf32>
    tpu.vector_store %arg8[%swap3A_238, %swap3A_239], %swap3A_242 {strides = array<i32>} : memref<16x128xf32, #tpu.memory_space<vmem>>, vector<1x16xf32>,
    %swap3A_243 = arith.constant 5 : i32
    %swap3A_244 = arith.index_cast %swap3A_243 : i32 to index
    %swap3A_245 = arith.constant 0 : index
    %swap3A_246 = tpu.vector_load %arg8[%swap3A_244, %swap3A_245] {strides = array<i32>} : memref<16x128xf32, #tpu.memory_space<vmem>>, vector<1x16xf32>,
    %swap3A_247 = vector.shape_cast %swap3A_246 : vector<1x16xf32> to vector<16xf32>
    %swap3A_248 = vector.shape_cast %broadcast_in_dim3A_3 : vector<16xf32> to vector<1x16xf32>
    tpu.vector_store %arg8[%swap3A_244, %swap3A_245], %swap3A_248 {strides = array<i32>} : memref<16x128xf32, #tpu.memory_space<vmem>>, vector<1x16xf32>,
    %swap3A_249 = arith.constant 5 : i32
    %swap3A_250 = arith.index_cast %swap3A_249 : i32 to index
    %swap3A_251 = arith.constant 16 : index
    %swap3A_252 = tpu.vector_load %arg8[%swap3A_250, %swap3A_251] {strides = array<i32>} : memref<16x128xf32, #tpu.memory_space<vmem>>, vector<1x16xf32>,
    %swap3A_253 = vector.shape_cast %swap3A_252 : vector<1x16xf32> to vector<16xf32>
    %swap3A_254 = vector.shape_cast %broadcast_in_dim3A_3 : vector<16xf32> to vector<1x16xf32>
    tpu.vector_store %arg8[%swap3A_250, %swap3A_251], %swap3A_254 {strides = array<i32>} : memref<16x128xf32, #tpu.memory_space<vmem>>, vector<1x16xf32>,
    %swap3A_255 = arith.constant 5 : i32
    %swap3A_256 = arith.index_cast %swap3A_255 : i32 to index
    %swap3A_257 = arith.constant 32 : index
    %swap3A_258 = tpu.vector_load %arg8[%swap3A_256, %swap3A_257] {strides = array<i32>} : memref<16x128xf32, #tpu.memory_space<vmem>>, vector<1x16xf32>,
    %swap3A_259 = vector.shape_cast %swap3A_258 : vector<1x16xf32> to vector<16xf32>
    %swap3A_260 = vector.shape_cast %broadcast_in_dim3A_3 : vector<16xf32> to vector<1x16xf32>
    tpu.vector_store %arg8[%swap3A_256, %swap3A_257], %swap3A_260 {strides = array<i32>} : memref<16x128xf32, #tpu.memory_space<vmem>>, vector<1x16xf32>,
    %swap3A_261 = arith.constant 5 : i32
    %swap3A_262 = arith.index_cast %swap3A_261 : i32 to index
    %swap3A_263 = arith.constant 48 : index
    %swap3A_264 = tpu.vector_load %arg8[%swap3A_262, %swap3A_263] {strides = array<i32>} : memref<16x128xf32, #tpu.memory_space<vmem>>, vector<1x16xf32>,
    %swap3A_265 = vector.shape_cast %swap3A_264 : vector<1x16xf32> to vector<16xf32>
    %swap3A_266 = vector.shape_cast %broadcast_in_dim3A_3 : vector<16xf32> to vector<1x16xf32>
    tpu.vector_store %arg8[%swap3A_262, %swap3A_263], %swap3A_266 {strides = array<i32>} : memref<16x128xf32, #tpu.memory_space<vmem>>, vector<1x16xf32>,
    %swap3A_267 = arith.constant 5 : i32
    %swap3A_268 = arith.index_cast %swap3A_267 : i32 to index
    %swap3A_269 = arith.constant 64 : index
    %swap3A_270 = tpu.vector_load %arg8[%swap3A_268, %swap3A_269] {strides = array<i32>} : memref<16x128xf32, #tpu.memory_space<vmem>>, vector<1x16xf32>,
    %swap3A_271 = vector.shape_cast %swap3A_270 : vector<1x16xf32> to vector<16xf32>
    %swap3A_272 = vector.shape_cast %broadcast_in_dim3A_3 : vector<16xf32> to vector<1x16xf32>
    tpu.vector_store %arg8[%swap3A_268, %swap3A_269], %swap3A_272 {strides = array<i32>} : memref<16x128xf32, #tpu.memory_space<vmem>>, vector<1x16xf32>,
    %swap3A_273 = arith.constant 5 : i32
    %swap3A_274 = arith.index_cast %swap3A_273 : i32 to index
    %swap3A_275 = arith.constant 80 : index
    %swap3A_276 = tpu.vector_load %arg8[%swap3A_274, %swap3A_275] {strides = array<i32>} : memref<16x128xf32, #tpu.memory_space<vmem>>, vector<1x16xf32>,
    %swap3A_277 = vector.shape_cast %swap3A_276 : vector<1x16xf32> to vector<16xf32>
    %swap3A_278 = vector.shape_cast %broadcast_in_dim3A_3 : vector<16xf32> to vector<1x16xf32>
    tpu.vector_store %arg8[%swap3A_274, %swap3A_275], %swap3A_278 {strides = array<i32>} : memref<16x128xf32, #tpu.memory_space<vmem>>, vector<1x16xf32>,
    %swap3A_279 = arith.constant 5 : i32
    %swap3A_280 = arith.index_cast %swap3A_279 : i32 to index
    %swap3A_281 = arith.constant 96 : index
    %swap3A_282 = tpu.vector_load %arg8[%swap3A_280, %swap3A_281] {strides = array<i32>} : memref<16x128xf32, #tpu.memory_space<vmem>>, vector<1x16xf32>,
    %swap3A_283 = vector.shape_cast %swap3A_282 : vector<1x16xf32> to vector<16xf32>
    %swap3A_284 = vector.shape_cast %broadcast_in_dim3A_3 : vector<16xf32> to vector<1x16xf32>
    tpu.vector_store %arg8[%swap3A_280, %swap3A_281], %swap3A_284 {strides = array<i32>} : memref<16x128xf32, #tpu.memory_space<vmem>>, vector<1x16xf32>,
    %swap3A_285 = arith.constant 5 : i32
    %swap3A_286 = arith.index_cast %swap3A_285 : i32 to index
    %swap3A_287 = arith.constant 112 : index
    %swap3A_288 = tpu.vector_load %arg8[%swap3A_286, %swap3A_287] {strides = array<i32>} : memref<16x128xf32, #tpu.memory_space<vmem>>, vector<1x16xf32>,
    %swap3A_289 = vector.shape_cast %swap3A_288 : vector<1x16xf32> to vector<16xf32>
    %swap3A_290 = vector.shape_cast %broadcast_in_dim3A_3 : vector<16xf32> to vector<1x16xf32>
    tpu.vector_store %arg8[%swap3A_286, %swap3A_287], %swap3A_290 {strides = array<i32>} : memref<16x128xf32, #tpu.memory_space<vmem>>, vector<1x16xf32>,
    %swap3A_291 = arith.constant 6 : i32
    %swap3A_292 = arith.index_cast %swap3A_291 : i32 to index
    %swap3A_293 = arith.constant 0 : index
    %swap3A_294 = tpu.vector_load %arg8[%swap3A_292, %swap3A_293] {strides = array<i32>} : memref<16x128xf32, #tpu.memory_space<vmem>>, vector<1x16xf32>,
    %swap3A_295 = vector.shape_cast %swap3A_294 : vector<1x16xf32> to vector<16xf32>
    %swap3A_296 = vector.shape_cast %broadcast_in_dim3A_3 : vector<16xf32> to vector<1x16xf32>
    tpu.vector_store %arg8[%swap3A_292, %swap3A_293], %swap3A_296 {strides = array<i32>} : memref<16x128xf32, #tpu.memory_space<vmem>>, vector<1x16xf32>,
    %swap3A_297 = arith.constant 6 : i32
    %swap3A_298 = arith.index_cast %swap3A_297 : i32 to index
    %swap3A_299 = arith.constant 16 : index
    %swap3A_300 = tpu.vector_load %arg8[%swap3A_298, %swap3A_299] {strides = array<i32>} : memref<16x128xf32, #tpu.memory_space<vmem>>, vector<1x16xf32>,
    %swap3A_301 = vector.shape_cast %swap3A_300 : vector<1x16xf32> to vector<16xf32>
    %swap3A_302 = vector.shape_cast %broadcast_in_dim3A_3 : vector<16xf32> to vector<1x16xf32>
    tpu.vector_store %arg8[%swap3A_298, %swap3A_299], %swap3A_302 {strides = array<i32>} : memref<16x128xf32, #tpu.memory_space<vmem>>, vector<1x16xf32>,
    %swap3A_303 = arith.constant 6 : i32
    %swap3A_304 = arith.index_cast %swap3A_303 : i32 to index
    %swap3A_305 = arith.constant 32 : index
    %swap3A_306 = tpu.vector_load %arg8[%swap3A_304, %swap3A_305] {strides = array<i32>} : memref<16x128xf32, #tpu.memory_space<vmem>>, vector<1x16xf32>,
    %swap3A_307 = vector.shape_cast %swap3A_306 : vector<1x16xf32> to vector<16xf32>
    %swap3A_308 = vector.shape_cast %broadcast_in_dim3A_3 : vector<16xf32> to vector<1x16xf32>
    tpu.vector_store %arg8[%swap3A_304, %swap3A_305], %swap3A_308 {strides = array<i32>} : memref<16x128xf32, #tpu.memory_space<vmem>>, vector<1x16xf32>,
    %swap3A_309 = arith.constant 6 : i32
    %swap3A_310 = arith.index_cast %swap3A_309 : i32 to index
    %swap3A_311 = arith.constant 48 : index
    %swap3A_312 = tpu.vector_load %arg8[%swap3A_310, %swap3A_311] {strides = array<i32>} : memref<16x128xf32, #tpu.memory_space<vmem>>, vector<1x16xf32>,
    %swap3A_313 = vector.shape_cast %swap3A_312 : vector<1x16xf32> to vector<16xf32>
    %swap3A_314 = vector.shape_cast %broadcast_in_dim3A_3 : vector<16xf32> to vector<1x16xf32>
    tpu.vector_store %arg8[%swap3A_310, %swap3A_311], %swap3A_314 {strides = array<i32>} : memref<16x128xf32, #tpu.memory_space<vmem>>, vector<1x16xf32>,
    %swap3A_315 = arith.constant 6 : i32
    %swap3A_316 = arith.index_cast %swap3A_315 : i32 to index
    %swap3A_317 = arith.constant 64 : index
    %swap3A_318 = tpu.vector_load %arg8[%swap3A_316, %swap3A_317] {strides = array<i32>} : memref<16x128xf32, #tpu.memory_space<vmem>>, vector<1x16xf32>,
    %swap3A_319 = vector.shape_cast %swap3A_318 : vector<1x16xf32> to vector<16xf32>
    %swap3A_320 = vector.shape_cast %broadcast_in_dim3A_3 : vector<16xf32> to vector<1x16xf32>
    tpu.vector_store %arg8[%swap3A_316, %swap3A_317], %swap3A_320 {strides = array<i32>} : memref<16x128xf32, #tpu.memory_space<vmem>>, vector<1x16xf32>,
    %swap3A_321 = arith.constant 6 : i32
    %swap3A_322 = arith.index_cast %swap3A_321 : i32 to index
    %swap3A_323 = arith.constant 80 : index
    %swap3A_324 = tpu.vector_load %arg8[%swap3A_322, %swap3A_323] {strides = array<i32>} : memref<16x128xf32, #tpu.memory_space<vmem>>, vector<1x16xf32>,
    %swap3A_325 = vector.shape_cast %swap3A_324 : vector<1x16xf32> to vector<16xf32>
    %swap3A_326 = vector.shape_cast %broadcast_in_dim3A_3 : vector<16xf32> to vector<1x16xf32>
    tpu.vector_store %arg8[%swap3A_322, %swap3A_323], %swap3A_326 {strides = array<i32>} : memref<16x128xf32, #tpu.memory_space<vmem>>, vector<1x16xf32>,
    %swap3A_327 = arith.constant 6 : i32
    %swap3A_328 = arith.index_cast %swap3A_327 : i32 to index
    %swap3A_329 = arith.constant 96 : index
    %swap3A_330 = tpu.vector_load %arg8[%swap3A_328, %swap3A_329] {strides = array<i32>} : memref<16x128xf32, #tpu.memory_space<vmem>>, vector<1x16xf32>,
    %swap3A_331 = vector.shape_cast %swap3A_330 : vector<1x16xf32> to vector<16xf32>
    %swap3A_332 = vector.shape_cast %broadcast_in_dim3A_3 : vector<16xf32> to vector<1x16xf32>
    tpu.vector_store %arg8[%swap3A_328, %swap3A_329], %swap3A_332 {strides = array<i32>} : memref<16x128xf32, #tpu.memory_space<vmem>>, vector<1x16xf32>,
    %swap3A_333 = arith.constant 6 : i32
    %swap3A_334 = arith.index_cast %swap3A_333 : i32 to index
    %swap3A_335 = arith.constant 112 : index
    %swap3A_336 = tpu.vector_load %arg8[%swap3A_334, %swap3A_335] {strides = array<i32>} : memref<16x128xf32, #tpu.memory_space<vmem>>, vector<1x16xf32>,
    %swap3A_337 = vector.shape_cast %swap3A_336 : vector<1x16xf32> to vector<16xf32>
    %swap3A_338 = vector.shape_cast %broadcast_in_dim3A_3 : vector<16xf32> to vector<1x16xf32>
    tpu.vector_store %arg8[%swap3A_334, %swap3A_335], %swap3A_338 {strides = array<i32>} : memref<16x128xf32, #tpu.memory_space<vmem>>, vector<1x16xf32>,
    %swap3A_339 = arith.constant 7 : i32
    %swap3A_340 = arith.index_cast %swap3A_339 : i32 to index
    %swap3A_341 = arith.constant 0 : index
    %swap3A_342 = tpu.vector_load %arg8[%swap3A_340, %swap3A_341] {strides = array<i32>} : memref<16x128xf32, #tpu.memory_space<vmem>>, vector<1x16xf32>,
    %swap3A_343 = vector.shape_cast %swap3A_342 : vector<1x16xf32> to vector<16xf32>
    %swap3A_344 = vector.shape_cast %broadcast_in_dim3A_3 : vector<16xf32> to vector<1x16xf32>
    tpu.vector_store %arg8[%swap3A_340, %swap3A_341], %swap3A_344 {strides = array<i32>} : memref<16x128xf32, #tpu.memory_space<vmem>>, vector<1x16xf32>,
    %swap3A_345 = arith.constant 7 : i32
    %swap3A_346 = arith.index_cast %swap3A_345 : i32 to index
    %swap3A_347 = arith.constant 16 : index
    %swap3A_348 = tpu.vector_load %arg8[%swap3A_346, %swap3A_347] {strides = array<i32>} : memref<16x128xf32, #tpu.memory_space<vmem>>, vector<1x16xf32>,
    %swap3A_349 = vector.shape_cast %swap3A_348 : vector<1x16xf32> to vector<16xf32>
    %swap3A_350 = vector.shape_cast %broadcast_in_dim3A_3 : vector<16xf32> to vector<1x16xf32>
    tpu.vector_store %arg8[%swap3A_346, %swap3A_347], %swap3A_350 {strides = array<i32>} : memref<16x128xf32, #tpu.memory_space<vmem>>, vector<1x16xf32>,
    %swap3A_351 = arith.constant 7 : i32
    %swap3A_352 = arith.index_cast %swap3A_351 : i32 to index
    %swap3A_353 = arith.constant 32 : index
    %swap3A_354 = tpu.vector_load %arg8[%swap3A_352, %swap3A_353] {strides = array<i32>} : memref<16x128xf32, #tpu.memory_space<vmem>>, vector<1x16xf32>,
    %swap3A_355 = vector.shape_cast %swap3A_354 : vector<1x16xf32> to vector<16xf32>
    %swap3A_356 = vector.shape_cast %broadcast_in_dim3A_3 : vector<16xf32> to vector<1x16xf32>
    tpu.vector_store %arg8[%swap3A_352, %swap3A_353], %swap3A_356 {strides = array<i32>} : memref<16x128xf32, #tpu.memory_space<vmem>>, vector<1x16xf32>,
    %swap3A_357 = arith.constant 7 : i32
    %swap3A_358 = arith.index_cast %swap3A_357 : i32 to index
    %swap3A_359 = arith.constant 48 : index
    %swap3A_360 = tpu.vector_load %arg8[%swap3A_358, %swap3A_359] {strides = array<i32>} : memref<16x128xf32, #tpu.memory_space<vmem>>, vector<1x16xf32>,
    %swap3A_361 = vector.shape_cast %swap3A_360 : vector<1x16xf32> to vector<16xf32>
    %swap3A_362 = vector.shape_cast %broadcast_in_dim3A_3 : vector<16xf32> to vector<1x16xf32>
    tpu.vector_store %arg8[%swap3A_358, %swap3A_359], %swap3A_362 {strides = array<i32>} : memref<16x128xf32, #tpu.memory_space<vmem>>, vector<1x16xf32>,
    %swap3A_363 = arith.constant 7 : i32
    %swap3A_364 = arith.index_cast %swap3A_363 : i32 to index
    %swap3A_365 = arith.constant 64 : index
    %swap3A_366 = tpu.vector_load %arg8[%swap3A_364, %swap3A_365] {strides = array<i32>} : memref<16x128xf32, #tpu.memory_space<vmem>>, vector<1x16xf32>,
    %swap3A_367 = vector.shape_cast %swap3A_366 : vector<1x16xf32> to vector<16xf32>
    %swap3A_368 = vector.shape_cast %broadcast_in_dim3A_3 : vector<16xf32> to vector<1x16xf32>
    tpu.vector_store %arg8[%swap3A_364, %swap3A_365], %swap3A_368 {strides = array<i32>} : memref<16x128xf32, #tpu.memory_space<vmem>>, vector<1x16xf32>,
    %swap3A_369 = arith.constant 7 : i32
    %swap3A_370 = arith.index_cast %swap3A_369 : i32 to index
    %swap3A_371 = arith.constant 80 : index
    %swap3A_372 = tpu.vector_load %arg8[%swap3A_370, %swap3A_371] {strides = array<i32>} : memref<16x128xf32, #tpu.memory_space<vmem>>, vector<1x16xf32>,
    %swap3A_373 = vector.shape_cast %swap3A_372 : vector<1x16xf32> to vector<16xf32>
    %swap3A_374 = vector.shape_cast %broadcast_in_dim3A_3 : vector<16xf32> to vector<1x16xf32>
    tpu.vector_store %arg8[%swap3A_370, %swap3A_371], %swap3A_374 {strides = array<i32>} : memref<16x128xf32, #tpu.memory_space<vmem>>, vector<1x16xf32>,
    %swap3A_375 = arith.constant 7 : i32
    %swap3A_376 = arith.index_cast %swap3A_375 : i32 to index
    %swap3A_377 = arith.constant 96 : index
    %swap3A_378 = tpu.vector_load %arg8[%swap3A_376, %swap3A_377] {strides = array<i32>} : memref<16x128xf32, #tpu.memory_space<vmem>>, vector<1x16xf32>,
    %swap3A_379 = vector.shape_cast %swap3A_378 : vector<1x16xf32> to vector<16xf32>
    %swap3A_380 = vector.shape_cast %broadcast_in_dim3A_3 : vector<16xf32> to vector<1x16xf32>
    tpu.vector_store %arg8[%swap3A_376, %swap3A_377], %swap3A_380 {strides = array<i32>} : memref<16x128xf32, #tpu.memory_space<vmem>>, vector<1x16xf32>,
    %swap3A_381 = arith.constant 7 : i32
    %swap3A_382 = arith.index_cast %swap3A_381 : i32 to index
    %swap3A_383 = arith.constant 112 : index
    %swap3A_384 = tpu.vector_load %arg8[%swap3A_382, %swap3A_383] {strides = array<i32>} : memref<16x128xf32, #tpu.memory_space<vmem>>, vector<1x16xf32>,
    %swap3A_385 = vector.shape_cast %swap3A_384 : vector<1x16xf32> to vector<16xf32>
    %swap3A_386 = vector.shape_cast %broadcast_in_dim3A_3 : vector<16xf32> to vector<1x16xf32>
    tpu.vector_store %arg8[%swap3A_382, %swap3A_383], %swap3A_386 {strides = array<i32>} : memref<16x128xf32, #tpu.memory_space<vmem>>, vector<1x16xf32>,
    %swap3A_387 = arith.constant 8 : i32
    %swap3A_388 = arith.index_cast %swap3A_387 : i32 to index
    %swap3A_389 = arith.constant 0 : index
    %swap3A_390 = tpu.vector_load %arg8[%swap3A_388, %swap3A_389] {strides = array<i32>} : memref<16x128xf32, #tpu.memory_space<vmem>>, vector<1x16xf32>,
    %swap3A_391 = vector.shape_cast %swap3A_390 : vector<1x16xf32> to vector<16xf32>
    %swap3A_392 = vector.shape_cast %broadcast_in_dim3A_3 : vector<16xf32> to vector<1x16xf32>
    tpu.vector_store %arg8[%swap3A_388, %swap3A_389], %swap3A_392 {strides = array<i32>} : memref<16x128xf32, #tpu.memory_space<vmem>>, vector<1x16xf32>,
    %swap3A_393 = arith.constant 8 : i32
    %swap3A_394 = arith.index_cast %swap3A_393 : i32 to index
    %swap3A_395 = arith.constant 16 : index
    %swap3A_396 = tpu.vector_load %arg8[%swap3A_394, %swap3A_395] {strides = array<i32>} : memref<16x128xf32, #tpu.memory_space<vmem>>, vector<1x16xf32>,
    %swap3A_397 = vector.shape_cast %swap3A_396 : vector<1x16xf32> to vector<16xf32>
    %swap3A_398 = vector.shape_cast %broadcast_in_dim3A_3 : vector<16xf32> to vector<1x16xf32>
    tpu.vector_store %arg8[%swap3A_394, %swap3A_395], %swap3A_398 {strides = array<i32>} : memref<16x128xf32, #tpu.memory_space<vmem>>, vector<1x16xf32>,
    %swap3A_399 = arith.constant 8 : i32
    %swap3A_400 = arith.index_cast %swap3A_399 : i32 to index
    %swap3A_401 = arith.constant 32 : index
    %swap3A_402 = tpu.vector_load %arg8[%swap3A_400, %swap3A_401] {strides = array<i32>} : memref<16x128xf32, #tpu.memory_space<vmem>>, vector<1x16xf32>,
    %swap3A_403 = vector.shape_cast %swap3A_402 : vector<1x16xf32> to vector<16xf32>
    %swap3A_404 = vector.shape_cast %broadcast_in_dim3A_3 : vector<16xf32> to vector<1x16xf32>
    tpu.vector_store %arg8[%swap3A_400, %swap3A_401], %swap3A_404 {strides = array<i32>} : memref<16x128xf32, #tpu.memory_space<vmem>>, vector<1x16xf32>,
    %swap3A_405 = arith.constant 8 : i32
    %swap3A_406 = arith.index_cast %swap3A_405 : i32 to index
    %swap3A_407 = arith.constant 48 : index
    %swap3A_408 = tpu.vector_load %arg8[%swap3A_406, %swap3A_407] {strides = array<i32>} : memref<16x128xf32, #tpu.memory_space<vmem>>, vector<1x16xf32>,
    %swap3A_409 = vector.shape_cast %swap3A_408 : vector<1x16xf32> to vector<16xf32>
    %swap3A_410 = vector.shape_cast %broadcast_in_dim3A_3 : vector<16xf32> to vector<1x16xf32>
    tpu.vector_store %arg8[%swap3A_406, %swap3A_407], %swap3A_410 {strides = array<i32>} : memref<16x128xf32, #tpu.memory_space<vmem>>, vector<1x16xf32>,
    %swap3A_411 = arith.constant 8 : i32
    %swap3A_412 = arith.index_cast %swap3A_411 : i32 to index
    %swap3A_413 = arith.constant 64 : index
    %swap3A_414 = tpu.vector_load %arg8[%swap3A_412, %swap3A_413] {strides = array<i32>} : memref<16x128xf32, #tpu.memory_space<vmem>>, vector<1x16xf32>,
    %swap3A_415 = vector.shape_cast %swap3A_414 : vector<1x16xf32> to vector<16xf32>
    %swap3A_416 = vector.shape_cast %broadcast_in_dim3A_3 : vector<16xf32> to vector<1x16xf32>
    tpu.vector_store %arg8[%swap3A_412, %swap3A_413], %swap3A_416 {strides = array<i32>} : memref<16x128xf32, #tpu.memory_space<vmem>>, vector<1x16xf32>,
    %swap3A_417 = arith.constant 8 : i32
    %swap3A_418 = arith.index_cast %swap3A_417 : i32 to index
    %swap3A_419 = arith.constant 80 : index
    %swap3A_420 = tpu.vector_load %arg8[%swap3A_418, %swap3A_419] {strides = array<i32>} : memref<16x128xf32, #tpu.memory_space<vmem>>, vector<1x16xf32>,
    %swap3A_421 = vector.shape_cast %swap3A_420 : vector<1x16xf32> to vector<16xf32>
    %swap3A_422 = vector.shape_cast %broadcast_in_dim3A_3 : vector<16xf32> to vector<1x16xf32>
    tpu.vector_store %arg8[%swap3A_418, %swap3A_419], %swap3A_422 {strides = array<i32>} : memref<16x128xf32, #tpu.memory_space<vmem>>, vector<1x16xf32>,
    %swap3A_423 = arith.constant 8 : i32
    %swap3A_424 = arith.index_cast %swap3A_423 : i32 to index
    %swap3A_425 = arith.constant 96 : index
    %swap3A_426 = tpu.vector_load %arg8[%swap3A_424, %swap3A_425] {strides = array<i32>} : memref<16x128xf32, #tpu.memory_space<vmem>>, vector<1x16xf32>,
    %swap3A_427 = vector.shape_cast %swap3A_426 : vector<1x16xf32> to vector<16xf32>
    %swap3A_428 = vector.shape_cast %broadcast_in_dim3A_3 : vector<16xf32> to vector<1x16xf32>
    tpu.vector_store %arg8[%swap3A_424, %swap3A_425], %swap3A_428 {strides = array<i32>} : memref<16x128xf32, #tpu.memory_space<vmem>>, vector<1x16xf32>,
    %swap3A_429 = arith.constant 8 : i32
    %swap3A_430 = arith.index_cast %swap3A_429 : i32 to index
    %swap3A_431 = arith.constant 112 : index
    %swap3A_432 = tpu.vector_load %arg8[%swap3A_430, %swap3A_431] {strides = array<i32>} : memref<16x128xf32, #tpu.memory_space<vmem>>, vector<1x16xf32>,
    %swap3A_433 = vector.shape_cast %swap3A_432 : vector<1x16xf32> to vector<16xf32>
    %swap3A_434 = vector.shape_cast %broadcast_in_dim3A_3 : vector<16xf32> to vector<1x16xf32>
    tpu.vector_store %arg8[%swap3A_430, %swap3A_431], %swap3A_434 {strides = array<i32>} : memref<16x128xf32, #tpu.memory_space<vmem>>, vector<1x16xf32>,
    %swap3A_435 = arith.constant 9 : i32
    %swap3A_436 = arith.index_cast %swap3A_435 : i32 to index
    %swap3A_437 = arith.constant 0 : index
    %swap3A_438 = tpu.vector_load %arg8[%swap3A_436, %swap3A_437] {strides = array<i32>} : memref<16x128xf32, #tpu.memory_space<vmem>>, vector<1x16xf32>,
    %swap3A_439 = vector.shape_cast %swap3A_438 : vector<1x16xf32> to vector<16xf32>
    %swap3A_440 = vector.shape_cast %broadcast_in_dim3A_3 : vector<16xf32> to vector<1x16xf32>
    tpu.vector_store %arg8[%swap3A_436, %swap3A_437], %swap3A_440 {strides = array<i32>} : memref<16x128xf32, #tpu.memory_space<vmem>>, vector<1x16xf32>,
    %swap3A_441 = arith.constant 9 : i32
    %swap3A_442 = arith.index_cast %swap3A_441 : i32 to index
    %swap3A_443 = arith.constant 16 : index
    %swap3A_444 = tpu.vector_load %arg8[%swap3A_442, %swap3A_443] {strides = array<i32>} : memref<16x128xf32, #tpu.memory_space<vmem>>, vector<1x16xf32>,
    %swap3A_445 = vector.shape_cast %swap3A_444 : vector<1x16xf32> to vector<16xf32>
    %swap3A_446 = vector.shape_cast %broadcast_in_dim3A_3 : vector<16xf32> to vector<1x16xf32>
    tpu.vector_store %arg8[%swap3A_442, %swap3A_443], %swap3A_446 {strides = array<i32>} : memref<16x128xf32, #tpu.memory_space<vmem>>, vector<1x16xf32>,
    %swap3A_447 = arith.constant 9 : i32
    %swap3A_448 = arith.index_cast %swap3A_447 : i32 to index
    %swap3A_449 = arith.constant 32 : index
    %swap3A_450 = tpu.vector_load %arg8[%swap3A_448, %swap3A_449] {strides = array<i32>} : memref<16x128xf32, #tpu.memory_space<vmem>>, vector<1x16xf32>,
    %swap3A_451 = vector.shape_cast %swap3A_450 : vector<1x16xf32> to vector<16xf32>
    %swap3A_452 = vector.shape_cast %broadcast_in_dim3A_3 : vector<16xf32> to vector<1x16xf32>
    tpu.vector_store %arg8[%swap3A_448, %swap3A_449], %swap3A_452 {strides = array<i32>} : memref<16x128xf32, #tpu.memory_space<vmem>>, vector<1x16xf32>,
    %swap3A_453 = arith.constant 9 : i32
    %swap3A_454 = arith.index_cast %swap3A_453 : i32 to index
    %swap3A_455 = arith.constant 48 : index
    %swap3A_456 = tpu.vector_load %arg8[%swap3A_454, %swap3A_455] {strides = array<i32>} : memref<16x128xf32, #tpu.memory_space<vmem>>, vector<1x16xf32>,
    %swap3A_457 = vector.shape_cast %swap3A_456 : vector<1x16xf32> to vector<16xf32>
    %swap3A_458 = vector.shape_cast %broadcast_in_dim3A_3 : vector<16xf32> to vector<1x16xf32>
    tpu.vector_store %arg8[%swap3A_454, %swap3A_455], %swap3A_458 {strides = array<i32>} : memref<16x128xf32, #tpu.memory_space<vmem>>, vector<1x16xf32>,
    %swap3A_459 = arith.constant 9 : i32
    %swap3A_460 = arith.index_cast %swap3A_459 : i32 to index
    %swap3A_461 = arith.constant 64 : index
    %swap3A_462 = tpu.vector_load %arg8[%swap3A_460, %swap3A_461] {strides = array<i32>} : memref<16x128xf32, #tpu.memory_space<vmem>>, vector<1x16xf32>,
    %swap3A_463 = vector.shape_cast %swap3A_462 : vector<1x16xf32> to vector<16xf32>
    %swap3A_464 = vector.shape_cast %broadcast_in_dim3A_3 : vector<16xf32> to vector<1x16xf32>
    tpu.vector_store %arg8[%swap3A_460, %swap3A_461], %swap3A_464 {strides = array<i32>} : memref<16x128xf32, #tpu.memory_space<vmem>>, vector<1x16xf32>,
    %swap3A_465 = arith.constant 9 : i32
    %swap3A_466 = arith.index_cast %swap3A_465 : i32 to index
    %swap3A_467 = arith.constant 80 : index
    %swap3A_468 = tpu.vector_load %arg8[%swap3A_466, %swap3A_467] {strides = array<i32>} : memref<16x128xf32, #tpu.memory_space<vmem>>, vector<1x16xf32>,
    %swap3A_469 = vector.shape_cast %swap3A_468 : vector<1x16xf32> to vector<16xf32>
    %swap3A_470 = vector.shape_cast %broadcast_in_dim3A_3 : vector<16xf32> to vector<1x16xf32>
    tpu.vector_store %arg8[%swap3A_466, %swap3A_467], %swap3A_470 {strides = array<i32>} : memref<16x128xf32, #tpu.memory_space<vmem>>, vector<1x16xf32>,
    %swap3A_471 = arith.constant 9 : i32
    %swap3A_472 = arith.index_cast %swap3A_471 : i32 to index
    %swap3A_473 = arith.constant 96 : index
    %swap3A_474 = tpu.vector_load %arg8[%swap3A_472, %swap3A_473] {strides = array<i32>} : memref<16x128xf32, #tpu.memory_space<vmem>>, vector<1x16xf32>,
    %swap3A_475 = vector.shape_cast %swap3A_474 : vector<1x16xf32> to vector<16xf32>
    %swap3A_476 = vector.shape_cast %broadcast_in_dim3A_3 : vector<16xf32> to vector<1x16xf32>
    tpu.vector_store %arg8[%swap3A_472, %swap3A_473], %swap3A_476 {strides = array<i32>} : memref<16x128xf32, #tpu.memory_space<vmem>>, vector<1x16xf32>,
    %swap3A_477 = arith.constant 9 : i32
    %swap3A_478 = arith.index_cast %swap3A_477 : i32 to index
    %swap3A_479 = arith.constant 112 : index
    %swap3A_480 = tpu.vector_load %arg8[%swap3A_478, %swap3A_479] {strides = array<i32>} : memref<16x128xf32, #tpu.memory_space<vmem>>, vector<1x16xf32>,
    %swap3A_481 = vector.shape_cast %swap3A_480 : vector<1x16xf32> to vector<16xf32>
    %swap3A_482 = vector.shape_cast %broadcast_in_dim3A_3 : vector<16xf32> to vector<1x16xf32>
    tpu.vector_store %arg8[%swap3A_478, %swap3A_479], %swap3A_482 {strides = array<i32>} : memref<16x128xf32, #tpu.memory_space<vmem>>, vector<1x16xf32>,
    %swap3A_483 = arith.constant 10 : i32
    %swap3A_484 = arith.index_cast %swap3A_483 : i32 to index
    %swap3A_485 = arith.constant 0 : index
    %swap3A_486 = tpu.vector_load %arg8[%swap3A_484, %swap3A_485] {strides = array<i32>} : memref<16x128xf32, #tpu.memory_space<vmem>>, vector<1x16xf32>,
    %swap3A_487 = vector.shape_cast %swap3A_486 : vector<1x16xf32> to vector<16xf32>
    %swap3A_488 = vector.shape_cast %broadcast_in_dim3A_3 : vector<16xf32> to vector<1x16xf32>
    tpu.vector_store %arg8[%swap3A_484, %swap3A_485], %swap3A_488 {strides = array<i32>} : memref<16x128xf32, #tpu.memory_space<vmem>>, vector<1x16xf32>,
    %swap3A_489 = arith.constant 10 : i32
    %swap3A_490 = arith.index_cast %swap3A_489 : i32 to index
    %swap3A_491 = arith.constant 16 : index
    %swap3A_492 = tpu.vector_load %arg8[%swap3A_490, %swap3A_491] {strides = array<i32>} : memref<16x128xf32, #tpu.memory_space<vmem>>, vector<1x16xf32>,
    %swap3A_493 = vector.shape_cast %swap3A_492 : vector<1x16xf32> to vector<16xf32>
    %swap3A_494 = vector.shape_cast %broadcast_in_dim3A_3 : vector<16xf32> to vector<1x16xf32>
    tpu.vector_store %arg8[%swap3A_490, %swap3A_491], %swap3A_494 {strides = array<i32>} : memref<16x128xf32, #tpu.memory_space<vmem>>, vector<1x16xf32>,
    %swap3A_495 = arith.constant 10 : i32
    %swap3A_496 = arith.index_cast %swap3A_495 : i32 to index
    %swap3A_497 = arith.constant 32 : index
    %swap3A_498 = tpu.vector_load %arg8[%swap3A_496, %swap3A_497] {strides = array<i32>} : memref<16x128xf32, #tpu.memory_space<vmem>>, vector<1x16xf32>,
    %swap3A_499 = vector.shape_cast %swap3A_498 : vector<1x16xf32> to vector<16xf32>
    %swap3A_500 = vector.shape_cast %broadcast_in_dim3A_3 : vector<16xf32> to vector<1x16xf32>
    tpu.vector_store %arg8[%swap3A_496, %swap3A_497], %swap3A_500 {strides = array<i32>} : memref<16x128xf32, #tpu.memory_space<vmem>>, vector<1x16xf32>,
    %swap3A_501 = arith.constant 10 : i32
    %swap3A_502 = arith.index_cast %swap3A_501 : i32 to index
    %swap3A_503 = arith.constant 48 : index
    %swap3A_504 = tpu.vector_load %arg8[%swap3A_502, %swap3A_503] {strides = array<i32>} : memref<16x128xf32, #tpu.memory_space<vmem>>, vector<1x16xf32>,
    %swap3A_505 = vector.shape_cast %swap3A_504 : vector<1x16xf32> to vector<16xf32>
    %swap3A_506 = vector.shape_cast %broadcast_in_dim3A_3 : vector<16xf32> to vector<1x16xf32>
    tpu.vector_store %arg8[%swap3A_502, %swap3A_503], %swap3A_506 {strides = array<i32>} : memref<16x128xf32, #tpu.memory_space<vmem>>, vector<1x16xf32>,
    %swap3A_507 = arith.constant 10 : i32
    %swap3A_508 = arith.index_cast %swap3A_507 : i32 to index
    %swap3A_509 = arith.constant 64 : index
    %swap3A_510 = tpu.vector_load %arg8[%swap3A_508, %swap3A_509] {strides = array<i32>} : memref<16x128xf32, #tpu.memory_space<vmem>>, vector<1x16xf32>,
    %swap3A_511 = vector.shape_cast %swap3A_510 : vector<1x16xf32> to vector<16xf32>
    %swap3A_512 = vector.shape_cast %broadcast_in_dim3A_3 : vector<16xf32> to vector<1x16xf32>
    tpu.vector_store %arg8[%swap3A_508, %swap3A_509], %swap3A_512 {strides = array<i32>} : memref<16x128xf32, #tpu.memory_space<vmem>>, vector<1x16xf32>,
    %swap3A_513 = arith.constant 10 : i32
    %swap3A_514 = arith.index_cast %swap3A_513 : i32 to index
    %swap3A_515 = arith.constant 80 : index
    %swap3A_516 = tpu.vector_load %arg8[%swap3A_514, %swap3A_515] {strides = array<i32>} : memref<16x128xf32, #tpu.memory_space<vmem>>, vector<1x16xf32>,
    %swap3A_517 = vector.shape_cast %swap3A_516 : vector<1x16xf32> to vector<16xf32>
    %swap3A_518 = vector.shape_cast %broadcast_in_dim3A_3 : vector<16xf32> to vector<1x16xf32>
    tpu.vector_store %arg8[%swap3A_514, %swap3A_515], %swap3A_518 {strides = array<i32>} : memref<16x128xf32, #tpu.memory_space<vmem>>, vector<1x16xf32>,
    %swap3A_519 = arith.constant 10 : i32
    %swap3A_520 = arith.index_cast %swap3A_519 : i32 to index
    %swap3A_521 = arith.constant 96 : index
    %swap3A_522 = tpu.vector_load %arg8[%swap3A_520, %swap3A_521] {strides = array<i32>} : memref<16x128xf32, #tpu.memory_space<vmem>>, vector<1x16xf32>,
    %swap3A_523 = vector.shape_cast %swap3A_522 : vector<1x16xf32> to vector<16xf32>
    %swap3A_524 = vector.shape_cast %broadcast_in_dim3A_3 : vector<16xf32> to vector<1x16xf32>
    tpu.vector_store %arg8[%swap3A_520, %swap3A_521], %swap3A_524 {strides = array<i32>} : memref<16x128xf32, #tpu.memory_space<vmem>>, vector<1x16xf32>,
    %swap3A_525 = arith.constant 10 : i32
    %swap3A_526 = arith.index_cast %swap3A_525 : i32 to index
    %swap3A_527 = arith.constant 112 : index
    %swap3A_528 = tpu.vector_load %arg8[%swap3A_526, %swap3A_527] {strides = array<i32>} : memref<16x128xf32, #tpu.memory_space<vmem>>, vector<1x16xf32>,
    %swap3A_529 = vector.shape_cast %swap3A_528 : vector<1x16xf32> to vector<16xf32>
    %swap3A_530 = vector.shape_cast %broadcast_in_dim3A_3 : vector<16xf32> to vector<1x16xf32>
    tpu.vector_store %arg8[%swap3A_526, %swap3A_527], %swap3A_530 {strides = array<i32>} : memref<16x128xf32, #tpu.memory_space<vmem>>, vector<1x16xf32>,
    %swap3A_531 = arith.constant 11 : i32
    %swap3A_532 = arith.index_cast %swap3A_531 : i32 to index
    %swap3A_533 = arith.constant 0 : index
    %swap3A_534 = tpu.vector_load %arg8[%swap3A_532, %swap3A_533] {strides = array<i32>} : memref<16x128xf32, #tpu.memory_space<vmem>>, vector<1x16xf32>,
    %swap3A_535 = vector.shape_cast %swap3A_534 : vector<1x16xf32> to vector<16xf32>
    %swap3A_536 = vector.shape_cast %broadcast_in_dim3A_3 : vector<16xf32> to vector<1x16xf32>
    tpu.vector_store %arg8[%swap3A_532, %swap3A_533], %swap3A_536 {strides = array<i32>} : memref<16x128xf32, #tpu.memory_space<vmem>>, vector<1x16xf32>,
    %swap3A_537 = arith.constant 11 : i32
    %swap3A_538 = arith.index_cast %swap3A_537 : i32 to index
    %swap3A_539 = arith.constant 16 : index
    %swap3A_540 = tpu.vector_load %arg8[%swap3A_538, %swap3A_539] {strides = array<i32>} : memref<16x128xf32, #tpu.memory_space<vmem>>, vector<1x16xf32>,
    %swap3A_541 = vector.shape_cast %swap3A_540 : vector<1x16xf32> to vector<16xf32>
    %swap3A_542 = vector.shape_cast %broadcast_in_dim3A_3 : vector<16xf32> to vector<1x16xf32>
    tpu.vector_store %arg8[%swap3A_538, %swap3A_539], %swap3A_542 {strides = array<i32>} : memref<16x128xf32, #tpu.memory_space<vmem>>, vector<1x16xf32>,
    %swap3A_543 = arith.constant 11 : i32
    %swap3A_544 = arith.index_cast %swap3A_543 : i32 to index
    %swap3A_545 = arith.constant 32 : index
    %swap3A_546 = tpu.vector_load %arg8[%swap3A_544, %swap3A_545] {strides = array<i32>} : memref<16x128xf32, #tpu.memory_space<vmem>>, vector<1x16xf32>,
    %swap3A_547 = vector.shape_cast %swap3A_546 : vector<1x16xf32> to vector<16xf32>
    %swap3A_548 = vector.shape_cast %broadcast_in_dim3A_3 : vector<16xf32> to vector<1x16xf32>
    tpu.vector_store %arg8[%swap3A_544, %swap3A_545], %swap3A_548 {strides = array<i32>} : memref<16x128xf32, #tpu.memory_space<vmem>>, vector<1x16xf32>,
    %swap3A_549 = arith.constant 11 : i32
    %swap3A_550 = arith.index_cast %swap3A_549 : i32 to index
    %swap3A_551 = arith.constant 48 : index
    %swap3A_552 = tpu.vector_load %arg8[%swap3A_550, %swap3A_551] {strides = array<i32>} : memref<16x128xf32, #tpu.memory_space<vmem>>, vector<1x16xf32>,
    %swap3A_553 = vector.shape_cast %swap3A_552 : vector<1x16xf32> to vector<16xf32>
    %swap3A_554 = vector.shape_cast %broadcast_in_dim3A_3 : vector<16xf32> to vector<1x16xf32>
    tpu.vector_store %arg8[%swap3A_550, %swap3A_551], %swap3A_554 {strides = array<i32>} : memref<16x128xf32, #tpu.memory_space<vmem>>, vector<1x16xf32>,
    %swap3A_555 = arith.constant 11 : i32
    %swap3A_556 = arith.index_cast %swap3A_555 : i32 to index
    %swap3A_557 = arith.constant 64 : index
    %swap3A_558 = tpu.vector_load %arg8[%swap3A_556, %swap3A_557] {strides = array<i32>} : memref<16x128xf32, #tpu.memory_space<vmem>>, vector<1x16xf32>,
    %swap3A_559 = vector.shape_cast %swap3A_558 : vector<1x16xf32> to vector<16xf32>
    %swap3A_560 = vector.shape_cast %broadcast_in_dim3A_3 : vector<16xf32> to vector<1x16xf32>
    tpu.vector_store %arg8[%swap3A_556, %swap3A_557], %swap3A_560 {strides = array<i32>} : memref<16x128xf32, #tpu.memory_space<vmem>>, vector<1x16xf32>,
    %swap3A_561 = arith.constant 11 : i32
    %swap3A_562 = arith.index_cast %swap3A_561 : i32 to index
    %swap3A_563 = arith.constant 80 : index
    %swap3A_564 = tpu.vector_load %arg8[%swap3A_562, %swap3A_563] {strides = array<i32>} : memref<16x128xf32, #tpu.memory_space<vmem>>, vector<1x16xf32>,
    %swap3A_565 = vector.shape_cast %swap3A_564 : vector<1x16xf32> to vector<16xf32>
    %swap3A_566 = vector.shape_cast %broadcast_in_dim3A_3 : vector<16xf32> to vector<1x16xf32>
    tpu.vector_store %arg8[%swap3A_562, %swap3A_563], %swap3A_566 {strides = array<i32>} : memref<16x128xf32, #tpu.memory_space<vmem>>, vector<1x16xf32>,
    %swap3A_567 = arith.constant 11 : i32
    %swap3A_568 = arith.index_cast %swap3A_567 : i32 to index
    %swap3A_569 = arith.constant 96 : index
    %swap3A_570 = tpu.vector_load %arg8[%swap3A_568, %swap3A_569] {strides = array<i32>} : memref<16x128xf32, #tpu.memory_space<vmem>>, vector<1x16xf32>,
    %swap3A_571 = vector.shape_cast %swap3A_570 : vector<1x16xf32> to vector<16xf32>
    %swap3A_572 = vector.shape_cast %broadcast_in_dim3A_3 : vector<16xf32> to vector<1x16xf32>
    tpu.vector_store %arg8[%swap3A_568, %swap3A_569], %swap3A_572 {strides = array<i32>} : memref<16x128xf32, #tpu.memory_space<vmem>>, vector<1x16xf32>,
    %swap3A_573 = arith.constant 11 : i32
    %swap3A_574 = arith.index_cast %swap3A_573 : i32 to index
    %swap3A_575 = arith.constant 112 : index
    %swap3A_576 = tpu.vector_load %arg8[%swap3A_574, %swap3A_575] {strides = array<i32>} : memref<16x128xf32, #tpu.memory_space<vmem>>, vector<1x16xf32>,
    %swap3A_577 = vector.shape_cast %swap3A_576 : vector<1x16xf32> to vector<16xf32>
    %swap3A_578 = vector.shape_cast %broadcast_in_dim3A_3 : vector<16xf32> to vector<1x16xf32>
    tpu.vector_store %arg8[%swap3A_574, %swap3A_575], %swap3A_578 {strides = array<i32>} : memref<16x128xf32, #tpu.memory_space<vmem>>, vector<1x16xf32>,
    %swap3A_579 = arith.constant 12 : i32
    %swap3A_580 = arith.index_cast %swap3A_579 : i32 to index
    %swap3A_581 = arith.constant 0 : index
    %swap3A_582 = tpu.vector_load %arg8[%swap3A_580, %swap3A_581] {strides = array<i32>} : memref<16x128xf32, #tpu.memory_space<vmem>>, vector<1x16xf32>,
    %swap3A_583 = vector.shape_cast %swap3A_582 : vector<1x16xf32> to vector<16xf32>
    %swap3A_584 = vector.shape_cast %broadcast_in_dim3A_3 : vector<16xf32> to vector<1x16xf32>
    tpu.vector_store %arg8[%swap3A_580, %swap3A_581], %swap3A_584 {strides = array<i32>} : memref<16x128xf32, #tpu.memory_space<vmem>>, vector<1x16xf32>,
    %swap3A_585 = arith.constant 12 : i32
    %swap3A_586 = arith.index_cast %swap3A_585 : i32 to index
    %swap3A_587 = arith.constant 16 : index
    %swap3A_588 = tpu.vector_load %arg8[%swap3A_586, %swap3A_587] {strides = array<i32>} : memref<16x128xf32, #tpu.memory_space<vmem>>, vector<1x16xf32>,
    %swap3A_589 = vector.shape_cast %swap3A_588 : vector<1x16xf32> to vector<16xf32>
    %swap3A_590 = vector.shape_cast %broadcast_in_dim3A_3 : vector<16xf32> to vector<1x16xf32>
    tpu.vector_store %arg8[%swap3A_586, %swap3A_587], %swap3A_590 {strides = array<i32>} : memref<16x128xf32, #tpu.memory_space<vmem>>, vector<1x16xf32>,
    %swap3A_591 = arith.constant 12 : i32
    %swap3A_592 = arith.index_cast %swap3A_591 : i32 to index
    %swap3A_593 = arith.constant 32 : index
    %swap3A_594 = tpu.vector_load %arg8[%swap3A_592, %swap3A_593] {strides = array<i32>} : memref<16x128xf32, #tpu.memory_space<vmem>>, vector<1x16xf32>,
    %swap3A_595 = vector.shape_cast %swap3A_594 : vector<1x16xf32> to vector<16xf32>
    %swap3A_596 = vector.shape_cast %broadcast_in_dim3A_3 : vector<16xf32> to vector<1x16xf32>
    tpu.vector_store %arg8[%swap3A_592, %swap3A_593], %swap3A_596 {strides = array<i32>} : memref<16x128xf32, #tpu.memory_space<vmem>>, vector<1x16xf32>,
    %swap3A_597 = arith.constant 12 : i32
    %swap3A_598 = arith.index_cast %swap3A_597 : i32 to index
    %swap3A_599 = arith.constant 48 : index
    %swap3A_600 = tpu.vector_load %arg8[%swap3A_598, %swap3A_599] {strides = array<i32>} : memref<16x128xf32, #tpu.memory_space<vmem>>, vector<1x16xf32>,
    %swap3A_601 = vector.shape_cast %swap3A_600 : vector<1x16xf32> to vector<16xf32>
    %swap3A_602 = vector.shape_cast %broadcast_in_dim3A_3 : vector<16xf32> to vector<1x16xf32>
    tpu.vector_store %arg8[%swap3A_598, %swap3A_599], %swap3A_602 {strides = array<i32>} : memref<16x128xf32, #tpu.memory_space<vmem>>, vector<1x16xf32>,
    %swap3A_603 = arith.constant 12 : i32
    %swap3A_604 = arith.index_cast %swap3A_603 : i32 to index
    %swap3A_605 = arith.constant 64 : index
    %swap3A_606 = tpu.vector_load %arg8[%swap3A_604, %swap3A_605] {strides = array<i32>} : memref<16x128xf32, #tpu.memory_space<vmem>>, vector<1x16xf32>,
    %swap3A_607 = vector.shape_cast %swap3A_606 : vector<1x16xf32> to vector<16xf32>
    %swap3A_608 = vector.shape_cast %broadcast_in_dim3A_3 : vector<16xf32> to vector<1x16xf32>
    tpu.vector_store %arg8[%swap3A_604, %swap3A_605], %swap3A_608 {strides = array<i32>} : memref<16x128xf32, #tpu.memory_space<vmem>>, vector<1x16xf32>,
    %swap3A_609 = arith.constant 12 : i32
    %swap3A_610 = arith.index_cast %swap3A_609 : i32 to index
    %swap3A_611 = arith.constant 80 : index
    %swap3A_612 = tpu.vector_load %arg8[%swap3A_610, %swap3A_611] {strides = array<i32>} : memref<16x128xf32, #tpu.memory_space<vmem>>, vector<1x16xf32>,
    %swap3A_613 = vector.shape_cast %swap3A_612 : vector<1x16xf32> to vector<16xf32>
    %swap3A_614 = vector.shape_cast %broadcast_in_dim3A_3 : vector<16xf32> to vector<1x16xf32>
    tpu.vector_store %arg8[%swap3A_610, %swap3A_611], %swap3A_614 {strides = array<i32>} : memref<16x128xf32, #tpu.memory_space<vmem>>, vector<1x16xf32>,
    %swap3A_615 = arith.constant 12 : i32
    %swap3A_616 = arith.index_cast %swap3A_615 : i32 to index
    %swap3A_617 = arith.constant 96 : index
    %swap3A_618 = tpu.vector_load %arg8[%swap3A_616, %swap3A_617] {strides = array<i32>} : memref<16x128xf32, #tpu.memory_space<vmem>>, vector<1x16xf32>,
    %swap3A_619 = vector.shape_cast %swap3A_618 : vector<1x16xf32> to vector<16xf32>
    %swap3A_620 = vector.shape_cast %broadcast_in_dim3A_3 : vector<16xf32> to vector<1x16xf32>
    tpu.vector_store %arg8[%swap3A_616, %swap3A_617], %swap3A_620 {strides = array<i32>} : memref<16x128xf32, #tpu.memory_space<vmem>>, vector<1x16xf32>,
    %swap3A_621 = arith.constant 12 : i32
    %swap3A_622 = arith.index_cast %swap3A_621 : i32 to index
    %swap3A_623 = arith.constant 112 : index
    %swap3A_624 = tpu.vector_load %arg8[%swap3A_622, %swap3A_623] {strides = array<i32>} : memref<16x128xf32, #tpu.memory_space<vmem>>, vector<1x16xf32>,
    %swap3A_625 = vector.shape_cast %swap3A_624 : vector<1x16xf32> to vector<16xf32>
    %swap3A_626 = vector.shape_cast %broadcast_in_dim3A_3 : vector<16xf32> to vector<1x16xf32>
    tpu.vector_store %arg8[%swap3A_622, %swap3A_623], %swap3A_626 {strides = array<i32>} : memref<16x128xf32, #tpu.memory_space<vmem>>, vector<1x16xf32>,
    %swap3A_627 = arith.constant 13 : i32
    %swap3A_628 = arith.index_cast %swap3A_627 : i32 to index
    %swap3A_629 = arith.constant 0 : index
    %swap3A_630 = tpu.vector_load %arg8[%swap3A_628, %swap3A_629] {strides = array<i32>} : memref<16x128xf32, #tpu.memory_space<vmem>>, vector<1x16xf32>,
    %swap3A_631 = vector.shape_cast %swap3A_630 : vector<1x16xf32> to vector<16xf32>
    %swap3A_632 = vector.shape_cast %broadcast_in_dim3A_3 : vector<16xf32> to vector<1x16xf32>
    tpu.vector_store %arg8[%swap3A_628, %swap3A_629], %swap3A_632 {strides = array<i32>} : memref<16x128xf32, #tpu.memory_space<vmem>>, vector<1x16xf32>,
    %swap3A_633 = arith.constant 13 : i32
    %swap3A_634 = arith.index_cast %swap3A_633 : i32 to index
    %swap3A_635 = arith.constant 16 : index
    %swap3A_636 = tpu.vector_load %arg8[%swap3A_634, %swap3A_635] {strides = array<i32>} : memref<16x128xf32, #tpu.memory_space<vmem>>, vector<1x16xf32>,
    %swap3A_637 = vector.shape_cast %swap3A_636 : vector<1x16xf32> to vector<16xf32>
    %swap3A_638 = vector.shape_cast %broadcast_in_dim3A_3 : vector<16xf32> to vector<1x16xf32>
    tpu.vector_store %arg8[%swap3A_634, %swap3A_635], %swap3A_638 {strides = array<i32>} : memref<16x128xf32, #tpu.memory_space<vmem>>, vector<1x16xf32>,
    %swap3A_639 = arith.constant 13 : i32
    %swap3A_640 = arith.index_cast %swap3A_639 : i32 to index
    %swap3A_641 = arith.constant 32 : index
    %swap3A_642 = tpu.vector_load %arg8[%swap3A_640, %swap3A_641] {strides = array<i32>} : memref<16x128xf32, #tpu.memory_space<vmem>>, vector<1x16xf32>,
    %swap3A_643 = vector.shape_cast %swap3A_642 : vector<1x16xf32> to vector<16xf32>
    %swap3A_644 = vector.shape_cast %broadcast_in_dim3A_3 : vector<16xf32> to vector<1x16xf32>
    tpu.vector_store %arg8[%swap3A_640, %swap3A_641], %swap3A_644 {strides = array<i32>} : memref<16x128xf32, #tpu.memory_space<vmem>>, vector<1x16xf32>,
    %swap3A_645 = arith.constant 13 : i32
    %swap3A_646 = arith.index_cast %swap3A_645 : i32 to index
    %swap3A_647 = arith.constant 48 : index
    %swap3A_648 = tpu.vector_load %arg8[%swap3A_646, %swap3A_647] {strides = array<i32>} : memref<16x128xf32, #tpu.memory_space<vmem>>, vector<1x16xf32>,
    %swap3A_649 = vector.shape_cast %swap3A_648 : vector<1x16xf32> to vector<16xf32>
    %swap3A_650 = vector.shape_cast %broadcast_in_dim3A_3 : vector<16xf32> to vector<1x16xf32>
    tpu.vector_store %arg8[%swap3A_646, %swap3A_647], %swap3A_650 {strides = array<i32>} : memref<16x128xf32, #tpu.memory_space<vmem>>, vector<1x16xf32>,
    %swap3A_651 = arith.constant 13 : i32
    %swap3A_652 = arith.index_cast %swap3A_651 : i32 to index
    %swap3A_653 = arith.constant 64 : index
    %swap3A_654 = tpu.vector_load %arg8[%swap3A_652, %swap3A_653] {strides = array<i32>} : memref<16x128xf32, #tpu.memory_space<vmem>>, vector<1x16xf32>,
    %swap3A_655 = vector.shape_cast %swap3A_654 : vector<1x16xf32> to vector<16xf32>
    %swap3A_656 = vector.shape_cast %broadcast_in_dim3A_3 : vector<16xf32> to vector<1x16xf32>
    tpu.vector_store %arg8[%swap3A_652, %swap3A_653], %swap3A_656 {strides = array<i32>} : memref<16x128xf32, #tpu.memory_space<vmem>>, vector<1x16xf32>,
    %swap3A_657 = arith.constant 13 : i32
    %swap3A_658 = arith.index_cast %swap3A_657 : i32 to index
    %swap3A_659 = arith.constant 80 : index
    %swap3A_660 = tpu.vector_load %arg8[%swap3A_658, %swap3A_659] {strides = array<i32>} : memref<16x128xf32, #tpu.memory_space<vmem>>, vector<1x16xf32>,
    %swap3A_661 = vector.shape_cast %swap3A_660 : vector<1x16xf32> to vector<16xf32>
    %swap3A_662 = vector.shape_cast %broadcast_in_dim3A_3 : vector<16xf32> to vector<1x16xf32>
    tpu.vector_store %arg8[%swap3A_658, %swap3A_659], %swap3A_662 {strides = array<i32>} : memref<16x128xf32, #tpu.memory_space<vmem>>, vector<1x16xf32>,
    %swap3A_663 = arith.constant 13 : i32
    %swap3A_664 = arith.index_cast %swap3A_663 : i32 to index
    %swap3A_665 = arith.constant 96 : index
    %swap3A_666 = tpu.vector_load %arg8[%swap3A_664, %swap3A_665] {strides = array<i32>} : memref<16x128xf32, #tpu.memory_space<vmem>>, vector<1x16xf32>,
    %swap3A_667 = vector.shape_cast %swap3A_666 : vector<1x16xf32> to vector<16xf32>
    %swap3A_668 = vector.shape_cast %broadcast_in_dim3A_3 : vector<16xf32> to vector<1x16xf32>
    tpu.vector_store %arg8[%swap3A_664, %swap3A_665], %swap3A_668 {strides = array<i32>} : memref<16x128xf32, #tpu.memory_space<vmem>>, vector<1x16xf32>,
    %swap3A_669 = arith.constant 13 : i32
    %swap3A_670 = arith.index_cast %swap3A_669 : i32 to index
    %swap3A_671 = arith.constant 112 : index
    %swap3A_672 = tpu.vector_load %arg8[%swap3A_670, %swap3A_671] {strides = array<i32>} : memref<16x128xf32, #tpu.memory_space<vmem>>, vector<1x16xf32>,
    %swap3A_673 = vector.shape_cast %swap3A_672 : vector<1x16xf32> to vector<16xf32>
    %swap3A_674 = vector.shape_cast %broadcast_in_dim3A_3 : vector<16xf32> to vector<1x16xf32>
    tpu.vector_store %arg8[%swap3A_670, %swap3A_671], %swap3A_674 {strides = array<i32>} : memref<16x128xf32, #tpu.memory_space<vmem>>, vector<1x16xf32>,
    %swap3A_675 = arith.constant 14 : i32
    %swap3A_676 = arith.index_cast %swap3A_675 : i32 to index
    %swap3A_677 = arith.constant 0 : index
    %swap3A_678 = tpu.vector_load %arg8[%swap3A_676, %swap3A_677] {strides = array<i32>} : memref<16x128xf32, #tpu.memory_space<vmem>>, vector<1x16xf32>,
    %swap3A_679 = vector.shape_cast %swap3A_678 : vector<1x16xf32> to vector<16xf32>
    %swap3A_680 = vector.shape_cast %broadcast_in_dim3A_3 : vector<16xf32> to vector<1x16xf32>
    tpu.vector_store %arg8[%swap3A_676, %swap3A_677], %swap3A_680 {strides = array<i32>} : memref<16x128xf32, #tpu.memory_space<vmem>>, vector<1x16xf32>,
    %swap3A_681 = arith.constant 14 : i32
    %swap3A_682 = arith.index_cast %swap3A_681 : i32 to index
    %swap3A_683 = arith.constant 16 : index
    %swap3A_684 = tpu.vector_load %arg8[%swap3A_682, %swap3A_683] {strides = array<i32>} : memref<16x128xf32, #tpu.memory_space<vmem>>, vector<1x16xf32>,
    %swap3A_685 = vector.shape_cast %swap3A_684 : vector<1x16xf32> to vector<16xf32>
    %swap3A_686 = vector.shape_cast %broadcast_in_dim3A_3 : vector<16xf32> to vector<1x16xf32>
    tpu.vector_store %arg8[%swap3A_682, %swap3A_683], %swap3A_686 {strides = array<i32>} : memref<16x128xf32, #tpu.memory_space<vmem>>, vector<1x16xf32>,
    %swap3A_687 = arith.constant 14 : i32
    %swap3A_688 = arith.index_cast %swap3A_687 : i32 to index
    %swap3A_689 = arith.constant 32 : index
    %swap3A_690 = tpu.vector_load %arg8[%swap3A_688, %swap3A_689] {strides = array<i32>} : memref<16x128xf32, #tpu.memory_space<vmem>>, vector<1x16xf32>,
    %swap3A_691 = vector.shape_cast %swap3A_690 : vector<1x16xf32> to vector<16xf32>
    %swap3A_692 = vector.shape_cast %broadcast_in_dim3A_3 : vector<16xf32> to vector<1x16xf32>
    tpu.vector_store %arg8[%swap3A_688, %swap3A_689], %swap3A_692 {strides = array<i32>} : memref<16x128xf32, #tpu.memory_space<vmem>>, vector<1x16xf32>,
    %swap3A_693 = arith.constant 14 : i32
    %swap3A_694 = arith.index_cast %swap3A_693 : i32 to index
    %swap3A_695 = arith.constant 48 : index
    %swap3A_696 = tpu.vector_load %arg8[%swap3A_694, %swap3A_695] {strides = array<i32>} : memref<16x128xf32, #tpu.memory_space<vmem>>, vector<1x16xf32>,
    %swap3A_697 = vector.shape_cast %swap3A_696 : vector<1x16xf32> to vector<16xf32>
    %swap3A_698 = vector.shape_cast %broadcast_in_dim3A_3 : vector<16xf32> to vector<1x16xf32>
    tpu.vector_store %arg8[%swap3A_694, %swap3A_695], %swap3A_698 {strides = array<i32>} : memref<16x128xf32, #tpu.memory_space<vmem>>, vector<1x16xf32>,
    %swap3A_699 = arith.constant 14 : i32
    %swap3A_700 = arith.index_cast %swap3A_699 : i32 to index
    %swap3A_701 = arith.constant 64 : index
    %swap3A_702 = tpu.vector_load %arg8[%swap3A_700, %swap3A_701] {strides = array<i32>} : memref<16x128xf32, #tpu.memory_space<vmem>>, vector<1x16xf32>,
    %swap3A_703 = vector.shape_cast %swap3A_702 : vector<1x16xf32> to vector<16xf32>
    %swap3A_704 = vector.shape_cast %broadcast_in_dim3A_3 : vector<16xf32> to vector<1x16xf32>
    tpu.vector_store %arg8[%swap3A_700, %swap3A_701], %swap3A_704 {strides = array<i32>} : memref<16x128xf32, #tpu.memory_space<vmem>>, vector<1x16xf32>,
    %swap3A_705 = arith.constant 14 : i32
    %swap3A_706 = arith.index_cast %swap3A_705 : i32 to index
    %swap3A_707 = arith.constant 80 : index
    %swap3A_708 = tpu.vector_load %arg8[%swap3A_706, %swap3A_707] {strides = array<i32>} : memref<16x128xf32, #tpu.memory_space<vmem>>, vector<1x16xf32>,
    %swap3A_709 = vector.shape_cast %swap3A_708 : vector<1x16xf32> to vector<16xf32>
    %swap3A_710 = vector.shape_cast %broadcast_in_dim3A_3 : vector<16xf32> to vector<1x16xf32>
    tpu.vector_store %arg8[%swap3A_706, %swap3A_707], %swap3A_710 {strides = array<i32>} : memref<16x128xf32, #tpu.memory_space<vmem>>, vector<1x16xf32>,
    %swap3A_711 = arith.constant 14 : i32
    %swap3A_712 = arith.index_cast %swap3A_711 : i32 to index
    %swap3A_713 = arith.constant 96 : index
    %swap3A_714 = tpu.vector_load %arg8[%swap3A_712, %swap3A_713] {strides = array<i32>} : memref<16x128xf32, #tpu.memory_space<vmem>>, vector<1x16xf32>,
    %swap3A_715 = vector.shape_cast %swap3A_714 : vector<1x16xf32> to vector<16xf32>
    %swap3A_716 = vector.shape_cast %broadcast_in_dim3A_3 : vector<16xf32> to vector<1x16xf32>
    tpu.vector_store %arg8[%swap3A_712, %swap3A_713], %swap3A_716 {strides = array<i32>} : memref<16x128xf32, #tpu.memory_space<vmem>>, vector<1x16xf32>,
    %swap3A_717 = arith.constant 14 : i32
    %swap3A_718 = arith.index_cast %swap3A_717 : i32 to index
    %swap3A_719 = arith.constant 112 : index
    %swap3A_720 = tpu.vector_load %arg8[%swap3A_718, %swap3A_719] {strides = array<i32>} : memref<16x128xf32, #tpu.memory_space<vmem>>, vector<1x16xf32>,
    %swap3A_721 = vector.shape_cast %swap3A_720 : vector<1x16xf32> to vector<16xf32>
    %swap3A_722 = vector.shape_cast %broadcast_in_dim3A_3 : vector<16xf32> to vector<1x16xf32>
    tpu.vector_store %arg8[%swap3A_718, %swap3A_719], %swap3A_722 {strides = array<i32>} : memref<16x128xf32, #tpu.memory_space<vmem>>, vector<1x16xf32>,
    %swap3A_723 = arith.constant 15 : i32
    %swap3A_724 = arith.index_cast %swap3A_723 : i32 to index
    %swap3A_725 = arith.constant 0 : index
    %swap3A_726 = tpu.vector_load %arg8[%swap3A_724, %swap3A_725] {strides = array<i32>} : memref<16x128xf32, #tpu.memory_space<vmem>>, vector<1x16xf32>,
    %swap3A_727 = vector.shape_cast %swap3A_726 : vector<1x16xf32> to vector<16xf32>
    %swap3A_728 = vector.shape_cast %broadcast_in_dim3A_3 : vector<16xf32> to vector<1x16xf32>
    tpu.vector_store %arg8[%swap3A_724, %swap3A_725], %swap3A_728 {strides = array<i32>} : memref<16x128xf32, #tpu.memory_space<vmem>>, vector<1x16xf32>,
    %swap3A_729 = arith.constant 15 : i32
    %swap3A_730 = arith.index_cast %swap3A_729 : i32 to index
    %swap3A_731 = arith.constant 16 : index
    %swap3A_732 = tpu.vector_load %arg8[%swap3A_730, %swap3A_731] {strides = array<i32>} : memref<16x128xf32, #tpu.memory_space<vmem>>, vector<1x16xf32>,
    %swap3A_733 = vector.shape_cast %swap3A_732 : vector<1x16xf32> to vector<16xf32>
    %swap3A_734 = vector.shape_cast %broadcast_in_dim3A_3 : vector<16xf32> to vector<1x16xf32>
    tpu.vector_store %arg8[%swap3A_730, %swap3A_731], %swap3A_734 {strides = array<i32>} : memref<16x128xf32, #tpu.memory_space<vmem>>, vector<1x16xf32>,
    %swap3A_735 = arith.constant 15 : i32
    %swap3A_736 = arith.index_cast %swap3A_735 : i32 to index
    %swap3A_737 = arith.constant 32 : index
    %swap3A_738 = tpu.vector_load %arg8[%swap3A_736, %swap3A_737] {strides = array<i32>} : memref<16x128xf32, #tpu.memory_space<vmem>>, vector<1x16xf32>,
    %swap3A_739 = vector.shape_cast %swap3A_738 : vector<1x16xf32> to vector<16xf32>
    %swap3A_740 = vector.shape_cast %broadcast_in_dim3A_3 : vector<16xf32> to vector<1x16xf32>
    tpu.vector_store %arg8[%swap3A_736, %swap3A_737], %swap3A_740 {strides = array<i32>} : memref<16x128xf32, #tpu.memory_space<vmem>>, vector<1x16xf32>,
    %swap3A_741 = arith.constant 15 : i32
    %swap3A_742 = arith.index_cast %swap3A_741 : i32 to index
    %swap3A_743 = arith.constant 48 : index
    %swap3A_744 = tpu.vector_load %arg8[%swap3A_742, %swap3A_743] {strides = array<i32>} : memref<16x128xf32, #tpu.memory_space<vmem>>, vector<1x16xf32>,
    %swap3A_745 = vector.shape_cast %swap3A_744 : vector<1x16xf32> to vector<16xf32>
    %swap3A_746 = vector.shape_cast %broadcast_in_dim3A_3 : vector<16xf32> to vector<1x16xf32>
    tpu.vector_store %arg8[%swap3A_742, %swap3A_743], %swap3A_746 {strides = array<i32>} : memref<16x128xf32, #tpu.memory_space<vmem>>, vector<1x16xf32>,
    %swap3A_747 = arith.constant 15 : i32
    %swap3A_748 = arith.index_cast %swap3A_747 : i32 to index
    %swap3A_749 = arith.constant 64 : index
    %swap3A_750 = tpu.vector_load %arg8[%swap3A_748, %swap3A_749] {strides = array<i32>} : memref<16x128xf32, #tpu.memory_space<vmem>>, vector<1x16xf32>,
    %swap3A_751 = vector.shape_cast %swap3A_750 : vector<1x16xf32> to vector<16xf32>
    %swap3A_752 = vector.shape_cast %broadcast_in_dim3A_3 : vector<16xf32> to vector<1x16xf32>
    tpu.vector_store %arg8[%swap3A_748, %swap3A_749], %swap3A_752 {strides = array<i32>} : memref<16x128xf32, #tpu.memory_space<vmem>>, vector<1x16xf32>,
    %swap3A_753 = arith.constant 15 : i32
    %swap3A_754 = arith.index_cast %swap3A_753 : i32 to index
    %swap3A_755 = arith.constant 80 : index
    %swap3A_756 = tpu.vector_load %arg8[%swap3A_754, %swap3A_755] {strides = array<i32>} : memref<16x128xf32, #tpu.memory_space<vmem>>, vector<1x16xf32>,
    %swap3A_757 = vector.shape_cast %swap3A_756 : vector<1x16xf32> to vector<16xf32>
    %swap3A_758 = vector.shape_cast %broadcast_in_dim3A_3 : vector<16xf32> to vector<1x16xf32>
    tpu.vector_store %arg8[%swap3A_754, %swap3A_755], %swap3A_758 {strides = array<i32>} : memref<16x128xf32, #tpu.memory_space<vmem>>, vector<1x16xf32>,
    %swap3A_759 = arith.constant 15 : i32
    %swap3A_760 = arith.index_cast %swap3A_759 : i32 to index
    %swap3A_761 = arith.constant 96 : index
    %swap3A_762 = tpu.vector_load %arg8[%swap3A_760, %swap3A_761] {strides = array<i32>} : memref<16x128xf32, #tpu.memory_space<vmem>>, vector<1x16xf32>,
    %swap3A_763 = vector.shape_cast %swap3A_762 : vector<1x16xf32> to vector<16xf32>
    %swap3A_764 = vector.shape_cast %broadcast_in_dim3A_3 : vector<16xf32> to vector<1x16xf32>
    tpu.vector_store %arg8[%swap3A_760, %swap3A_761], %swap3A_764 {strides = array<i32>} : memref<16x128xf32, #tpu.memory_space<vmem>>, vector<1x16xf32>,
    %swap3A_765 = arith.constant 15 : i32
    %swap3A_766 = arith.index_cast %swap3A_765 : i32 to index
    %swap3A_767 = arith.constant 112 : index
    %swap3A_768 = tpu.vector_load %arg8[%swap3A_766, %swap3A_767] {strides = array<i32>} : memref<16x128xf32, #tpu.memory_space<vmem>>, vector<1x16xf32>,
    %swap3A_769 = vector.shape_cast %swap3A_768 : vector<1x16xf32> to vector<16xf32>
    %swap3A_770 = vector.shape_cast %broadcast_in_dim3A_3 : vector<16xf32> to vector<1x16xf32>
    tpu.vector_store %arg8[%swap3A_766, %swap3A_767], %swap3A_770 {strides = array<i32>} : memref<16x128xf32, #tpu.memory_space<vmem>>, vector<1x16xf32>,
    %get3A = arith.constant 0 : index
    %get3A_771 = tpu.vector_load %arg5[%get3A] {strides = array<i32>} : memref<1024xi32, #tpu.memory_space<vmem>>, vector<16xi32>,
    %get3A_772 = vector.shape_cast %get3A_771 : vector<16xi32> to vector<16xi32>
    %eq3A = arith.constant -200 : i32
    %eq3A_773 = vector.broadcast %eq3A : i32 to vector<16xi32>
    %eq3A_774 = arith.cmpi eq, %get3A_772, %eq3A_773 : vector<16xi32>
    %jit3A = arith.constant 0 : i32
    %jit3A_775 = arith.constant 99999 : i32
    %max3A = vector.broadcast %jit3A : i32 to vector<16xi32>
    %max3A_776 = arith.maxsi %max3A, %get3A_772 : vector<16xi32>
    %min3A = vector.broadcast %jit3A_775 : i32 to vector<16xi32>
    %min3A_777 = arith.minsi %min3A, %max3A_776 : vector<16xi32>
    %jit3A_778 = arith.constant 0 : i32
    %broadcast_in_dim3A_779 = vector.broadcast %jit3A_778 : i32 to vector<16xi32>
    %select_n3A = arith.select %eq3A_774, %broadcast_in_dim3A_779, %min3A_777 : vector<16xi1>, vector<16xi32>
    %swap3A_780 = arith.constant 0 : i32
    %swap3A_781 = arith.index_cast %swap3A_780 : i32 to index
    %swap3A_782 = arith.constant 0 : index
    %swap3A_783 = tpu.vector_load %arg6[%swap3A_781, %swap3A_782] {strides = array<i32>} : memref<8x128xi32, #tpu.memory_space<vmem>>, vector<1x16xi32>,
    %swap3A_784 = vector.shape_cast %swap3A_783 : vector<1x16xi32> to vector<16xi32>
    %swap3A_785 = vector.shape_cast %select_n3A : vector<16xi32> to vector<1x16xi32>
    tpu.vector_store %arg6[%swap3A_781, %swap3A_782], %swap3A_785 {strides = array<i32>} : memref<8x128xi32, #tpu.memory_space<vmem>>, vector<1x16xi32>,
    %get3A_786 = arith.constant 16 : index
    %get3A_787 = tpu.vector_load %arg5[%get3A_786] {strides = array<i32>} : memref<1024xi32, #tpu.memory_space<vmem>>, vector<16xi32>,
    %get3A_788 = vector.shape_cast %get3A_787 : vector<16xi32> to vector<16xi32>
    %eq3A_789 = arith.constant -200 : i32
    %eq3A_790 = vector.broadcast %eq3A_789 : i32 to vector<16xi32>
    %eq3A_791 = arith.cmpi eq, %get3A_788, %eq3A_790 : vector<16xi32>
    %jit3A_792 = arith.constant 0 : i32
    %jit3A_793 = arith.constant 99999 : i32
    %max3A_794 = vector.broadcast %jit3A_792 : i32 to vector<16xi32>
    %max3A_795 = arith.maxsi %max3A_794, %get3A_788 : vector<16xi32>
    %min3A_796 = vector.broadcast %jit3A_793 : i32 to vector<16xi32>
    %min3A_797 = arith.minsi %min3A_796, %max3A_795 : vector<16xi32>
    %jit3A_798 = arith.constant 0 : i32
    %broadcast_in_dim3A_799 = vector.broadcast %jit3A_798 : i32 to vector<16xi32>
    %select_n3A_800 = arith.select %eq3A_791, %broadcast_in_dim3A_799, %min3A_797 : vector<16xi1>, vector<16xi32>
    %swap3A_801 = arith.constant 0 : i32
    %swap3A_802 = arith.index_cast %swap3A_801 : i32 to index
    %swap3A_803 = arith.constant 16 : index
    %swap3A_804 = tpu.vector_load %arg6[%swap3A_802, %swap3A_803] {strides = array<i32>} : memref<8x128xi32, #tpu.memory_space<vmem>>, vector<1x16xi32>,
    %swap3A_805 = vector.shape_cast %swap3A_804 : vector<1x16xi32> to vector<16xi32>
    %swap3A_806 = vector.shape_cast %select_n3A_800 : vector<16xi32> to vector<1x16xi32>
    tpu.vector_store %arg6[%swap3A_802, %swap3A_803], %swap3A_806 {strides = array<i32>} : memref<8x128xi32, #tpu.memory_space<vmem>>, vector<1x16xi32>,
    %get3A_807 = arith.constant 32 : index
    %get3A_808 = tpu.vector_load %arg5[%get3A_807] {strides = array<i32>} : memref<1024xi32, #tpu.memory_space<vmem>>, vector<16xi32>,
    %get3A_809 = vector.shape_cast %get3A_808 : vector<16xi32> to vector<16xi32>
    %eq3A_810 = arith.constant -200 : i32
    %eq3A_811 = vector.broadcast %eq3A_810 : i32 to vector<16xi32>
    %eq3A_812 = arith.cmpi eq, %get3A_809, %eq3A_811 : vector<16xi32>
    %jit3A_813 = arith.constant 0 : i32
    %jit3A_814 = arith.constant 99999 : i32
    %max3A_815 = vector.broadcast %jit3A_813 : i32 to vector<16xi32>
    %max3A_816 = arith.maxsi %max3A_815, %get3A_809 : vector<16xi32>
    %min3A_817 = vector.broadcast %jit3A_814 : i32 to vector<16xi32>
    %min3A_818 = arith.minsi %min3A_817, %max3A_816 : vector<16xi32>
    %jit3A_819 = arith.constant 0 : i32
    %broadcast_in_dim3A_820 = vector.broadcast %jit3A_819 : i32 to vector<16xi32>
    %select_n3A_821 = arith.select %eq3A_812, %broadcast_in_dim3A_820, %min3A_818 : vector<16xi1>, vector<16xi32>
    %swap3A_822 = arith.constant 0 : i32
    %swap3A_823 = arith.index_cast %swap3A_822 : i32 to index
    %swap3A_824 = arith.constant 32 : index
    %swap3A_825 = tpu.vector_load %arg6[%swap3A_823, %swap3A_824] {strides = array<i32>} : memref<8x128xi32, #tpu.memory_space<vmem>>, vector<1x16xi32>,
    %swap3A_826 = vector.shape_cast %swap3A_825 : vector<1x16xi32> to vector<16xi32>
    %swap3A_827 = vector.shape_cast %select_n3A_821 : vector<16xi32> to vector<1x16xi32>
    tpu.vector_store %arg6[%swap3A_823, %swap3A_824], %swap3A_827 {strides = array<i32>} : memref<8x128xi32, #tpu.memory_space<vmem>>, vector<1x16xi32>,
    %get3A_828 = arith.constant 48 : index
    %get3A_829 = tpu.vector_load %arg5[%get3A_828] {strides = array<i32>} : memref<1024xi32, #tpu.memory_space<vmem>>, vector<16xi32>,
    %get3A_830 = vector.shape_cast %get3A_829 : vector<16xi32> to vector<16xi32>
    %eq3A_831 = arith.constant -200 : i32
    %eq3A_832 = vector.broadcast %eq3A_831 : i32 to vector<16xi32>
    %eq3A_833 = arith.cmpi eq, %get3A_830, %eq3A_832 : vector<16xi32>
    %jit3A_834 = arith.constant 0 : i32
    %jit3A_835 = arith.constant 99999 : i32
    %max3A_836 = vector.broadcast %jit3A_834 : i32 to vector<16xi32>
    %max3A_837 = arith.maxsi %max3A_836, %get3A_830 : vector<16xi32>
    %min3A_838 = vector.broadcast %jit3A_835 : i32 to vector<16xi32>
    %min3A_839 = arith.minsi %min3A_838, %max3A_837 : vector<16xi32>
    %jit3A_840 = arith.constant 0 : i32
    %broadcast_in_dim3A_841 = vector.broadcast %jit3A_840 : i32 to vector<16xi32>
    %select_n3A_842 = arith.select %eq3A_833, %broadcast_in_dim3A_841, %min3A_839 : vector<16xi1>, vector<16xi32>
    %swap3A_843 = arith.constant 0 : i32
    %swap3A_844 = arith.index_cast %swap3A_843 : i32 to index
    %swap3A_845 = arith.constant 48 : index
    %swap3A_846 = tpu.vector_load %arg6[%swap3A_844, %swap3A_845] {strides = array<i32>} : memref<8x128xi32, #tpu.memory_space<vmem>>, vector<1x16xi32>,
    %swap3A_847 = vector.shape_cast %swap3A_846 : vector<1x16xi32> to vector<16xi32>
    %swap3A_848 = vector.shape_cast %select_n3A_842 : vector<16xi32> to vector<1x16xi32>
    tpu.vector_store %arg6[%swap3A_844, %swap3A_845], %swap3A_848 {strides = array<i32>} : memref<8x128xi32, #tpu.memory_space<vmem>>, vector<1x16xi32>,
    %get3A_849 = arith.constant 64 : index
    %get3A_850 = tpu.vector_load %arg5[%get3A_849] {strides = array<i32>} : memref<1024xi32, #tpu.memory_space<vmem>>, vector<16xi32>,
    %get3A_851 = vector.shape_cast %get3A_850 : vector<16xi32> to vector<16xi32>
    %eq3A_852 = arith.constant -200 : i32
    %eq3A_853 = vector.broadcast %eq3A_852 : i32 to vector<16xi32>
    %eq3A_854 = arith.cmpi eq, %get3A_851, %eq3A_853 : vector<16xi32>
    %jit3A_855 = arith.constant 0 : i32
    %jit3A_856 = arith.constant 99999 : i32
    %max3A_857 = vector.broadcast %jit3A_855 : i32 to vector<16xi32>
    %max3A_858 = arith.maxsi %max3A_857, %get3A_851 : vector<16xi32>
    %min3A_859 = vector.broadcast %jit3A_856 : i32 to vector<16xi32>
    %min3A_860 = arith.minsi %min3A_859, %max3A_858 : vector<16xi32>
    %jit3A_861 = arith.constant 0 : i32
    %broadcast_in_dim3A_862 = vector.broadcast %jit3A_861 : i32 to vector<16xi32>
    %select_n3A_863 = arith.select %eq3A_854, %broadcast_in_dim3A_862, %min3A_860 : vector<16xi1>, vector<16xi32>
    %swap3A_864 = arith.constant 0 : i32
    %swap3A_865 = arith.index_cast %swap3A_864 : i32 to index
    %swap3A_866 = arith.constant 64 : index
    %swap3A_867 = tpu.vector_load %arg6[%swap3A_865, %swap3A_866] {strides = array<i32>} : memref<8x128xi32, #tpu.memory_space<vmem>>, vector<1x16xi32>,
    %swap3A_868 = vector.shape_cast %swap3A_867 : vector<1x16xi32> to vector<16xi32>
    %swap3A_869 = vector.shape_cast %select_n3A_863 : vector<16xi32> to vector<1x16xi32>
    tpu.vector_store %arg6[%swap3A_865, %swap3A_866], %swap3A_869 {strides = array<i32>} : memref<8x128xi32, #tpu.memory_space<vmem>>, vector<1x16xi32>,
    %get3A_870 = arith.constant 80 : index
    %get3A_871 = tpu.vector_load %arg5[%get3A_870] {strides = array<i32>} : memref<1024xi32, #tpu.memory_space<vmem>>, vector<16xi32>,
    %get3A_872 = vector.shape_cast %get3A_871 : vector<16xi32> to vector<16xi32>
    %eq3A_873 = arith.constant -200 : i32
    %eq3A_874 = vector.broadcast %eq3A_873 : i32 to vector<16xi32>
    %eq3A_875 = arith.cmpi eq, %get3A_872, %eq3A_874 : vector<16xi32>
    %jit3A_876 = arith.constant 0 : i32
    %jit3A_877 = arith.constant 99999 : i32
    %max3A_878 = vector.broadcast %jit3A_876 : i32 to vector<16xi32>
    %max3A_879 = arith.maxsi %max3A_878, %get3A_872 : vector<16xi32>
    %min3A_880 = vector.broadcast %jit3A_877 : i32 to vector<16xi32>
    %min3A_881 = arith.minsi %min3A_880, %max3A_879 : vector<16xi32>
    %jit3A_882 = arith.constant 0 : i32
    %broadcast_in_dim3A_883 = vector.broadcast %jit3A_882 : i32 to vector<16xi32>
    %select_n3A_884 = arith.select %eq3A_875, %broadcast_in_dim3A_883, %min3A_881 : vector<16xi1>, vector<16xi32>
    %swap3A_885 = arith.constant 0 : i32
    %swap3A_886 = arith.index_cast %swap3A_885 : i32 to index
    %swap3A_887 = arith.constant 80 : index
    %swap3A_888 = tpu.vector_load %arg6[%swap3A_886, %swap3A_887] {strides = array<i32>} : memref<8x128xi32, #tpu.memory_space<vmem>>, vector<1x16xi32>,
    %swap3A_889 = vector.shape_cast %swap3A_888 : vector<1x16xi32> to vector<16xi32>
    %swap3A_890 = vector.shape_cast %select_n3A_884 : vector<16xi32> to vector<1x16xi32>
    tpu.vector_store %arg6[%swap3A_886, %swap3A_887], %swap3A_890 {strides = array<i32>} : memref<8x128xi32, #tpu.memory_space<vmem>>, vector<1x16xi32>,
    %get3A_891 = arith.constant 96 : index
    %get3A_892 = tpu.vector_load %arg5[%get3A_891] {strides = array<i32>} : memref<1024xi32, #tpu.memory_space<vmem>>, vector<16xi32>,
    %get3A_893 = vector.shape_cast %get3A_892 : vector<16xi32> to vector<16xi32>
    %eq3A_894 = arith.constant -200 : i32
    %eq3A_895 = vector.broadcast %eq3A_894 : i32 to vector<16xi32>
    %eq3A_896 = arith.cmpi eq, %get3A_893, %eq3A_895 : vector<16xi32>
    %jit3A_897 = arith.constant 0 : i32
    %jit3A_898 = arith.constant 99999 : i32
    %max3A_899 = vector.broadcast %jit3A_897 : i32 to vector<16xi32>
    %max3A_900 = arith.maxsi %max3A_899, %get3A_893 : vector<16xi32>
    %min3A_901 = vector.broadcast %jit3A_898 : i32 to vector<16xi32>
    %min3A_902 = arith.minsi %min3A_901, %max3A_900 : vector<16xi32>
    %jit3A_903 = arith.constant 0 : i32
    %broadcast_in_dim3A_904 = vector.broadcast %jit3A_903 : i32 to vector<16xi32>
    %select_n3A_905 = arith.select %eq3A_896, %broadcast_in_dim3A_904, %min3A_902 : vector<16xi1>, vector<16xi32>
    %swap3A_906 = arith.constant 0 : i32
    %swap3A_907 = arith.index_cast %swap3A_906 : i32 to index
    %swap3A_908 = arith.constant 96 : index
    %swap3A_909 = tpu.vector_load %arg6[%swap3A_907, %swap3A_908] {strides = array<i32>} : memref<8x128xi32, #tpu.memory_space<vmem>>, vector<1x16xi32>,
    %swap3A_910 = vector.shape_cast %swap3A_909 : vector<1x16xi32> to vector<16xi32>
    %swap3A_911 = vector.shape_cast %select_n3A_905 : vector<16xi32> to vector<1x16xi32>
    tpu.vector_store %arg6[%swap3A_907, %swap3A_908], %swap3A_911 {strides = array<i32>} : memref<8x128xi32, #tpu.memory_space<vmem>>, vector<1x16xi32>,
    %get3A_912 = arith.constant 112 : index
    %get3A_913 = tpu.vector_load %arg5[%get3A_912] {strides = array<i32>} : memref<1024xi32, #tpu.memory_space<vmem>>, vector<16xi32>,
    %get3A_914 = vector.shape_cast %get3A_913 : vector<16xi32> to vector<16xi32>
    %eq3A_915 = arith.constant -200 : i32
    %eq3A_916 = vector.broadcast %eq3A_915 : i32 to vector<16xi32>
    %eq3A_917 = arith.cmpi eq, %get3A_914, %eq3A_916 : vector<16xi32>
    %jit3A_918 = arith.constant 0 : i32
    %jit3A_919 = arith.constant 99999 : i32
    %max3A_920 = vector.broadcast %jit3A_918 : i32 to vector<16xi32>
    %max3A_921 = arith.maxsi %max3A_920, %get3A_914 : vector<16xi32>
    %min3A_922 = vector.broadcast %jit3A_919 : i32 to vector<16xi32>
    %min3A_923 = arith.minsi %min3A_922, %max3A_921 : vector<16xi32>
    %jit3A_924 = arith.constant 0 : i32
    %broadcast_in_dim3A_925 = vector.broadcast %jit3A_924 : i32 to vector<16xi32>
    %select_n3A_926 = arith.select %eq3A_917, %broadcast_in_dim3A_925, %min3A_923 : vector<16xi1>, vector<16xi32>
    %swap3A_927 = arith.constant 0 : i32
    %swap3A_928 = arith.index_cast %swap3A_927 : i32 to index
    %swap3A_929 = arith.constant 112 : index
    %swap3A_930 = tpu.vector_load %arg6[%swap3A_928, %swap3A_929] {strides = array<i32>} : memref<8x128xi32, #tpu.memory_space<vmem>>, vector<1x16xi32>,
    %swap3A_931 = vector.shape_cast %swap3A_930 : vector<1x16xi32> to vector<16xi32>
    %swap3A_932 = vector.shape_cast %select_n3A_926 : vector<16xi32> to vector<1x16xi32>
    tpu.vector_store %arg6[%swap3A_928, %swap3A_929], %swap3A_932 {strides = array<i32>} : memref<8x128xi32, #tpu.memory_space<vmem>>, vector<1x16xi32>,
    %dma_start3A = arith.constant 0 : i32
    %dma_start3A_933 = arith.constant 0 : i32
    %dma_start3A_934 = arith.constant 0 : i32
    %dma_start3A_935 = arith.constant 0 : i32
    %dma_start3A_936 = tpu.memref_slice %arg7[%dma_start3A_933, %dma_start3A_934, %dma_start3A_935] : memref<6x128x128xf32, #tpu.memory_space<vmem>> -> memref<1x128x128xf32, #tpu.memory_space<vmem>>
    %dma_start3A_937 = tpu.memref_squeeze %dma_start3A_936 : memref<1x128x128xf32, #tpu.memory_space<vmem>> -> memref<128x128xf32, #tpu.memory_space<vmem>>
    %dma_start3A_938 = arith.constant 0 : i32
    %dma_start3A_939 = tpu.memref_slice %arg6[%dma_start3A, %dma_start3A_938] : memref<8x128xi32, #tpu.memory_space<vmem>> -> memref<1x128xi32, #tpu.memory_space<vmem>>
    %dma_start3A_940 = tpu.memref_squeeze %dma_start3A_939 : memref<1x128xi32, #tpu.memory_space<vmem>> -> memref<128xi32, #tpu.memory_space<vmem>>
    %dma_start3A_941 = arith.constant 0 : i32
    %dma_start3A_942 = arith.constant 0 : i32
    %dma_start3A_943 = tpu.memref_slice %arg3[%dma_start3A_941, %dma_start3A_942] : memref<100000x128xf32, #tpu.memory_space<hbm>> -> memref<100000x128xf32, #tpu.memory_space<hbm>>
    tpu.enqueue_indirect_dma source(%dma_start3A_943 : memref<100000x128xf32, #tpu.memory_space<hbm>>) target(%dma_start3A_937 : memref<128x128xf32, #tpu.memory_space<vmem>>) offsets(%dma_start3A_940 : memref<128xi32, #tpu.memory_space<vmem>>) semaphore(%arg9 : memref<!tpu.dma_semaphore, #tpu.memory_space<semaphore_mem>>)
    %get3A_944 = arith.constant 128 : index
    %get3A_945 = tpu.vector_load %arg5[%get3A_944] {strides = array<i32>} : memref<1024xi32, #tpu.memory_space<vmem>>, vector<16xi32>,
    %get3A_946 = vector.shape_cast %get3A_945 : vector<16xi32> to vector<16xi32>
    %eq3A_947 = arith.constant -200 : i32
    %eq3A_948 = vector.broadcast %eq3A_947 : i32 to vector<16xi32>
    %eq3A_949 = arith.cmpi eq, %get3A_946, %eq3A_948 : vector<16xi32>
    %jit3A_950 = arith.constant 0 : i32
    %jit3A_951 = arith.constant 99999 : i32
    %max3A_952 = vector.broadcast %jit3A_950 : i32 to vector<16xi32>
    %max3A_953 = arith.maxsi %max3A_952, %get3A_946 : vector<16xi32>
    %min3A_954 = vector.broadcast %jit3A_951 : i32 to vector<16xi32>
    %min3A_955 = arith.minsi %min3A_954, %max3A_953 : vector<16xi32>
    %jit3A_956 = arith.constant 0 : i32
    %broadcast_in_dim3A_957 = vector.broadcast %jit3A_956 : i32 to vector<16xi32>
    %select_n3A_958 = arith.select %eq3A_949, %broadcast_in_dim3A_957, %min3A_955 : vector<16xi1>, vector<16xi32>
    %swap3A_959 = arith.constant 1 : i32
    %swap3A_960 = arith.index_cast %swap3A_959 : i32 to index
    %swap3A_961 = arith.constant 0 : index
    %swap3A_962 = tpu.vector_load %arg6[%swap3A_960, %swap3A_961] {strides = array<i32>} : memref<8x128xi32, #tpu.memory_space<vmem>>, vector<1x16xi32>,
    %swap3A_963 = vector.shape_cast %swap3A_962 : vector<1x16xi32> to vector<16xi32>
    %swap3A_964 = vector.shape_cast %select_n3A_958 : vector<16xi32> to vector<1x16xi32>
    tpu.vector_store %arg6[%swap3A_960, %swap3A_961], %swap3A_964 {strides = array<i32>} : memref<8x128xi32, #tpu.memory_space<vmem>>, vector<1x16xi32>,
    %get3A_965 = arith.constant 144 : index
    %get3A_966 = tpu.vector_load %arg5[%get3A_965] {strides = array<i32>} : memref<1024xi32, #tpu.memory_space<vmem>>, vector<16xi32>,
    %get3A_967 = vector.shape_cast %get3A_966 : vector<16xi32> to vector<16xi32>
    %eq3A_968 = arith.constant -200 : i32
    %eq3A_969 = vector.broadcast %eq3A_968 : i32 to vector<16xi32>
    %eq3A_970 = arith.cmpi eq, %get3A_967, %eq3A_969 : vector<16xi32>
    %jit3A_971 = arith.constant 0 : i32
    %jit3A_972 = arith.constant 99999 : i32
    %max3A_973 = vector.broadcast %jit3A_971 : i32 to vector<16xi32>
    %max3A_974 = arith.maxsi %max3A_973, %get3A_967 : vector<16xi32>
    %min3A_975 = vector.broadcast %jit3A_972 : i32 to vector<16xi32>
    %min3A_976 = arith.minsi %min3A_975, %max3A_974 : vector<16xi32>
    %jit3A_977 = arith.constant 0 : i32
    %broadcast_in_dim3A_978 = vector.broadcast %jit3A_977 : i32 to vector<16xi32>
    %select_n3A_979 = arith.select %eq3A_970, %broadcast_in_dim3A_978, %min3A_976 : vector<16xi1>, vector<16xi32>
    %swap3A_980 = arith.constant 1 : i32
    %swap3A_981 = arith.index_cast %swap3A_980 : i32 to index
    %swap3A_982 = arith.constant 16 : index
    %swap3A_983 = tpu.vector_load %arg6[%swap3A_981, %swap3A_982] {strides = array<i32>} : memref<8x128xi32, #tpu.memory_space<vmem>>, vector<1x16xi32>,
    %swap3A_984 = vector.shape_cast %swap3A_983 : vector<1x16xi32> to vector<16xi32>
    %swap3A_985 = vector.shape_cast %select_n3A_979 : vector<16xi32> to vector<1x16xi32>
    tpu.vector_store %arg6[%swap3A_981, %swap3A_982], %swap3A_985 {strides = array<i32>} : memref<8x128xi32, #tpu.memory_space<vmem>>, vector<1x16xi32>,
    %get3A_986 = arith.constant 160 : index
    %get3A_987 = tpu.vector_load %arg5[%get3A_986] {strides = array<i32>} : memref<1024xi32, #tpu.memory_space<vmem>>, vector<16xi32>,
    %get3A_988 = vector.shape_cast %get3A_987 : vector<16xi32> to vector<16xi32>
    %eq3A_989 = arith.constant -200 : i32
    %eq3A_990 = vector.broadcast %eq3A_989 : i32 to vector<16xi32>
    %eq3A_991 = arith.cmpi eq, %get3A_988, %eq3A_990 : vector<16xi32>
    %jit3A_992 = arith.constant 0 : i32
    %jit3A_993 = arith.constant 99999 : i32
    %max3A_994 = vector.broadcast %jit3A_992 : i32 to vector<16xi32>
    %max3A_995 = arith.maxsi %max3A_994, %get3A_988 : vector<16xi32>
    %min3A_996 = vector.broadcast %jit3A_993 : i32 to vector<16xi32>
    %min3A_997 = arith.minsi %min3A_996, %max3A_995 : vector<16xi32>
    %jit3A_998 = arith.constant 0 : i32
    %broadcast_in_dim3A_999 = vector.broadcast %jit3A_998 : i32 to vector<16xi32>
    %select_n3A_1000 = arith.select %eq3A_991, %broadcast_in_dim3A_999, %min3A_997 : vector<16xi1>, vector<16xi32>
    %swap3A_1001 = arith.constant 1 : i32
    %swap3A_1002 = arith.index_cast %swap3A_1001 : i32 to index
    %swap3A_1003 = arith.constant 32 : index
    %swap3A_1004 = tpu.vector_load %arg6[%swap3A_1002, %swap3A_1003] {strides = array<i32>} : memref<8x128xi32, #tpu.memory_space<vmem>>, vector<1x16xi32>,
    %swap3A_1005 = vector.shape_cast %swap3A_1004 : vector<1x16xi32> to vector<16xi32>
    %swap3A_1006 = vector.shape_cast %select_n3A_1000 : vector<16xi32> to vector<1x16xi32>
    tpu.vector_store %arg6[%swap3A_1002, %swap3A_1003], %swap3A_1006 {strides = array<i32>} : memref<8x128xi32, #tpu.memory_space<vmem>>, vector<1x16xi32>,
    %get3A_1007 = arith.constant 176 : index
    %get3A_1008 = tpu.vector_load %arg5[%get3A_1007] {strides = array<i32>} : memref<1024xi32, #tpu.memory_space<vmem>>, vector<16xi32>,
    %get3A_1009 = vector.shape_cast %get3A_1008 : vector<16xi32> to vector<16xi32>
    %eq3A_1010 = arith.constant -200 : i32
    %eq3A_1011 = vector.broadcast %eq3A_1010 : i32 to vector<16xi32>
    %eq3A_1012 = arith.cmpi eq, %get3A_1009, %eq3A_1011 : vector<16xi32>
    %jit3A_1013 = arith.constant 0 : i32
    %jit3A_1014 = arith.constant 99999 : i32
    %max3A_1015 = vector.broadcast %jit3A_1013 : i32 to vector<16xi32>
    %max3A_1016 = arith.maxsi %max3A_1015, %get3A_1009 : vector<16xi32>
    %min3A_1017 = vector.broadcast %jit3A_1014 : i32 to vector<16xi32>
    %min3A_1018 = arith.minsi %min3A_1017, %max3A_1016 : vector<16xi32>
    %jit3A_1019 = arith.constant 0 : i32
    %broadcast_in_dim3A_1020 = vector.broadcast %jit3A_1019 : i32 to vector<16xi32>
    %select_n3A_1021 = arith.select %eq3A_1012, %broadcast_in_dim3A_1020, %min3A_1018 : vector<16xi1>, vector<16xi32>
    %swap3A_1022 = arith.constant 1 : i32
    %swap3A_1023 = arith.index_cast %swap3A_1022 : i32 to index
    %swap3A_1024 = arith.constant 48 : index
    %swap3A_1025 = tpu.vector_load %arg6[%swap3A_1023, %swap3A_1024] {strides = array<i32>} : memref<8x128xi32, #tpu.memory_space<vmem>>, vector<1x16xi32>,
    %swap3A_1026 = vector.shape_cast %swap3A_1025 : vector<1x16xi32> to vector<16xi32>
    %swap3A_1027 = vector.shape_cast %select_n3A_1021 : vector<16xi32> to vector<1x16xi32>
    tpu.vector_store %arg6[%swap3A_1023, %swap3A_1024], %swap3A_1027 {strides = array<i32>} : memref<8x128xi32, #tpu.memory_space<vmem>>, vector<1x16xi32>,
    %get3A_1028 = arith.constant 192 : index
    %get3A_1029 = tpu.vector_load %arg5[%get3A_1028] {strides = array<i32>} : memref<1024xi32, #tpu.memory_space<vmem>>, vector<16xi32>,
    %get3A_1030 = vector.shape_cast %get3A_1029 : vector<16xi32> to vector<16xi32>
    %eq3A_1031 = arith.constant -200 : i32
    %eq3A_1032 = vector.broadcast %eq3A_1031 : i32 to vector<16xi32>
    %eq3A_1033 = arith.cmpi eq, %get3A_1030, %eq3A_1032 : vector<16xi32>
    %jit3A_1034 = arith.constant 0 : i32
    %jit3A_1035 = arith.constant 99999 : i32
    %max3A_1036 = vector.broadcast %jit3A_1034 : i32 to vector<16xi32>
    %max3A_1037 = arith.maxsi %max3A_1036, %get3A_1030 : vector<16xi32>
    %min3A_1038 = vector.broadcast %jit3A_1035 : i32 to vector<16xi32>
    %min3A_1039 = arith.minsi %min3A_1038, %max3A_1037 : vector<16xi32>
    %jit3A_1040 = arith.constant 0 : i32
    %broadcast_in_dim3A_1041 = vector.broadcast %jit3A_1040 : i32 to vector<16xi32>
    %select_n3A_1042 = arith.select %eq3A_1033, %broadcast_in_dim3A_1041, %min3A_1039 : vector<16xi1>, vector<16xi32>
    %swap3A_1043 = arith.constant 1 : i32
    %swap3A_1044 = arith.index_cast %swap3A_1043 : i32 to index
    %swap3A_1045 = arith.constant 64 : index
    %swap3A_1046 = tpu.vector_load %arg6[%swap3A_1044, %swap3A_1045] {strides = array<i32>} : memref<8x128xi32, #tpu.memory_space<vmem>>, vector<1x16xi32>,
    %swap3A_1047 = vector.shape_cast %swap3A_1046 : vector<1x16xi32> to vector<16xi32>
    %swap3A_1048 = vector.shape_cast %select_n3A_1042 : vector<16xi32> to vector<1x16xi32>
    tpu.vector_store %arg6[%swap3A_1044, %swap3A_1045], %swap3A_1048 {strides = array<i32>} : memref<8x128xi32, #tpu.memory_space<vmem>>, vector<1x16xi32>,
    %get3A_1049 = arith.constant 208 : index
    %get3A_1050 = tpu.vector_load %arg5[%get3A_1049] {strides = array<i32>} : memref<1024xi32, #tpu.memory_space<vmem>>, vector<16xi32>,
    %get3A_1051 = vector.shape_cast %get3A_1050 : vector<16xi32> to vector<16xi32>
    %eq3A_1052 = arith.constant -200 : i32
    %eq3A_1053 = vector.broadcast %eq3A_1052 : i32 to vector<16xi32>
    %eq3A_1054 = arith.cmpi eq, %get3A_1051, %eq3A_1053 : vector<16xi32>
    %jit3A_1055 = arith.constant 0 : i32
    %jit3A_1056 = arith.constant 99999 : i32
    %max3A_1057 = vector.broadcast %jit3A_1055 : i32 to vector<16xi32>
    %max3A_1058 = arith.maxsi %max3A_1057, %get3A_1051 : vector<16xi32>
    %min3A_1059 = vector.broadcast %jit3A_1056 : i32 to vector<16xi32>
    %min3A_1060 = arith.minsi %min3A_1059, %max3A_1058 : vector<16xi32>
    %jit3A_1061 = arith.constant 0 : i32
    %broadcast_in_dim3A_1062 = vector.broadcast %jit3A_1061 : i32 to vector<16xi32>
    %select_n3A_1063 = arith.select %eq3A_1054, %broadcast_in_dim3A_1062, %min3A_1060 : vector<16xi1>, vector<16xi32>
    %swap3A_1064 = arith.constant 1 : i32
    %swap3A_1065 = arith.index_cast %swap3A_1064 : i32 to index
    %swap3A_1066 = arith.constant 80 : index
    %swap3A_1067 = tpu.vector_load %arg6[%swap3A_1065, %swap3A_1066] {strides = array<i32>} : memref<8x128xi32, #tpu.memory_space<vmem>>, vector<1x16xi32>,
    %swap3A_1068 = vector.shape_cast %swap3A_1067 : vector<1x16xi32> to vector<16xi32>
    %swap3A_1069 = vector.shape_cast %select_n3A_1063 : vector<16xi32> to vector<1x16xi32>
    tpu.vector_store %arg6[%swap3A_1065, %swap3A_1066], %swap3A_1069 {strides = array<i32>} : memref<8x128xi32, #tpu.memory_space<vmem>>, vector<1x16xi32>,
    %get3A_1070 = arith.constant 224 : index
    %get3A_1071 = tpu.vector_load %arg5[%get3A_1070] {strides = array<i32>} : memref<1024xi32, #tpu.memory_space<vmem>>, vector<16xi32>,
    %get3A_1072 = vector.shape_cast %get3A_1071 : vector<16xi32> to vector<16xi32>
    %eq3A_1073 = arith.constant -200 : i32
    %eq3A_1074 = vector.broadcast %eq3A_1073 : i32 to vector<16xi32>
    %eq3A_1075 = arith.cmpi eq, %get3A_1072, %eq3A_1074 : vector<16xi32>
    %jit3A_1076 = arith.constant 0 : i32
    %jit3A_1077 = arith.constant 99999 : i32
    %max3A_1078 = vector.broadcast %jit3A_1076 : i32 to vector<16xi32>
    %max3A_1079 = arith.maxsi %max3A_1078, %get3A_1072 : vector<16xi32>
    %min3A_1080 = vector.broadcast %jit3A_1077 : i32 to vector<16xi32>
    %min3A_1081 = arith.minsi %min3A_1080, %max3A_1079 : vector<16xi32>
    %jit3A_1082 = arith.constant 0 : i32
    %broadcast_in_dim3A_1083 = vector.broadcast %jit3A_1082 : i32 to vector<16xi32>
    %select_n3A_1084 = arith.select %eq3A_1075, %broadcast_in_dim3A_1083, %min3A_1081 : vector<16xi1>, vector<16xi32>
    %swap3A_1085 = arith.constant 1 : i32
    %swap3A_1086 = arith.index_cast %swap3A_1085 : i32 to index
    %swap3A_1087 = arith.constant 96 : index
    %swap3A_1088 = tpu.vector_load %arg6[%swap3A_1086, %swap3A_1087] {strides = array<i32>} : memref<8x128xi32, #tpu.memory_space<vmem>>, vector<1x16xi32>,
    %swap3A_1089 = vector.shape_cast %swap3A_1088 : vector<1x16xi32> to vector<16xi32>
    %swap3A_1090 = vector.shape_cast %select_n3A_1084 : vector<16xi32> to vector<1x16xi32>
    tpu.vector_store %arg6[%swap3A_1086, %swap3A_1087], %swap3A_1090 {strides = array<i32>} : memref<8x128xi32, #tpu.memory_space<vmem>>, vector<1x16xi32>,
    %get3A_1091 = arith.constant 240 : index
    %get3A_1092 = tpu.vector_load %arg5[%get3A_1091] {strides = array<i32>} : memref<1024xi32, #tpu.memory_space<vmem>>, vector<16xi32>,
    %get3A_1093 = vector.shape_cast %get3A_1092 : vector<16xi32> to vector<16xi32>
    %eq3A_1094 = arith.constant -200 : i32
    %eq3A_1095 = vector.broadcast %eq3A_1094 : i32 to vector<16xi32>
    %eq3A_1096 = arith.cmpi eq, %get3A_1093, %eq3A_1095 : vector<16xi32>
    %jit3A_1097 = arith.constant 0 : i32
    %jit3A_1098 = arith.constant 99999 : i32
    %max3A_1099 = vector.broadcast %jit3A_1097 : i32 to vector<16xi32>
    %max3A_1100 = arith.maxsi %max3A_1099, %get3A_1093 : vector<16xi32>
    %min3A_1101 = vector.broadcast %jit3A_1098 : i32 to vector<16xi32>
    %min3A_1102 = arith.minsi %min3A_1101, %max3A_1100 : vector<16xi32>
    %jit3A_1103 = arith.constant 0 : i32
    %broadcast_in_dim3A_1104 = vector.broadcast %jit3A_1103 : i32 to vector<16xi32>
    %select_n3A_1105 = arith.select %eq3A_1096, %broadcast_in_dim3A_1104, %min3A_1102 : vector<16xi1>, vector<16xi32>
    %swap3A_1106 = arith.constant 1 : i32
    %swap3A_1107 = arith.index_cast %swap3A_1106 : i32 to index
    %swap3A_1108 = arith.constant 112 : index
    %swap3A_1109 = tpu.vector_load %arg6[%swap3A_1107, %swap3A_1108] {strides = array<i32>} : memref<8x128xi32, #tpu.memory_space<vmem>>, vector<1x16xi32>,
    %swap3A_1110 = vector.shape_cast %swap3A_1109 : vector<1x16xi32> to vector<16xi32>
    %swap3A_1111 = vector.shape_cast %select_n3A_1105 : vector<16xi32> to vector<1x16xi32>
    tpu.vector_store %arg6[%swap3A_1107, %swap3A_1108], %swap3A_1111 {strides = array<i32>} : memref<8x128xi32, #tpu.memory_space<vmem>>, vector<1x16xi32>,
    %dma_start3A_1112 = arith.constant 1 : i32
    %dma_start3A_1113 = arith.constant 1 : i32
    %dma_start3A_1114 = arith.constant 0 : i32
    %dma_start3A_1115 = arith.constant 0 : i32
    %dma_start3A_1116 = tpu.memref_slice %arg7[%dma_start3A_1113, %dma_start3A_1114, %dma_start3A_1115] : memref<6x128x128xf32, #tpu.memory_space<vmem>> -> memref<1x128x128xf32, #tpu.memory_space<vmem>>
    %dma_start3A_1117 = tpu.memref_squeeze %dma_start3A_1116 : memref<1x128x128xf32, #tpu.memory_space<vmem>> -> memref<128x128xf32, #tpu.memory_space<vmem>>
    %dma_start3A_1118 = arith.constant 0 : i32
    %dma_start3A_1119 = tpu.memref_slice %arg6[%dma_start3A_1112, %dma_start3A_1118] : memref<8x128xi32, #tpu.memory_space<vmem>> -> memref<1x128xi32, #tpu.memory_space<vmem>>
    %dma_start3A_1120 = tpu.memref_squeeze %dma_start3A_1119 : memref<1x128xi32, #tpu.memory_space<vmem>> -> memref<128xi32, #tpu.memory_space<vmem>>
    %dma_start3A_1121 = arith.constant 0 : i32
    %dma_start3A_1122 = arith.constant 0 : i32
    %dma_start3A_1123 = tpu.memref_slice %arg3[%dma_start3A_1121, %dma_start3A_1122] : memref<100000x128xf32, #tpu.memory_space<hbm>> -> memref<100000x128xf32, #tpu.memory_space<hbm>>
    tpu.enqueue_indirect_dma source(%dma_start3A_1123 : memref<100000x128xf32, #tpu.memory_space<hbm>>) target(%dma_start3A_1117 : memref<128x128xf32, #tpu.memory_space<vmem>>) offsets(%dma_start3A_1120 : memref<128xi32, #tpu.memory_space<vmem>>) semaphore(%arg10 : memref<!tpu.dma_semaphore, #tpu.memory_space<semaphore_mem>>)
    %get3A_1124 = arith.constant 256 : index
    %get3A_1125 = tpu.vector_load %arg5[%get3A_1124] {strides = array<i32>} : memref<1024xi32, #tpu.memory_space<vmem>>, vector<16xi32>,
    %get3A_1126 = vector.shape_cast %get3A_1125 : vector<16xi32> to vector<16xi32>
    %eq3A_1127 = arith.constant -200 : i32
    %eq3A_1128 = vector.broadcast %eq3A_1127 : i32 to vector<16xi32>
    %eq3A_1129 = arith.cmpi eq, %get3A_1126, %eq3A_1128 : vector<16xi32>
    %jit3A_1130 = arith.constant 0 : i32
    %jit3A_1131 = arith.constant 99999 : i32
    %max3A_1132 = vector.broadcast %jit3A_1130 : i32 to vector<16xi32>
    %max3A_1133 = arith.maxsi %max3A_1132, %get3A_1126 : vector<16xi32>
    %min3A_1134 = vector.broadcast %jit3A_1131 : i32 to vector<16xi32>
    %min3A_1135 = arith.minsi %min3A_1134, %max3A_1133 : vector<16xi32>
    %jit3A_1136 = arith.constant 0 : i32
    %broadcast_in_dim3A_1137 = vector.broadcast %jit3A_1136 : i32 to vector<16xi32>
    %select_n3A_1138 = arith.select %eq3A_1129, %broadcast_in_dim3A_1137, %min3A_1135 : vector<16xi1>, vector<16xi32>
    %swap3A_1139 = arith.constant 2 : i32
    %swap3A_1140 = arith.index_cast %swap3A_1139 : i32 to index
    %swap3A_1141 = arith.constant 0 : index
    %swap3A_1142 = tpu.vector_load %arg6[%swap3A_1140, %swap3A_1141] {strides = array<i32>} : memref<8x128xi32, #tpu.memory_space<vmem>>, vector<1x16xi32>,
    %swap3A_1143 = vector.shape_cast %swap3A_1142 : vector<1x16xi32> to vector<16xi32>
    %swap3A_1144 = vector.shape_cast %select_n3A_1138 : vector<16xi32> to vector<1x16xi32>
    tpu.vector_store %arg6[%swap3A_1140, %swap3A_1141], %swap3A_1144 {strides = array<i32>} : memref<8x128xi32, #tpu.memory_space<vmem>>, vector<1x16xi32>,
    %get3A_1145 = arith.constant 272 : index
    %get3A_1146 = tpu.vector_load %arg5[%get3A_1145] {strides = array<i32>} : memref<1024xi32, #tpu.memory_space<vmem>>, vector<16xi32>,
    %get3A_1147 = vector.shape_cast %get3A_1146 : vector<16xi32> to vector<16xi32>
    %eq3A_1148 = arith.constant -200 : i32
    %eq3A_1149 = vector.broadcast %eq3A_1148 : i32 to vector<16xi32>
    %eq3A_1150 = arith.cmpi eq, %get3A_1147, %eq3A_1149 : vector<16xi32>
    %jit3A_1151 = arith.constant 0 : i32
    %jit3A_1152 = arith.constant 99999 : i32
    %max3A_1153 = vector.broadcast %jit3A_1151 : i32 to vector<16xi32>
    %max3A_1154 = arith.maxsi %max3A_1153, %get3A_1147 : vector<16xi32>
    %min3A_1155 = vector.broadcast %jit3A_1152 : i32 to vector<16xi32>
    %min3A_1156 = arith.minsi %min3A_1155, %max3A_1154 : vector<16xi32>
    %jit3A_1157 = arith.constant 0 : i32
    %broadcast_in_dim3A_1158 = vector.broadcast %jit3A_1157 : i32 to vector<16xi32>
    %select_n3A_1159 = arith.select %eq3A_1150, %broadcast_in_dim3A_1158, %min3A_1156 : vector<16xi1>, vector<16xi32>
    %swap3A_1160 = arith.constant 2 : i32
    %swap3A_1161 = arith.index_cast %swap3A_1160 : i32 to index
    %swap3A_1162 = arith.constant 16 : index
    %swap3A_1163 = tpu.vector_load %arg6[%swap3A_1161, %swap3A_1162] {strides = array<i32>} : memref<8x128xi32, #tpu.memory_space<vmem>>, vector<1x16xi32>,
    %swap3A_1164 = vector.shape_cast %swap3A_1163 : vector<1x16xi32> to vector<16xi32>
    %swap3A_1165 = vector.shape_cast %select_n3A_1159 : vector<16xi32> to vector<1x16xi32>
    tpu.vector_store %arg6[%swap3A_1161, %swap3A_1162], %swap3A_1165 {strides = array<i32>} : memref<8x128xi32, #tpu.memory_space<vmem>>, vector<1x16xi32>,
    %get3A_1166 = arith.constant 288 : index
    %get3A_1167 = tpu.vector_load %arg5[%get3A_1166] {strides = array<i32>} : memref<1024xi32, #tpu.memory_space<vmem>>, vector<16xi32>,
    %get3A_1168 = vector.shape_cast %get3A_1167 : vector<16xi32> to vector<16xi32>
    %eq3A_1169 = arith.constant -200 : i32
    %eq3A_1170 = vector.broadcast %eq3A_1169 : i32 to vector<16xi32>
    %eq3A_1171 = arith.cmpi eq, %get3A_1168, %eq3A_1170 : vector<16xi32>
    %jit3A_1172 = arith.constant 0 : i32
    %jit3A_1173 = arith.constant 99999 : i32
    %max3A_1174 = vector.broadcast %jit3A_1172 : i32 to vector<16xi32>
    %max3A_1175 = arith.maxsi %max3A_1174, %get3A_1168 : vector<16xi32>
    %min3A_1176 = vector.broadcast %jit3A_1173 : i32 to vector<16xi32>
    %min3A_1177 = arith.minsi %min3A_1176, %max3A_1175 : vector<16xi32>
    %jit3A_1178 = arith.constant 0 : i32
    %broadcast_in_dim3A_1179 = vector.broadcast %jit3A_1178 : i32 to vector<16xi32>
    %select_n3A_1180 = arith.select %eq3A_1171, %broadcast_in_dim3A_1179, %min3A_1177 : vector<16xi1>, vector<16xi32>
    %swap3A_1181 = arith.constant 2 : i32
    %swap3A_1182 = arith.index_cast %swap3A_1181 : i32 to index
    %swap3A_1183 = arith.constant 32 : index
    %swap3A_1184 = tpu.vector_load %arg6[%swap3A_1182, %swap3A_1183] {strides = array<i32>} : memref<8x128xi32, #tpu.memory_space<vmem>>, vector<1x16xi32>,
    %swap3A_1185 = vector.shape_cast %swap3A_1184 : vector<1x16xi32> to vector<16xi32>
    %swap3A_1186 = vector.shape_cast %select_n3A_1180 : vector<16xi32> to vector<1x16xi32>
    tpu.vector_store %arg6[%swap3A_1182, %swap3A_1183], %swap3A_1186 {strides = array<i32>} : memref<8x128xi32, #tpu.memory_space<vmem>>, vector<1x16xi32>,
    %get3A_1187 = arith.constant 304 : index
    %get3A_1188 = tpu.vector_load %arg5[%get3A_1187] {strides = array<i32>} : memref<1024xi32, #tpu.memory_space<vmem>>, vector<16xi32>,
    %get3A_1189 = vector.shape_cast %get3A_1188 : vector<16xi32> to vector<16xi32>
    %eq3A_1190 = arith.constant -200 : i32
    %eq3A_1191 = vector.broadcast %eq3A_1190 : i32 to vector<16xi32>
    %eq3A_1192 = arith.cmpi eq, %get3A_1189, %eq3A_1191 : vector<16xi32>
    %jit3A_1193 = arith.constant 0 : i32
    %jit3A_1194 = arith.constant 99999 : i32
    %max3A_1195 = vector.broadcast %jit3A_1193 : i32 to vector<16xi32>
    %max3A_1196 = arith.maxsi %max3A_1195, %get3A_1189 : vector<16xi32>
    %min3A_1197 = vector.broadcast %jit3A_1194 : i32 to vector<16xi32>
    %min3A_1198 = arith.minsi %min3A_1197, %max3A_1196 : vector<16xi32>
    %jit3A_1199 = arith.constant 0 : i32
    %broadcast_in_dim3A_1200 = vector.broadcast %jit3A_1199 : i32 to vector<16xi32>
    %select_n3A_1201 = arith.select %eq3A_1192, %broadcast_in_dim3A_1200, %min3A_1198 : vector<16xi1>, vector<16xi32>
    %swap3A_1202 = arith.constant 2 : i32
    %swap3A_1203 = arith.index_cast %swap3A_1202 : i32 to index
    %swap3A_1204 = arith.constant 48 : index
    %swap3A_1205 = tpu.vector_load %arg6[%swap3A_1203, %swap3A_1204] {strides = array<i32>} : memref<8x128xi32, #tpu.memory_space<vmem>>, vector<1x16xi32>,
    %swap3A_1206 = vector.shape_cast %swap3A_1205 : vector<1x16xi32> to vector<16xi32>
    %swap3A_1207 = vector.shape_cast %select_n3A_1201 : vector<16xi32> to vector<1x16xi32>
    tpu.vector_store %arg6[%swap3A_1203, %swap3A_1204], %swap3A_1207 {strides = array<i32>} : memref<8x128xi32, #tpu.memory_space<vmem>>, vector<1x16xi32>,
    %get3A_1208 = arith.constant 320 : index
    %get3A_1209 = tpu.vector_load %arg5[%get3A_1208] {strides = array<i32>} : memref<1024xi32, #tpu.memory_space<vmem>>, vector<16xi32>,
    %get3A_1210 = vector.shape_cast %get3A_1209 : vector<16xi32> to vector<16xi32>
    %eq3A_1211 = arith.constant -200 : i32
    %eq3A_1212 = vector.broadcast %eq3A_1211 : i32 to vector<16xi32>
    %eq3A_1213 = arith.cmpi eq, %get3A_1210, %eq3A_1212 : vector<16xi32>
    %jit3A_1214 = arith.constant 0 : i32
    %jit3A_1215 = arith.constant 99999 : i32
    %max3A_1216 = vector.broadcast %jit3A_1214 : i32 to vector<16xi32>
    %max3A_1217 = arith.maxsi %max3A_1216, %get3A_1210 : vector<16xi32>
    %min3A_1218 = vector.broadcast %jit3A_1215 : i32 to vector<16xi32>
    %min3A_1219 = arith.minsi %min3A_1218, %max3A_1217 : vector<16xi32>
    %jit3A_1220 = arith.constant 0 : i32
    %broadcast_in_dim3A_1221 = vector.broadcast %jit3A_1220 : i32 to vector<16xi32>
    %select_n3A_1222 = arith.select %eq3A_1213, %broadcast_in_dim3A_1221, %min3A_1219 : vector<16xi1>, vector<16xi32>
    %swap3A_1223 = arith.constant 2 : i32
    %swap3A_1224 = arith.index_cast %swap3A_1223 : i32 to index
    %swap3A_1225 = arith.constant 64 : index
    %swap3A_1226 = tpu.vector_load %arg6[%swap3A_1224, %swap3A_1225] {strides = array<i32>} : memref<8x128xi32, #tpu.memory_space<vmem>>, vector<1x16xi32>,
    %swap3A_1227 = vector.shape_cast %swap3A_1226 : vector<1x16xi32> to vector<16xi32>
    %swap3A_1228 = vector.shape_cast %select_n3A_1222 : vector<16xi32> to vector<1x16xi32>
    tpu.vector_store %arg6[%swap3A_1224, %swap3A_1225], %swap3A_1228 {strides = array<i32>} : memref<8x128xi32, #tpu.memory_space<vmem>>, vector<1x16xi32>,
    %get3A_1229 = arith.constant 336 : index
    %get3A_1230 = tpu.vector_load %arg5[%get3A_1229] {strides = array<i32>} : memref<1024xi32, #tpu.memory_space<vmem>>, vector<16xi32>,
    %get3A_1231 = vector.shape_cast %get3A_1230 : vector<16xi32> to vector<16xi32>
    %eq3A_1232 = arith.constant -200 : i32
    %eq3A_1233 = vector.broadcast %eq3A_1232 : i32 to vector<16xi32>
    %eq3A_1234 = arith.cmpi eq, %get3A_1231, %eq3A_1233 : vector<16xi32>
    %jit3A_1235 = arith.constant 0 : i32
    %jit3A_1236 = arith.constant 99999 : i32
    %max3A_1237 = vector.broadcast %jit3A_1235 : i32 to vector<16xi32>
    %max3A_1238 = arith.maxsi %max3A_1237, %get3A_1231 : vector<16xi32>
    %min3A_1239 = vector.broadcast %jit3A_1236 : i32 to vector<16xi32>
    %min3A_1240 = arith.minsi %min3A_1239, %max3A_1238 : vector<16xi32>
    %jit3A_1241 = arith.constant 0 : i32
    %broadcast_in_dim3A_1242 = vector.broadcast %jit3A_1241 : i32 to vector<16xi32>
    %select_n3A_1243 = arith.select %eq3A_1234, %broadcast_in_dim3A_1242, %min3A_1240 : vector<16xi1>, vector<16xi32>
    %swap3A_1244 = arith.constant 2 : i32
    %swap3A_1245 = arith.index_cast %swap3A_1244 : i32 to index
    %swap3A_1246 = arith.constant 80 : index
    %swap3A_1247 = tpu.vector_load %arg6[%swap3A_1245, %swap3A_1246] {strides = array<i32>} : memref<8x128xi32, #tpu.memory_space<vmem>>, vector<1x16xi32>,
    %swap3A_1248 = vector.shape_cast %swap3A_1247 : vector<1x16xi32> to vector<16xi32>
    %swap3A_1249 = vector.shape_cast %select_n3A_1243 : vector<16xi32> to vector<1x16xi32>
    tpu.vector_store %arg6[%swap3A_1245, %swap3A_1246], %swap3A_1249 {strides = array<i32>} : memref<8x128xi32, #tpu.memory_space<vmem>>, vector<1x16xi32>,
    %get3A_1250 = arith.constant 352 : index
    %get3A_1251 = tpu.vector_load %arg5[%get3A_1250] {strides = array<i32>} : memref<1024xi32, #tpu.memory_space<vmem>>, vector<16xi32>,
    %get3A_1252 = vector.shape_cast %get3A_1251 : vector<16xi32> to vector<16xi32>
    %eq3A_1253 = arith.constant -200 : i32
    %eq3A_1254 = vector.broadcast %eq3A_1253 : i32 to vector<16xi32>
    %eq3A_1255 = arith.cmpi eq, %get3A_1252, %eq3A_1254 : vector<16xi32>
    %jit3A_1256 = arith.constant 0 : i32
    %jit3A_1257 = arith.constant 99999 : i32
    %max3A_1258 = vector.broadcast %jit3A_1256 : i32 to vector<16xi32>
    %max3A_1259 = arith.maxsi %max3A_1258, %get3A_1252 : vector<16xi32>
    %min3A_1260 = vector.broadcast %jit3A_1257 : i32 to vector<16xi32>
    %min3A_1261 = arith.minsi %min3A_1260, %max3A_1259 : vector<16xi32>
    %jit3A_1262 = arith.constant 0 : i32
    %broadcast_in_dim3A_1263 = vector.broadcast %jit3A_1262 : i32 to vector<16xi32>
    %select_n3A_1264 = arith.select %eq3A_1255, %broadcast_in_dim3A_1263, %min3A_1261 : vector<16xi1>, vector<16xi32>
    %swap3A_1265 = arith.constant 2 : i32
    %swap3A_1266 = arith.index_cast %swap3A_1265 : i32 to index
    %swap3A_1267 = arith.constant 96 : index
    %swap3A_1268 = tpu.vector_load %arg6[%swap3A_1266, %swap3A_1267] {strides = array<i32>} : memref<8x128xi32, #tpu.memory_space<vmem>>, vector<1x16xi32>,
    %swap3A_1269 = vector.shape_cast %swap3A_1268 : vector<1x16xi32> to vector<16xi32>
    %swap3A_1270 = vector.shape_cast %select_n3A_1264 : vector<16xi32> to vector<1x16xi32>
    tpu.vector_store %arg6[%swap3A_1266, %swap3A_1267], %swap3A_1270 {strides = array<i32>} : memref<8x128xi32, #tpu.memory_space<vmem>>, vector<1x16xi32>,
    %get3A_1271 = arith.constant 368 : index
    %get3A_1272 = tpu.vector_load %arg5[%get3A_1271] {strides = array<i32>} : memref<1024xi32, #tpu.memory_space<vmem>>, vector<16xi32>,
    %get3A_1273 = vector.shape_cast %get3A_1272 : vector<16xi32> to vector<16xi32>
    %eq3A_1274 = arith.constant -200 : i32
    %eq3A_1275 = vector.broadcast %eq3A_1274 : i32 to vector<16xi32>
    %eq3A_1276 = arith.cmpi eq, %get3A_1273, %eq3A_1275 : vector<16xi32>
    %jit3A_1277 = arith.constant 0 : i32
    %jit3A_1278 = arith.constant 99999 : i32
    %max3A_1279 = vector.broadcast %jit3A_1277 : i32 to vector<16xi32>
    %max3A_1280 = arith.maxsi %max3A_1279, %get3A_1273 : vector<16xi32>
    %min3A_1281 = vector.broadcast %jit3A_1278 : i32 to vector<16xi32>
    %min3A_1282 = arith.minsi %min3A_1281, %max3A_1280 : vector<16xi32>
    %jit3A_1283 = arith.constant 0 : i32
    %broadcast_in_dim3A_1284 = vector.broadcast %jit3A_1283 : i32 to vector<16xi32>
    %select_n3A_1285 = arith.select %eq3A_1276, %broadcast_in_dim3A_1284, %min3A_1282 : vector<16xi1>, vector<16xi32>
    %swap3A_1286 = arith.constant 2 : i32
    %swap3A_1287 = arith.index_cast %swap3A_1286 : i32 to index
    %swap3A_1288 = arith.constant 112 : index
    %swap3A_1289 = tpu.vector_load %arg6[%swap3A_1287, %swap3A_1288] {strides = array<i32>} : memref<8x128xi32, #tpu.memory_space<vmem>>, vector<1x16xi32>,
    %swap3A_1290 = vector.shape_cast %swap3A_1289 : vector<1x16xi32> to vector<16xi32>
    %swap3A_1291 = vector.shape_cast %select_n3A_1285 : vector<16xi32> to vector<1x16xi32>
    tpu.vector_store %arg6[%swap3A_1287, %swap3A_1288], %swap3A_1291 {strides = array<i32>} : memref<8x128xi32, #tpu.memory_space<vmem>>, vector<1x16xi32>,
    %dma_start3A_1292 = arith.constant 2 : i32
    %dma_start3A_1293 = arith.constant 2 : i32
    %dma_start3A_1294 = arith.constant 0 : i32
    %dma_start3A_1295 = arith.constant 0 : i32
    %dma_start3A_1296 = tpu.memref_slice %arg7[%dma_start3A_1293, %dma_start3A_1294, %dma_start3A_1295] : memref<6x128x128xf32, #tpu.memory_space<vmem>> -> memref<1x128x128xf32, #tpu.memory_space<vmem>>
    %dma_start3A_1297 = tpu.memref_squeeze %dma_start3A_1296 : memref<1x128x128xf32, #tpu.memory_space<vmem>> -> memref<128x128xf32, #tpu.memory_space<vmem>>
    %dma_start3A_1298 = arith.constant 0 : i32
    %dma_start3A_1299 = tpu.memref_slice %arg6[%dma_start3A_1292, %dma_start3A_1298] : memref<8x128xi32, #tpu.memory_space<vmem>> -> memref<1x128xi32, #tpu.memory_space<vmem>>
    %dma_start3A_1300 = tpu.memref_squeeze %dma_start3A_1299 : memref<1x128xi32, #tpu.memory_space<vmem>> -> memref<128xi32, #tpu.memory_space<vmem>>
    %dma_start3A_1301 = arith.constant 0 : i32
    %dma_start3A_1302 = arith.constant 0 : i32
    %dma_start3A_1303 = tpu.memref_slice %arg3[%dma_start3A_1301, %dma_start3A_1302] : memref<100000x128xf32, #tpu.memory_space<hbm>> -> memref<100000x128xf32, #tpu.memory_space<hbm>>
    tpu.enqueue_indirect_dma source(%dma_start3A_1303 : memref<100000x128xf32, #tpu.memory_space<hbm>>) target(%dma_start3A_1297 : memref<128x128xf32, #tpu.memory_space<vmem>>) offsets(%dma_start3A_1300 : memref<128xi32, #tpu.memory_space<vmem>>) semaphore(%arg11 : memref<!tpu.dma_semaphore, #tpu.memory_space<semaphore_mem>>)
    %get3A_1304 = arith.constant 384 : index
    %get3A_1305 = tpu.vector_load %arg5[%get3A_1304] {strides = array<i32>} : memref<1024xi32, #tpu.memory_space<vmem>>, vector<16xi32>,
    %get3A_1306 = vector.shape_cast %get3A_1305 : vector<16xi32> to vector<16xi32>
    %eq3A_1307 = arith.constant -200 : i32
    %eq3A_1308 = vector.broadcast %eq3A_1307 : i32 to vector<16xi32>
    %eq3A_1309 = arith.cmpi eq, %get3A_1306, %eq3A_1308 : vector<16xi32>
    %jit3A_1310 = arith.constant 0 : i32
    %jit3A_1311 = arith.constant 99999 : i32
    %max3A_1312 = vector.broadcast %jit3A_1310 : i32 to vector<16xi32>
    %max3A_1313 = arith.maxsi %max3A_1312, %get3A_1306 : vector<16xi32>
    %min3A_1314 = vector.broadcast %jit3A_1311 : i32 to vector<16xi32>
    %min3A_1315 = arith.minsi %min3A_1314, %max3A_1313 : vector<16xi32>
    %jit3A_1316 = arith.constant 0 : i32
    %broadcast_in_dim3A_1317 = vector.broadcast %jit3A_1316 : i32 to vector<16xi32>
    %select_n3A_1318 = arith.select %eq3A_1309, %broadcast_in_dim3A_1317, %min3A_1315 : vector<16xi1>, vector<16xi32>
    %swap3A_1319 = arith.constant 3 : i32
    %swap3A_1320 = arith.index_cast %swap3A_1319 : i32 to index
    %swap3A_1321 = arith.constant 0 : index
    %swap3A_1322 = tpu.vector_load %arg6[%swap3A_1320, %swap3A_1321] {strides = array<i32>} : memref<8x128xi32, #tpu.memory_space<vmem>>, vector<1x16xi32>,
    %swap3A_1323 = vector.shape_cast %swap3A_1322 : vector<1x16xi32> to vector<16xi32>
    %swap3A_1324 = vector.shape_cast %select_n3A_1318 : vector<16xi32> to vector<1x16xi32>
    tpu.vector_store %arg6[%swap3A_1320, %swap3A_1321], %swap3A_1324 {strides = array<i32>} : memref<8x128xi32, #tpu.memory_space<vmem>>, vector<1x16xi32>,
    %get3A_1325 = arith.constant 400 : index
    %get3A_1326 = tpu.vector_load %arg5[%get3A_1325] {strides = array<i32>} : memref<1024xi32, #tpu.memory_space<vmem>>, vector<16xi32>,
    %get3A_1327 = vector.shape_cast %get3A_1326 : vector<16xi32> to vector<16xi32>
    %eq3A_1328 = arith.constant -200 : i32
    %eq3A_1329 = vector.broadcast %eq3A_1328 : i32 to vector<16xi32>
    %eq3A_1330 = arith.cmpi eq, %get3A_1327, %eq3A_1329 : vector<16xi32>
    %jit3A_1331 = arith.constant 0 : i32
    %jit3A_1332 = arith.constant 99999 : i32
    %max3A_1333 = vector.broadcast %jit3A_1331 : i32 to vector<16xi32>
    %max3A_1334 = arith.maxsi %max3A_1333, %get3A_1327 : vector<16xi32>
    %min3A_1335 = vector.broadcast %jit3A_1332 : i32 to vector<16xi32>
    %min3A_1336 = arith.minsi %min3A_1335, %max3A_1334 : vector<16xi32>
    %jit3A_1337 = arith.constant 0 : i32
    %broadcast_in_dim3A_1338 = vector.broadcast %jit3A_1337 : i32 to vector<16xi32>
    %select_n3A_1339 = arith.select %eq3A_1330, %broadcast_in_dim3A_1338, %min3A_1336 : vector<16xi1>, vector<16xi32>
    %swap3A_1340 = arith.constant 3 : i32
    %swap3A_1341 = arith.index_cast %swap3A_1340 : i32 to index
    %swap3A_1342 = arith.constant 16 : index
    %swap3A_1343 = tpu.vector_load %arg6[%swap3A_1341, %swap3A_1342] {strides = array<i32>} : memref<8x128xi32, #tpu.memory_space<vmem>>, vector<1x16xi32>,
    %swap3A_1344 = vector.shape_cast %swap3A_1343 : vector<1x16xi32> to vector<16xi32>
    %swap3A_1345 = vector.shape_cast %select_n3A_1339 : vector<16xi32> to vector<1x16xi32>
    tpu.vector_store %arg6[%swap3A_1341, %swap3A_1342], %swap3A_1345 {strides = array<i32>} : memref<8x128xi32, #tpu.memory_space<vmem>>, vector<1x16xi32>,
    %get3A_1346 = arith.constant 416 : index
    %get3A_1347 = tpu.vector_load %arg5[%get3A_1346] {strides = array<i32>} : memref<1024xi32, #tpu.memory_space<vmem>>, vector<16xi32>,
    %get3A_1348 = vector.shape_cast %get3A_1347 : vector<16xi32> to vector<16xi32>
    %eq3A_1349 = arith.constant -200 : i32
    %eq3A_1350 = vector.broadcast %eq3A_1349 : i32 to vector<16xi32>
    %eq3A_1351 = arith.cmpi eq, %get3A_1348, %eq3A_1350 : vector<16xi32>
    %jit3A_1352 = arith.constant 0 : i32
    %jit3A_1353 = arith.constant 99999 : i32
    %max3A_1354 = vector.broadcast %jit3A_1352 : i32 to vector<16xi32>
    %max3A_1355 = arith.maxsi %max3A_1354, %get3A_1348 : vector<16xi32>
    %min3A_1356 = vector.broadcast %jit3A_1353 : i32 to vector<16xi32>
    %min3A_1357 = arith.minsi %min3A_1356, %max3A_1355 : vector<16xi32>
    %jit3A_1358 = arith.constant 0 : i32
    %broadcast_in_dim3A_1359 = vector.broadcast %jit3A_1358 : i32 to vector<16xi32>
    %select_n3A_1360 = arith.select %eq3A_1351, %broadcast_in_dim3A_1359, %min3A_1357 : vector<16xi1>, vector<16xi32>
    %swap3A_1361 = arith.constant 3 : i32
    %swap3A_1362 = arith.index_cast %swap3A_1361 : i32 to index
    %swap3A_1363 = arith.constant 32 : index
    %swap3A_1364 = tpu.vector_load %arg6[%swap3A_1362, %swap3A_1363] {strides = array<i32>} : memref<8x128xi32, #tpu.memory_space<vmem>>, vector<1x16xi32>,
    %swap3A_1365 = vector.shape_cast %swap3A_1364 : vector<1x16xi32> to vector<16xi32>
    %swap3A_1366 = vector.shape_cast %select_n3A_1360 : vector<16xi32> to vector<1x16xi32>
    tpu.vector_store %arg6[%swap3A_1362, %swap3A_1363], %swap3A_1366 {strides = array<i32>} : memref<8x128xi32, #tpu.memory_space<vmem>>, vector<1x16xi32>,
    %get3A_1367 = arith.constant 432 : index
    %get3A_1368 = tpu.vector_load %arg5[%get3A_1367] {strides = array<i32>} : memref<1024xi32, #tpu.memory_space<vmem>>, vector<16xi32>,
    %get3A_1369 = vector.shape_cast %get3A_1368 : vector<16xi32> to vector<16xi32>
    %eq3A_1370 = arith.constant -200 : i32
    %eq3A_1371 = vector.broadcast %eq3A_1370 : i32 to vector<16xi32>
    %eq3A_1372 = arith.cmpi eq, %get3A_1369, %eq3A_1371 : vector<16xi32>
    %jit3A_1373 = arith.constant 0 : i32
    %jit3A_1374 = arith.constant 99999 : i32
    %max3A_1375 = vector.broadcast %jit3A_1373 : i32 to vector<16xi32>
    %max3A_1376 = arith.maxsi %max3A_1375, %get3A_1369 : vector<16xi32>
    %min3A_1377 = vector.broadcast %jit3A_1374 : i32 to vector<16xi32>
    %min3A_1378 = arith.minsi %min3A_1377, %max3A_1376 : vector<16xi32>
    %jit3A_1379 = arith.constant 0 : i32
    %broadcast_in_dim3A_1380 = vector.broadcast %jit3A_1379 : i32 to vector<16xi32>
    %select_n3A_1381 = arith.select %eq3A_1372, %broadcast_in_dim3A_1380, %min3A_1378 : vector<16xi1>, vector<16xi32>
    %swap3A_1382 = arith.constant 3 : i32
    %swap3A_1383 = arith.index_cast %swap3A_1382 : i32 to index
    %swap3A_1384 = arith.constant 48 : index
    %swap3A_1385 = tpu.vector_load %arg6[%swap3A_1383, %swap3A_1384] {strides = array<i32>} : memref<8x128xi32, #tpu.memory_space<vmem>>, vector<1x16xi32>,
    %swap3A_1386 = vector.shape_cast %swap3A_1385 : vector<1x16xi32> to vector<16xi32>
    %swap3A_1387 = vector.shape_cast %select_n3A_1381 : vector<16xi32> to vector<1x16xi32>
    tpu.vector_store %arg6[%swap3A_1383, %swap3A_1384], %swap3A_1387 {strides = array<i32>} : memref<8x128xi32, #tpu.memory_space<vmem>>, vector<1x16xi32>,
    %get3A_1388 = arith.constant 448 : index
    %get3A_1389 = tpu.vector_load %arg5[%get3A_1388] {strides = array<i32>} : memref<1024xi32, #tpu.memory_space<vmem>>, vector<16xi32>,
    %get3A_1390 = vector.shape_cast %get3A_1389 : vector<16xi32> to vector<16xi32>
    %eq3A_1391 = arith.constant -200 : i32
    %eq3A_1392 = vector.broadcast %eq3A_1391 : i32 to vector<16xi32>
    %eq3A_1393 = arith.cmpi eq, %get3A_1390, %eq3A_1392 : vector<16xi32>
    %jit3A_1394 = arith.constant 0 : i32
    %jit3A_1395 = arith.constant 99999 : i32
    %max3A_1396 = vector.broadcast %jit3A_1394 : i32 to vector<16xi32>
    %max3A_1397 = arith.maxsi %max3A_1396, %get3A_1390 : vector<16xi32>
    %min3A_1398 = vector.broadcast %jit3A_1395 : i32 to vector<16xi32>
    %min3A_1399 = arith.minsi %min3A_1398, %max3A_1397 : vector<16xi32>
    %jit3A_1400 = arith.constant 0 : i32
    %broadcast_in_dim3A_1401 = vector.broadcast %jit3A_1400 : i32 to vector<16xi32>
    %select_n3A_1402 = arith.select %eq3A_1393, %broadcast_in_dim3A_1401, %min3A_1399 : vector<16xi1>, vector<16xi32>
    %swap3A_1403 = arith.constant 3 : i32
    %swap3A_1404 = arith.index_cast %swap3A_1403 : i32 to index
    %swap3A_1405 = arith.constant 64 : index
    %swap3A_1406 = tpu.vector_load %arg6[%swap3A_1404, %swap3A_1405] {strides = array<i32>} : memref<8x128xi32, #tpu.memory_space<vmem>>, vector<1x16xi32>,
    %swap3A_1407 = vector.shape_cast %swap3A_1406 : vector<1x16xi32> to vector<16xi32>
    %swap3A_1408 = vector.shape_cast %select_n3A_1402 : vector<16xi32> to vector<1x16xi32>
    tpu.vector_store %arg6[%swap3A_1404, %swap3A_1405], %swap3A_1408 {strides = array<i32>} : memref<8x128xi32, #tpu.memory_space<vmem>>, vector<1x16xi32>,
    %get3A_1409 = arith.constant 464 : index
    %get3A_1410 = tpu.vector_load %arg5[%get3A_1409] {strides = array<i32>} : memref<1024xi32, #tpu.memory_space<vmem>>, vector<16xi32>,
    %get3A_1411 = vector.shape_cast %get3A_1410 : vector<16xi32> to vector<16xi32>
    %eq3A_1412 = arith.constant -200 : i32
    %eq3A_1413 = vector.broadcast %eq3A_1412 : i32 to vector<16xi32>
    %eq3A_1414 = arith.cmpi eq, %get3A_1411, %eq3A_1413 : vector<16xi32>
    %jit3A_1415 = arith.constant 0 : i32
    %jit3A_1416 = arith.constant 99999 : i32
    %max3A_1417 = vector.broadcast %jit3A_1415 : i32 to vector<16xi32>
    %max3A_1418 = arith.maxsi %max3A_1417, %get3A_1411 : vector<16xi32>
    %min3A_1419 = vector.broadcast %jit3A_1416 : i32 to vector<16xi32>
    %min3A_1420 = arith.minsi %min3A_1419, %max3A_1418 : vector<16xi32>
    %jit3A_1421 = arith.constant 0 : i32
    %broadcast_in_dim3A_1422 = vector.broadcast %jit3A_1421 : i32 to vector<16xi32>
    %select_n3A_1423 = arith.select %eq3A_1414, %broadcast_in_dim3A_1422, %min3A_1420 : vector<16xi1>, vector<16xi32>
    %swap3A_1424 = arith.constant 3 : i32
    %swap3A_1425 = arith.index_cast %swap3A_1424 : i32 to index
    %swap3A_1426 = arith.constant 80 : index
    %swap3A_1427 = tpu.vector_load %arg6[%swap3A_1425, %swap3A_1426] {strides = array<i32>} : memref<8x128xi32, #tpu.memory_space<vmem>>, vector<1x16xi32>,
    %swap3A_1428 = vector.shape_cast %swap3A_1427 : vector<1x16xi32> to vector<16xi32>
    %swap3A_1429 = vector.shape_cast %select_n3A_1423 : vector<16xi32> to vector<1x16xi32>
    tpu.vector_store %arg6[%swap3A_1425, %swap3A_1426], %swap3A_1429 {strides = array<i32>} : memref<8x128xi32, #tpu.memory_space<vmem>>, vector<1x16xi32>,
    %get3A_1430 = arith.constant 480 : index
    %get3A_1431 = tpu.vector_load %arg5[%get3A_1430] {strides = array<i32>} : memref<1024xi32, #tpu.memory_space<vmem>>, vector<16xi32>,
    %get3A_1432 = vector.shape_cast %get3A_1431 : vector<16xi32> to vector<16xi32>
    %eq3A_1433 = arith.constant -200 : i32
    %eq3A_1434 = vector.broadcast %eq3A_1433 : i32 to vector<16xi32>
    %eq3A_1435 = arith.cmpi eq, %get3A_1432, %eq3A_1434 : vector<16xi32>
    %jit3A_1436 = arith.constant 0 : i32
    %jit3A_1437 = arith.constant 99999 : i32
    %max3A_1438 = vector.broadcast %jit3A_1436 : i32 to vector<16xi32>
    %max3A_1439 = arith.maxsi %max3A_1438, %get3A_1432 : vector<16xi32>
    %min3A_1440 = vector.broadcast %jit3A_1437 : i32 to vector<16xi32>
    %min3A_1441 = arith.minsi %min3A_1440, %max3A_1439 : vector<16xi32>
    %jit3A_1442 = arith.constant 0 : i32
    %broadcast_in_dim3A_1443 = vector.broadcast %jit3A_1442 : i32 to vector<16xi32>
    %select_n3A_1444 = arith.select %eq3A_1435, %broadcast_in_dim3A_1443, %min3A_1441 : vector<16xi1>, vector<16xi32>
    %swap3A_1445 = arith.constant 3 : i32
    %swap3A_1446 = arith.index_cast %swap3A_1445 : i32 to index
    %swap3A_1447 = arith.constant 96 : index
    %swap3A_1448 = tpu.vector_load %arg6[%swap3A_1446, %swap3A_1447] {strides = array<i32>} : memref<8x128xi32, #tpu.memory_space<vmem>>, vector<1x16xi32>,
    %swap3A_1449 = vector.shape_cast %swap3A_1448 : vector<1x16xi32> to vector<16xi32>
    %swap3A_1450 = vector.shape_cast %select_n3A_1444 : vector<16xi32> to vector<1x16xi32>
    tpu.vector_store %arg6[%swap3A_1446, %swap3A_1447], %swap3A_1450 {strides = array<i32>} : memref<8x128xi32, #tpu.memory_space<vmem>>, vector<1x16xi32>,
    %get3A_1451 = arith.constant 496 : index
    %get3A_1452 = tpu.vector_load %arg5[%get3A_1451] {strides = array<i32>} : memref<1024xi32, #tpu.memory_space<vmem>>, vector<16xi32>,
    %get3A_1453 = vector.shape_cast %get3A_1452 : vector<16xi32> to vector<16xi32>
    %eq3A_1454 = arith.constant -200 : i32
    %eq3A_1455 = vector.broadcast %eq3A_1454 : i32 to vector<16xi32>
    %eq3A_1456 = arith.cmpi eq, %get3A_1453, %eq3A_1455 : vector<16xi32>
    %jit3A_1457 = arith.constant 0 : i32
    %jit3A_1458 = arith.constant 99999 : i32
    %max3A_1459 = vector.broadcast %jit3A_1457 : i32 to vector<16xi32>
    %max3A_1460 = arith.maxsi %max3A_1459, %get3A_1453 : vector<16xi32>
    %min3A_1461 = vector.broadcast %jit3A_1458 : i32 to vector<16xi32>
    %min3A_1462 = arith.minsi %min3A_1461, %max3A_1460 : vector<16xi32>
    %jit3A_1463 = arith.constant 0 : i32
    %broadcast_in_dim3A_1464 = vector.broadcast %jit3A_1463 : i32 to vector<16xi32>
    %select_n3A_1465 = arith.select %eq3A_1456, %broadcast_in_dim3A_1464, %min3A_1462 : vector<16xi1>, vector<16xi32>
    %swap3A_1466 = arith.constant 3 : i32
    %swap3A_1467 = arith.index_cast %swap3A_1466 : i32 to index
    %swap3A_1468 = arith.constant 112 : index
    %swap3A_1469 = tpu.vector_load %arg6[%swap3A_1467, %swap3A_1468] {strides = array<i32>} : memref<8x128xi32, #tpu.memory_space<vmem>>, vector<1x16xi32>,
    %swap3A_1470 = vector.shape_cast %swap3A_1469 : vector<1x16xi32> to vector<16xi32>
    %swap3A_1471 = vector.shape_cast %select_n3A_1465 : vector<16xi32> to vector<1x16xi32>
    tpu.vector_store %arg6[%swap3A_1467, %swap3A_1468], %swap3A_1471 {strides = array<i32>} : memref<8x128xi32, #tpu.memory_space<vmem>>, vector<1x16xi32>,
    %dma_start3A_1472 = arith.constant 3 : i32
    %dma_start3A_1473 = arith.constant 3 : i32
    %dma_start3A_1474 = arith.constant 0 : i32
    %dma_start3A_1475 = arith.constant 0 : i32
    %dma_start3A_1476 = tpu.memref_slice %arg7[%dma_start3A_1473, %dma_start3A_1474, %dma_start3A_1475] : memref<6x128x128xf32, #tpu.memory_space<vmem>> -> memref<1x128x128xf32, #tpu.memory_space<vmem>>
    %dma_start3A_1477 = tpu.memref_squeeze %dma_start3A_1476 : memref<1x128x128xf32, #tpu.memory_space<vmem>> -> memref<128x128xf32, #tpu.memory_space<vmem>>
    %dma_start3A_1478 = arith.constant 0 : i32
    %dma_start3A_1479 = tpu.memref_slice %arg6[%dma_start3A_1472, %dma_start3A_1478] : memref<8x128xi32, #tpu.memory_space<vmem>> -> memref<1x128xi32, #tpu.memory_space<vmem>>
    %dma_start3A_1480 = tpu.memref_squeeze %dma_start3A_1479 : memref<1x128xi32, #tpu.memory_space<vmem>> -> memref<128xi32, #tpu.memory_space<vmem>>
    %dma_start3A_1481 = arith.constant 0 : i32
    %dma_start3A_1482 = arith.constant 0 : i32
    %dma_start3A_1483 = tpu.memref_slice %arg3[%dma_start3A_1481, %dma_start3A_1482] : memref<100000x128xf32, #tpu.memory_space<hbm>> -> memref<100000x128xf32, #tpu.memory_space<hbm>>
    tpu.enqueue_indirect_dma source(%dma_start3A_1483 : memref<100000x128xf32, #tpu.memory_space<hbm>>) target(%dma_start3A_1477 : memref<128x128xf32, #tpu.memory_space<vmem>>) offsets(%dma_start3A_1480 : memref<128xi32, #tpu.memory_space<vmem>>) semaphore(%arg12 : memref<!tpu.dma_semaphore, #tpu.memory_space<semaphore_mem>>)
    %get3A_1484 = arith.constant 512 : index
    %get3A_1485 = tpu.vector_load %arg5[%get3A_1484] {strides = array<i32>} : memref<1024xi32, #tpu.memory_space<vmem>>, vector<16xi32>,
    %get3A_1486 = vector.shape_cast %get3A_1485 : vector<16xi32> to vector<16xi32>
    %eq3A_1487 = arith.constant -200 : i32
    %eq3A_1488 = vector.broadcast %eq3A_1487 : i32 to vector<16xi32>
    %eq3A_1489 = arith.cmpi eq, %get3A_1486, %eq3A_1488 : vector<16xi32>
    %jit3A_1490 = arith.constant 0 : i32
    %jit3A_1491 = arith.constant 99999 : i32
    %max3A_1492 = vector.broadcast %jit3A_1490 : i32 to vector<16xi32>
    %max3A_1493 = arith.maxsi %max3A_1492, %get3A_1486 : vector<16xi32>
    %min3A_1494 = vector.broadcast %jit3A_1491 : i32 to vector<16xi32>
    %min3A_1495 = arith.minsi %min3A_1494, %max3A_1493 : vector<16xi32>
    %jit3A_1496 = arith.constant 0 : i32
    %broadcast_in_dim3A_1497 = vector.broadcast %jit3A_1496 : i32 to vector<16xi32>
    %select_n3A_1498 = arith.select %eq3A_1489, %broadcast_in_dim3A_1497, %min3A_1495 : vector<16xi1>, vector<16xi32>
    %swap3A_1499 = arith.constant 4 : i32
    %swap3A_1500 = arith.index_cast %swap3A_1499 : i32 to index
    %swap3A_1501 = arith.constant 0 : index
    %swap3A_1502 = tpu.vector_load %arg6[%swap3A_1500, %swap3A_1501] {strides = array<i32>} : memref<8x128xi32, #tpu.memory_space<vmem>>, vector<1x16xi32>,
    %swap3A_1503 = vector.shape_cast %swap3A_1502 : vector<1x16xi32> to vector<16xi32>
    %swap3A_1504 = vector.shape_cast %select_n3A_1498 : vector<16xi32> to vector<1x16xi32>
    tpu.vector_store %arg6[%swap3A_1500, %swap3A_1501], %swap3A_1504 {strides = array<i32>} : memref<8x128xi32, #tpu.memory_space<vmem>>, vector<1x16xi32>,
    %get3A_1505 = arith.constant 528 : index
    %get3A_1506 = tpu.vector_load %arg5[%get3A_1505] {strides = array<i32>} : memref<1024xi32, #tpu.memory_space<vmem>>, vector<16xi32>,
    %get3A_1507 = vector.shape_cast %get3A_1506 : vector<16xi32> to vector<16xi32>
    %eq3A_1508 = arith.constant -200 : i32
    %eq3A_1509 = vector.broadcast %eq3A_1508 : i32 to vector<16xi32>
    %eq3A_1510 = arith.cmpi eq, %get3A_1507, %eq3A_1509 : vector<16xi32>
    %jit3A_1511 = arith.constant 0 : i32
    %jit3A_1512 = arith.constant 99999 : i32
    %max3A_1513 = vector.broadcast %jit3A_1511 : i32 to vector<16xi32>
    %max3A_1514 = arith.maxsi %max3A_1513, %get3A_1507 : vector<16xi32>
    %min3A_1515 = vector.broadcast %jit3A_1512 : i32 to vector<16xi32>
    %min3A_1516 = arith.minsi %min3A_1515, %max3A_1514 : vector<16xi32>
    %jit3A_1517 = arith.constant 0 : i32
    %broadcast_in_dim3A_1518 = vector.broadcast %jit3A_1517 : i32 to vector<16xi32>
    %select_n3A_1519 = arith.select %eq3A_1510, %broadcast_in_dim3A_1518, %min3A_1516 : vector<16xi1>, vector<16xi32>
    %swap3A_1520 = arith.constant 4 : i32
    %swap3A_1521 = arith.index_cast %swap3A_1520 : i32 to index
    %swap3A_1522 = arith.constant 16 : index
    %swap3A_1523 = tpu.vector_load %arg6[%swap3A_1521, %swap3A_1522] {strides = array<i32>} : memref<8x128xi32, #tpu.memory_space<vmem>>, vector<1x16xi32>,
    %swap3A_1524 = vector.shape_cast %swap3A_1523 : vector<1x16xi32> to vector<16xi32>
    %swap3A_1525 = vector.shape_cast %select_n3A_1519 : vector<16xi32> to vector<1x16xi32>
    tpu.vector_store %arg6[%swap3A_1521, %swap3A_1522], %swap3A_1525 {strides = array<i32>} : memref<8x128xi32, #tpu.memory_space<vmem>>, vector<1x16xi32>,
    %get3A_1526 = arith.constant 544 : index
    %get3A_1527 = tpu.vector_load %arg5[%get3A_1526] {strides = array<i32>} : memref<1024xi32, #tpu.memory_space<vmem>>, vector<16xi32>,
    %get3A_1528 = vector.shape_cast %get3A_1527 : vector<16xi32> to vector<16xi32>
    %eq3A_1529 = arith.constant -200 : i32
    %eq3A_1530 = vector.broadcast %eq3A_1529 : i32 to vector<16xi32>
    %eq3A_1531 = arith.cmpi eq, %get3A_1528, %eq3A_1530 : vector<16xi32>
    %jit3A_1532 = arith.constant 0 : i32
    %jit3A_1533 = arith.constant 99999 : i32
    %max3A_1534 = vector.broadcast %jit3A_1532 : i32 to vector<16xi32>
    %max3A_1535 = arith.maxsi %max3A_1534, %get3A_1528 : vector<16xi32>
    %min3A_1536 = vector.broadcast %jit3A_1533 : i32 to vector<16xi32>
    %min3A_1537 = arith.minsi %min3A_1536, %max3A_1535 : vector<16xi32>
    %jit3A_1538 = arith.constant 0 : i32
    %broadcast_in_dim3A_1539 = vector.broadcast %jit3A_1538 : i32 to vector<16xi32>
    %select_n3A_1540 = arith.select %eq3A_1531, %broadcast_in_dim3A_1539, %min3A_1537 : vector<16xi1>, vector<16xi32>
    %swap3A_1541 = arith.constant 4 : i32
    %swap3A_1542 = arith.index_cast %swap3A_1541 : i32 to index
    %swap3A_1543 = arith.constant 32 : index
    %swap3A_1544 = tpu.vector_load %arg6[%swap3A_1542, %swap3A_1543] {strides = array<i32>} : memref<8x128xi32, #tpu.memory_space<vmem>>, vector<1x16xi32>,
    %swap3A_1545 = vector.shape_cast %swap3A_1544 : vector<1x16xi32> to vector<16xi32>
    %swap3A_1546 = vector.shape_cast %select_n3A_1540 : vector<16xi32> to vector<1x16xi32>
    tpu.vector_store %arg6[%swap3A_1542, %swap3A_1543], %swap3A_1546 {strides = array<i32>} : memref<8x128xi32, #tpu.memory_space<vmem>>, vector<1x16xi32>,
    %get3A_1547 = arith.constant 560 : index
    %get3A_1548 = tpu.vector_load %arg5[%get3A_1547] {strides = array<i32>} : memref<1024xi32, #tpu.memory_space<vmem>>, vector<16xi32>,
    %get3A_1549 = vector.shape_cast %get3A_1548 : vector<16xi32> to vector<16xi32>
    %eq3A_1550 = arith.constant -200 : i32
    %eq3A_1551 = vector.broadcast %eq3A_1550 : i32 to vector<16xi32>
    %eq3A_1552 = arith.cmpi eq, %get3A_1549, %eq3A_1551 : vector<16xi32>
    %jit3A_1553 = arith.constant 0 : i32
    %jit3A_1554 = arith.constant 99999 : i32
    %max3A_1555 = vector.broadcast %jit3A_1553 : i32 to vector<16xi32>
    %max3A_1556 = arith.maxsi %max3A_1555, %get3A_1549 : vector<16xi32>
    %min3A_1557 = vector.broadcast %jit3A_1554 : i32 to vector<16xi32>
    %min3A_1558 = arith.minsi %min3A_1557, %max3A_1556 : vector<16xi32>
    %jit3A_1559 = arith.constant 0 : i32
    %broadcast_in_dim3A_1560 = vector.broadcast %jit3A_1559 : i32 to vector<16xi32>
    %select_n3A_1561 = arith.select %eq3A_1552, %broadcast_in_dim3A_1560, %min3A_1558 : vector<16xi1>, vector<16xi32>
    %swap3A_1562 = arith.constant 4 : i32
    %swap3A_1563 = arith.index_cast %swap3A_1562 : i32 to index
    %swap3A_1564 = arith.constant 48 : index
    %swap3A_1565 = tpu.vector_load %arg6[%swap3A_1563, %swap3A_1564] {strides = array<i32>} : memref<8x128xi32, #tpu.memory_space<vmem>>, vector<1x16xi32>,
    %swap3A_1566 = vector.shape_cast %swap3A_1565 : vector<1x16xi32> to vector<16xi32>
    %swap3A_1567 = vector.shape_cast %select_n3A_1561 : vector<16xi32> to vector<1x16xi32>
    tpu.vector_store %arg6[%swap3A_1563, %swap3A_1564], %swap3A_1567 {strides = array<i32>} : memref<8x128xi32, #tpu.memory_space<vmem>>, vector<1x16xi32>,
    %get3A_1568 = arith.constant 576 : index
    %get3A_1569 = tpu.vector_load %arg5[%get3A_1568] {strides = array<i32>} : memref<1024xi32, #tpu.memory_space<vmem>>, vector<16xi32>,
    %get3A_1570 = vector.shape_cast %get3A_1569 : vector<16xi32> to vector<16xi32>
    %eq3A_1571 = arith.constant -200 : i32
    %eq3A_1572 = vector.broadcast %eq3A_1571 : i32 to vector<16xi32>
    %eq3A_1573 = arith.cmpi eq, %get3A_1570, %eq3A_1572 : vector<16xi32>
    %jit3A_1574 = arith.constant 0 : i32
    %jit3A_1575 = arith.constant 99999 : i32
    %max3A_1576 = vector.broadcast %jit3A_1574 : i32 to vector<16xi32>
    %max3A_1577 = arith.maxsi %max3A_1576, %get3A_1570 : vector<16xi32>
    %min3A_1578 = vector.broadcast %jit3A_1575 : i32 to vector<16xi32>
    %min3A_1579 = arith.minsi %min3A_1578, %max3A_1577 : vector<16xi32>
    %jit3A_1580 = arith.constant 0 : i32
    %broadcast_in_dim3A_1581 = vector.broadcast %jit3A_1580 : i32 to vector<16xi32>
    %select_n3A_1582 = arith.select %eq3A_1573, %broadcast_in_dim3A_1581, %min3A_1579 : vector<16xi1>, vector<16xi32>
    %swap3A_1583 = arith.constant 4 : i32
    %swap3A_1584 = arith.index_cast %swap3A_1583 : i32 to index
    %swap3A_1585 = arith.constant 64 : index
    %swap3A_1586 = tpu.vector_load %arg6[%swap3A_1584, %swap3A_1585] {strides = array<i32>} : memref<8x128xi32, #tpu.memory_space<vmem>>, vector<1x16xi32>,
    %swap3A_1587 = vector.shape_cast %swap3A_1586 : vector<1x16xi32> to vector<16xi32>
    %swap3A_1588 = vector.shape_cast %select_n3A_1582 : vector<16xi32> to vector<1x16xi32>
    tpu.vector_store %arg6[%swap3A_1584, %swap3A_1585], %swap3A_1588 {strides = array<i32>} : memref<8x128xi32, #tpu.memory_space<vmem>>, vector<1x16xi32>,
    %get3A_1589 = arith.constant 592 : index
    %get3A_1590 = tpu.vector_load %arg5[%get3A_1589] {strides = array<i32>} : memref<1024xi32, #tpu.memory_space<vmem>>, vector<16xi32>,
    %get3A_1591 = vector.shape_cast %get3A_1590 : vector<16xi32> to vector<16xi32>
    %eq3A_1592 = arith.constant -200 : i32
    %eq3A_1593 = vector.broadcast %eq3A_1592 : i32 to vector<16xi32>
    %eq3A_1594 = arith.cmpi eq, %get3A_1591, %eq3A_1593 : vector<16xi32>
    %jit3A_1595 = arith.constant 0 : i32
    %jit3A_1596 = arith.constant 99999 : i32
    %max3A_1597 = vector.broadcast %jit3A_1595 : i32 to vector<16xi32>
    %max3A_1598 = arith.maxsi %max3A_1597, %get3A_1591 : vector<16xi32>
    %min3A_1599 = vector.broadcast %jit3A_1596 : i32 to vector<16xi32>
    %min3A_1600 = arith.minsi %min3A_1599, %max3A_1598 : vector<16xi32>
    %jit3A_1601 = arith.constant 0 : i32
    %broadcast_in_dim3A_1602 = vector.broadcast %jit3A_1601 : i32 to vector<16xi32>
    %select_n3A_1603 = arith.select %eq3A_1594, %broadcast_in_dim3A_1602, %min3A_1600 : vector<16xi1>, vector<16xi32>
    %swap3A_1604 = arith.constant 4 : i32
    %swap3A_1605 = arith.index_cast %swap3A_1604 : i32 to index
    %swap3A_1606 = arith.constant 80 : index
    %swap3A_1607 = tpu.vector_load %arg6[%swap3A_1605, %swap3A_1606] {strides = array<i32>} : memref<8x128xi32, #tpu.memory_space<vmem>>, vector<1x16xi32>,
    %swap3A_1608 = vector.shape_cast %swap3A_1607 : vector<1x16xi32> to vector<16xi32>
    %swap3A_1609 = vector.shape_cast %select_n3A_1603 : vector<16xi32> to vector<1x16xi32>
    tpu.vector_store %arg6[%swap3A_1605, %swap3A_1606], %swap3A_1609 {strides = array<i32>} : memref<8x128xi32, #tpu.memory_space<vmem>>, vector<1x16xi32>,
    %get3A_1610 = arith.constant 608 : index
    %get3A_1611 = tpu.vector_load %arg5[%get3A_1610] {strides = array<i32>} : memref<1024xi32, #tpu.memory_space<vmem>>, vector<16xi32>,
    %get3A_1612 = vector.shape_cast %get3A_1611 : vector<16xi32> to vector<16xi32>
    %eq3A_1613 = arith.constant -200 : i32
    %eq3A_1614 = vector.broadcast %eq3A_1613 : i32 to vector<16xi32>
    %eq3A_1615 = arith.cmpi eq, %get3A_1612, %eq3A_1614 : vector<16xi32>
    %jit3A_1616 = arith.constant 0 : i32
    %jit3A_1617 = arith.constant 99999 : i32
    %max3A_1618 = vector.broadcast %jit3A_1616 : i32 to vector<16xi32>
    %max3A_1619 = arith.maxsi %max3A_1618, %get3A_1612 : vector<16xi32>
    %min3A_1620 = vector.broadcast %jit3A_1617 : i32 to vector<16xi32>
    %min3A_1621 = arith.minsi %min3A_1620, %max3A_1619 : vector<16xi32>
    %jit3A_1622 = arith.constant 0 : i32
    %broadcast_in_dim3A_1623 = vector.broadcast %jit3A_1622 : i32 to vector<16xi32>
    %select_n3A_1624 = arith.select %eq3A_1615, %broadcast_in_dim3A_1623, %min3A_1621 : vector<16xi1>, vector<16xi32>
    %swap3A_1625 = arith.constant 4 : i32
    %swap3A_1626 = arith.index_cast %swap3A_1625 : i32 to index
    %swap3A_1627 = arith.constant 96 : index
    %swap3A_1628 = tpu.vector_load %arg6[%swap3A_1626, %swap3A_1627] {strides = array<i32>} : memref<8x128xi32, #tpu.memory_space<vmem>>, vector<1x16xi32>,
    %swap3A_1629 = vector.shape_cast %swap3A_1628 : vector<1x16xi32> to vector<16xi32>
    %swap3A_1630 = vector.shape_cast %select_n3A_1624 : vector<16xi32> to vector<1x16xi32>
    tpu.vector_store %arg6[%swap3A_1626, %swap3A_1627], %swap3A_1630 {strides = array<i32>} : memref<8x128xi32, #tpu.memory_space<vmem>>, vector<1x16xi32>,
    %get3A_1631 = arith.constant 624 : index
    %get3A_1632 = tpu.vector_load %arg5[%get3A_1631] {strides = array<i32>} : memref<1024xi32, #tpu.memory_space<vmem>>, vector<16xi32>,
    %get3A_1633 = vector.shape_cast %get3A_1632 : vector<16xi32> to vector<16xi32>
    %eq3A_1634 = arith.constant -200 : i32
    %eq3A_1635 = vector.broadcast %eq3A_1634 : i32 to vector<16xi32>
    %eq3A_1636 = arith.cmpi eq, %get3A_1633, %eq3A_1635 : vector<16xi32>
    %jit3A_1637 = arith.constant 0 : i32
    %jit3A_1638 = arith.constant 99999 : i32
    %max3A_1639 = vector.broadcast %jit3A_1637 : i32 to vector<16xi32>
    %max3A_1640 = arith.maxsi %max3A_1639, %get3A_1633 : vector<16xi32>
    %min3A_1641 = vector.broadcast %jit3A_1638 : i32 to vector<16xi32>
    %min3A_1642 = arith.minsi %min3A_1641, %max3A_1640 : vector<16xi32>
    %jit3A_1643 = arith.constant 0 : i32
    %broadcast_in_dim3A_1644 = vector.broadcast %jit3A_1643 : i32 to vector<16xi32>
    %select_n3A_1645 = arith.select %eq3A_1636, %broadcast_in_dim3A_1644, %min3A_1642 : vector<16xi1>, vector<16xi32>
    %swap3A_1646 = arith.constant 4 : i32
    %swap3A_1647 = arith.index_cast %swap3A_1646 : i32 to index
    %swap3A_1648 = arith.constant 112 : index
    %swap3A_1649 = tpu.vector_load %arg6[%swap3A_1647, %swap3A_1648] {strides = array<i32>} : memref<8x128xi32, #tpu.memory_space<vmem>>, vector<1x16xi32>,
    %swap3A_1650 = vector.shape_cast %swap3A_1649 : vector<1x16xi32> to vector<16xi32>
    %swap3A_1651 = vector.shape_cast %select_n3A_1645 : vector<16xi32> to vector<1x16xi32>
    tpu.vector_store %arg6[%swap3A_1647, %swap3A_1648], %swap3A_1651 {strides = array<i32>} : memref<8x128xi32, #tpu.memory_space<vmem>>, vector<1x16xi32>,
    %dma_start3A_1652 = arith.constant 4 : i32
    %dma_start3A_1653 = arith.constant 4 : i32
    %dma_start3A_1654 = arith.constant 0 : i32
    %dma_start3A_1655 = arith.constant 0 : i32
    %dma_start3A_1656 = tpu.memref_slice %arg7[%dma_start3A_1653, %dma_start3A_1654, %dma_start3A_1655] : memref<6x128x128xf32, #tpu.memory_space<vmem>> -> memref<1x128x128xf32, #tpu.memory_space<vmem>>
    %dma_start3A_1657 = tpu.memref_squeeze %dma_start3A_1656 : memref<1x128x128xf32, #tpu.memory_space<vmem>> -> memref<128x128xf32, #tpu.memory_space<vmem>>
    %dma_start3A_1658 = arith.constant 0 : i32
    %dma_start3A_1659 = tpu.memref_slice %arg6[%dma_start3A_1652, %dma_start3A_1658] : memref<8x128xi32, #tpu.memory_space<vmem>> -> memref<1x128xi32, #tpu.memory_space<vmem>>
    %dma_start3A_1660 = tpu.memref_squeeze %dma_start3A_1659 : memref<1x128xi32, #tpu.memory_space<vmem>> -> memref<128xi32, #tpu.memory_space<vmem>>
    %dma_start3A_1661 = arith.constant 0 : i32
    %dma_start3A_1662 = arith.constant 0 : i32
    %dma_start3A_1663 = tpu.memref_slice %arg3[%dma_start3A_1661, %dma_start3A_1662] : memref<100000x128xf32, #tpu.memory_space<hbm>> -> memref<100000x128xf32, #tpu.memory_space<hbm>>
    tpu.enqueue_indirect_dma source(%dma_start3A_1663 : memref<100000x128xf32, #tpu.memory_space<hbm>>) target(%dma_start3A_1657 : memref<128x128xf32, #tpu.memory_space<vmem>>) offsets(%dma_start3A_1660 : memref<128xi32, #tpu.memory_space<vmem>>) semaphore(%arg13 : memref<!tpu.dma_semaphore, #tpu.memory_space<semaphore_mem>>)
    %get3A_1664 = arith.constant 640 : index
    %get3A_1665 = tpu.vector_load %arg5[%get3A_1664] {strides = array<i32>} : memref<1024xi32, #tpu.memory_space<vmem>>, vector<16xi32>,
    %get3A_1666 = vector.shape_cast %get3A_1665 : vector<16xi32> to vector<16xi32>
    %eq3A_1667 = arith.constant -200 : i32
    %eq3A_1668 = vector.broadcast %eq3A_1667 : i32 to vector<16xi32>
    %eq3A_1669 = arith.cmpi eq, %get3A_1666, %eq3A_1668 : vector<16xi32>
    %jit3A_1670 = arith.constant 0 : i32
    %jit3A_1671 = arith.constant 99999 : i32
    %max3A_1672 = vector.broadcast %jit3A_1670 : i32 to vector<16xi32>
    %max3A_1673 = arith.maxsi %max3A_1672, %get3A_1666 : vector<16xi32>
    %min3A_1674 = vector.broadcast %jit3A_1671 : i32 to vector<16xi32>
    %min3A_1675 = arith.minsi %min3A_1674, %max3A_1673 : vector<16xi32>
    %jit3A_1676 = arith.constant 0 : i32
    %broadcast_in_dim3A_1677 = vector.broadcast %jit3A_1676 : i32 to vector<16xi32>
    %select_n3A_1678 = arith.select %eq3A_1669, %broadcast_in_dim3A_1677, %min3A_1675 : vector<16xi1>, vector<16xi32>
    %swap3A_1679 = arith.constant 5 : i32
    %swap3A_1680 = arith.index_cast %swap3A_1679 : i32 to index
    %swap3A_1681 = arith.constant 0 : index
    %swap3A_1682 = tpu.vector_load %arg6[%swap3A_1680, %swap3A_1681] {strides = array<i32>} : memref<8x128xi32, #tpu.memory_space<vmem>>, vector<1x16xi32>,
    %swap3A_1683 = vector.shape_cast %swap3A_1682 : vector<1x16xi32> to vector<16xi32>
    %swap3A_1684 = vector.shape_cast %select_n3A_1678 : vector<16xi32> to vector<1x16xi32>
    tpu.vector_store %arg6[%swap3A_1680, %swap3A_1681], %swap3A_1684 {strides = array<i32>} : memref<8x128xi32, #tpu.memory_space<vmem>>, vector<1x16xi32>,
    %get3A_1685 = arith.constant 656 : index
    %get3A_1686 = tpu.vector_load %arg5[%get3A_1685] {strides = array<i32>} : memref<1024xi32, #tpu.memory_space<vmem>>, vector<16xi32>,
    %get3A_1687 = vector.shape_cast %get3A_1686 : vector<16xi32> to vector<16xi32>
    %eq3A_1688 = arith.constant -200 : i32
    %eq3A_1689 = vector.broadcast %eq3A_1688 : i32 to vector<16xi32>
    %eq3A_1690 = arith.cmpi eq, %get3A_1687, %eq3A_1689 : vector<16xi32>
    %jit3A_1691 = arith.constant 0 : i32
    %jit3A_1692 = arith.constant 99999 : i32
    %max3A_1693 = vector.broadcast %jit3A_1691 : i32 to vector<16xi32>
    %max3A_1694 = arith.maxsi %max3A_1693, %get3A_1687 : vector<16xi32>
    %min3A_1695 = vector.broadcast %jit3A_1692 : i32 to vector<16xi32>
    %min3A_1696 = arith.minsi %min3A_1695, %max3A_1694 : vector<16xi32>
    %jit3A_1697 = arith.constant 0 : i32
    %broadcast_in_dim3A_1698 = vector.broadcast %jit3A_1697 : i32 to vector<16xi32>
    %select_n3A_1699 = arith.select %eq3A_1690, %broadcast_in_dim3A_1698, %min3A_1696 : vector<16xi1>, vector<16xi32>
    %swap3A_1700 = arith.constant 5 : i32
    %swap3A_1701 = arith.index_cast %swap3A_1700 : i32 to index
    %swap3A_1702 = arith.constant 16 : index
    %swap3A_1703 = tpu.vector_load %arg6[%swap3A_1701, %swap3A_1702] {strides = array<i32>} : memref<8x128xi32, #tpu.memory_space<vmem>>, vector<1x16xi32>,
    %swap3A_1704 = vector.shape_cast %swap3A_1703 : vector<1x16xi32> to vector<16xi32>
    %swap3A_1705 = vector.shape_cast %select_n3A_1699 : vector<16xi32> to vector<1x16xi32>
    tpu.vector_store %arg6[%swap3A_1701, %swap3A_1702], %swap3A_1705 {strides = array<i32>} : memref<8x128xi32, #tpu.memory_space<vmem>>, vector<1x16xi32>,
    %get3A_1706 = arith.constant 672 : index
    %get3A_1707 = tpu.vector_load %arg5[%get3A_1706] {strides = array<i32>} : memref<1024xi32, #tpu.memory_space<vmem>>, vector<16xi32>,
    %get3A_1708 = vector.shape_cast %get3A_1707 : vector<16xi32> to vector<16xi32>
    %eq3A_1709 = arith.constant -200 : i32
    %eq3A_1710 = vector.broadcast %eq3A_1709 : i32 to vector<16xi32>
    %eq3A_1711 = arith.cmpi eq, %get3A_1708, %eq3A_1710 : vector<16xi32>
    %jit3A_1712 = arith.constant 0 : i32
    %jit3A_1713 = arith.constant 99999 : i32
    %max3A_1714 = vector.broadcast %jit3A_1712 : i32 to vector<16xi32>
    %max3A_1715 = arith.maxsi %max3A_1714, %get3A_1708 : vector<16xi32>
    %min3A_1716 = vector.broadcast %jit3A_1713 : i32 to vector<16xi32>
    %min3A_1717 = arith.minsi %min3A_1716, %max3A_1715 : vector<16xi32>
    %jit3A_1718 = arith.constant 0 : i32
    %broadcast_in_dim3A_1719 = vector.broadcast %jit3A_1718 : i32 to vector<16xi32>
    %select_n3A_1720 = arith.select %eq3A_1711, %broadcast_in_dim3A_1719, %min3A_1717 : vector<16xi1>, vector<16xi32>
    %swap3A_1721 = arith.constant 5 : i32
    %swap3A_1722 = arith.index_cast %swap3A_1721 : i32 to index
    %swap3A_1723 = arith.constant 32 : index
    %swap3A_1724 = tpu.vector_load %arg6[%swap3A_1722, %swap3A_1723] {strides = array<i32>} : memref<8x128xi32, #tpu.memory_space<vmem>>, vector<1x16xi32>,
    %swap3A_1725 = vector.shape_cast %swap3A_1724 : vector<1x16xi32> to vector<16xi32>
    %swap3A_1726 = vector.shape_cast %select_n3A_1720 : vector<16xi32> to vector<1x16xi32>
    tpu.vector_store %arg6[%swap3A_1722, %swap3A_1723], %swap3A_1726 {strides = array<i32>} : memref<8x128xi32, #tpu.memory_space<vmem>>, vector<1x16xi32>,
    %get3A_1727 = arith.constant 688 : index
    %get3A_1728 = tpu.vector_load %arg5[%get3A_1727] {strides = array<i32>} : memref<1024xi32, #tpu.memory_space<vmem>>, vector<16xi32>,
    %get3A_1729 = vector.shape_cast %get3A_1728 : vector<16xi32> to vector<16xi32>
    %eq3A_1730 = arith.constant -200 : i32
    %eq3A_1731 = vector.broadcast %eq3A_1730 : i32 to vector<16xi32>
    %eq3A_1732 = arith.cmpi eq, %get3A_1729, %eq3A_1731 : vector<16xi32>
    %jit3A_1733 = arith.constant 0 : i32
    %jit3A_1734 = arith.constant 99999 : i32
    %max3A_1735 = vector.broadcast %jit3A_1733 : i32 to vector<16xi32>
    %max3A_1736 = arith.maxsi %max3A_1735, %get3A_1729 : vector<16xi32>
    %min3A_1737 = vector.broadcast %jit3A_1734 : i32 to vector<16xi32>
    %min3A_1738 = arith.minsi %min3A_1737, %max3A_1736 : vector<16xi32>
    %jit3A_1739 = arith.constant 0 : i32
    %broadcast_in_dim3A_1740 = vector.broadcast %jit3A_1739 : i32 to vector<16xi32>
    %select_n3A_1741 = arith.select %eq3A_1732, %broadcast_in_dim3A_1740, %min3A_1738 : vector<16xi1>, vector<16xi32>
    %swap3A_1742 = arith.constant 5 : i32
    %swap3A_1743 = arith.index_cast %swap3A_1742 : i32 to index
    %swap3A_1744 = arith.constant 48 : index
    %swap3A_1745 = tpu.vector_load %arg6[%swap3A_1743, %swap3A_1744] {strides = array<i32>} : memref<8x128xi32, #tpu.memory_space<vmem>>, vector<1x16xi32>,
    %swap3A_1746 = vector.shape_cast %swap3A_1745 : vector<1x16xi32> to vector<16xi32>
    %swap3A_1747 = vector.shape_cast %select_n3A_1741 : vector<16xi32> to vector<1x16xi32>
    tpu.vector_store %arg6[%swap3A_1743, %swap3A_1744], %swap3A_1747 {strides = array<i32>} : memref<8x128xi32, #tpu.memory_space<vmem>>, vector<1x16xi32>,
    %get3A_1748 = arith.constant 704 : index
    %get3A_1749 = tpu.vector_load %arg5[%get3A_1748] {strides = array<i32>} : memref<1024xi32, #tpu.memory_space<vmem>>, vector<16xi32>,
    %get3A_1750 = vector.shape_cast %get3A_1749 : vector<16xi32> to vector<16xi32>
    %eq3A_1751 = arith.constant -200 : i32
    %eq3A_1752 = vector.broadcast %eq3A_1751 : i32 to vector<16xi32>
    %eq3A_1753 = arith.cmpi eq, %get3A_1750, %eq3A_1752 : vector<16xi32>
    %jit3A_1754 = arith.constant 0 : i32
    %jit3A_1755 = arith.constant 99999 : i32
    %max3A_1756 = vector.broadcast %jit3A_1754 : i32 to vector<16xi32>
    %max3A_1757 = arith.maxsi %max3A_1756, %get3A_1750 : vector<16xi32>
    %min3A_1758 = vector.broadcast %jit3A_1755 : i32 to vector<16xi32>
    %min3A_1759 = arith.minsi %min3A_1758, %max3A_1757 : vector<16xi32>
    %jit3A_1760 = arith.constant 0 : i32
    %broadcast_in_dim3A_1761 = vector.broadcast %jit3A_1760 : i32 to vector<16xi32>
    %select_n3A_1762 = arith.select %eq3A_1753, %broadcast_in_dim3A_1761, %min3A_1759 : vector<16xi1>, vector<16xi32>
    %swap3A_1763 = arith.constant 5 : i32
    %swap3A_1764 = arith.index_cast %swap3A_1763 : i32 to index
    %swap3A_1765 = arith.constant 64 : index
    %swap3A_1766 = tpu.vector_load %arg6[%swap3A_1764, %swap3A_1765] {strides = array<i32>} : memref<8x128xi32, #tpu.memory_space<vmem>>, vector<1x16xi32>,
    %swap3A_1767 = vector.shape_cast %swap3A_1766 : vector<1x16xi32> to vector<16xi32>
    %swap3A_1768 = vector.shape_cast %select_n3A_1762 : vector<16xi32> to vector<1x16xi32>
    tpu.vector_store %arg6[%swap3A_1764, %swap3A_1765], %swap3A_1768 {strides = array<i32>} : memref<8x128xi32, #tpu.memory_space<vmem>>, vector<1x16xi32>,
    %get3A_1769 = arith.constant 720 : index
    %get3A_1770 = tpu.vector_load %arg5[%get3A_1769] {strides = array<i32>} : memref<1024xi32, #tpu.memory_space<vmem>>, vector<16xi32>,
    %get3A_1771 = vector.shape_cast %get3A_1770 : vector<16xi32> to vector<16xi32>
    %eq3A_1772 = arith.constant -200 : i32
    %eq3A_1773 = vector.broadcast %eq3A_1772 : i32 to vector<16xi32>
    %eq3A_1774 = arith.cmpi eq, %get3A_1771, %eq3A_1773 : vector<16xi32>
    %jit3A_1775 = arith.constant 0 : i32
    %jit3A_1776 = arith.constant 99999 : i32
    %max3A_1777 = vector.broadcast %jit3A_1775 : i32 to vector<16xi32>
    %max3A_1778 = arith.maxsi %max3A_1777, %get3A_1771 : vector<16xi32>
    %min3A_1779 = vector.broadcast %jit3A_1776 : i32 to vector<16xi32>
    %min3A_1780 = arith.minsi %min3A_1779, %max3A_1778 : vector<16xi32>
    %jit3A_1781 = arith.constant 0 : i32
    %broadcast_in_dim3A_1782 = vector.broadcast %jit3A_1781 : i32 to vector<16xi32>
    %select_n3A_1783 = arith.select %eq3A_1774, %broadcast_in_dim3A_1782, %min3A_1780 : vector<16xi1>, vector<16xi32>
    %swap3A_1784 = arith.constant 5 : i32
    %swap3A_1785 = arith.index_cast %swap3A_1784 : i32 to index
    %swap3A_1786 = arith.constant 80 : index
    %swap3A_1787 = tpu.vector_load %arg6[%swap3A_1785, %swap3A_1786] {strides = array<i32>} : memref<8x128xi32, #tpu.memory_space<vmem>>, vector<1x16xi32>,
    %swap3A_1788 = vector.shape_cast %swap3A_1787 : vector<1x16xi32> to vector<16xi32>
    %swap3A_1789 = vector.shape_cast %select_n3A_1783 : vector<16xi32> to vector<1x16xi32>
    tpu.vector_store %arg6[%swap3A_1785, %swap3A_1786], %swap3A_1789 {strides = array<i32>} : memref<8x128xi32, #tpu.memory_space<vmem>>, vector<1x16xi32>,
    %get3A_1790 = arith.constant 736 : index
    %get3A_1791 = tpu.vector_load %arg5[%get3A_1790] {strides = array<i32>} : memref<1024xi32, #tpu.memory_space<vmem>>, vector<16xi32>,
    %get3A_1792 = vector.shape_cast %get3A_1791 : vector<16xi32> to vector<16xi32>
    %eq3A_1793 = arith.constant -200 : i32
    %eq3A_1794 = vector.broadcast %eq3A_1793 : i32 to vector<16xi32>
    %eq3A_1795 = arith.cmpi eq, %get3A_1792, %eq3A_1794 : vector<16xi32>
    %jit3A_1796 = arith.constant 0 : i32
    %jit3A_1797 = arith.constant 99999 : i32
    %max3A_1798 = vector.broadcast %jit3A_1796 : i32 to vector<16xi32>
    %max3A_1799 = arith.maxsi %max3A_1798, %get3A_1792 : vector<16xi32>
    %min3A_1800 = vector.broadcast %jit3A_1797 : i32 to vector<16xi32>
    %min3A_1801 = arith.minsi %min3A_1800, %max3A_1799 : vector<16xi32>
    %jit3A_1802 = arith.constant 0 : i32
    %broadcast_in_dim3A_1803 = vector.broadcast %jit3A_1802 : i32 to vector<16xi32>
    %select_n3A_1804 = arith.select %eq3A_1795, %broadcast_in_dim3A_1803, %min3A_1801 : vector<16xi1>, vector<16xi32>
    %swap3A_1805 = arith.constant 5 : i32
    %swap3A_1806 = arith.index_cast %swap3A_1805 : i32 to index
    %swap3A_1807 = arith.constant 96 : index
    %swap3A_1808 = tpu.vector_load %arg6[%swap3A_1806, %swap3A_1807] {strides = array<i32>} : memref<8x128xi32, #tpu.memory_space<vmem>>, vector<1x16xi32>,
    %swap3A_1809 = vector.shape_cast %swap3A_1808 : vector<1x16xi32> to vector<16xi32>
    %swap3A_1810 = vector.shape_cast %select_n3A_1804 : vector<16xi32> to vector<1x16xi32>
    tpu.vector_store %arg6[%swap3A_1806, %swap3A_1807], %swap3A_1810 {strides = array<i32>} : memref<8x128xi32, #tpu.memory_space<vmem>>, vector<1x16xi32>,
    %get3A_1811 = arith.constant 752 : index
    %get3A_1812 = tpu.vector_load %arg5[%get3A_1811] {strides = array<i32>} : memref<1024xi32, #tpu.memory_space<vmem>>, vector<16xi32>,
    %get3A_1813 = vector.shape_cast %get3A_1812 : vector<16xi32> to vector<16xi32>
    %eq3A_1814 = arith.constant -200 : i32
    %eq3A_1815 = vector.broadcast %eq3A_1814 : i32 to vector<16xi32>
    %eq3A_1816 = arith.cmpi eq, %get3A_1813, %eq3A_1815 : vector<16xi32>
    %jit3A_1817 = arith.constant 0 : i32
    %jit3A_1818 = arith.constant 99999 : i32
    %max3A_1819 = vector.broadcast %jit3A_1817 : i32 to vector<16xi32>
    %max3A_1820 = arith.maxsi %max3A_1819, %get3A_1813 : vector<16xi32>
    %min3A_1821 = vector.broadcast %jit3A_1818 : i32 to vector<16xi32>
    %min3A_1822 = arith.minsi %min3A_1821, %max3A_1820 : vector<16xi32>
    %jit3A_1823 = arith.constant 0 : i32
    %broadcast_in_dim3A_1824 = vector.broadcast %jit3A_1823 : i32 to vector<16xi32>
    %select_n3A_1825 = arith.select %eq3A_1816, %broadcast_in_dim3A_1824, %min3A_1822 : vector<16xi1>, vector<16xi32>
    %swap3A_1826 = arith.constant 5 : i32
    %swap3A_1827 = arith.index_cast %swap3A_1826 : i32 to index
    %swap3A_1828 = arith.constant 112 : index
    %swap3A_1829 = tpu.vector_load %arg6[%swap3A_1827, %swap3A_1828] {strides = array<i32>} : memref<8x128xi32, #tpu.memory_space<vmem>>, vector<1x16xi32>,
    %swap3A_1830 = vector.shape_cast %swap3A_1829 : vector<1x16xi32> to vector<16xi32>
    %swap3A_1831 = vector.shape_cast %select_n3A_1825 : vector<16xi32> to vector<1x16xi32>
    tpu.vector_store %arg6[%swap3A_1827, %swap3A_1828], %swap3A_1831 {strides = array<i32>} : memref<8x128xi32, #tpu.memory_space<vmem>>, vector<1x16xi32>,
    %dma_start3A_1832 = arith.constant 5 : i32
    %dma_start3A_1833 = arith.constant 5 : i32
    %dma_start3A_1834 = arith.constant 0 : i32
    %dma_start3A_1835 = arith.constant 0 : i32
    %dma_start3A_1836 = tpu.memref_slice %arg7[%dma_start3A_1833, %dma_start3A_1834, %dma_start3A_1835] : memref<6x128x128xf32, #tpu.memory_space<vmem>> -> memref<1x128x128xf32, #tpu.memory_space<vmem>>
    %dma_start3A_1837 = tpu.memref_squeeze %dma_start3A_1836 : memref<1x128x128xf32, #tpu.memory_space<vmem>> -> memref<128x128xf32, #tpu.memory_space<vmem>>
    %dma_start3A_1838 = arith.constant 0 : i32
    %dma_start3A_1839 = tpu.memref_slice %arg6[%dma_start3A_1832, %dma_start3A_1838] : memref<8x128xi32, #tpu.memory_space<vmem>> -> memref<1x128xi32, #tpu.memory_space<vmem>>
    %dma_start3A_1840 = tpu.memref_squeeze %dma_start3A_1839 : memref<1x128xi32, #tpu.memory_space<vmem>> -> memref<128xi32, #tpu.memory_space<vmem>>
    %dma_start3A_1841 = arith.constant 0 : i32
    %dma_start3A_1842 = arith.constant 0 : i32
    %dma_start3A_1843 = tpu.memref_slice %arg3[%dma_start3A_1841, %dma_start3A_1842] : memref<100000x128xf32, #tpu.memory_space<hbm>> -> memref<100000x128xf32, #tpu.memory_space<hbm>>
    tpu.enqueue_indirect_dma source(%dma_start3A_1843 : memref<100000x128xf32, #tpu.memory_space<hbm>>) target(%dma_start3A_1837 : memref<128x128xf32, #tpu.memory_space<vmem>>) offsets(%dma_start3A_1840 : memref<128xi32, #tpu.memory_space<vmem>>) semaphore(%arg14 : memref<!tpu.dma_semaphore, #tpu.memory_space<semaphore_mem>>)
    %get3A_1844 = arith.constant 768 : index
    %get3A_1845 = tpu.vector_load %arg5[%get3A_1844] {strides = array<i32>} : memref<1024xi32, #tpu.memory_space<vmem>>, vector<16xi32>,
    %get3A_1846 = vector.shape_cast %get3A_1845 : vector<16xi32> to vector<16xi32>
    %eq3A_1847 = arith.constant -200 : i32
    %eq3A_1848 = vector.broadcast %eq3A_1847 : i32 to vector<16xi32>
    %eq3A_1849 = arith.cmpi eq, %get3A_1846, %eq3A_1848 : vector<16xi32>
    %jit3A_1850 = arith.constant 0 : i32
    %jit3A_1851 = arith.constant 99999 : i32
    %max3A_1852 = vector.broadcast %jit3A_1850 : i32 to vector<16xi32>
    %max3A_1853 = arith.maxsi %max3A_1852, %get3A_1846 : vector<16xi32>
    %min3A_1854 = vector.broadcast %jit3A_1851 : i32 to vector<16xi32>
    %min3A_1855 = arith.minsi %min3A_1854, %max3A_1853 : vector<16xi32>
    %jit3A_1856 = arith.constant 0 : i32
    %broadcast_in_dim3A_1857 = vector.broadcast %jit3A_1856 : i32 to vector<16xi32>
    %select_n3A_1858 = arith.select %eq3A_1849, %broadcast_in_dim3A_1857, %min3A_1855 : vector<16xi1>, vector<16xi32>
    %swap3A_1859 = arith.constant 6 : i32
    %swap3A_1860 = arith.index_cast %swap3A_1859 : i32 to index
    %swap3A_1861 = arith.constant 0 : index
    %swap3A_1862 = tpu.vector_load %arg6[%swap3A_1860, %swap3A_1861] {strides = array<i32>} : memref<8x128xi32, #tpu.memory_space<vmem>>, vector<1x16xi32>,
    %swap3A_1863 = vector.shape_cast %swap3A_1862 : vector<1x16xi32> to vector<16xi32>
    %swap3A_1864 = vector.shape_cast %select_n3A_1858 : vector<16xi32> to vector<1x16xi32>
    tpu.vector_store %arg6[%swap3A_1860, %swap3A_1861], %swap3A_1864 {strides = array<i32>} : memref<8x128xi32, #tpu.memory_space<vmem>>, vector<1x16xi32>,
    %get3A_1865 = arith.constant 784 : index
    %get3A_1866 = tpu.vector_load %arg5[%get3A_1865] {strides = array<i32>} : memref<1024xi32, #tpu.memory_space<vmem>>, vector<16xi32>,
    %get3A_1867 = vector.shape_cast %get3A_1866 : vector<16xi32> to vector<16xi32>
    %eq3A_1868 = arith.constant -200 : i32
    %eq3A_1869 = vector.broadcast %eq3A_1868 : i32 to vector<16xi32>
    %eq3A_1870 = arith.cmpi eq, %get3A_1867, %eq3A_1869 : vector<16xi32>
    %jit3A_1871 = arith.constant 0 : i32
    %jit3A_1872 = arith.constant 99999 : i32
    %max3A_1873 = vector.broadcast %jit3A_1871 : i32 to vector<16xi32>
    %max3A_1874 = arith.maxsi %max3A_1873, %get3A_1867 : vector<16xi32>
    %min3A_1875 = vector.broadcast %jit3A_1872 : i32 to vector<16xi32>
    %min3A_1876 = arith.minsi %min3A_1875, %max3A_1874 : vector<16xi32>
    %jit3A_1877 = arith.constant 0 : i32
    %broadcast_in_dim3A_1878 = vector.broadcast %jit3A_1877 : i32 to vector<16xi32>
    %select_n3A_1879 = arith.select %eq3A_1870, %broadcast_in_dim3A_1878, %min3A_1876 : vector<16xi1>, vector<16xi32>
    %swap3A_1880 = arith.constant 6 : i32
    %swap3A_1881 = arith.index_cast %swap3A_1880 : i32 to index
    %swap3A_1882 = arith.constant 16 : index
    %swap3A_1883 = tpu.vector_load %arg6[%swap3A_1881, %swap3A_1882] {strides = array<i32>} : memref<8x128xi32, #tpu.memory_space<vmem>>, vector<1x16xi32>,
    %swap3A_1884 = vector.shape_cast %swap3A_1883 : vector<1x16xi32> to vector<16xi32>
    %swap3A_1885 = vector.shape_cast %select_n3A_1879 : vector<16xi32> to vector<1x16xi32>
    tpu.vector_store %arg6[%swap3A_1881, %swap3A_1882], %swap3A_1885 {strides = array<i32>} : memref<8x128xi32, #tpu.memory_space<vmem>>, vector<1x16xi32>,
    %get3A_1886 = arith.constant 800 : index
    %get3A_1887 = tpu.vector_load %arg5[%get3A_1886] {strides = array<i32>} : memref<1024xi32, #tpu.memory_space<vmem>>, vector<16xi32>,
    %get3A_1888 = vector.shape_cast %get3A_1887 : vector<16xi32> to vector<16xi32>
    %eq3A_1889 = arith.constant -200 : i32
    %eq3A_1890 = vector.broadcast %eq3A_1889 : i32 to vector<16xi32>
    %eq3A_1891 = arith.cmpi eq, %get3A_1888, %eq3A_1890 : vector<16xi32>
    %jit3A_1892 = arith.constant 0 : i32
    %jit3A_1893 = arith.constant 99999 : i32
    %max3A_1894 = vector.broadcast %jit3A_1892 : i32 to vector<16xi32>
    %max3A_1895 = arith.maxsi %max3A_1894, %get3A_1888 : vector<16xi32>
    %min3A_1896 = vector.broadcast %jit3A_1893 : i32 to vector<16xi32>
    %min3A_1897 = arith.minsi %min3A_1896, %max3A_1895 : vector<16xi32>
    %jit3A_1898 = arith.constant 0 : i32
    %broadcast_in_dim3A_1899 = vector.broadcast %jit3A_1898 : i32 to vector<16xi32>
    %select_n3A_1900 = arith.select %eq3A_1891, %broadcast_in_dim3A_1899, %min3A_1897 : vector<16xi1>, vector<16xi32>
    %swap3A_1901 = arith.constant 6 : i32
    %swap3A_1902 = arith.index_cast %swap3A_1901 : i32 to index
    %swap3A_1903 = arith.constant 32 : index
    %swap3A_1904 = tpu.vector_load %arg6[%swap3A_1902, %swap3A_1903] {strides = array<i32>} : memref<8x128xi32, #tpu.memory_space<vmem>>, vector<1x16xi32>,
    %swap3A_1905 = vector.shape_cast %swap3A_1904 : vector<1x16xi32> to vector<16xi32>
    %swap3A_1906 = vector.shape_cast %select_n3A_1900 : vector<16xi32> to vector<1x16xi32>
    tpu.vector_store %arg6[%swap3A_1902, %swap3A_1903], %swap3A_1906 {strides = array<i32>} : memref<8x128xi32, #tpu.memory_space<vmem>>, vector<1x16xi32>,
    %get3A_1907 = arith.constant 816 : index
    %get3A_1908 = tpu.vector_load %arg5[%get3A_1907] {strides = array<i32>} : memref<1024xi32, #tpu.memory_space<vmem>>, vector<16xi32>,
    %get3A_1909 = vector.shape_cast %get3A_1908 : vector<16xi32> to vector<16xi32>
    %eq3A_1910 = arith.constant -200 : i32
    %eq3A_1911 = vector.broadcast %eq3A_1910 : i32 to vector<16xi32>
    %eq3A_1912 = arith.cmpi eq, %get3A_1909, %eq3A_1911 : vector<16xi32>
    %jit3A_1913 = arith.constant 0 : i32
    %jit3A_1914 = arith.constant 99999 : i32
    %max3A_1915 = vector.broadcast %jit3A_1913 : i32 to vector<16xi32>
    %max3A_1916 = arith.maxsi %max3A_1915, %get3A_1909 : vector<16xi32>
    %min3A_1917 = vector.broadcast %jit3A_1914 : i32 to vector<16xi32>
    %min3A_1918 = arith.minsi %min3A_1917, %max3A_1916 : vector<16xi32>
    %jit3A_1919 = arith.constant 0 : i32
    %broadcast_in_dim3A_1920 = vector.broadcast %jit3A_1919 : i32 to vector<16xi32>
    %select_n3A_1921 = arith.select %eq3A_1912, %broadcast_in_dim3A_1920, %min3A_1918 : vector<16xi1>, vector<16xi32>
    %swap3A_1922 = arith.constant 6 : i32
    %swap3A_1923 = arith.index_cast %swap3A_1922 : i32 to index
    %swap3A_1924 = arith.constant 48 : index
    %swap3A_1925 = tpu.vector_load %arg6[%swap3A_1923, %swap3A_1924] {strides = array<i32>} : memref<8x128xi32, #tpu.memory_space<vmem>>, vector<1x16xi32>,
    %swap3A_1926 = vector.shape_cast %swap3A_1925 : vector<1x16xi32> to vector<16xi32>
    %swap3A_1927 = vector.shape_cast %select_n3A_1921 : vector<16xi32> to vector<1x16xi32>
    tpu.vector_store %arg6[%swap3A_1923, %swap3A_1924], %swap3A_1927 {strides = array<i32>} : memref<8x128xi32, #tpu.memory_space<vmem>>, vector<1x16xi32>,
    %get3A_1928 = arith.constant 832 : index
    %get3A_1929 = tpu.vector_load %arg5[%get3A_1928] {strides = array<i32>} : memref<1024xi32, #tpu.memory_space<vmem>>, vector<16xi32>,
    %get3A_1930 = vector.shape_cast %get3A_1929 : vector<16xi32> to vector<16xi32>
    %eq3A_1931 = arith.constant -200 : i32
    %eq3A_1932 = vector.broadcast %eq3A_1931 : i32 to vector<16xi32>
    %eq3A_1933 = arith.cmpi eq, %get3A_1930, %eq3A_1932 : vector<16xi32>
    %jit3A_1934 = arith.constant 0 : i32
    %jit3A_1935 = arith.constant 99999 : i32
    %max3A_1936 = vector.broadcast %jit3A_1934 : i32 to vector<16xi32>
    %max3A_1937 = arith.maxsi %max3A_1936, %get3A_1930 : vector<16xi32>
    %min3A_1938 = vector.broadcast %jit3A_1935 : i32 to vector<16xi32>
    %min3A_1939 = arith.minsi %min3A_1938, %max3A_1937 : vector<16xi32>
    %jit3A_1940 = arith.constant 0 : i32
    %broadcast_in_dim3A_1941 = vector.broadcast %jit3A_1940 : i32 to vector<16xi32>
    %select_n3A_1942 = arith.select %eq3A_1933, %broadcast_in_dim3A_1941, %min3A_1939 : vector<16xi1>, vector<16xi32>
    %swap3A_1943 = arith.constant 6 : i32
    %swap3A_1944 = arith.index_cast %swap3A_1943 : i32 to index
    %swap3A_1945 = arith.constant 64 : index
    %swap3A_1946 = tpu.vector_load %arg6[%swap3A_1944, %swap3A_1945] {strides = array<i32>} : memref<8x128xi32, #tpu.memory_space<vmem>>, vector<1x16xi32>,
    %swap3A_1947 = vector.shape_cast %swap3A_1946 : vector<1x16xi32> to vector<16xi32>
    %swap3A_1948 = vector.shape_cast %select_n3A_1942 : vector<16xi32> to vector<1x16xi32>
    tpu.vector_store %arg6[%swap3A_1944, %swap3A_1945], %swap3A_1948 {strides = array<i32>} : memref<8x128xi32, #tpu.memory_space<vmem>>, vector<1x16xi32>,
    %get3A_1949 = arith.constant 848 : index
    %get3A_1950 = tpu.vector_load %arg5[%get3A_1949] {strides = array<i32>} : memref<1024xi32, #tpu.memory_space<vmem>>, vector<16xi32>,
    %get3A_1951 = vector.shape_cast %get3A_1950 : vector<16xi32> to vector<16xi32>
    %eq3A_1952 = arith.constant -200 : i32
    %eq3A_1953 = vector.broadcast %eq3A_1952 : i32 to vector<16xi32>
    %eq3A_1954 = arith.cmpi eq, %get3A_1951, %eq3A_1953 : vector<16xi32>
    %jit3A_1955 = arith.constant 0 : i32
    %jit3A_1956 = arith.constant 99999 : i32
    %max3A_1957 = vector.broadcast %jit3A_1955 : i32 to vector<16xi32>
    %max3A_1958 = arith.maxsi %max3A_1957, %get3A_1951 : vector<16xi32>
    %min3A_1959 = vector.broadcast %jit3A_1956 : i32 to vector<16xi32>
    %min3A_1960 = arith.minsi %min3A_1959, %max3A_1958 : vector<16xi32>
    %jit3A_1961 = arith.constant 0 : i32
    %broadcast_in_dim3A_1962 = vector.broadcast %jit3A_1961 : i32 to vector<16xi32>
    %select_n3A_1963 = arith.select %eq3A_1954, %broadcast_in_dim3A_1962, %min3A_1960 : vector<16xi1>, vector<16xi32>
    %swap3A_1964 = arith.constant 6 : i32
    %swap3A_1965 = arith.index_cast %swap3A_1964 : i32 to index
    %swap3A_1966 = arith.constant 80 : index
    %swap3A_1967 = tpu.vector_load %arg6[%swap3A_1965, %swap3A_1966] {strides = array<i32>} : memref<8x128xi32, #tpu.memory_space<vmem>>, vector<1x16xi32>,
    %swap3A_1968 = vector.shape_cast %swap3A_1967 : vector<1x16xi32> to vector<16xi32>
    %swap3A_1969 = vector.shape_cast %select_n3A_1963 : vector<16xi32> to vector<1x16xi32>
    tpu.vector_store %arg6[%swap3A_1965, %swap3A_1966], %swap3A_1969 {strides = array<i32>} : memref<8x128xi32, #tpu.memory_space<vmem>>, vector<1x16xi32>,
    %get3A_1970 = arith.constant 864 : index
    %get3A_1971 = tpu.vector_load %arg5[%get3A_1970] {strides = array<i32>} : memref<1024xi32, #tpu.memory_space<vmem>>, vector<16xi32>,
    %get3A_1972 = vector.shape_cast %get3A_1971 : vector<16xi32> to vector<16xi32>
    %eq3A_1973 = arith.constant -200 : i32
    %eq3A_1974 = vector.broadcast %eq3A_1973 : i32 to vector<16xi32>
    %eq3A_1975 = arith.cmpi eq, %get3A_1972, %eq3A_1974 : vector<16xi32>
    %jit3A_1976 = arith.constant 0 : i32
    %jit3A_1977 = arith.constant 99999 : i32
    %max3A_1978 = vector.broadcast %jit3A_1976 : i32 to vector<16xi32>
    %max3A_1979 = arith.maxsi %max3A_1978, %get3A_1972 : vector<16xi32>
    %min3A_1980 = vector.broadcast %jit3A_1977 : i32 to vector<16xi32>
    %min3A_1981 = arith.minsi %min3A_1980, %max3A_1979 : vector<16xi32>
    %jit3A_1982 = arith.constant 0 : i32
    %broadcast_in_dim3A_1983 = vector.broadcast %jit3A_1982 : i32 to vector<16xi32>
    %select_n3A_1984 = arith.select %eq3A_1975, %broadcast_in_dim3A_1983, %min3A_1981 : vector<16xi1>, vector<16xi32>
    %swap3A_1985 = arith.constant 6 : i32
    %swap3A_1986 = arith.index_cast %swap3A_1985 : i32 to index
    %swap3A_1987 = arith.constant 96 : index
    %swap3A_1988 = tpu.vector_load %arg6[%swap3A_1986, %swap3A_1987] {strides = array<i32>} : memref<8x128xi32, #tpu.memory_space<vmem>>, vector<1x16xi32>,
    %swap3A_1989 = vector.shape_cast %swap3A_1988 : vector<1x16xi32> to vector<16xi32>
    %swap3A_1990 = vector.shape_cast %select_n3A_1984 : vector<16xi32> to vector<1x16xi32>
    tpu.vector_store %arg6[%swap3A_1986, %swap3A_1987], %swap3A_1990 {strides = array<i32>} : memref<8x128xi32, #tpu.memory_space<vmem>>, vector<1x16xi32>,
    %get3A_1991 = arith.constant 880 : index
    %get3A_1992 = tpu.vector_load %arg5[%get3A_1991] {strides = array<i32>} : memref<1024xi32, #tpu.memory_space<vmem>>, vector<16xi32>,
    %get3A_1993 = vector.shape_cast %get3A_1992 : vector<16xi32> to vector<16xi32>
    %eq3A_1994 = arith.constant -200 : i32
    %eq3A_1995 = vector.broadcast %eq3A_1994 : i32 to vector<16xi32>
    %eq3A_1996 = arith.cmpi eq, %get3A_1993, %eq3A_1995 : vector<16xi32>
    %jit3A_1997 = arith.constant 0 : i32
    %jit3A_1998 = arith.constant 99999 : i32
    %max3A_1999 = vector.broadcast %jit3A_1997 : i32 to vector<16xi32>
    %max3A_2000 = arith.maxsi %max3A_1999, %get3A_1993 : vector<16xi32>
    %min3A_2001 = vector.broadcast %jit3A_1998 : i32 to vector<16xi32>
    %min3A_2002 = arith.minsi %min3A_2001, %max3A_2000 : vector<16xi32>
    %jit3A_2003 = arith.constant 0 : i32
    %broadcast_in_dim3A_2004 = vector.broadcast %jit3A_2003 : i32 to vector<16xi32>
    %select_n3A_2005 = arith.select %eq3A_1996, %broadcast_in_dim3A_2004, %min3A_2002 : vector<16xi1>, vector<16xi32>
    %swap3A_2006 = arith.constant 6 : i32
    %swap3A_2007 = arith.index_cast %swap3A_2006 : i32 to index
    %swap3A_2008 = arith.constant 112 : index
    %swap3A_2009 = tpu.vector_load %arg6[%swap3A_2007, %swap3A_2008] {strides = array<i32>} : memref<8x128xi32, #tpu.memory_space<vmem>>, vector<1x16xi32>,
    %swap3A_2010 = vector.shape_cast %swap3A_2009 : vector<1x16xi32> to vector<16xi32>
    %swap3A_2011 = vector.shape_cast %select_n3A_2005 : vector<16xi32> to vector<1x16xi32>
    tpu.vector_store %arg6[%swap3A_2007, %swap3A_2008], %swap3A_2011 {strides = array<i32>} : memref<8x128xi32, #tpu.memory_space<vmem>>, vector<1x16xi32>,
    %get3A_2012 = arith.constant 896 : index
    %get3A_2013 = tpu.vector_load %arg5[%get3A_2012] {strides = array<i32>} : memref<1024xi32, #tpu.memory_space<vmem>>, vector<16xi32>,
    %get3A_2014 = vector.shape_cast %get3A_2013 : vector<16xi32> to vector<16xi32>
    %eq3A_2015 = arith.constant -200 : i32
    %eq3A_2016 = vector.broadcast %eq3A_2015 : i32 to vector<16xi32>
    %eq3A_2017 = arith.cmpi eq, %get3A_2014, %eq3A_2016 : vector<16xi32>
    %jit3A_2018 = arith.constant 0 : i32
    %jit3A_2019 = arith.constant 99999 : i32
    %max3A_2020 = vector.broadcast %jit3A_2018 : i32 to vector<16xi32>
    %max3A_2021 = arith.maxsi %max3A_2020, %get3A_2014 : vector<16xi32>
    %min3A_2022 = vector.broadcast %jit3A_2019 : i32 to vector<16xi32>
    %min3A_2023 = arith.minsi %min3A_2022, %max3A_2021 : vector<16xi32>
    %jit3A_2024 = arith.constant 0 : i32
    %broadcast_in_dim3A_2025 = vector.broadcast %jit3A_2024 : i32 to vector<16xi32>
    %select_n3A_2026 = arith.select %eq3A_2017, %broadcast_in_dim3A_2025, %min3A_2023 : vector<16xi1>, vector<16xi32>
    %swap3A_2027 = arith.constant 7 : i32
    %swap3A_2028 = arith.index_cast %swap3A_2027 : i32 to index
    %swap3A_2029 = arith.constant 0 : index
    %swap3A_2030 = tpu.vector_load %arg6[%swap3A_2028, %swap3A_2029] {strides = array<i32>} : memref<8x128xi32, #tpu.memory_space<vmem>>, vector<1x16xi32>,
    %swap3A_2031 = vector.shape_cast %swap3A_2030 : vector<1x16xi32> to vector<16xi32>
    %swap3A_2032 = vector.shape_cast %select_n3A_2026 : vector<16xi32> to vector<1x16xi32>
    tpu.vector_store %arg6[%swap3A_2028, %swap3A_2029], %swap3A_2032 {strides = array<i32>} : memref<8x128xi32, #tpu.memory_space<vmem>>, vector<1x16xi32>,
    %get3A_2033 = arith.constant 912 : index
    %get3A_2034 = tpu.vector_load %arg5[%get3A_2033] {strides = array<i32>} : memref<1024xi32, #tpu.memory_space<vmem>>, vector<16xi32>,
    %get3A_2035 = vector.shape_cast %get3A_2034 : vector<16xi32> to vector<16xi32>
    %eq3A_2036 = arith.constant -200 : i32
    %eq3A_2037 = vector.broadcast %eq3A_2036 : i32 to vector<16xi32>
    %eq3A_2038 = arith.cmpi eq, %get3A_2035, %eq3A_2037 : vector<16xi32>
    %jit3A_2039 = arith.constant 0 : i32
    %jit3A_2040 = arith.constant 99999 : i32
    %max3A_2041 = vector.broadcast %jit3A_2039 : i32 to vector<16xi32>
    %max3A_2042 = arith.maxsi %max3A_2041, %get3A_2035 : vector<16xi32>
    %min3A_2043 = vector.broadcast %jit3A_2040 : i32 to vector<16xi32>
    %min3A_2044 = arith.minsi %min3A_2043, %max3A_2042 : vector<16xi32>
    %jit3A_2045 = arith.constant 0 : i32
    %broadcast_in_dim3A_2046 = vector.broadcast %jit3A_2045 : i32 to vector<16xi32>
    %select_n3A_2047 = arith.select %eq3A_2038, %broadcast_in_dim3A_2046, %min3A_2044 : vector<16xi1>, vector<16xi32>
    %swap3A_2048 = arith.constant 7 : i32
    %swap3A_2049 = arith.index_cast %swap3A_2048 : i32 to index
    %swap3A_2050 = arith.constant 16 : index
    %swap3A_2051 = tpu.vector_load %arg6[%swap3A_2049, %swap3A_2050] {strides = array<i32>} : memref<8x128xi32, #tpu.memory_space<vmem>>, vector<1x16xi32>,
    %swap3A_2052 = vector.shape_cast %swap3A_2051 : vector<1x16xi32> to vector<16xi32>
    %swap3A_2053 = vector.shape_cast %select_n3A_2047 : vector<16xi32> to vector<1x16xi32>
    tpu.vector_store %arg6[%swap3A_2049, %swap3A_2050], %swap3A_2053 {strides = array<i32>} : memref<8x128xi32, #tpu.memory_space<vmem>>, vector<1x16xi32>,
    %get3A_2054 = arith.constant 928 : index
    %get3A_2055 = tpu.vector_load %arg5[%get3A_2054] {strides = array<i32>} : memref<1024xi32, #tpu.memory_space<vmem>>, vector<16xi32>,
    %get3A_2056 = vector.shape_cast %get3A_2055 : vector<16xi32> to vector<16xi32>
    %eq3A_2057 = arith.constant -200 : i32
    %eq3A_2058 = vector.broadcast %eq3A_2057 : i32 to vector<16xi32>
    %eq3A_2059 = arith.cmpi eq, %get3A_2056, %eq3A_2058 : vector<16xi32>
    %jit3A_2060 = arith.constant 0 : i32
    %jit3A_2061 = arith.constant 99999 : i32
    %max3A_2062 = vector.broadcast %jit3A_2060 : i32 to vector<16xi32>
    %max3A_2063 = arith.maxsi %max3A_2062, %get3A_2056 : vector<16xi32>
    %min3A_2064 = vector.broadcast %jit3A_2061 : i32 to vector<16xi32>
    %min3A_2065 = arith.minsi %min3A_2064, %max3A_2063 : vector<16xi32>
    %jit3A_2066 = arith.constant 0 : i32
    %broadcast_in_dim3A_2067 = vector.broadcast %jit3A_2066 : i32 to vector<16xi32>
    %select_n3A_2068 = arith.select %eq3A_2059, %broadcast_in_dim3A_2067, %min3A_2065 : vector<16xi1>, vector<16xi32>
    %swap3A_2069 = arith.constant 7 : i32
    %swap3A_2070 = arith.index_cast %swap3A_2069 : i32 to index
    %swap3A_2071 = arith.constant 32 : index
    %swap3A_2072 = tpu.vector_load %arg6[%swap3A_2070, %swap3A_2071] {strides = array<i32>} : memref<8x128xi32, #tpu.memory_space<vmem>>, vector<1x16xi32>,
    %swap3A_2073 = vector.shape_cast %swap3A_2072 : vector<1x16xi32> to vector<16xi32>
    %swap3A_2074 = vector.shape_cast %select_n3A_2068 : vector<16xi32> to vector<1x16xi32>
    tpu.vector_store %arg6[%swap3A_2070, %swap3A_2071], %swap3A_2074 {strides = array<i32>} : memref<8x128xi32, #tpu.memory_space<vmem>>, vector<1x16xi32>,
    %get3A_2075 = arith.constant 944 : index
    %get3A_2076 = tpu.vector_load %arg5[%get3A_2075] {strides = array<i32>} : memref<1024xi32, #tpu.memory_space<vmem>>, vector<16xi32>,
    %get3A_2077 = vector.shape_cast %get3A_2076 : vector<16xi32> to vector<16xi32>
    %eq3A_2078 = arith.constant -200 : i32
    %eq3A_2079 = vector.broadcast %eq3A_2078 : i32 to vector<16xi32>
    %eq3A_2080 = arith.cmpi eq, %get3A_2077, %eq3A_2079 : vector<16xi32>
    %jit3A_2081 = arith.constant 0 : i32
    %jit3A_2082 = arith.constant 99999 : i32
    %max3A_2083 = vector.broadcast %jit3A_2081 : i32 to vector<16xi32>
    %max3A_2084 = arith.maxsi %max3A_2083, %get3A_2077 : vector<16xi32>
    %min3A_2085 = vector.broadcast %jit3A_2082 : i32 to vector<16xi32>
    %min3A_2086 = arith.minsi %min3A_2085, %max3A_2084 : vector<16xi32>
    %jit3A_2087 = arith.constant 0 : i32
    %broadcast_in_dim3A_2088 = vector.broadcast %jit3A_2087 : i32 to vector<16xi32>
    %select_n3A_2089 = arith.select %eq3A_2080, %broadcast_in_dim3A_2088, %min3A_2086 : vector<16xi1>, vector<16xi32>
    %swap3A_2090 = arith.constant 7 : i32
    %swap3A_2091 = arith.index_cast %swap3A_2090 : i32 to index
    %swap3A_2092 = arith.constant 48 : index
    %swap3A_2093 = tpu.vector_load %arg6[%swap3A_2091, %swap3A_2092] {strides = array<i32>} : memref<8x128xi32, #tpu.memory_space<vmem>>, vector<1x16xi32>,
    %swap3A_2094 = vector.shape_cast %swap3A_2093 : vector<1x16xi32> to vector<16xi32>
    %swap3A_2095 = vector.shape_cast %select_n3A_2089 : vector<16xi32> to vector<1x16xi32>
    tpu.vector_store %arg6[%swap3A_2091, %swap3A_2092], %swap3A_2095 {strides = array<i32>} : memref<8x128xi32, #tpu.memory_space<vmem>>, vector<1x16xi32>,
    %get3A_2096 = arith.constant 960 : index
    %get3A_2097 = tpu.vector_load %arg5[%get3A_2096] {strides = array<i32>} : memref<1024xi32, #tpu.memory_space<vmem>>, vector<16xi32>,
    %get3A_2098 = vector.shape_cast %get3A_2097 : vector<16xi32> to vector<16xi32>
    %eq3A_2099 = arith.constant -200 : i32
    %eq3A_2100 = vector.broadcast %eq3A_2099 : i32 to vector<16xi32>
    %eq3A_2101 = arith.cmpi eq, %get3A_2098, %eq3A_2100 : vector<16xi32>
    %jit3A_2102 = arith.constant 0 : i32
    %jit3A_2103 = arith.constant 99999 : i32
    %max3A_2104 = vector.broadcast %jit3A_2102 : i32 to vector<16xi32>
    %max3A_2105 = arith.maxsi %max3A_2104, %get3A_2098 : vector<16xi32>
    %min3A_2106 = vector.broadcast %jit3A_2103 : i32 to vector<16xi32>
    %min3A_2107 = arith.minsi %min3A_2106, %max3A_2105 : vector<16xi32>
    %jit3A_2108 = arith.constant 0 : i32
    %broadcast_in_dim3A_2109 = vector.broadcast %jit3A_2108 : i32 to vector<16xi32>
    %select_n3A_2110 = arith.select %eq3A_2101, %broadcast_in_dim3A_2109, %min3A_2107 : vector<16xi1>, vector<16xi32>
    %swap3A_2111 = arith.constant 7 : i32
    %swap3A_2112 = arith.index_cast %swap3A_2111 : i32 to index
    %swap3A_2113 = arith.constant 64 : index
    %swap3A_2114 = tpu.vector_load %arg6[%swap3A_2112, %swap3A_2113] {strides = array<i32>} : memref<8x128xi32, #tpu.memory_space<vmem>>, vector<1x16xi32>,
    %swap3A_2115 = vector.shape_cast %swap3A_2114 : vector<1x16xi32> to vector<16xi32>
    %swap3A_2116 = vector.shape_cast %select_n3A_2110 : vector<16xi32> to vector<1x16xi32>
    tpu.vector_store %arg6[%swap3A_2112, %swap3A_2113], %swap3A_2116 {strides = array<i32>} : memref<8x128xi32, #tpu.memory_space<vmem>>, vector<1x16xi32>,
    %get3A_2117 = arith.constant 976 : index
    %get3A_2118 = tpu.vector_load %arg5[%get3A_2117] {strides = array<i32>} : memref<1024xi32, #tpu.memory_space<vmem>>, vector<16xi32>,
    %get3A_2119 = vector.shape_cast %get3A_2118 : vector<16xi32> to vector<16xi32>
    %eq3A_2120 = arith.constant -200 : i32
    %eq3A_2121 = vector.broadcast %eq3A_2120 : i32 to vector<16xi32>
    %eq3A_2122 = arith.cmpi eq, %get3A_2119, %eq3A_2121 : vector<16xi32>
    %jit3A_2123 = arith.constant 0 : i32
    %jit3A_2124 = arith.constant 99999 : i32
    %max3A_2125 = vector.broadcast %jit3A_2123 : i32 to vector<16xi32>
    %max3A_2126 = arith.maxsi %max3A_2125, %get3A_2119 : vector<16xi32>
    %min3A_2127 = vector.broadcast %jit3A_2124 : i32 to vector<16xi32>
    %min3A_2128 = arith.minsi %min3A_2127, %max3A_2126 : vector<16xi32>
    %jit3A_2129 = arith.constant 0 : i32
    %broadcast_in_dim3A_2130 = vector.broadcast %jit3A_2129 : i32 to vector<16xi32>
    %select_n3A_2131 = arith.select %eq3A_2122, %broadcast_in_dim3A_2130, %min3A_2128 : vector<16xi1>, vector<16xi32>
    %swap3A_2132 = arith.constant 7 : i32
    %swap3A_2133 = arith.index_cast %swap3A_2132 : i32 to index
    %swap3A_2134 = arith.constant 80 : index
    %swap3A_2135 = tpu.vector_load %arg6[%swap3A_2133, %swap3A_2134] {strides = array<i32>} : memref<8x128xi32, #tpu.memory_space<vmem>>, vector<1x16xi32>,
    %swap3A_2136 = vector.shape_cast %swap3A_2135 : vector<1x16xi32> to vector<16xi32>
    %swap3A_2137 = vector.shape_cast %select_n3A_2131 : vector<16xi32> to vector<1x16xi32>
    tpu.vector_store %arg6[%swap3A_2133, %swap3A_2134], %swap3A_2137 {strides = array<i32>} : memref<8x128xi32, #tpu.memory_space<vmem>>, vector<1x16xi32>,
    %get3A_2138 = arith.constant 992 : index
    %get3A_2139 = tpu.vector_load %arg5[%get3A_2138] {strides = array<i32>} : memref<1024xi32, #tpu.memory_space<vmem>>, vector<16xi32>,
    %get3A_2140 = vector.shape_cast %get3A_2139 : vector<16xi32> to vector<16xi32>
    %eq3A_2141 = arith.constant -200 : i32
    %eq3A_2142 = vector.broadcast %eq3A_2141 : i32 to vector<16xi32>
    %eq3A_2143 = arith.cmpi eq, %get3A_2140, %eq3A_2142 : vector<16xi32>
    %jit3A_2144 = arith.constant 0 : i32
    %jit3A_2145 = arith.constant 99999 : i32
    %max3A_2146 = vector.broadcast %jit3A_2144 : i32 to vector<16xi32>
    %max3A_2147 = arith.maxsi %max3A_2146, %get3A_2140 : vector<16xi32>
    %min3A_2148 = vector.broadcast %jit3A_2145 : i32 to vector<16xi32>
    %min3A_2149 = arith.minsi %min3A_2148, %max3A_2147 : vector<16xi32>
    %jit3A_2150 = arith.constant 0 : i32
    %broadcast_in_dim3A_2151 = vector.broadcast %jit3A_2150 : i32 to vector<16xi32>
    %select_n3A_2152 = arith.select %eq3A_2143, %broadcast_in_dim3A_2151, %min3A_2149 : vector<16xi1>, vector<16xi32>
    %swap3A_2153 = arith.constant 7 : i32
    %swap3A_2154 = arith.index_cast %swap3A_2153 : i32 to index
    %swap3A_2155 = arith.constant 96 : index
    %swap3A_2156 = tpu.vector_load %arg6[%swap3A_2154, %swap3A_2155] {strides = array<i32>} : memref<8x128xi32, #tpu.memory_space<vmem>>, vector<1x16xi32>,
    %swap3A_2157 = vector.shape_cast %swap3A_2156 : vector<1x16xi32> to vector<16xi32>
    %swap3A_2158 = vector.shape_cast %select_n3A_2152 : vector<16xi32> to vector<1x16xi32>
    tpu.vector_store %arg6[%swap3A_2154, %swap3A_2155], %swap3A_2158 {strides = array<i32>} : memref<8x128xi32, #tpu.memory_space<vmem>>, vector<1x16xi32>,
    %get3A_2159 = arith.constant 1008 : index
    %get3A_2160 = tpu.vector_load %arg5[%get3A_2159] {strides = array<i32>} : memref<1024xi32, #tpu.memory_space<vmem>>, vector<16xi32>,
    %get3A_2161 = vector.shape_cast %get3A_2160 : vector<16xi32> to vector<16xi32>
    %eq3A_2162 = arith.constant -200 : i32
    %eq3A_2163 = vector.broadcast %eq3A_2162 : i32 to vector<16xi32>
    %eq3A_2164 = arith.cmpi eq, %get3A_2161, %eq3A_2163 : vector<16xi32>
    %jit3A_2165 = arith.constant 0 : i32
    %jit3A_2166 = arith.constant 99999 : i32
    %max3A_2167 = vector.broadcast %jit3A_2165 : i32 to vector<16xi32>
    %max3A_2168 = arith.maxsi %max3A_2167, %get3A_2161 : vector<16xi32>
    %min3A_2169 = vector.broadcast %jit3A_2166 : i32 to vector<16xi32>
    %min3A_2170 = arith.minsi %min3A_2169, %max3A_2168 : vector<16xi32>
    %jit3A_2171 = arith.constant 0 : i32
    %broadcast_in_dim3A_2172 = vector.broadcast %jit3A_2171 : i32 to vector<16xi32>
    %select_n3A_2173 = arith.select %eq3A_2164, %broadcast_in_dim3A_2172, %min3A_2170 : vector<16xi1>, vector<16xi32>
    %swap3A_2174 = arith.constant 7 : i32
    %swap3A_2175 = arith.index_cast %swap3A_2174 : i32 to index
    %swap3A_2176 = arith.constant 112 : index
    %swap3A_2177 = tpu.vector_load %arg6[%swap3A_2175, %swap3A_2176] {strides = array<i32>} : memref<8x128xi32, #tpu.memory_space<vmem>>, vector<1x16xi32>,
    %swap3A_2178 = vector.shape_cast %swap3A_2177 : vector<1x16xi32> to vector<16xi32>
    %swap3A_2179 = vector.shape_cast %select_n3A_2173 : vector<16xi32> to vector<1x16xi32>
    tpu.vector_store %arg6[%swap3A_2175, %swap3A_2176], %swap3A_2179 {strides = array<i32>} : memref<8x128xi32, #tpu.memory_space<vmem>>, vector<1x16xi32>,
    %dma_wait3A = arith.constant 0 : i32
    %dma_wait3A_2180 = arith.constant 0 : i32
    %dma_wait3A_2181 = arith.constant 0 : i32
    %dma_wait3A_2182 = arith.constant 0 : i32
    %dma_wait3A_2183 = tpu.memref_slice %arg7[%dma_wait3A_2180, %dma_wait3A_2181, %dma_wait3A_2182] : memref<6x128x128xf32, #tpu.memory_space<vmem>> -> memref<1x128x128xf32, #tpu.memory_space<vmem>>
    %dma_wait3A_2184 = tpu.memref_squeeze %dma_wait3A_2183 : memref<1x128x128xf32, #tpu.memory_space<vmem>> -> memref<128x128xf32, #tpu.memory_space<vmem>>
    %dma_wait3A_2185 = arith.constant 0 : i32
    %dma_wait3A_2186 = tpu.memref_slice %arg6[%dma_wait3A, %dma_wait3A_2185] : memref<8x128xi32, #tpu.memory_space<vmem>> -> memref<1x128xi32, #tpu.memory_space<vmem>>
    %dma_wait3A_2187 = tpu.memref_squeeze %dma_wait3A_2186 : memref<1x128xi32, #tpu.memory_space<vmem>> -> memref<128xi32, #tpu.memory_space<vmem>>
    %dma_wait3A_2188 = arith.constant 0 : i32
    %dma_wait3A_2189 = arith.constant 0 : i32
    %dma_wait3A_2190 = tpu.memref_slice %arg3[%dma_wait3A_2188, %dma_wait3A_2189] : memref<100000x128xf32, #tpu.memory_space<hbm>> -> memref<100000x128xf32, #tpu.memory_space<hbm>>
    tpu.wait_indirect_dma semaphore(%arg9 : memref<!tpu.dma_semaphore, #tpu.memory_space<semaphore_mem>>) src(%dma_wait3A_2190 : memref<100000x128xf32, #tpu.memory_space<hbm>>) dst(%dma_wait3A_2184 : memref<128x128xf32, #tpu.memory_space<vmem>>)
    %add3A_2191 = arith.constant 0 : i32
    %add3A_2192 = arith.addi %mul3A_2, %add3A_2191 : i32
    %dma_start3A_2193 = arith.constant 0 : i32
    %dma_start3A_2194 = arith.constant 0 : i32
    %dma_start3A_2195 = arith.constant 0 : i32
    %dma_start3A_2196 = tpu.memref_slice %arg7[%dma_start3A_2193, %dma_start3A_2194, %dma_start3A_2195] : memref<6x128x128xf32, #tpu.memory_space<vmem>> -> memref<1x128x128xf32, #tpu.memory_space<vmem>>
    %dma_start3A_2197 = tpu.memref_squeeze %dma_start3A_2196 : memref<1x128x128xf32, #tpu.memory_space<vmem>> -> memref<128x128xf32, #tpu.memory_space<vmem>>
    %dma_start3A_2198 = arith.constant 0 : i32
    %dma_start3A_2199 = tpu.memref_slice %arg4[%add3A_2192, %dma_start3A_2198] : memref<32768x128xf32, #tpu.memory_space<hbm>> -> memref<128x128xf32, #tpu.memory_space<hbm>>
    %dma_start3A_2200 = arith.constant 0 : i32
    %dma_start3A_2201 = tpu.memref_slice %arg4[%add3A_2192, %dma_start3A_2200] : memref<32768x128xf32, #tpu.memory_space<hbm>> -> memref<128x128xf32, #tpu.memory_space<hbm>>
    %dma_start3A_2202 = arith.constant 0 : i32
    %dma_start3A_2203 = arith.constant 0 : i32
    %dma_start3A_2204 = tpu.memref_slice %arg7[%dma_start3A_2193, %dma_start3A_2202, %dma_start3A_2203] : memref<6x128x128xf32, #tpu.memory_space<vmem>> -> memref<1x128x128xf32, #tpu.memory_space<vmem>>
    %dma_start3A_2205 = tpu.memref_squeeze %dma_start3A_2204 : memref<1x128x128xf32, #tpu.memory_space<vmem>> -> memref<128x128xf32, #tpu.memory_space<vmem>>
    tpu.enqueue_dma source(%dma_start3A_2205 : memref<128x128xf32, #tpu.memory_space<vmem>>) target(%dma_start3A_2201 : memref<128x128xf32, #tpu.memory_space<hbm>>) target_semaphore(%arg15 : memref<!tpu.dma_semaphore, #tpu.memory_space<semaphore_mem>>)
    %dma_wait3A_2206 = arith.constant 0 : i32
    %dma_wait3A_2207 = arith.constant 0 : i32
    %dma_wait3A_2208 = arith.constant 0 : i32
    %dma_wait3A_2209 = tpu.memref_slice %arg7[%dma_wait3A_2206, %dma_wait3A_2207, %dma_wait3A_2208] : memref<6x128x128xf32, #tpu.memory_space<vmem>> -> memref<1x128x128xf32, #tpu.memory_space<vmem>>
    %dma_wait3A_2210 = tpu.memref_squeeze %dma_wait3A_2209 : memref<1x128x128xf32, #tpu.memory_space<vmem>> -> memref<128x128xf32, #tpu.memory_space<vmem>>
    %dma_wait3A_2211 = arith.constant 0 : i32
    %dma_wait3A_2212 = tpu.memref_slice %arg4[%add3A_2192, %dma_wait3A_2211] : memref<32768x128xf32, #tpu.memory_space<hbm>> -> memref<128x128xf32, #tpu.memory_space<hbm>>
    %dma_wait3A_2213 = arith.constant 0 : i32
    %dma_wait3A_2214 = tpu.memref_slice %arg4[%add3A_2192, %dma_wait3A_2213] : memref<32768x128xf32, #tpu.memory_space<hbm>> -> memref<128x128xf32, #tpu.memory_space<hbm>>
    %dma_wait3A_2215 = arith.constant 0 : i32
    %dma_wait3A_2216 = arith.constant 0 : i32
    %dma_wait3A_2217 = tpu.memref_slice %arg7[%dma_wait3A_2206, %dma_wait3A_2215, %dma_wait3A_2216] : memref<6x128x128xf32, #tpu.memory_space<vmem>> -> memref<1x128x128xf32, #tpu.memory_space<vmem>>
    %dma_wait3A_2218 = tpu.memref_squeeze %dma_wait3A_2217 : memref<1x128x128xf32, #tpu.memory_space<vmem>> -> memref<128x128xf32, #tpu.memory_space<vmem>>
    tpu.wait_dma2 semaphore(%arg15 : memref<!tpu.dma_semaphore, #tpu.memory_space<semaphore_mem>>) src(%dma_wait3A_2218 : memref<128x128xf32, #tpu.memory_space<vmem>>) dst(%dma_wait3A_2214 : memref<128x128xf32, #tpu.memory_space<hbm>>)
    %dma_start3A_2219 = arith.constant 6 : i32
    %dma_start3A_2220 = arith.constant 0 : i32
    %dma_start3A_2221 = arith.constant 0 : i32
    %dma_start3A_2222 = arith.constant 0 : i32
    %dma_start3A_2223 = tpu.memref_slice %arg7[%dma_start3A_2220, %dma_start3A_2221, %dma_start3A_2222] : memref<6x128x128xf32, #tpu.memory_space<vmem>> -> memref<1x128x128xf32, #tpu.memory_space<vmem>>
    %dma_start3A_2224 = tpu.memref_squeeze %dma_start3A_2223 : memref<1x128x128xf32, #tpu.memory_space<vmem>> -> memref<128x128xf32, #tpu.memory_space<vmem>>
    %dma_start3A_2225 = arith.constant 0 : i32
    %dma_start3A_2226 = tpu.memref_slice %arg6[%dma_start3A_2219, %dma_start3A_2225] : memref<8x128xi32, #tpu.memory_space<vmem>> -> memref<1x128xi32, #tpu.memory_space<vmem>>
    %dma_start3A_2227 = tpu.memref_squeeze %dma_start3A_2226 : memref<1x128xi32, #tpu.memory_space<vmem>> -> memref<128xi32, #tpu.memory_space<vmem>>
    %dma_start3A_2228 = arith.constant 0 : i32
    %dma_start3A_2229 = arith.constant 0 : i32
    %dma_start3A_2230 = tpu.memref_slice %arg3[%dma_start3A_2228, %dma_start3A_2229] : memref<100000x128xf32, #tpu.memory_space<hbm>> -> memref<100000x128xf32, #tpu.memory_space<hbm>>
    tpu.enqueue_indirect_dma source(%dma_start3A_2230 : memref<100000x128xf32, #tpu.memory_space<hbm>>) target(%dma_start3A_2224 : memref<128x128xf32, #tpu.memory_space<vmem>>) offsets(%dma_start3A_2227 : memref<128xi32, #tpu.memory_space<vmem>>) semaphore(%arg9 : memref<!tpu.dma_semaphore, #tpu.memory_space<semaphore_mem>>)
    %dma_wait3A_2231 = arith.constant 1 : i32
    %dma_wait3A_2232 = arith.constant 1 : i32
    %dma_wait3A_2233 = arith.constant 0 : i32
    %dma_wait3A_2234 = arith.constant 0 : i32
    %dma_wait3A_2235 = tpu.memref_slice %arg7[%dma_wait3A_2232, %dma_wait3A_2233, %dma_wait3A_2234] : memref<6x128x128xf32, #tpu.memory_space<vmem>> -> memref<1x128x128xf32, #tpu.memory_space<vmem>>
    %dma_wait3A_2236 = tpu.memref_squeeze %dma_wait3A_2235 : memref<1x128x128xf32, #tpu.memory_space<vmem>> -> memref<128x128xf32, #tpu.memory_space<vmem>>
    %dma_wait3A_2237 = arith.constant 0 : i32
    %dma_wait3A_2238 = tpu.memref_slice %arg6[%dma_wait3A_2231, %dma_wait3A_2237] : memref<8x128xi32, #tpu.memory_space<vmem>> -> memref<1x128xi32, #tpu.memory_space<vmem>>
    %dma_wait3A_2239 = tpu.memref_squeeze %dma_wait3A_2238 : memref<1x128xi32, #tpu.memory_space<vmem>> -> memref<128xi32, #tpu.memory_space<vmem>>
    %dma_wait3A_2240 = arith.constant 0 : i32
    %dma_wait3A_2241 = arith.constant 0 : i32
    %dma_wait3A_2242 = tpu.memref_slice %arg3[%dma_wait3A_2240, %dma_wait3A_2241] : memref<100000x128xf32, #tpu.memory_space<hbm>> -> memref<100000x128xf32, #tpu.memory_space<hbm>>
    tpu.wait_indirect_dma semaphore(%arg10 : memref<!tpu.dma_semaphore, #tpu.memory_space<semaphore_mem>>) src(%dma_wait3A_2242 : memref<100000x128xf32, #tpu.memory_space<hbm>>) dst(%dma_wait3A_2236 : memref<128x128xf32, #tpu.memory_space<vmem>>)
    %add3A_2243 = arith.constant 128 : i32
    %add3A_2244 = arith.addi %mul3A_2, %add3A_2243 : i32
    %dma_start3A_2245 = arith.constant 1 : i32
    %dma_start3A_2246 = arith.constant 0 : i32
    %dma_start3A_2247 = arith.constant 0 : i32
    %dma_start3A_2248 = tpu.memref_slice %arg7[%dma_start3A_2245, %dma_start3A_2246, %dma_start3A_2247] : memref<6x128x128xf32, #tpu.memory_space<vmem>> -> memref<1x128x128xf32, #tpu.memory_space<vmem>>
    %dma_start3A_2249 = tpu.memref_squeeze %dma_start3A_2248 : memref<1x128x128xf32, #tpu.memory_space<vmem>> -> memref<128x128xf32, #tpu.memory_space<vmem>>
    %dma_start3A_2250 = arith.constant 0 : i32
    %dma_start3A_2251 = tpu.memref_slice %arg4[%add3A_2244, %dma_start3A_2250] : memref<32768x128xf32, #tpu.memory_space<hbm>> -> memref<128x128xf32, #tpu.memory_space<hbm>>
    %dma_start3A_2252 = arith.constant 0 : i32
    %dma_start3A_2253 = tpu.memref_slice %arg4[%add3A_2244, %dma_start3A_2252] : memref<32768x128xf32, #tpu.memory_space<hbm>> -> memref<128x128xf32, #tpu.memory_space<hbm>>
    %dma_start3A_2254 = arith.constant 0 : i32
    %dma_start3A_2255 = arith.constant 0 : i32
    %dma_start3A_2256 = tpu.memref_slice %arg7[%dma_start3A_2245, %dma_start3A_2254, %dma_start3A_2255] : memref<6x128x128xf32, #tpu.memory_space<vmem>> -> memref<1x128x128xf32, #tpu.memory_space<vmem>>
    %dma_start3A_2257 = tpu.memref_squeeze %dma_start3A_2256 : memref<1x128x128xf32, #tpu.memory_space<vmem>> -> memref<128x128xf32, #tpu.memory_space<vmem>>
    tpu.enqueue_dma source(%dma_start3A_2257 : memref<128x128xf32, #tpu.memory_space<vmem>>) target(%dma_start3A_2253 : memref<128x128xf32, #tpu.memory_space<hbm>>) target_semaphore(%arg16 : memref<!tpu.dma_semaphore, #tpu.memory_space<semaphore_mem>>)
    %dma_wait3A_2258 = arith.constant 1 : i32
    %dma_wait3A_2259 = arith.constant 0 : i32
    %dma_wait3A_2260 = arith.constant 0 : i32
    %dma_wait3A_2261 = tpu.memref_slice %arg7[%dma_wait3A_2258, %dma_wait3A_2259, %dma_wait3A_2260] : memref<6x128x128xf32, #tpu.memory_space<vmem>> -> memref<1x128x128xf32, #tpu.memory_space<vmem>>
    %dma_wait3A_2262 = tpu.memref_squeeze %dma_wait3A_2261 : memref<1x128x128xf32, #tpu.memory_space<vmem>> -> memref<128x128xf32, #tpu.memory_space<vmem>>
    %dma_wait3A_2263 = arith.constant 0 : i32
    %dma_wait3A_2264 = tpu.memref_slice %arg4[%add3A_2244, %dma_wait3A_2263] : memref<32768x128xf32, #tpu.memory_space<hbm>> -> memref<128x128xf32, #tpu.memory_space<hbm>>
    %dma_wait3A_2265 = arith.constant 0 : i32
    %dma_wait3A_2266 = tpu.memref_slice %arg4[%add3A_2244, %dma_wait3A_2265] : memref<32768x128xf32, #tpu.memory_space<hbm>> -> memref<128x128xf32, #tpu.memory_space<hbm>>
    %dma_wait3A_2267 = arith.constant 0 : i32
    %dma_wait3A_2268 = arith.constant 0 : i32
    %dma_wait3A_2269 = tpu.memref_slice %arg7[%dma_wait3A_2258, %dma_wait3A_2267, %dma_wait3A_2268] : memref<6x128x128xf32, #tpu.memory_space<vmem>> -> memref<1x128x128xf32, #tpu.memory_space<vmem>>
    %dma_wait3A_2270 = tpu.memref_squeeze %dma_wait3A_2269 : memref<1x128x128xf32, #tpu.memory_space<vmem>> -> memref<128x128xf32, #tpu.memory_space<vmem>>
    tpu.wait_dma2 semaphore(%arg16 : memref<!tpu.dma_semaphore, #tpu.memory_space<semaphore_mem>>) src(%dma_wait3A_2270 : memref<128x128xf32, #tpu.memory_space<vmem>>) dst(%dma_wait3A_2266 : memref<128x128xf32, #tpu.memory_space<hbm>>)
    %dma_start3A_2271 = arith.constant 7 : i32
    %dma_start3A_2272 = arith.constant 1 : i32
    %dma_start3A_2273 = arith.constant 0 : i32
    %dma_start3A_2274 = arith.constant 0 : i32
    %dma_start3A_2275 = tpu.memref_slice %arg7[%dma_start3A_2272, %dma_start3A_2273, %dma_start3A_2274] : memref<6x128x128xf32, #tpu.memory_space<vmem>> -> memref<1x128x128xf32, #tpu.memory_space<vmem>>
    %dma_start3A_2276 = tpu.memref_squeeze %dma_start3A_2275 : memref<1x128x128xf32, #tpu.memory_space<vmem>> -> memref<128x128xf32, #tpu.memory_space<vmem>>
    %dma_start3A_2277 = arith.constant 0 : i32
    %dma_start3A_2278 = tpu.memref_slice %arg6[%dma_start3A_2271, %dma_start3A_2277] : memref<8x128xi32, #tpu.memory_space<vmem>> -> memref<1x128xi32, #tpu.memory_space<vmem>>
    %dma_start3A_2279 = tpu.memref_squeeze %dma_start3A_2278 : memref<1x128xi32, #tpu.memory_space<vmem>> -> memref<128xi32, #tpu.memory_space<vmem>>
    %dma_start3A_2280 = arith.constant 0 : i32
    %dma_start3A_2281 = arith.constant 0 : i32
    %dma_start3A_2282 = tpu.memref_slice %arg3[%dma_start3A_2280, %dma_start3A_2281] : memref<100000x128xf32, #tpu.memory_space<hbm>> -> memref<100000x128xf32, #tpu.memory_space<hbm>>
    tpu.enqueue_indirect_dma source(%dma_start3A_2282 : memref<100000x128xf32, #tpu.memory_space<hbm>>) target(%dma_start3A_2276 : memref<128x128xf32, #tpu.memory_space<vmem>>) offsets(%dma_start3A_2279 : memref<128xi32, #tpu.memory_space<vmem>>) semaphore(%arg10 : memref<!tpu.dma_semaphore, #tpu.memory_space<semaphore_mem>>)
    %dma_wait3A_2283 = arith.constant 2 : i32
    %dma_wait3A_2284 = arith.constant 2 : i32
    %dma_wait3A_2285 = arith.constant 0 : i32
    %dma_wait3A_2286 = arith.constant 0 : i32
    %dma_wait3A_2287 = tpu.memref_slice %arg7[%dma_wait3A_2284, %dma_wait3A_2285, %dma_wait3A_2286] : memref<6x128x128xf32, #tpu.memory_space<vmem>> -> memref<1x128x128xf32, #tpu.memory_space<vmem>>
    %dma_wait3A_2288 = tpu.memref_squeeze %dma_wait3A_2287 : memref<1x128x128xf32, #tpu.memory_space<vmem>> -> memref<128x128xf32, #tpu.memory_space<vmem>>
    %dma_wait3A_2289 = arith.constant 0 : i32
    %dma_wait3A_2290 = tpu.memref_slice %arg6[%dma_wait3A_2283, %dma_wait3A_2289] : memref<8x128xi32, #tpu.memory_space<vmem>> -> memref<1x128xi32, #tpu.memory_space<vmem>>
    %dma_wait3A_2291 = tpu.memref_squeeze %dma_wait3A_2290 : memref<1x128xi32, #tpu.memory_space<vmem>> -> memref<128xi32, #tpu.memory_space<vmem>>
    %dma_wait3A_2292 = arith.constant 0 : i32
    %dma_wait3A_2293 = arith.constant 0 : i32
    %dma_wait3A_2294 = tpu.memref_slice %arg3[%dma_wait3A_2292, %dma_wait3A_2293] : memref<100000x128xf32, #tpu.memory_space<hbm>> -> memref<100000x128xf32, #tpu.memory_space<hbm>>
    tpu.wait_indirect_dma semaphore(%arg11 : memref<!tpu.dma_semaphore, #tpu.memory_space<semaphore_mem>>) src(%dma_wait3A_2294 : memref<100000x128xf32, #tpu.memory_space<hbm>>) dst(%dma_wait3A_2288 : memref<128x128xf32, #tpu.memory_space<vmem>>)
    %add3A_2295 = arith.constant 256 : i32
    %add3A_2296 = arith.addi %mul3A_2, %add3A_2295 : i32
    %dma_start3A_2297 = arith.constant 2 : i32
    %dma_start3A_2298 = arith.constant 0 : i32
    %dma_start3A_2299 = arith.constant 0 : i32
    %dma_start3A_2300 = tpu.memref_slice %arg7[%dma_start3A_2297, %dma_start3A_2298, %dma_start3A_2299] : memref<6x128x128xf32, #tpu.memory_space<vmem>> -> memref<1x128x128xf32, #tpu.memory_space<vmem>>
    %dma_start3A_2301 = tpu.memref_squeeze %dma_start3A_2300 : memref<1x128x128xf32, #tpu.memory_space<vmem>> -> memref<128x128xf32, #tpu.memory_space<vmem>>
    %dma_start3A_2302 = arith.constant 0 : i32
    %dma_start3A_2303 = tpu.memref_slice %arg4[%add3A_2296, %dma_start3A_2302] : memref<32768x128xf32, #tpu.memory_space<hbm>> -> memref<128x128xf32, #tpu.memory_space<hbm>>
    %dma_start3A_2304 = arith.constant 0 : i32
    %dma_start3A_2305 = tpu.memref_slice %arg4[%add3A_2296, %dma_start3A_2304] : memref<32768x128xf32, #tpu.memory_space<hbm>> -> memref<128x128xf32, #tpu.memory_space<hbm>>
    %dma_start3A_2306 = arith.constant 0 : i32
    %dma_start3A_2307 = arith.constant 0 : i32
    %dma_start3A_2308 = tpu.memref_slice %arg7[%dma_start3A_2297, %dma_start3A_2306, %dma_start3A_2307] : memref<6x128x128xf32, #tpu.memory_space<vmem>> -> memref<1x128x128xf32, #tpu.memory_space<vmem>>
    %dma_start3A_2309 = tpu.memref_squeeze %dma_start3A_2308 : memref<1x128x128xf32, #tpu.memory_space<vmem>> -> memref<128x128xf32, #tpu.memory_space<vmem>>
    tpu.enqueue_dma source(%dma_start3A_2309 : memref<128x128xf32, #tpu.memory_space<vmem>>) target(%dma_start3A_2305 : memref<128x128xf32, #tpu.memory_space<hbm>>) target_semaphore(%arg17 : memref<!tpu.dma_semaphore, #tpu.memory_space<semaphore_mem>>)
    %dma_wait3A_2310 = arith.constant 3 : i32
    %dma_wait3A_2311 = arith.constant 3 : i32
    %dma_wait3A_2312 = arith.constant 0 : i32
    %dma_wait3A_2313 = arith.constant 0 : i32
    %dma_wait3A_2314 = tpu.memref_slice %arg7[%dma_wait3A_2311, %dma_wait3A_2312, %dma_wait3A_2313] : memref<6x128x128xf32, #tpu.memory_space<vmem>> -> memref<1x128x128xf32, #tpu.memory_space<vmem>>
    %dma_wait3A_2315 = tpu.memref_squeeze %dma_wait3A_2314 : memref<1x128x128xf32, #tpu.memory_space<vmem>> -> memref<128x128xf32, #tpu.memory_space<vmem>>
    %dma_wait3A_2316 = arith.constant 0 : i32
    %dma_wait3A_2317 = tpu.memref_slice %arg6[%dma_wait3A_2310, %dma_wait3A_2316] : memref<8x128xi32, #tpu.memory_space<vmem>> -> memref<1x128xi32, #tpu.memory_space<vmem>>
    %dma_wait3A_2318 = tpu.memref_squeeze %dma_wait3A_2317 : memref<1x128xi32, #tpu.memory_space<vmem>> -> memref<128xi32, #tpu.memory_space<vmem>>
    %dma_wait3A_2319 = arith.constant 0 : i32
    %dma_wait3A_2320 = arith.constant 0 : i32
    %dma_wait3A_2321 = tpu.memref_slice %arg3[%dma_wait3A_2319, %dma_wait3A_2320] : memref<100000x128xf32, #tpu.memory_space<hbm>> -> memref<100000x128xf32, #tpu.memory_space<hbm>>
    tpu.wait_indirect_dma semaphore(%arg12 : memref<!tpu.dma_semaphore, #tpu.memory_space<semaphore_mem>>) src(%dma_wait3A_2321 : memref<100000x128xf32, #tpu.memory_space<hbm>>) dst(%dma_wait3A_2315 : memref<128x128xf32, #tpu.memory_space<vmem>>)
    %add3A_2322 = arith.constant 384 : i32
    %add3A_2323 = arith.addi %mul3A_2, %add3A_2322 : i32
    %dma_start3A_2324 = arith.constant 3 : i32
    %dma_start3A_2325 = arith.constant 0 : i32
    %dma_start3A_2326 = arith.constant 0 : i32
    %dma_start3A_2327 = tpu.memref_slice %arg7[%dma_start3A_2324, %dma_start3A_2325, %dma_start3A_2326] : memref<6x128x128xf32, #tpu.memory_space<vmem>> -> memref<1x128x128xf32, #tpu.memory_space<vmem>>
    %dma_start3A_2328 = tpu.memref_squeeze %dma_start3A_2327 : memref<1x128x128xf32, #tpu.memory_space<vmem>> -> memref<128x128xf32, #tpu.memory_space<vmem>>
    %dma_start3A_2329 = arith.constant 0 : i32
    %dma_start3A_2330 = tpu.memref_slice %arg4[%add3A_2323, %dma_start3A_2329] : memref<32768x128xf32, #tpu.memory_space<hbm>> -> memref<128x128xf32, #tpu.memory_space<hbm>>
    %dma_start3A_2331 = arith.constant 0 : i32
    %dma_start3A_2332 = tpu.memref_slice %arg4[%add3A_2323, %dma_start3A_2331] : memref<32768x128xf32, #tpu.memory_space<hbm>> -> memref<128x128xf32, #tpu.memory_space<hbm>>
    %dma_start3A_2333 = arith.constant 0 : i32
    %dma_start3A_2334 = arith.constant 0 : i32
    %dma_start3A_2335 = tpu.memref_slice %arg7[%dma_start3A_2324, %dma_start3A_2333, %dma_start3A_2334] : memref<6x128x128xf32, #tpu.memory_space<vmem>> -> memref<1x128x128xf32, #tpu.memory_space<vmem>>
    %dma_start3A_2336 = tpu.memref_squeeze %dma_start3A_2335 : memref<1x128x128xf32, #tpu.memory_space<vmem>> -> memref<128x128xf32, #tpu.memory_space<vmem>>
    tpu.enqueue_dma source(%dma_start3A_2336 : memref<128x128xf32, #tpu.memory_space<vmem>>) target(%dma_start3A_2332 : memref<128x128xf32, #tpu.memory_space<hbm>>) target_semaphore(%arg18 : memref<!tpu.dma_semaphore, #tpu.memory_space<semaphore_mem>>)
    %dma_wait3A_2337 = arith.constant 4 : i32
    %dma_wait3A_2338 = arith.constant 4 : i32
    %dma_wait3A_2339 = arith.constant 0 : i32
    %dma_wait3A_2340 = arith.constant 0 : i32
    %dma_wait3A_2341 = tpu.memref_slice %arg7[%dma_wait3A_2338, %dma_wait3A_2339, %dma_wait3A_2340] : memref<6x128x128xf32, #tpu.memory_space<vmem>> -> memref<1x128x128xf32, #tpu.memory_space<vmem>>
    %dma_wait3A_2342 = tpu.memref_squeeze %dma_wait3A_2341 : memref<1x128x128xf32, #tpu.memory_space<vmem>> -> memref<128x128xf32, #tpu.memory_space<vmem>>
    %dma_wait3A_2343 = arith.constant 0 : i32
    %dma_wait3A_2344 = tpu.memref_slice %arg6[%dma_wait3A_2337, %dma_wait3A_2343] : memref<8x128xi32, #tpu.memory_space<vmem>> -> memref<1x128xi32, #tpu.memory_space<vmem>>
    %dma_wait3A_2345 = tpu.memref_squeeze %dma_wait3A_2344 : memref<1x128xi32, #tpu.memory_space<vmem>> -> memref<128xi32, #tpu.memory_space<vmem>>
    %dma_wait3A_2346 = arith.constant 0 : i32
    %dma_wait3A_2347 = arith.constant 0 : i32
    %dma_wait3A_2348 = tpu.memref_slice %arg3[%dma_wait3A_2346, %dma_wait3A_2347] : memref<100000x128xf32, #tpu.memory_space<hbm>> -> memref<100000x128xf32, #tpu.memory_space<hbm>>
    tpu.wait_indirect_dma semaphore(%arg13 : memref<!tpu.dma_semaphore, #tpu.memory_space<semaphore_mem>>) src(%dma_wait3A_2348 : memref<100000x128xf32, #tpu.memory_space<hbm>>) dst(%dma_wait3A_2342 : memref<128x128xf32, #tpu.memory_space<vmem>>)
    %add3A_2349 = arith.constant 512 : i32
    %add3A_2350 = arith.addi %mul3A_2, %add3A_2349 : i32
    %dma_start3A_2351 = arith.constant 4 : i32
    %dma_start3A_2352 = arith.constant 0 : i32
    %dma_start3A_2353 = arith.constant 0 : i32
    %dma_start3A_2354 = tpu.memref_slice %arg7[%dma_start3A_2351, %dma_start3A_2352, %dma_start3A_2353] : memref<6x128x128xf32, #tpu.memory_space<vmem>> -> memref<1x128x128xf32, #tpu.memory_space<vmem>>
    %dma_start3A_2355 = tpu.memref_squeeze %dma_start3A_2354 : memref<1x128x128xf32, #tpu.memory_space<vmem>> -> memref<128x128xf32, #tpu.memory_space<vmem>>
    %dma_start3A_2356 = arith.constant 0 : i32
    %dma_start3A_2357 = tpu.memref_slice %arg4[%add3A_2350, %dma_start3A_2356] : memref<32768x128xf32, #tpu.memory_space<hbm>> -> memref<128x128xf32, #tpu.memory_space<hbm>>
    %dma_start3A_2358 = arith.constant 0 : i32
    %dma_start3A_2359 = tpu.memref_slice %arg4[%add3A_2350, %dma_start3A_2358] : memref<32768x128xf32, #tpu.memory_space<hbm>> -> memref<128x128xf32, #tpu.memory_space<hbm>>
    %dma_start3A_2360 = arith.constant 0 : i32
    %dma_start3A_2361 = arith.constant 0 : i32
    %dma_start3A_2362 = tpu.memref_slice %arg7[%dma_start3A_2351, %dma_start3A_2360, %dma_start3A_2361] : memref<6x128x128xf32, #tpu.memory_space<vmem>> -> memref<1x128x128xf32, #tpu.memory_space<vmem>>
    %dma_start3A_2363 = tpu.memref_squeeze %dma_start3A_2362 : memref<1x128x128xf32, #tpu.memory_space<vmem>> -> memref<128x128xf32, #tpu.memory_space<vmem>>
    tpu.enqueue_dma source(%dma_start3A_2363 : memref<128x128xf32, #tpu.memory_space<vmem>>) target(%dma_start3A_2359 : memref<128x128xf32, #tpu.memory_space<hbm>>) target_semaphore(%arg19 : memref<!tpu.dma_semaphore, #tpu.memory_space<semaphore_mem>>)
    %dma_wait3A_2364 = arith.constant 5 : i32
    %dma_wait3A_2365 = arith.constant 5 : i32
    %dma_wait3A_2366 = arith.constant 0 : i32
    %dma_wait3A_2367 = arith.constant 0 : i32
    %dma_wait3A_2368 = tpu.memref_slice %arg7[%dma_wait3A_2365, %dma_wait3A_2366, %dma_wait3A_2367] : memref<6x128x128xf32, #tpu.memory_space<vmem>> -> memref<1x128x128xf32, #tpu.memory_space<vmem>>
    %dma_wait3A_2369 = tpu.memref_squeeze %dma_wait3A_2368 : memref<1x128x128xf32, #tpu.memory_space<vmem>> -> memref<128x128xf32, #tpu.memory_space<vmem>>
    %dma_wait3A_2370 = arith.constant 0 : i32
    %dma_wait3A_2371 = tpu.memref_slice %arg6[%dma_wait3A_2364, %dma_wait3A_2370] : memref<8x128xi32, #tpu.memory_space<vmem>> -> memref<1x128xi32, #tpu.memory_space<vmem>>
    %dma_wait3A_2372 = tpu.memref_squeeze %dma_wait3A_2371 : memref<1x128xi32, #tpu.memory_space<vmem>> -> memref<128xi32, #tpu.memory_space<vmem>>
    %dma_wait3A_2373 = arith.constant 0 : i32
    %dma_wait3A_2374 = arith.constant 0 : i32
    %dma_wait3A_2375 = tpu.memref_slice %arg3[%dma_wait3A_2373, %dma_wait3A_2374] : memref<100000x128xf32, #tpu.memory_space<hbm>> -> memref<100000x128xf32, #tpu.memory_space<hbm>>
    tpu.wait_indirect_dma semaphore(%arg14 : memref<!tpu.dma_semaphore, #tpu.memory_space<semaphore_mem>>) src(%dma_wait3A_2375 : memref<100000x128xf32, #tpu.memory_space<hbm>>) dst(%dma_wait3A_2369 : memref<128x128xf32, #tpu.memory_space<vmem>>)
    %add3A_2376 = arith.constant 640 : i32
    %add3A_2377 = arith.addi %mul3A_2, %add3A_2376 : i32
    %dma_start3A_2378 = arith.constant 5 : i32
    %dma_start3A_2379 = arith.constant 0 : i32
    %dma_start3A_2380 = arith.constant 0 : i32
    %dma_start3A_2381 = tpu.memref_slice %arg7[%dma_start3A_2378, %dma_start3A_2379, %dma_start3A_2380] : memref<6x128x128xf32, #tpu.memory_space<vmem>> -> memref<1x128x128xf32, #tpu.memory_space<vmem>>
    %dma_start3A_2382 = tpu.memref_squeeze %dma_start3A_2381 : memref<1x128x128xf32, #tpu.memory_space<vmem>> -> memref<128x128xf32, #tpu.memory_space<vmem>>
    %dma_start3A_2383 = arith.constant 0 : i32
    %dma_start3A_2384 = tpu.memref_slice %arg4[%add3A_2377, %dma_start3A_2383] : memref<32768x128xf32, #tpu.memory_space<hbm>> -> memref<128x128xf32, #tpu.memory_space<hbm>>
    %dma_start3A_2385 = arith.constant 0 : i32
    %dma_start3A_2386 = tpu.memref_slice %arg4[%add3A_2377, %dma_start3A_2385] : memref<32768x128xf32, #tpu.memory_space<hbm>> -> memref<128x128xf32, #tpu.memory_space<hbm>>
    %dma_start3A_2387 = arith.constant 0 : i32
    %dma_start3A_2388 = arith.constant 0 : i32
    %dma_start3A_2389 = tpu.memref_slice %arg7[%dma_start3A_2378, %dma_start3A_2387, %dma_start3A_2388] : memref<6x128x128xf32, #tpu.memory_space<vmem>> -> memref<1x128x128xf32, #tpu.memory_space<vmem>>
    %dma_start3A_2390 = tpu.memref_squeeze %dma_start3A_2389 : memref<1x128x128xf32, #tpu.memory_space<vmem>> -> memref<128x128xf32, #tpu.memory_space<vmem>>
    tpu.enqueue_dma source(%dma_start3A_2390 : memref<128x128xf32, #tpu.memory_space<vmem>>) target(%dma_start3A_2386 : memref<128x128xf32, #tpu.memory_space<hbm>>) target_semaphore(%arg20 : memref<!tpu.dma_semaphore, #tpu.memory_space<semaphore_mem>>)
    %dma_wait3A_2391 = arith.constant 6 : i32
    %dma_wait3A_2392 = arith.constant 0 : i32
    %dma_wait3A_2393 = arith.constant 0 : i32
    %dma_wait3A_2394 = arith.constant 0 : i32
    %dma_wait3A_2395 = tpu.memref_slice %arg7[%dma_wait3A_2392, %dma_wait3A_2393, %dma_wait3A_2394] : memref<6x128x128xf32, #tpu.memory_space<vmem>> -> memref<1x128x128xf32, #tpu.memory_space<vmem>>
    %dma_wait3A_2396 = tpu.memref_squeeze %dma_wait3A_2395 : memref<1x128x128xf32, #tpu.memory_space<vmem>> -> memref<128x128xf32, #tpu.memory_space<vmem>>
    %dma_wait3A_2397 = arith.constant 0 : i32
    %dma_wait3A_2398 = tpu.memref_slice %arg6[%dma_wait3A_2391, %dma_wait3A_2397] : memref<8x128xi32, #tpu.memory_space<vmem>> -> memref<1x128xi32, #tpu.memory_space<vmem>>
    %dma_wait3A_2399 = tpu.memref_squeeze %dma_wait3A_2398 : memref<1x128xi32, #tpu.memory_space<vmem>> -> memref<128xi32, #tpu.memory_space<vmem>>
    %dma_wait3A_2400 = arith.constant 0 : i32
    %dma_wait3A_2401 = arith.constant 0 : i32
    %dma_wait3A_2402 = tpu.memref_slice %arg3[%dma_wait3A_2400, %dma_wait3A_2401] : memref<100000x128xf32, #tpu.memory_space<hbm>> -> memref<100000x128xf32, #tpu.memory_space<hbm>>
    tpu.wait_indirect_dma semaphore(%arg9 : memref<!tpu.dma_semaphore, #tpu.memory_space<semaphore_mem>>) src(%dma_wait3A_2402 : memref<100000x128xf32, #tpu.memory_space<hbm>>) dst(%dma_wait3A_2396 : memref<128x128xf32, #tpu.memory_space<vmem>>)
    %add3A_2403 = arith.constant 768 : i32
    %add3A_2404 = arith.addi %mul3A_2, %add3A_2403 : i32
    %dma_start3A_2405 = arith.constant 0 : i32
    %dma_start3A_2406 = arith.constant 0 : i32
    %dma_start3A_2407 = arith.constant 0 : i32
    %dma_start3A_2408 = tpu.memref_slice %arg7[%dma_start3A_2405, %dma_start3A_2406, %dma_start3A_2407] : memref<6x128x128xf32, #tpu.memory_space<vmem>> -> memref<1x128x128xf32, #tpu.memory_space<vmem>>
    %dma_start3A_2409 = tpu.memref_squeeze %dma_start3A_2408 : memref<1x128x128xf32, #tpu.memory_space<vmem>> -> memref<128x128xf32, #tpu.memory_space<vmem>>
    %dma_start3A_2410 = arith.constant 0 : i32
    %dma_start3A_2411 = tpu.memref_slice %arg4[%add3A_2404, %dma_start3A_2410] : memref<32768x128xf32, #tpu.memory_space<hbm>> -> memref<128x128xf32, #tpu.memory_space<hbm>>
    %dma_start3A_2412 = arith.constant 0 : i32
    %dma_start3A_2413 = tpu.memref_slice %arg4[%add3A_2404, %dma_start3A_2412] : memref<32768x128xf32, #tpu.memory_space<hbm>> -> memref<128x128xf32, #tpu.memory_space<hbm>>
    %dma_start3A_2414 = arith.constant 0 : i32
    %dma_start3A_2415 = arith.constant 0 : i32
    %dma_start3A_2416 = tpu.memref_slice %arg7[%dma_start3A_2405, %dma_start3A_2414, %dma_start3A_2415] : memref<6x128x128xf32, #tpu.memory_space<vmem>> -> memref<1x128x128xf32, #tpu.memory_space<vmem>>
    %dma_start3A_2417 = tpu.memref_squeeze %dma_start3A_2416 : memref<1x128x128xf32, #tpu.memory_space<vmem>> -> memref<128x128xf32, #tpu.memory_space<vmem>>
    tpu.enqueue_dma source(%dma_start3A_2417 : memref<128x128xf32, #tpu.memory_space<vmem>>) target(%dma_start3A_2413 : memref<128x128xf32, #tpu.memory_space<hbm>>) target_semaphore(%arg15 : memref<!tpu.dma_semaphore, #tpu.memory_space<semaphore_mem>>)
    %dma_wait3A_2418 = arith.constant 7 : i32
    %dma_wait3A_2419 = arith.constant 1 : i32
    %dma_wait3A_2420 = arith.constant 0 : i32
    %dma_wait3A_2421 = arith.constant 0 : i32
    %dma_wait3A_2422 = tpu.memref_slice %arg7[%dma_wait3A_2419, %dma_wait3A_2420, %dma_wait3A_2421] : memref<6x128x128xf32, #tpu.memory_space<vmem>> -> memref<1x128x128xf32, #tpu.memory_space<vmem>>
    %dma_wait3A_2423 = tpu.memref_squeeze %dma_wait3A_2422 : memref<1x128x128xf32, #tpu.memory_space<vmem>> -> memref<128x128xf32, #tpu.memory_space<vmem>>
    %dma_wait3A_2424 = arith.constant 0 : i32
    %dma_wait3A_2425 = tpu.memref_slice %arg6[%dma_wait3A_2418, %dma_wait3A_2424] : memref<8x128xi32, #tpu.memory_space<vmem>> -> memref<1x128xi32, #tpu.memory_space<vmem>>
    %dma_wait3A_2426 = tpu.memref_squeeze %dma_wait3A_2425 : memref<1x128xi32, #tpu.memory_space<vmem>> -> memref<128xi32, #tpu.memory_space<vmem>>
    %dma_wait3A_2427 = arith.constant 0 : i32
    %dma_wait3A_2428 = arith.constant 0 : i32
    %dma_wait3A_2429 = tpu.memref_slice %arg3[%dma_wait3A_2427, %dma_wait3A_2428] : memref<100000x128xf32, #tpu.memory_space<hbm>> -> memref<100000x128xf32, #tpu.memory_space<hbm>>
    tpu.wait_indirect_dma semaphore(%arg10 : memref<!tpu.dma_semaphore, #tpu.memory_space<semaphore_mem>>) src(%dma_wait3A_2429 : memref<100000x128xf32, #tpu.memory_space<hbm>>) dst(%dma_wait3A_2423 : memref<128x128xf32, #tpu.memory_space<vmem>>)
    %add3A_2430 = arith.constant 896 : i32
    %add3A_2431 = arith.addi %mul3A_2, %add3A_2430 : i32
    %dma_start3A_2432 = arith.constant 1 : i32
    %dma_start3A_2433 = arith.constant 0 : i32
    %dma_start3A_2434 = arith.constant 0 : i32
    %dma_start3A_2435 = tpu.memref_slice %arg7[%dma_start3A_2432, %dma_start3A_2433, %dma_start3A_2434] : memref<6x128x128xf32, #tpu.memory_space<vmem>> -> memref<1x128x128xf32, #tpu.memory_space<vmem>>
    %dma_start3A_2436 = tpu.memref_squeeze %dma_start3A_2435 : memref<1x128x128xf32, #tpu.memory_space<vmem>> -> memref<128x128xf32, #tpu.memory_space<vmem>>
    %dma_start3A_2437 = arith.constant 0 : i32
    %dma_start3A_2438 = tpu.memref_slice %arg4[%add3A_2431, %dma_start3A_2437] : memref<32768x128xf32, #tpu.memory_space<hbm>> -> memref<128x128xf32, #tpu.memory_space<hbm>>
    %dma_start3A_2439 = arith.constant 0 : i32
    %dma_start3A_2440 = tpu.memref_slice %arg4[%add3A_2431, %dma_start3A_2439] : memref<32768x128xf32, #tpu.memory_space<hbm>> -> memref<128x128xf32, #tpu.memory_space<hbm>>
    %dma_start3A_2441 = arith.constant 0 : i32
    %dma_start3A_2442 = arith.constant 0 : i32
    %dma_start3A_2443 = tpu.memref_slice %arg7[%dma_start3A_2432, %dma_start3A_2441, %dma_start3A_2442] : memref<6x128x128xf32, #tpu.memory_space<vmem>> -> memref<1x128x128xf32, #tpu.memory_space<vmem>>
    %dma_start3A_2444 = tpu.memref_squeeze %dma_start3A_2443 : memref<1x128x128xf32, #tpu.memory_space<vmem>> -> memref<128x128xf32, #tpu.memory_space<vmem>>
    tpu.enqueue_dma source(%dma_start3A_2444 : memref<128x128xf32, #tpu.memory_space<vmem>>) target(%dma_start3A_2440 : memref<128x128xf32, #tpu.memory_space<hbm>>) target_semaphore(%arg16 : memref<!tpu.dma_semaphore, #tpu.memory_space<semaphore_mem>>)
    %dma_wait3A_2445 = arith.constant 2 : i32
    %dma_wait3A_2446 = arith.constant 0 : i32
    %dma_wait3A_2447 = arith.constant 0 : i32
    %dma_wait3A_2448 = tpu.memref_slice %arg7[%dma_wait3A_2445, %dma_wait3A_2446, %dma_wait3A_2447] : memref<6x128x128xf32, #tpu.memory_space<vmem>> -> memref<1x128x128xf32, #tpu.memory_space<vmem>>
    %dma_wait3A_2449 = tpu.memref_squeeze %dma_wait3A_2448 : memref<1x128x128xf32, #tpu.memory_space<vmem>> -> memref<128x128xf32, #tpu.memory_space<vmem>>
    %dma_wait3A_2450 = arith.constant 0 : i32
    %dma_wait3A_2451 = tpu.memref_slice %arg4[%add3A_2296, %dma_wait3A_2450] : memref<32768x128xf32, #tpu.memory_space<hbm>> -> memref<128x128xf32, #tpu.memory_space<hbm>>
    %dma_wait3A_2452 = arith.constant 0 : i32
    %dma_wait3A_2453 = tpu.memref_slice %arg4[%add3A_2296, %dma_wait3A_2452] : memref<32768x128xf32, #tpu.memory_space<hbm>> -> memref<128x128xf32, #tpu.memory_space<hbm>>
    %dma_wait3A_2454 = arith.constant 0 : i32
    %dma_wait3A_2455 = arith.constant 0 : i32
    %dma_wait3A_2456 = tpu.memref_slice %arg7[%dma_wait3A_2445, %dma_wait3A_2454, %dma_wait3A_2455] : memref<6x128x128xf32, #tpu.memory_space<vmem>> -> memref<1x128x128xf32, #tpu.memory_space<vmem>>
    %dma_wait3A_2457 = tpu.memref_squeeze %dma_wait3A_2456 : memref<1x128x128xf32, #tpu.memory_space<vmem>> -> memref<128x128xf32, #tpu.memory_space<vmem>>
    tpu.wait_dma2 semaphore(%arg17 : memref<!tpu.dma_semaphore, #tpu.memory_space<semaphore_mem>>) src(%dma_wait3A_2457 : memref<128x128xf32, #tpu.memory_space<vmem>>) dst(%dma_wait3A_2453 : memref<128x128xf32, #tpu.memory_space<hbm>>)
    %dma_wait3A_2458 = arith.constant 3 : i32
    %dma_wait3A_2459 = arith.constant 0 : i32
    %dma_wait3A_2460 = arith.constant 0 : i32
    %dma_wait3A_2461 = tpu.memref_slice %arg7[%dma_wait3A_2458, %dma_wait3A_2459, %dma_wait3A_2460] : memref<6x128x128xf32, #tpu.memory_space<vmem>> -> memref<1x128x128xf32, #tpu.memory_space<vmem>>
    %dma_wait3A_2462 = tpu.memref_squeeze %dma_wait3A_2461 : memref<1x128x128xf32, #tpu.memory_space<vmem>> -> memref<128x128xf32, #tpu.memory_space<vmem>>
    %dma_wait3A_2463 = arith.constant 0 : i32
    %dma_wait3A_2464 = tpu.memref_slice %arg4[%add3A_2323, %dma_wait3A_2463] : memref<32768x128xf32, #tpu.memory_space<hbm>> -> memref<128x128xf32, #tpu.memory_space<hbm>>
    %dma_wait3A_2465 = arith.constant 0 : i32
    %dma_wait3A_2466 = tpu.memref_slice %arg4[%add3A_2323, %dma_wait3A_2465] : memref<32768x128xf32, #tpu.memory_space<hbm>> -> memref<128x128xf32, #tpu.memory_space<hbm>>
    %dma_wait3A_2467 = arith.constant 0 : i32
    %dma_wait3A_2468 = arith.constant 0 : i32
    %dma_wait3A_2469 = tpu.memref_slice %arg7[%dma_wait3A_2458, %dma_wait3A_2467, %dma_wait3A_2468] : memref<6x128x128xf32, #tpu.memory_space<vmem>> -> memref<1x128x128xf32, #tpu.memory_space<vmem>>
    %dma_wait3A_2470 = tpu.memref_squeeze %dma_wait3A_2469 : memref<1x128x128xf32, #tpu.memory_space<vmem>> -> memref<128x128xf32, #tpu.memory_space<vmem>>
    tpu.wait_dma2 semaphore(%arg18 : memref<!tpu.dma_semaphore, #tpu.memory_space<semaphore_mem>>) src(%dma_wait3A_2470 : memref<128x128xf32, #tpu.memory_space<vmem>>) dst(%dma_wait3A_2466 : memref<128x128xf32, #tpu.memory_space<hbm>>)
    %dma_wait3A_2471 = arith.constant 4 : i32
    %dma_wait3A_2472 = arith.constant 0 : i32
    %dma_wait3A_2473 = arith.constant 0 : i32
    %dma_wait3A_2474 = tpu.memref_slice %arg7[%dma_wait3A_2471, %dma_wait3A_2472, %dma_wait3A_2473] : memref<6x128x128xf32, #tpu.memory_space<vmem>> -> memref<1x128x128xf32, #tpu.memory_space<vmem>>
    %dma_wait3A_2475 = tpu.memref_squeeze %dma_wait3A_2474 : memref<1x128x128xf32, #tpu.memory_space<vmem>> -> memref<128x128xf32, #tpu.memory_space<vmem>>
    %dma_wait3A_2476 = arith.constant 0 : i32
    %dma_wait3A_2477 = tpu.memref_slice %arg4[%add3A_2350, %dma_wait3A_2476] : memref<32768x128xf32, #tpu.memory_space<hbm>> -> memref<128x128xf32, #tpu.memory_space<hbm>>
    %dma_wait3A_2478 = arith.constant 0 : i32
    %dma_wait3A_2479 = tpu.memref_slice %arg4[%add3A_2350, %dma_wait3A_2478] : memref<32768x128xf32, #tpu.memory_space<hbm>> -> memref<128x128xf32, #tpu.memory_space<hbm>>
    %dma_wait3A_2480 = arith.constant 0 : i32
    %dma_wait3A_2481 = arith.constant 0 : i32
    %dma_wait3A_2482 = tpu.memref_slice %arg7[%dma_wait3A_2471, %dma_wait3A_2480, %dma_wait3A_2481] : memref<6x128x128xf32, #tpu.memory_space<vmem>> -> memref<1x128x128xf32, #tpu.memory_space<vmem>>
    %dma_wait3A_2483 = tpu.memref_squeeze %dma_wait3A_2482 : memref<1x128x128xf32, #tpu.memory_space<vmem>> -> memref<128x128xf32, #tpu.memory_space<vmem>>
    tpu.wait_dma2 semaphore(%arg19 : memref<!tpu.dma_semaphore, #tpu.memory_space<semaphore_mem>>) src(%dma_wait3A_2483 : memref<128x128xf32, #tpu.memory_space<vmem>>) dst(%dma_wait3A_2479 : memref<128x128xf32, #tpu.memory_space<hbm>>)
    %dma_wait3A_2484 = arith.constant 5 : i32
    %dma_wait3A_2485 = arith.constant 0 : i32
    %dma_wait3A_2486 = arith.constant 0 : i32
    %dma_wait3A_2487 = tpu.memref_slice %arg7[%dma_wait3A_2484, %dma_wait3A_2485, %dma_wait3A_2486] : memref<6x128x128xf32, #tpu.memory_space<vmem>> -> memref<1x128x128xf32, #tpu.memory_space<vmem>>
    %dma_wait3A_2488 = tpu.memref_squeeze %dma_wait3A_2487 : memref<1x128x128xf32, #tpu.memory_space<vmem>> -> memref<128x128xf32, #tpu.memory_space<vmem>>
    %dma_wait3A_2489 = arith.constant 0 : i32
    %dma_wait3A_2490 = tpu.memref_slice %arg4[%add3A_2377, %dma_wait3A_2489] : memref<32768x128xf32, #tpu.memory_space<hbm>> -> memref<128x128xf32, #tpu.memory_space<hbm>>
    %dma_wait3A_2491 = arith.constant 0 : i32
    %dma_wait3A_2492 = tpu.memref_slice %arg4[%add3A_2377, %dma_wait3A_2491] : memref<32768x128xf32, #tpu.memory_space<hbm>> -> memref<128x128xf32, #tpu.memory_space<hbm>>
    %dma_wait3A_2493 = arith.constant 0 : i32
    %dma_wait3A_2494 = arith.constant 0 : i32
    %dma_wait3A_2495 = tpu.memref_slice %arg7[%dma_wait3A_2484, %dma_wait3A_2493, %dma_wait3A_2494] : memref<6x128x128xf32, #tpu.memory_space<vmem>> -> memref<1x128x128xf32, #tpu.memory_space<vmem>>
    %dma_wait3A_2496 = tpu.memref_squeeze %dma_wait3A_2495 : memref<1x128x128xf32, #tpu.memory_space<vmem>> -> memref<128x128xf32, #tpu.memory_space<vmem>>
    tpu.wait_dma2 semaphore(%arg20 : memref<!tpu.dma_semaphore, #tpu.memory_space<semaphore_mem>>) src(%dma_wait3A_2496 : memref<128x128xf32, #tpu.memory_space<vmem>>) dst(%dma_wait3A_2492 : memref<128x128xf32, #tpu.memory_space<hbm>>)
    %dma_wait3A_2497 = arith.constant 0 : i32
    %dma_wait3A_2498 = arith.constant 0 : i32
    %dma_wait3A_2499 = arith.constant 0 : i32
    %dma_wait3A_2500 = tpu.memref_slice %arg7[%dma_wait3A_2497, %dma_wait3A_2498, %dma_wait3A_2499] : memref<6x128x128xf32, #tpu.memory_space<vmem>> -> memref<1x128x128xf32, #tpu.memory_space<vmem>>
    %dma_wait3A_2501 = tpu.memref_squeeze %dma_wait3A_2500 : memref<1x128x128xf32, #tpu.memory_space<vmem>> -> memref<128x128xf32, #tpu.memory_space<vmem>>
    %dma_wait3A_2502 = arith.constant 0 : i32
    %dma_wait3A_2503 = tpu.memref_slice %arg4[%add3A_2404, %dma_wait3A_2502] : memref<32768x128xf32, #tpu.memory_space<hbm>> -> memref<128x128xf32, #tpu.memory_space<hbm>>
    %dma_wait3A_2504 = arith.constant 0 : i32
    %dma_wait3A_2505 = tpu.memref_slice %arg4[%add3A_2404, %dma_wait3A_2504] : memref<32768x128xf32, #tpu.memory_space<hbm>> -> memref<128x128xf32, #tpu.memory_space<hbm>>
    %dma_wait3A_2506 = arith.constant 0 : i32
    %dma_wait3A_2507 = arith.constant 0 : i32
    %dma_wait3A_2508 = tpu.memref_slice %arg7[%dma_wait3A_2497, %dma_wait3A_2506, %dma_wait3A_2507] : memref<6x128x128xf32, #tpu.memory_space<vmem>> -> memref<1x128x128xf32, #tpu.memory_space<vmem>>
    %dma_wait3A_2509 = tpu.memref_squeeze %dma_wait3A_2508 : memref<1x128x128xf32, #tpu.memory_space<vmem>> -> memref<128x128xf32, #tpu.memory_space<vmem>>
    tpu.wait_dma2 semaphore(%arg15 : memref<!tpu.dma_semaphore, #tpu.memory_space<semaphore_mem>>) src(%dma_wait3A_2509 : memref<128x128xf32, #tpu.memory_space<vmem>>) dst(%dma_wait3A_2505 : memref<128x128xf32, #tpu.memory_space<hbm>>)
    %dma_wait3A_2510 = arith.constant 1 : i32
    %dma_wait3A_2511 = arith.constant 0 : i32
    %dma_wait3A_2512 = arith.constant 0 : i32
    %dma_wait3A_2513 = tpu.memref_slice %arg7[%dma_wait3A_2510, %dma_wait3A_2511, %dma_wait3A_2512] : memref<6x128x128xf32, #tpu.memory_space<vmem>> -> memref<1x128x128xf32, #tpu.memory_space<vmem>>
    %dma_wait3A_2514 = tpu.memref_squeeze %dma_wait3A_2513 : memref<1x128x128xf32, #tpu.memory_space<vmem>> -> memref<128x128xf32, #tpu.memory_space<vmem>>
    %dma_wait3A_2515 = arith.constant 0 : i32
    %dma_wait3A_2516 = tpu.memref_slice %arg4[%add3A_2431, %dma_wait3A_2515] : memref<32768x128xf32, #tpu.memory_space<hbm>> -> memref<128x128xf32, #tpu.memory_space<hbm>>
    %dma_wait3A_2517 = arith.constant 0 : i32
    %dma_wait3A_2518 = tpu.memref_slice %arg4[%add3A_2431, %dma_wait3A_2517] : memref<32768x128xf32, #tpu.memory_space<hbm>> -> memref<128x128xf32, #tpu.memory_space<hbm>>
    %dma_wait3A_2519 = arith.constant 0 : i32
    %dma_wait3A_2520 = arith.constant 0 : i32
    %dma_wait3A_2521 = tpu.memref_slice %arg7[%dma_wait3A_2510, %dma_wait3A_2519, %dma_wait3A_2520] : memref<6x128x128xf32, #tpu.memory_space<vmem>> -> memref<1x128x128xf32, #tpu.memory_space<vmem>>
    %dma_wait3A_2522 = tpu.memref_squeeze %dma_wait3A_2521 : memref<1x128x128xf32, #tpu.memory_space<vmem>> -> memref<128x128xf32, #tpu.memory_space<vmem>>
    tpu.wait_dma2 semaphore(%arg16 : memref<!tpu.dma_semaphore, #tpu.memory_space<semaphore_mem>>) src(%dma_wait3A_2522 : memref<128x128xf32, #tpu.memory_space<vmem>>) dst(%dma_wait3A_2518 : memref<128x128xf32, #tpu.memory_space<hbm>>)
    %scan3A = arith.constant 0 : i32
    %scan3A_2523 = arith.constant 0 : i32
    %scan3A_2524 = arith.constant 64 : i32
    %scan3A_2525 = arith.addi %scan3A_2523, %scan3A_2524 : i32
    %scan3A_2526 = arith.constant 1 : i32
    %scan3A_2527 = scf.for %scan3A_2538 = %scan3A_2523 to %scan3A_2525 step %scan3A_2526 iter_args(%scan3A_2539 = %scan3A) -> (i32)  : i32 {
      %mul3A_2540 = arith.constant 16 : i32
      %mul3A_2541 = arith.muli %scan3A_2538, %mul3A_2540 : i32
      %get3A_2542 = arith.index_cast %mul3A_2541 : i32 to index
      %get3A_2543 = tpu.vector_load %arg5[%get3A_2542] {strides = array<i32>} : memref<1024xi32, #tpu.memory_space<vmem>>, vector<16xi32>,
      %get3A_2544 = vector.shape_cast %get3A_2543 : vector<16xi32> to vector<16xi32>
      %eq3A_2545 = arith.constant -200 : i32
      %eq3A_2546 = vector.broadcast %eq3A_2545 : i32 to vector<16xi32>
      %eq3A_2547 = arith.cmpi eq, %get3A_2544, %eq3A_2546 : vector<16xi32>
      %jit3A_2548 = arith.constant 1 : i32
      %jit3A_2549 = arith.constant 0 : i32
      %broadcast_in_dim3A_2550 = vector.broadcast %jit3A_2548 : i32 to vector<16xi32>
      %broadcast_in_dim3A_2551 = vector.broadcast %jit3A_2549 : i32 to vector<16xi32>
      %select_n3A_2552 = arith.select %eq3A_2547, %broadcast_in_dim3A_2550, %broadcast_in_dim3A_2551 : vector<16xi1>, vector<16xi32>
      %slice3A = vector.extract_strided_slice %select_n3A_2552 {offsets = [0], sizes = [1], strides = [1]} : vector<16xi32> to vector<1xi32>
      %squeeze3A = vector.extract %slice3A[0] : i32 from vector<1xi32>
      %gt3A = arith.constant 0 : i32
      %gt3A_2553 = arith.cmpi sgt, %squeeze3A, %gt3A : i32
      %convert_element_type3A = arith.extui %gt3A_2553 : i1 to i32
      %cond3A = arith.constant 0 : i32
      %cond3A_2554 = arith.cmpi ne, %convert_element_type3A, %cond3A : i32
      scf.if %cond3A_2554 {
        %mul3A_2708 = arith.constant 16 : i32
        %mul3A_2709 = arith.muli %scan3A_2538, %mul3A_2708 : i32
        %add3A_2710 = arith.addi %mul3A_2, %mul3A_2709 : i32
        %add3A_2711 = arith.constant 0 : i32
        %add3A_2712 = arith.addi %add3A_2710, %add3A_2711 : i32
        %dma_start3A_2713 = arith.constant 0 : i32
        %dma_start3A_2714 = arith.constant 0 : i32
        %dma_start3A_2715 = tpu.memref_slice %arg8[%dma_start3A_2713, %dma_start3A_2714] : memref<16x128xf32, #tpu.memory_space<vmem>> -> memref<1x128xf32, #tpu.memory_space<vmem>>
        %dma_start3A_2716 = arith.constant 0 : i32
        %dma_start3A_2717 = tpu.memref_slice %arg4[%add3A_2712, %dma_start3A_2716] : memref<32768x128xf32, #tpu.memory_space<hbm>> -> memref<1x128xf32, #tpu.memory_space<hbm>>
        %dma_start3A_2718 = arith.constant 0 : i32
        %dma_start3A_2719 = tpu.memref_slice %arg4[%add3A_2712, %dma_start3A_2718] : memref<32768x128xf32, #tpu.memory_space<hbm>> -> memref<1x128xf32, #tpu.memory_space<hbm>>
        %dma_start3A_2720 = arith.constant 0 : i32
        %dma_start3A_2721 = arith.constant 0 : i32
        %dma_start3A_2722 = tpu.memref_slice %arg8[%dma_start3A_2720, %dma_start3A_2721] : memref<16x128xf32, #tpu.memory_space<vmem>> -> memref<1x128xf32, #tpu.memory_space<vmem>>
        tpu.enqueue_dma source(%dma_start3A_2722 : memref<1x128xf32, #tpu.memory_space<vmem>>) target(%dma_start3A_2719 : memref<1x128xf32, #tpu.memory_space<hbm>>) target_semaphore(%arg21 : memref<!tpu.dma_semaphore, #tpu.memory_space<semaphore_mem>>)
      } else {
      }
      %slice3A_2555 = vector.extract_strided_slice %select_n3A_2552 {offsets = [0], sizes = [1], strides = [1]} : vector<16xi32> to vector<1xi32>
      %squeeze3A_2556 = vector.extract %slice3A_2555[0] : i32 from vector<1xi32>
      %add3A_2557 = arith.addi %scan3A_2539, %squeeze3A_2556 : i32
      %slice3A_2558 = vector.extract_strided_slice %select_n3A_2552 {offsets = [1], sizes = [1], strides = [1]} : vector<16xi32> to vector<1xi32>
      %squeeze3A_2559 = vector.extract %slice3A_2558[0] : i32 from vector<1xi32>
      %gt3A_2560 = arith.constant 0 : i32
      %gt3A_2561 = arith.cmpi sgt, %squeeze3A_2559, %gt3A_2560 : i32
      %convert_element_type3A_2562 = arith.extui %gt3A_2561 : i1 to i32
      %cond3A_2563 = arith.constant 0 : i32
      %cond3A_2564 = arith.cmpi ne, %convert_element_type3A_2562, %cond3A_2563 : i32
      scf.if %cond3A_2564 {
        %mul3A_2708 = arith.constant 16 : i32
        %mul3A_2709 = arith.muli %scan3A_2538, %mul3A_2708 : i32
        %add3A_2710 = arith.addi %mul3A_2, %mul3A_2709 : i32
        %add3A_2711 = arith.constant 1 : i32
        %add3A_2712 = arith.addi %add3A_2710, %add3A_2711 : i32
        %dma_start3A_2713 = arith.constant 0 : i32
        %dma_start3A_2714 = arith.constant 0 : i32
        %dma_start3A_2715 = tpu.memref_slice %arg8[%dma_start3A_2713, %dma_start3A_2714] : memref<16x128xf32, #tpu.memory_space<vmem>> -> memref<1x128xf32, #tpu.memory_space<vmem>>
        %dma_start3A_2716 = arith.constant 0 : i32
        %dma_start3A_2717 = tpu.memref_slice %arg4[%add3A_2712, %dma_start3A_2716] : memref<32768x128xf32, #tpu.memory_space<hbm>> -> memref<1x128xf32, #tpu.memory_space<hbm>>
        %dma_start3A_2718 = arith.constant 0 : i32
        %dma_start3A_2719 = tpu.memref_slice %arg4[%add3A_2712, %dma_start3A_2718] : memref<32768x128xf32, #tpu.memory_space<hbm>> -> memref<1x128xf32, #tpu.memory_space<hbm>>
        %dma_start3A_2720 = arith.constant 0 : i32
        %dma_start3A_2721 = arith.constant 0 : i32
        %dma_start3A_2722 = tpu.memref_slice %arg8[%dma_start3A_2720, %dma_start3A_2721] : memref<16x128xf32, #tpu.memory_space<vmem>> -> memref<1x128xf32, #tpu.memory_space<vmem>>
        tpu.enqueue_dma source(%dma_start3A_2722 : memref<1x128xf32, #tpu.memory_space<vmem>>) target(%dma_start3A_2719 : memref<1x128xf32, #tpu.memory_space<hbm>>) target_semaphore(%arg21 : memref<!tpu.dma_semaphore, #tpu.memory_space<semaphore_mem>>)
      } else {
      }
      %slice3A_2565 = vector.extract_strided_slice %select_n3A_2552 {offsets = [1], sizes = [1], strides = [1]} : vector<16xi32> to vector<1xi32>
      %squeeze3A_2566 = vector.extract %slice3A_2565[0] : i32 from vector<1xi32>
      %add3A_2567 = arith.addi %add3A_2557, %squeeze3A_2566 : i32
      %slice3A_2568 = vector.extract_strided_slice %select_n3A_2552 {offsets = [2], sizes = [1], strides = [1]} : vector<16xi32> to vector<1xi32>
      %squeeze3A_2569 = vector.extract %slice3A_2568[0] : i32 from vector<1xi32>
      %gt3A_2570 = arith.constant 0 : i32
      %gt3A_2571 = arith.cmpi sgt, %squeeze3A_2569, %gt3A_2570 : i32
      %convert_element_type3A_2572 = arith.extui %gt3A_2571 : i1 to i32
      %cond3A_2573 = arith.constant 0 : i32
      %cond3A_2574 = arith.cmpi ne, %convert_element_type3A_2572, %cond3A_2573 : i32
      scf.if %cond3A_2574 {
        %mul3A_2708 = arith.constant 16 : i32
        %mul3A_2709 = arith.muli %scan3A_2538, %mul3A_2708 : i32
        %add3A_2710 = arith.addi %mul3A_2, %mul3A_2709 : i32
        %add3A_2711 = arith.constant 2 : i32
        %add3A_2712 = arith.addi %add3A_2710, %add3A_2711 : i32
        %dma_start3A_2713 = arith.constant 0 : i32
        %dma_start3A_2714 = arith.constant 0 : i32
        %dma_start3A_2715 = tpu.memref_slice %arg8[%dma_start3A_2713, %dma_start3A_2714] : memref<16x128xf32, #tpu.memory_space<vmem>> -> memref<1x128xf32, #tpu.memory_space<vmem>>
        %dma_start3A_2716 = arith.constant 0 : i32
        %dma_start3A_2717 = tpu.memref_slice %arg4[%add3A_2712, %dma_start3A_2716] : memref<32768x128xf32, #tpu.memory_space<hbm>> -> memref<1x128xf32, #tpu.memory_space<hbm>>
        %dma_start3A_2718 = arith.constant 0 : i32
        %dma_start3A_2719 = tpu.memref_slice %arg4[%add3A_2712, %dma_start3A_2718] : memref<32768x128xf32, #tpu.memory_space<hbm>> -> memref<1x128xf32, #tpu.memory_space<hbm>>
        %dma_start3A_2720 = arith.constant 0 : i32
        %dma_start3A_2721 = arith.constant 0 : i32
        %dma_start3A_2722 = tpu.memref_slice %arg8[%dma_start3A_2720, %dma_start3A_2721] : memref<16x128xf32, #tpu.memory_space<vmem>> -> memref<1x128xf32, #tpu.memory_space<vmem>>
        tpu.enqueue_dma source(%dma_start3A_2722 : memref<1x128xf32, #tpu.memory_space<vmem>>) target(%dma_start3A_2719 : memref<1x128xf32, #tpu.memory_space<hbm>>) target_semaphore(%arg21 : memref<!tpu.dma_semaphore, #tpu.memory_space<semaphore_mem>>)
      } else {
      }
      %slice3A_2575 = vector.extract_strided_slice %select_n3A_2552 {offsets = [2], sizes = [1], strides = [1]} : vector<16xi32> to vector<1xi32>
      %squeeze3A_2576 = vector.extract %slice3A_2575[0] : i32 from vector<1xi32>
      %add3A_2577 = arith.addi %add3A_2567, %squeeze3A_2576 : i32
      %slice3A_2578 = vector.extract_strided_slice %select_n3A_2552 {offsets = [3], sizes = [1], strides = [1]} : vector<16xi32> to vector<1xi32>
      %squeeze3A_2579 = vector.extract %slice3A_2578[0] : i32 from vector<1xi32>
      %gt3A_2580 = arith.constant 0 : i32
      %gt3A_2581 = arith.cmpi sgt, %squeeze3A_2579, %gt3A_2580 : i32
      %convert_element_type3A_2582 = arith.extui %gt3A_2581 : i1 to i32
      %cond3A_2583 = arith.constant 0 : i32
      %cond3A_2584 = arith.cmpi ne, %convert_element_type3A_2582, %cond3A_2583 : i32
      scf.if %cond3A_2584 {
        %mul3A_2708 = arith.constant 16 : i32
        %mul3A_2709 = arith.muli %scan3A_2538, %mul3A_2708 : i32
        %add3A_2710 = arith.addi %mul3A_2, %mul3A_2709 : i32
        %add3A_2711 = arith.constant 3 : i32
        %add3A_2712 = arith.addi %add3A_2710, %add3A_2711 : i32
        %dma_start3A_2713 = arith.constant 0 : i32
        %dma_start3A_2714 = arith.constant 0 : i32
        %dma_start3A_2715 = tpu.memref_slice %arg8[%dma_start3A_2713, %dma_start3A_2714] : memref<16x128xf32, #tpu.memory_space<vmem>> -> memref<1x128xf32, #tpu.memory_space<vmem>>
        %dma_start3A_2716 = arith.constant 0 : i32
        %dma_start3A_2717 = tpu.memref_slice %arg4[%add3A_2712, %dma_start3A_2716] : memref<32768x128xf32, #tpu.memory_space<hbm>> -> memref<1x128xf32, #tpu.memory_space<hbm>>
        %dma_start3A_2718 = arith.constant 0 : i32
        %dma_start3A_2719 = tpu.memref_slice %arg4[%add3A_2712, %dma_start3A_2718] : memref<32768x128xf32, #tpu.memory_space<hbm>> -> memref<1x128xf32, #tpu.memory_space<hbm>>
        %dma_start3A_2720 = arith.constant 0 : i32
        %dma_start3A_2721 = arith.constant 0 : i32
        %dma_start3A_2722 = tpu.memref_slice %arg8[%dma_start3A_2720, %dma_start3A_2721] : memref<16x128xf32, #tpu.memory_space<vmem>> -> memref<1x128xf32, #tpu.memory_space<vmem>>
        tpu.enqueue_dma source(%dma_start3A_2722 : memref<1x128xf32, #tpu.memory_space<vmem>>) target(%dma_start3A_2719 : memref<1x128xf32, #tpu.memory_space<hbm>>) target_semaphore(%arg21 : memref<!tpu.dma_semaphore, #tpu.memory_space<semaphore_mem>>)
      } else {
      }
      %slice3A_2585 = vector.extract_strided_slice %select_n3A_2552 {offsets = [3], sizes = [1], strides = [1]} : vector<16xi32> to vector<1xi32>
      %squeeze3A_2586 = vector.extract %slice3A_2585[0] : i32 from vector<1xi32>
      %add3A_2587 = arith.addi %add3A_2577, %squeeze3A_2586 : i32
      %slice3A_2588 = vector.extract_strided_slice %select_n3A_2552 {offsets = [4], sizes = [1], strides = [1]} : vector<16xi32> to vector<1xi32>
      %squeeze3A_2589 = vector.extract %slice3A_2588[0] : i32 from vector<1xi32>
      %gt3A_2590 = arith.constant 0 : i32
      %gt3A_2591 = arith.cmpi sgt, %squeeze3A_2589, %gt3A_2590 : i32
      %convert_element_type3A_2592 = arith.extui %gt3A_2591 : i1 to i32
      %cond3A_2593 = arith.constant 0 : i32
      %cond3A_2594 = arith.cmpi ne, %convert_element_type3A_2592, %cond3A_2593 : i32
      scf.if %cond3A_2594 {
        %mul3A_2708 = arith.constant 16 : i32
        %mul3A_2709 = arith.muli %scan3A_2538, %mul3A_2708 : i32
        %add3A_2710 = arith.addi %mul3A_2, %mul3A_2709 : i32
        %add3A_2711 = arith.constant 4 : i32
        %add3A_2712 = arith.addi %add3A_2710, %add3A_2711 : i32
        %dma_start3A_2713 = arith.constant 0 : i32
        %dma_start3A_2714 = arith.constant 0 : i32
        %dma_start3A_2715 = tpu.memref_slice %arg8[%dma_start3A_2713, %dma_start3A_2714] : memref<16x128xf32, #tpu.memory_space<vmem>> -> memref<1x128xf32, #tpu.memory_space<vmem>>
        %dma_start3A_2716 = arith.constant 0 : i32
        %dma_start3A_2717 = tpu.memref_slice %arg4[%add3A_2712, %dma_start3A_2716] : memref<32768x128xf32, #tpu.memory_space<hbm>> -> memref<1x128xf32, #tpu.memory_space<hbm>>
        %dma_start3A_2718 = arith.constant 0 : i32
        %dma_start3A_2719 = tpu.memref_slice %arg4[%add3A_2712, %dma_start3A_2718] : memref<32768x128xf32, #tpu.memory_space<hbm>> -> memref<1x128xf32, #tpu.memory_space<hbm>>
        %dma_start3A_2720 = arith.constant 0 : i32
        %dma_start3A_2721 = arith.constant 0 : i32
        %dma_start3A_2722 = tpu.memref_slice %arg8[%dma_start3A_2720, %dma_start3A_2721] : memref<16x128xf32, #tpu.memory_space<vmem>> -> memref<1x128xf32, #tpu.memory_space<vmem>>
        tpu.enqueue_dma source(%dma_start3A_2722 : memref<1x128xf32, #tpu.memory_space<vmem>>) target(%dma_start3A_2719 : memref<1x128xf32, #tpu.memory_space<hbm>>) target_semaphore(%arg21 : memref<!tpu.dma_semaphore, #tpu.memory_space<semaphore_mem>>)
      } else {
      }
      %slice3A_2595 = vector.extract_strided_slice %select_n3A_2552 {offsets = [4], sizes = [1], strides = [1]} : vector<16xi32> to vector<1xi32>
      %squeeze3A_2596 = vector.extract %slice3A_2595[0] : i32 from vector<1xi32>
      %add3A_2597 = arith.addi %add3A_2587, %squeeze3A_2596 : i32
      %slice3A_2598 = vector.extract_strided_slice %select_n3A_2552 {offsets = [5], sizes = [1], strides = [1]} : vector<16xi32> to vector<1xi32>
      %squeeze3A_2599 = vector.extract %slice3A_2598[0] : i32 from vector<1xi32>
      %gt3A_2600 = arith.constant 0 : i32
      %gt3A_2601 = arith.cmpi sgt, %squeeze3A_2599, %gt3A_2600 : i32
      %convert_element_type3A_2602 = arith.extui %gt3A_2601 : i1 to i32
      %cond3A_2603 = arith.constant 0 : i32
      %cond3A_2604 = arith.cmpi ne, %convert_element_type3A_2602, %cond3A_2603 : i32
      scf.if %cond3A_2604 {
        %mul3A_2708 = arith.constant 16 : i32
        %mul3A_2709 = arith.muli %scan3A_2538, %mul3A_2708 : i32
        %add3A_2710 = arith.addi %mul3A_2, %mul3A_2709 : i32
        %add3A_2711 = arith.constant 5 : i32
        %add3A_2712 = arith.addi %add3A_2710, %add3A_2711 : i32
        %dma_start3A_2713 = arith.constant 0 : i32
        %dma_start3A_2714 = arith.constant 0 : i32
        %dma_start3A_2715 = tpu.memref_slice %arg8[%dma_start3A_2713, %dma_start3A_2714] : memref<16x128xf32, #tpu.memory_space<vmem>> -> memref<1x128xf32, #tpu.memory_space<vmem>>
        %dma_start3A_2716 = arith.constant 0 : i32
        %dma_start3A_2717 = tpu.memref_slice %arg4[%add3A_2712, %dma_start3A_2716] : memref<32768x128xf32, #tpu.memory_space<hbm>> -> memref<1x128xf32, #tpu.memory_space<hbm>>
        %dma_start3A_2718 = arith.constant 0 : i32
        %dma_start3A_2719 = tpu.memref_slice %arg4[%add3A_2712, %dma_start3A_2718] : memref<32768x128xf32, #tpu.memory_space<hbm>> -> memref<1x128xf32, #tpu.memory_space<hbm>>
        %dma_start3A_2720 = arith.constant 0 : i32
        %dma_start3A_2721 = arith.constant 0 : i32
        %dma_start3A_2722 = tpu.memref_slice %arg8[%dma_start3A_2720, %dma_start3A_2721] : memref<16x128xf32, #tpu.memory_space<vmem>> -> memref<1x128xf32, #tpu.memory_space<vmem>>
        tpu.enqueue_dma source(%dma_start3A_2722 : memref<1x128xf32, #tpu.memory_space<vmem>>) target(%dma_start3A_2719 : memref<1x128xf32, #tpu.memory_space<hbm>>) target_semaphore(%arg21 : memref<!tpu.dma_semaphore, #tpu.memory_space<semaphore_mem>>)
      } else {
      }
      %slice3A_2605 = vector.extract_strided_slice %select_n3A_2552 {offsets = [5], sizes = [1], strides = [1]} : vector<16xi32> to vector<1xi32>
      %squeeze3A_2606 = vector.extract %slice3A_2605[0] : i32 from vector<1xi32>
      %add3A_2607 = arith.addi %add3A_2597, %squeeze3A_2606 : i32
      %slice3A_2608 = vector.extract_strided_slice %select_n3A_2552 {offsets = [6], sizes = [1], strides = [1]} : vector<16xi32> to vector<1xi32>
      %squeeze3A_2609 = vector.extract %slice3A_2608[0] : i32 from vector<1xi32>
      %gt3A_2610 = arith.constant 0 : i32
      %gt3A_2611 = arith.cmpi sgt, %squeeze3A_2609, %gt3A_2610 : i32
      %convert_element_type3A_2612 = arith.extui %gt3A_2611 : i1 to i32
      %cond3A_2613 = arith.constant 0 : i32
      %cond3A_2614 = arith.cmpi ne, %convert_element_type3A_2612, %cond3A_2613 : i32
      scf.if %cond3A_2614 {
        %mul3A_2708 = arith.constant 16 : i32
        %mul3A_2709 = arith.muli %scan3A_2538, %mul3A_2708 : i32
        %add3A_2710 = arith.addi %mul3A_2, %mul3A_2709 : i32
        %add3A_2711 = arith.constant 6 : i32
        %add3A_2712 = arith.addi %add3A_2710, %add3A_2711 : i32
        %dma_start3A_2713 = arith.constant 0 : i32
        %dma_start3A_2714 = arith.constant 0 : i32
        %dma_start3A_2715 = tpu.memref_slice %arg8[%dma_start3A_2713, %dma_start3A_2714] : memref<16x128xf32, #tpu.memory_space<vmem>> -> memref<1x128xf32, #tpu.memory_space<vmem>>
        %dma_start3A_2716 = arith.constant 0 : i32
        %dma_start3A_2717 = tpu.memref_slice %arg4[%add3A_2712, %dma_start3A_2716] : memref<32768x128xf32, #tpu.memory_space<hbm>> -> memref<1x128xf32, #tpu.memory_space<hbm>>
        %dma_start3A_2718 = arith.constant 0 : i32
        %dma_start3A_2719 = tpu.memref_slice %arg4[%add3A_2712, %dma_start3A_2718] : memref<32768x128xf32, #tpu.memory_space<hbm>> -> memref<1x128xf32, #tpu.memory_space<hbm>>
        %dma_start3A_2720 = arith.constant 0 : i32
        %dma_start3A_2721 = arith.constant 0 : i32
        %dma_start3A_2722 = tpu.memref_slice %arg8[%dma_start3A_2720, %dma_start3A_2721] : memref<16x128xf32, #tpu.memory_space<vmem>> -> memref<1x128xf32, #tpu.memory_space<vmem>>
        tpu.enqueue_dma source(%dma_start3A_2722 : memref<1x128xf32, #tpu.memory_space<vmem>>) target(%dma_start3A_2719 : memref<1x128xf32, #tpu.memory_space<hbm>>) target_semaphore(%arg21 : memref<!tpu.dma_semaphore, #tpu.memory_space<semaphore_mem>>)
      } else {
      }
      %slice3A_2615 = vector.extract_strided_slice %select_n3A_2552 {offsets = [6], sizes = [1], strides = [1]} : vector<16xi32> to vector<1xi32>
      %squeeze3A_2616 = vector.extract %slice3A_2615[0] : i32 from vector<1xi32>
      %add3A_2617 = arith.addi %add3A_2607, %squeeze3A_2616 : i32
      %slice3A_2618 = vector.extract_strided_slice %select_n3A_2552 {offsets = [7], sizes = [1], strides = [1]} : vector<16xi32> to vector<1xi32>
      %squeeze3A_2619 = vector.extract %slice3A_2618[0] : i32 from vector<1xi32>
      %gt3A_2620 = arith.constant 0 : i32
      %gt3A_2621 = arith.cmpi sgt, %squeeze3A_2619, %gt3A_2620 : i32
      %convert_element_type3A_2622 = arith.extui %gt3A_2621 : i1 to i32
      %cond3A_2623 = arith.constant 0 : i32
      %cond3A_2624 = arith.cmpi ne, %convert_element_type3A_2622, %cond3A_2623 : i32
      scf.if %cond3A_2624 {
        %mul3A_2708 = arith.constant 16 : i32
        %mul3A_2709 = arith.muli %scan3A_2538, %mul3A_2708 : i32
        %add3A_2710 = arith.addi %mul3A_2, %mul3A_2709 : i32
        %add3A_2711 = arith.constant 7 : i32
        %add3A_2712 = arith.addi %add3A_2710, %add3A_2711 : i32
        %dma_start3A_2713 = arith.constant 0 : i32
        %dma_start3A_2714 = arith.constant 0 : i32
        %dma_start3A_2715 = tpu.memref_slice %arg8[%dma_start3A_2713, %dma_start3A_2714] : memref<16x128xf32, #tpu.memory_space<vmem>> -> memref<1x128xf32, #tpu.memory_space<vmem>>
        %dma_start3A_2716 = arith.constant 0 : i32
        %dma_start3A_2717 = tpu.memref_slice %arg4[%add3A_2712, %dma_start3A_2716] : memref<32768x128xf32, #tpu.memory_space<hbm>> -> memref<1x128xf32, #tpu.memory_space<hbm>>
        %dma_start3A_2718 = arith.constant 0 : i32
        %dma_start3A_2719 = tpu.memref_slice %arg4[%add3A_2712, %dma_start3A_2718] : memref<32768x128xf32, #tpu.memory_space<hbm>> -> memref<1x128xf32, #tpu.memory_space<hbm>>
        %dma_start3A_2720 = arith.constant 0 : i32
        %dma_start3A_2721 = arith.constant 0 : i32
        %dma_start3A_2722 = tpu.memref_slice %arg8[%dma_start3A_2720, %dma_start3A_2721] : memref<16x128xf32, #tpu.memory_space<vmem>> -> memref<1x128xf32, #tpu.memory_space<vmem>>
        tpu.enqueue_dma source(%dma_start3A_2722 : memref<1x128xf32, #tpu.memory_space<vmem>>) target(%dma_start3A_2719 : memref<1x128xf32, #tpu.memory_space<hbm>>) target_semaphore(%arg21 : memref<!tpu.dma_semaphore, #tpu.memory_space<semaphore_mem>>)
      } else {
      }
      %slice3A_2625 = vector.extract_strided_slice %select_n3A_2552 {offsets = [7], sizes = [1], strides = [1]} : vector<16xi32> to vector<1xi32>
      %squeeze3A_2626 = vector.extract %slice3A_2625[0] : i32 from vector<1xi32>
      %add3A_2627 = arith.addi %add3A_2617, %squeeze3A_2626 : i32
      %slice3A_2628 = vector.extract_strided_slice %select_n3A_2552 {offsets = [8], sizes = [1], strides = [1]} : vector<16xi32> to vector<1xi32>
      %squeeze3A_2629 = vector.extract %slice3A_2628[0] : i32 from vector<1xi32>
      %gt3A_2630 = arith.constant 0 : i32
      %gt3A_2631 = arith.cmpi sgt, %squeeze3A_2629, %gt3A_2630 : i32
      %convert_element_type3A_2632 = arith.extui %gt3A_2631 : i1 to i32
      %cond3A_2633 = arith.constant 0 : i32
      %cond3A_2634 = arith.cmpi ne, %convert_element_type3A_2632, %cond3A_2633 : i32
      scf.if %cond3A_2634 {
        %mul3A_2708 = arith.constant 16 : i32
        %mul3A_2709 = arith.muli %scan3A_2538, %mul3A_2708 : i32
        %add3A_2710 = arith.addi %mul3A_2, %mul3A_2709 : i32
        %add3A_2711 = arith.constant 8 : i32
        %add3A_2712 = arith.addi %add3A_2710, %add3A_2711 : i32
        %dma_start3A_2713 = arith.constant 0 : i32
        %dma_start3A_2714 = arith.constant 0 : i32
        %dma_start3A_2715 = tpu.memref_slice %arg8[%dma_start3A_2713, %dma_start3A_2714] : memref<16x128xf32, #tpu.memory_space<vmem>> -> memref<1x128xf32, #tpu.memory_space<vmem>>
        %dma_start3A_2716 = arith.constant 0 : i32
        %dma_start3A_2717 = tpu.memref_slice %arg4[%add3A_2712, %dma_start3A_2716] : memref<32768x128xf32, #tpu.memory_space<hbm>> -> memref<1x128xf32, #tpu.memory_space<hbm>>
        %dma_start3A_2718 = arith.constant 0 : i32
        %dma_start3A_2719 = tpu.memref_slice %arg4[%add3A_2712, %dma_start3A_2718] : memref<32768x128xf32, #tpu.memory_space<hbm>> -> memref<1x128xf32, #tpu.memory_space<hbm>>
        %dma_start3A_2720 = arith.constant 0 : i32
        %dma_start3A_2721 = arith.constant 0 : i32
        %dma_start3A_2722 = tpu.memref_slice %arg8[%dma_start3A_2720, %dma_start3A_2721] : memref<16x128xf32, #tpu.memory_space<vmem>> -> memref<1x128xf32, #tpu.memory_space<vmem>>
        tpu.enqueue_dma source(%dma_start3A_2722 : memref<1x128xf32, #tpu.memory_space<vmem>>) target(%dma_start3A_2719 : memref<1x128xf32, #tpu.memory_space<hbm>>) target_semaphore(%arg21 : memref<!tpu.dma_semaphore, #tpu.memory_space<semaphore_mem>>)
      } else {
      }
      %slice3A_2635 = vector.extract_strided_slice %select_n3A_2552 {offsets = [8], sizes = [1], strides = [1]} : vector<16xi32> to vector<1xi32>
      %squeeze3A_2636 = vector.extract %slice3A_2635[0] : i32 from vector<1xi32>
      %add3A_2637 = arith.addi %add3A_2627, %squeeze3A_2636 : i32
      %slice3A_2638 = vector.extract_strided_slice %select_n3A_2552 {offsets = [9], sizes = [1], strides = [1]} : vector<16xi32> to vector<1xi32>
      %squeeze3A_2639 = vector.extract %slice3A_2638[0] : i32 from vector<1xi32>
      %gt3A_2640 = arith.constant 0 : i32
      %gt3A_2641 = arith.cmpi sgt, %squeeze3A_2639, %gt3A_2640 : i32
      %convert_element_type3A_2642 = arith.extui %gt3A_2641 : i1 to i32
      %cond3A_2643 = arith.constant 0 : i32
      %cond3A_2644 = arith.cmpi ne, %convert_element_type3A_2642, %cond3A_2643 : i32
      scf.if %cond3A_2644 {
        %mul3A_2708 = arith.constant 16 : i32
        %mul3A_2709 = arith.muli %scan3A_2538, %mul3A_2708 : i32
        %add3A_2710 = arith.addi %mul3A_2, %mul3A_2709 : i32
        %add3A_2711 = arith.constant 9 : i32
        %add3A_2712 = arith.addi %add3A_2710, %add3A_2711 : i32
        %dma_start3A_2713 = arith.constant 0 : i32
        %dma_start3A_2714 = arith.constant 0 : i32
        %dma_start3A_2715 = tpu.memref_slice %arg8[%dma_start3A_2713, %dma_start3A_2714] : memref<16x128xf32, #tpu.memory_space<vmem>> -> memref<1x128xf32, #tpu.memory_space<vmem>>
        %dma_start3A_2716 = arith.constant 0 : i32
        %dma_start3A_2717 = tpu.memref_slice %arg4[%add3A_2712, %dma_start3A_2716] : memref<32768x128xf32, #tpu.memory_space<hbm>> -> memref<1x128xf32, #tpu.memory_space<hbm>>
        %dma_start3A_2718 = arith.constant 0 : i32
        %dma_start3A_2719 = tpu.memref_slice %arg4[%add3A_2712, %dma_start3A_2718] : memref<32768x128xf32, #tpu.memory_space<hbm>> -> memref<1x128xf32, #tpu.memory_space<hbm>>
        %dma_start3A_2720 = arith.constant 0 : i32
        %dma_start3A_2721 = arith.constant 0 : i32
        %dma_start3A_2722 = tpu.memref_slice %arg8[%dma_start3A_2720, %dma_start3A_2721] : memref<16x128xf32, #tpu.memory_space<vmem>> -> memref<1x128xf32, #tpu.memory_space<vmem>>
        tpu.enqueue_dma source(%dma_start3A_2722 : memref<1x128xf32, #tpu.memory_space<vmem>>) target(%dma_start3A_2719 : memref<1x128xf32, #tpu.memory_space<hbm>>) target_semaphore(%arg21 : memref<!tpu.dma_semaphore, #tpu.memory_space<semaphore_mem>>)
      } else {
      }
      %slice3A_2645 = vector.extract_strided_slice %select_n3A_2552 {offsets = [9], sizes = [1], strides = [1]} : vector<16xi32> to vector<1xi32>
      %squeeze3A_2646 = vector.extract %slice3A_2645[0] : i32 from vector<1xi32>
      %add3A_2647 = arith.addi %add3A_2637, %squeeze3A_2646 : i32
      %slice3A_2648 = vector.extract_strided_slice %select_n3A_2552 {offsets = [10], sizes = [1], strides = [1]} : vector<16xi32> to vector<1xi32>
      %squeeze3A_2649 = vector.extract %slice3A_2648[0] : i32 from vector<1xi32>
      %gt3A_2650 = arith.constant 0 : i32
      %gt3A_2651 = arith.cmpi sgt, %squeeze3A_2649, %gt3A_2650 : i32
      %convert_element_type3A_2652 = arith.extui %gt3A_2651 : i1 to i32
      %cond3A_2653 = arith.constant 0 : i32
      %cond3A_2654 = arith.cmpi ne, %convert_element_type3A_2652, %cond3A_2653 : i32
      scf.if %cond3A_2654 {
        %mul3A_2708 = arith.constant 16 : i32
        %mul3A_2709 = arith.muli %scan3A_2538, %mul3A_2708 : i32
        %add3A_2710 = arith.addi %mul3A_2, %mul3A_2709 : i32
        %add3A_2711 = arith.constant 10 : i32
        %add3A_2712 = arith.addi %add3A_2710, %add3A_2711 : i32
        %dma_start3A_2713 = arith.constant 0 : i32
        %dma_start3A_2714 = arith.constant 0 : i32
        %dma_start3A_2715 = tpu.memref_slice %arg8[%dma_start3A_2713, %dma_start3A_2714] : memref<16x128xf32, #tpu.memory_space<vmem>> -> memref<1x128xf32, #tpu.memory_space<vmem>>
        %dma_start3A_2716 = arith.constant 0 : i32
        %dma_start3A_2717 = tpu.memref_slice %arg4[%add3A_2712, %dma_start3A_2716] : memref<32768x128xf32, #tpu.memory_space<hbm>> -> memref<1x128xf32, #tpu.memory_space<hbm>>
        %dma_start3A_2718 = arith.constant 0 : i32
        %dma_start3A_2719 = tpu.memref_slice %arg4[%add3A_2712, %dma_start3A_2718] : memref<32768x128xf32, #tpu.memory_space<hbm>> -> memref<1x128xf32, #tpu.memory_space<hbm>>
        %dma_start3A_2720 = arith.constant 0 : i32
        %dma_start3A_2721 = arith.constant 0 : i32
        %dma_start3A_2722 = tpu.memref_slice %arg8[%dma_start3A_2720, %dma_start3A_2721] : memref<16x128xf32, #tpu.memory_space<vmem>> -> memref<1x128xf32, #tpu.memory_space<vmem>>
        tpu.enqueue_dma source(%dma_start3A_2722 : memref<1x128xf32, #tpu.memory_space<vmem>>) target(%dma_start3A_2719 : memref<1x128xf32, #tpu.memory_space<hbm>>) target_semaphore(%arg21 : memref<!tpu.dma_semaphore, #tpu.memory_space<semaphore_mem>>)
      } else {
      }
      %slice3A_2655 = vector.extract_strided_slice %select_n3A_2552 {offsets = [10], sizes = [1], strides = [1]} : vector<16xi32> to vector<1xi32>
      %squeeze3A_2656 = vector.extract %slice3A_2655[0] : i32 from vector<1xi32>
      %add3A_2657 = arith.addi %add3A_2647, %squeeze3A_2656 : i32
      %slice3A_2658 = vector.extract_strided_slice %select_n3A_2552 {offsets = [11], sizes = [1], strides = [1]} : vector<16xi32> to vector<1xi32>
      %squeeze3A_2659 = vector.extract %slice3A_2658[0] : i32 from vector<1xi32>
      %gt3A_2660 = arith.constant 0 : i32
      %gt3A_2661 = arith.cmpi sgt, %squeeze3A_2659, %gt3A_2660 : i32
      %convert_element_type3A_2662 = arith.extui %gt3A_2661 : i1 to i32
      %cond3A_2663 = arith.constant 0 : i32
      %cond3A_2664 = arith.cmpi ne, %convert_element_type3A_2662, %cond3A_2663 : i32
      scf.if %cond3A_2664 {
        %mul3A_2708 = arith.constant 16 : i32
        %mul3A_2709 = arith.muli %scan3A_2538, %mul3A_2708 : i32
        %add3A_2710 = arith.addi %mul3A_2, %mul3A_2709 : i32
        %add3A_2711 = arith.constant 11 : i32
        %add3A_2712 = arith.addi %add3A_2710, %add3A_2711 : i32
        %dma_start3A_2713 = arith.constant 0 : i32
        %dma_start3A_2714 = arith.constant 0 : i32
        %dma_start3A_2715 = tpu.memref_slice %arg8[%dma_start3A_2713, %dma_start3A_2714] : memref<16x128xf32, #tpu.memory_space<vmem>> -> memref<1x128xf32, #tpu.memory_space<vmem>>
        %dma_start3A_2716 = arith.constant 0 : i32
        %dma_start3A_2717 = tpu.memref_slice %arg4[%add3A_2712, %dma_start3A_2716] : memref<32768x128xf32, #tpu.memory_space<hbm>> -> memref<1x128xf32, #tpu.memory_space<hbm>>
        %dma_start3A_2718 = arith.constant 0 : i32
        %dma_start3A_2719 = tpu.memref_slice %arg4[%add3A_2712, %dma_start3A_2718] : memref<32768x128xf32, #tpu.memory_space<hbm>> -> memref<1x128xf32, #tpu.memory_space<hbm>>
        %dma_start3A_2720 = arith.constant 0 : i32
        %dma_start3A_2721 = arith.constant 0 : i32
        %dma_start3A_2722 = tpu.memref_slice %arg8[%dma_start3A_2720, %dma_start3A_2721] : memref<16x128xf32, #tpu.memory_space<vmem>> -> memref<1x128xf32, #tpu.memory_space<vmem>>
        tpu.enqueue_dma source(%dma_start3A_2722 : memref<1x128xf32, #tpu.memory_space<vmem>>) target(%dma_start3A_2719 : memref<1x128xf32, #tpu.memory_space<hbm>>) target_semaphore(%arg21 : memref<!tpu.dma_semaphore, #tpu.memory_space<semaphore_mem>>)
      } else {
      }
      %slice3A_2665 = vector.extract_strided_slice %select_n3A_2552 {offsets = [11], sizes = [1], strides = [1]} : vector<16xi32> to vector<1xi32>
      %squeeze3A_2666 = vector.extract %slice3A_2665[0] : i32 from vector<1xi32>
      %add3A_2667 = arith.addi %add3A_2657, %squeeze3A_2666 : i32
      %slice3A_2668 = vector.extract_strided_slice %select_n3A_2552 {offsets = [12], sizes = [1], strides = [1]} : vector<16xi32> to vector<1xi32>
      %squeeze3A_2669 = vector.extract %slice3A_2668[0] : i32 from vector<1xi32>
      %gt3A_2670 = arith.constant 0 : i32
      %gt3A_2671 = arith.cmpi sgt, %squeeze3A_2669, %gt3A_2670 : i32
      %convert_element_type3A_2672 = arith.extui %gt3A_2671 : i1 to i32
      %cond3A_2673 = arith.constant 0 : i32
      %cond3A_2674 = arith.cmpi ne, %convert_element_type3A_2672, %cond3A_2673 : i32
      scf.if %cond3A_2674 {
        %mul3A_2708 = arith.constant 16 : i32
        %mul3A_2709 = arith.muli %scan3A_2538, %mul3A_2708 : i32
        %add3A_2710 = arith.addi %mul3A_2, %mul3A_2709 : i32
        %add3A_2711 = arith.constant 12 : i32
        %add3A_2712 = arith.addi %add3A_2710, %add3A_2711 : i32
        %dma_start3A_2713 = arith.constant 0 : i32
        %dma_start3A_2714 = arith.constant 0 : i32
        %dma_start3A_2715 = tpu.memref_slice %arg8[%dma_start3A_2713, %dma_start3A_2714] : memref<16x128xf32, #tpu.memory_space<vmem>> -> memref<1x128xf32, #tpu.memory_space<vmem>>
        %dma_start3A_2716 = arith.constant 0 : i32
        %dma_start3A_2717 = tpu.memref_slice %arg4[%add3A_2712, %dma_start3A_2716] : memref<32768x128xf32, #tpu.memory_space<hbm>> -> memref<1x128xf32, #tpu.memory_space<hbm>>
        %dma_start3A_2718 = arith.constant 0 : i32
        %dma_start3A_2719 = tpu.memref_slice %arg4[%add3A_2712, %dma_start3A_2718] : memref<32768x128xf32, #tpu.memory_space<hbm>> -> memref<1x128xf32, #tpu.memory_space<hbm>>
        %dma_start3A_2720 = arith.constant 0 : i32
        %dma_start3A_2721 = arith.constant 0 : i32
        %dma_start3A_2722 = tpu.memref_slice %arg8[%dma_start3A_2720, %dma_start3A_2721] : memref<16x128xf32, #tpu.memory_space<vmem>> -> memref<1x128xf32, #tpu.memory_space<vmem>>
        tpu.enqueue_dma source(%dma_start3A_2722 : memref<1x128xf32, #tpu.memory_space<vmem>>) target(%dma_start3A_2719 : memref<1x128xf32, #tpu.memory_space<hbm>>) target_semaphore(%arg21 : memref<!tpu.dma_semaphore, #tpu.memory_space<semaphore_mem>>)
      } else {
      }
      %slice3A_2675 = vector.extract_strided_slice %select_n3A_2552 {offsets = [12], sizes = [1], strides = [1]} : vector<16xi32> to vector<1xi32>
      %squeeze3A_2676 = vector.extract %slice3A_2675[0] : i32 from vector<1xi32>
      %add3A_2677 = arith.addi %add3A_2667, %squeeze3A_2676 : i32
      %slice3A_2678 = vector.extract_strided_slice %select_n3A_2552 {offsets = [13], sizes = [1], strides = [1]} : vector<16xi32> to vector<1xi32>
      %squeeze3A_2679 = vector.extract %slice3A_2678[0] : i32 from vector<1xi32>
      %gt3A_2680 = arith.constant 0 : i32
      %gt3A_2681 = arith.cmpi sgt, %squeeze3A_2679, %gt3A_2680 : i32
      %convert_element_type3A_2682 = arith.extui %gt3A_2681 : i1 to i32
      %cond3A_2683 = arith.constant 0 : i32
      %cond3A_2684 = arith.cmpi ne, %convert_element_type3A_2682, %cond3A_2683 : i32
      scf.if %cond3A_2684 {
        %mul3A_2708 = arith.constant 16 : i32
        %mul3A_2709 = arith.muli %scan3A_2538, %mul3A_2708 : i32
        %add3A_2710 = arith.addi %mul3A_2, %mul3A_2709 : i32
        %add3A_2711 = arith.constant 13 : i32
        %add3A_2712 = arith.addi %add3A_2710, %add3A_2711 : i32
        %dma_start3A_2713 = arith.constant 0 : i32
        %dma_start3A_2714 = arith.constant 0 : i32
        %dma_start3A_2715 = tpu.memref_slice %arg8[%dma_start3A_2713, %dma_start3A_2714] : memref<16x128xf32, #tpu.memory_space<vmem>> -> memref<1x128xf32, #tpu.memory_space<vmem>>
        %dma_start3A_2716 = arith.constant 0 : i32
        %dma_start3A_2717 = tpu.memref_slice %arg4[%add3A_2712, %dma_start3A_2716] : memref<32768x128xf32, #tpu.memory_space<hbm>> -> memref<1x128xf32, #tpu.memory_space<hbm>>
        %dma_start3A_2718 = arith.constant 0 : i32
        %dma_start3A_2719 = tpu.memref_slice %arg4[%add3A_2712, %dma_start3A_2718] : memref<32768x128xf32, #tpu.memory_space<hbm>> -> memref<1x128xf32, #tpu.memory_space<hbm>>
        %dma_start3A_2720 = arith.constant 0 : i32
        %dma_start3A_2721 = arith.constant 0 : i32
        %dma_start3A_2722 = tpu.memref_slice %arg8[%dma_start3A_2720, %dma_start3A_2721] : memref<16x128xf32, #tpu.memory_space<vmem>> -> memref<1x128xf32, #tpu.memory_space<vmem>>
        tpu.enqueue_dma source(%dma_start3A_2722 : memref<1x128xf32, #tpu.memory_space<vmem>>) target(%dma_start3A_2719 : memref<1x128xf32, #tpu.memory_space<hbm>>) target_semaphore(%arg21 : memref<!tpu.dma_semaphore, #tpu.memory_space<semaphore_mem>>)
      } else {
      }
      %slice3A_2685 = vector.extract_strided_slice %select_n3A_2552 {offsets = [13], sizes = [1], strides = [1]} : vector<16xi32> to vector<1xi32>
      %squeeze3A_2686 = vector.extract %slice3A_2685[0] : i32 from vector<1xi32>
      %add3A_2687 = arith.addi %add3A_2677, %squeeze3A_2686 : i32
      %slice3A_2688 = vector.extract_strided_slice %select_n3A_2552 {offsets = [14], sizes = [1], strides = [1]} : vector<16xi32> to vector<1xi32>
      %squeeze3A_2689 = vector.extract %slice3A_2688[0] : i32 from vector<1xi32>
      %gt3A_2690 = arith.constant 0 : i32
      %gt3A_2691 = arith.cmpi sgt, %squeeze3A_2689, %gt3A_2690 : i32
      %convert_element_type3A_2692 = arith.extui %gt3A_2691 : i1 to i32
      %cond3A_2693 = arith.constant 0 : i32
      %cond3A_2694 = arith.cmpi ne, %convert_element_type3A_2692, %cond3A_2693 : i32
      scf.if %cond3A_2694 {
        %mul3A_2708 = arith.constant 16 : i32
        %mul3A_2709 = arith.muli %scan3A_2538, %mul3A_2708 : i32
        %add3A_2710 = arith.addi %mul3A_2, %mul3A_2709 : i32
        %add3A_2711 = arith.constant 14 : i32
        %add3A_2712 = arith.addi %add3A_2710, %add3A_2711 : i32
        %dma_start3A_2713 = arith.constant 0 : i32
        %dma_start3A_2714 = arith.constant 0 : i32
        %dma_start3A_2715 = tpu.memref_slice %arg8[%dma_start3A_2713, %dma_start3A_2714] : memref<16x128xf32, #tpu.memory_space<vmem>> -> memref<1x128xf32, #tpu.memory_space<vmem>>
        %dma_start3A_2716 = arith.constant 0 : i32
        %dma_start3A_2717 = tpu.memref_slice %arg4[%add3A_2712, %dma_start3A_2716] : memref<32768x128xf32, #tpu.memory_space<hbm>> -> memref<1x128xf32, #tpu.memory_space<hbm>>
        %dma_start3A_2718 = arith.constant 0 : i32
        %dma_start3A_2719 = tpu.memref_slice %arg4[%add3A_2712, %dma_start3A_2718] : memref<32768x128xf32, #tpu.memory_space<hbm>> -> memref<1x128xf32, #tpu.memory_space<hbm>>
        %dma_start3A_2720 = arith.constant 0 : i32
        %dma_start3A_2721 = arith.constant 0 : i32
        %dma_start3A_2722 = tpu.memref_slice %arg8[%dma_start3A_2720, %dma_start3A_2721] : memref<16x128xf32, #tpu.memory_space<vmem>> -> memref<1x128xf32, #tpu.memory_space<vmem>>
        tpu.enqueue_dma source(%dma_start3A_2722 : memref<1x128xf32, #tpu.memory_space<vmem>>) target(%dma_start3A_2719 : memref<1x128xf32, #tpu.memory_space<hbm>>) target_semaphore(%arg21 : memref<!tpu.dma_semaphore, #tpu.memory_space<semaphore_mem>>)
      } else {
      }
      %slice3A_2695 = vector.extract_strided_slice %select_n3A_2552 {offsets = [14], sizes = [1], strides = [1]} : vector<16xi32> to vector<1xi32>
      %squeeze3A_2696 = vector.extract %slice3A_2695[0] : i32 from vector<1xi32>
      %add3A_2697 = arith.addi %add3A_2687, %squeeze3A_2696 : i32
      %slice3A_2698 = vector.extract_strided_slice %select_n3A_2552 {offsets = [15], sizes = [1], strides = [1]} : vector<16xi32> to vector<1xi32>
      %squeeze3A_2699 = vector.extract %slice3A_2698[0] : i32 from vector<1xi32>
      %gt3A_2700 = arith.constant 0 : i32
      %gt3A_2701 = arith.cmpi sgt, %squeeze3A_2699, %gt3A_2700 : i32
      %convert_element_type3A_2702 = arith.extui %gt3A_2701 : i1 to i32
      %cond3A_2703 = arith.constant 0 : i32
      %cond3A_2704 = arith.cmpi ne, %convert_element_type3A_2702, %cond3A_2703 : i32
      scf.if %cond3A_2704 {
        %mul3A_2708 = arith.constant 16 : i32
        %mul3A_2709 = arith.muli %scan3A_2538, %mul3A_2708 : i32
        %add3A_2710 = arith.addi %mul3A_2, %mul3A_2709 : i32
        %add3A_2711 = arith.constant 15 : i32
        %add3A_2712 = arith.addi %add3A_2710, %add3A_2711 : i32
        %dma_start3A_2713 = arith.constant 0 : i32
        %dma_start3A_2714 = arith.constant 0 : i32
        %dma_start3A_2715 = tpu.memref_slice %arg8[%dma_start3A_2713, %dma_start3A_2714] : memref<16x128xf32, #tpu.memory_space<vmem>> -> memref<1x128xf32, #tpu.memory_space<vmem>>
        %dma_start3A_2716 = arith.constant 0 : i32
        %dma_start3A_2717 = tpu.memref_slice %arg4[%add3A_2712, %dma_start3A_2716] : memref<32768x128xf32, #tpu.memory_space<hbm>> -> memref<1x128xf32, #tpu.memory_space<hbm>>
        %dma_start3A_2718 = arith.constant 0 : i32
        %dma_start3A_2719 = tpu.memref_slice %arg4[%add3A_2712, %dma_start3A_2718] : memref<32768x128xf32, #tpu.memory_space<hbm>> -> memref<1x128xf32, #tpu.memory_space<hbm>>
        %dma_start3A_2720 = arith.constant 0 : i32
        %dma_start3A_2721 = arith.constant 0 : i32
        %dma_start3A_2722 = tpu.memref_slice %arg8[%dma_start3A_2720, %dma_start3A_2721] : memref<16x128xf32, #tpu.memory_space<vmem>> -> memref<1x128xf32, #tpu.memory_space<vmem>>
        tpu.enqueue_dma source(%dma_start3A_2722 : memref<1x128xf32, #tpu.memory_space<vmem>>) target(%dma_start3A_2719 : memref<1x128xf32, #tpu.memory_space<hbm>>) target_semaphore(%arg21 : memref<!tpu.dma_semaphore, #tpu.memory_space<semaphore_mem>>)
      } else {
      }
      %slice3A_2705 = vector.extract_strided_slice %select_n3A_2552 {offsets = [15], sizes = [1], strides = [1]} : vector<16xi32> to vector<1xi32>
      %squeeze3A_2706 = vector.extract %slice3A_2705[0] : i32 from vector<1xi32>
      %add3A_2707 = arith.addi %add3A_2697, %squeeze3A_2706 : i32
      scf.yield %add3A_2707 : i32
    }
    %scan3A_2528 = arith.constant 64 : i32
    %while3A = arith.constant 0 : i32
    %while3A_2529 = arith.constant 0 : i32
    %while3A_2530 = arith.subi %scan3A_2527, %while3A_2529 : i32
    %while3A_2531 = arith.addi %while3A_2529, %while3A_2530 : i32
    %while3A_2532 = arith.constant 1 : i32
    %while3A_2533 = arith.divsi %while3A_2530, %while3A_2532 : i32
    %while3A_2534 = arith.muli %while3A_2533, %while3A_2532 : i32
    %while3A_2535 = arith.addi %while3A_2529, %while3A_2534 : i32
    %while3A_2536 = arith.constant 1 : i32
    scf.for %while3A_2538 = %while3A_2529 to %while3A_2535 step %while3A_2536  : i32 {
      %dma_wait3A_2539 = arith.constant 0 : i32
      %dma_wait3A_2540 = arith.constant 0 : i32
      %dma_wait3A_2541 = tpu.memref_slice %arg8[%dma_wait3A_2539, %dma_wait3A_2540] : memref<16x128xf32, #tpu.memory_space<vmem>> -> memref<1x128xf32, #tpu.memory_space<vmem>>
      %dma_wait3A_2542 = arith.constant 0 : i32
      %dma_wait3A_2543 = arith.constant 0 : i32
      %dma_wait3A_2544 = tpu.memref_slice %arg4[%dma_wait3A_2542, %dma_wait3A_2543] : memref<32768x128xf32, #tpu.memory_space<hbm>> -> memref<1x128xf32, #tpu.memory_space<hbm>>
      %dma_wait3A_2545 = arith.constant 0 : i32
      %dma_wait3A_2546 = arith.constant 0 : i32
      %dma_wait3A_2547 = tpu.memref_slice %arg8[%dma_wait3A_2545, %dma_wait3A_2546] : memref<16x128xf32, #tpu.memory_space<vmem>> -> memref<1x128xf32, #tpu.memory_space<vmem>>
      %dma_wait3A_2548 = arith.constant 0 : i32
      %dma_wait3A_2549 = arith.constant 0 : i32
      %dma_wait3A_2550 = tpu.memref_slice %arg4[%dma_wait3A_2548, %dma_wait3A_2549] : memref<32768x128xf32, #tpu.memory_space<hbm>> -> memref<1x128xf32, #tpu.memory_space<hbm>>
      tpu.wait_dma2 semaphore(%arg21 : memref<!tpu.dma_semaphore, #tpu.memory_space<semaphore_mem>>) src(%dma_wait3A_2550 : memref<1x128xf32, #tpu.memory_space<hbm>>) dst(%dma_wait3A_2547 : memref<1x128xf32, #tpu.memory_space<vmem>>)
    }
    %while3A_2537 = arith.constant 1 : i32
    scf.for %while3A_2538 = %while3A_2535 to %while3A_2531 step %while3A_2537  : i32 {
      %dma_wait3A_2539 = arith.constant 0 : i32
      %dma_wait3A_2540 = arith.constant 0 : i32
      %dma_wait3A_2541 = tpu.memref_slice %arg8[%dma_wait3A_2539, %dma_wait3A_2540] : memref<16x128xf32, #tpu.memory_space<vmem>> -> memref<1x128xf32, #tpu.memory_space<vmem>>
      %dma_wait3A_2542 = arith.constant 0 : i32
      %dma_wait3A_2543 = arith.constant 0 : i32
      %dma_wait3A_2544 = tpu.memref_slice %arg4[%dma_wait3A_2542, %dma_wait3A_2543] : memref<32768x128xf32, #tpu.memory_space<hbm>> -> memref<1x128xf32, #tpu.memory_space<hbm>>
      %dma_wait3A_2545 = arith.constant 0 : i32
      %dma_wait3A_2546 = arith.constant 0 : i32
      %dma_wait3A_2547 = tpu.memref_slice %arg8[%dma_wait3A_2545, %dma_wait3A_2546] : memref<16x128xf32, #tpu.memory_space<vmem>> -> memref<1x128xf32, #tpu.memory_space<vmem>>
      %dma_wait3A_2548 = arith.constant 0 : i32
      %dma_wait3A_2549 = arith.constant 0 : i32
      %dma_wait3A_2550 = tpu.memref_slice %arg4[%dma_wait3A_2548, %dma_wait3A_2549] : memref<32768x128xf32, #tpu.memory_space<hbm>> -> memref<1x128xf32, #tpu.memory_space<hbm>>
      tpu.wait_dma2 semaphore(%arg21 : memref<!tpu.dma_semaphore, #tpu.memory_space<semaphore_mem>>) src(%dma_wait3A_2550 : memref<1x128xf32, #tpu.memory_space<hbm>>) dst(%dma_wait3A_2547 : memref<1x128xf32, #tpu.memory_space<vmem>>)
    }
    return
  }
}

</mosaic_0001>

<sc_bundles>
// kernel: kernel.3.cloned.1.call-start
scs
__scs_entry_jumppad:
0x0: {  	(pc) =	sbr.rel $0x88, $3  }
0x1: {  	(tag) =	ssettag $0x0;
	lr =	simm.s32 $0x1  }
0x2: {  	[smem:$0x3F9F] =	sst lr;
	_ =	strace $0xD0000000  }
0x3: {  	_ = 	snop  }
0x4: {  	_ = 	snop  }
0x5: {  	_ = 	snop  }
0x6: {  	_ = 	snop  }
0x7: {  	_ = 	snop  }
__scs_overlays_trampoline_lowered:
0x8: {  	[smem:$0x3FAE] =	sst s0  }
0x9: {  	[smem:$0x3FAF] =	sst s1  }
0xa: {  	[smem:$0x3FB0] =	sst s2  }
0xb: {  	[smem:$0x3FB1] =	sst s3  }
0xc: {  	[smem:$0x3FB2] =	sst s4  }
0xd: {  	[smem:$0x3FB3] =	sst s5  }
0xe: {  	[smem:$0x3FB4] =	sst s6  }
0xf: {  	[smem:$0x3FB5] =	sst s7  }
0x10: {  	[smem:$0x3FB6] =	sst s8  }
0x11: {  	[smem:$0x3FB7] =	sst s9;
	s0 =	simm.s32 @!p0 $0x0  }
0x12: {  	s1 =	sld [smem:$0x3F9D];
	s0 =	simm.s32 @p0 $0x1  }
0x13: {  	[smem:$0x3FB8] =	sst s0;
	s0 =	simm.s32 @!p1 $0x0  }
0x14: {  	s2 =	sld [smem:$0x3F9C];
	s0 =	simm.s32 @p1 $0x1  }
0x15: {  	[smem:$0x3FB9] =	sst s0;
	s0 =	simm.s32 @!p2 $0x0  }
0x16: {  	s3 =	sld [smem:$0x3FDB];
	s0 =	simm.s32 @p2 $0x1  }
0x17: {  	s4 =	simm.s32 $0x1BF5;
	[smem:$0x3FBB] =	sst s0  }
0x18: {  	s0 =	sld [smem:$0x3F9E];
	_ =	swait.ge [sflag:s4], $0x0  }
0x19: {  	s7 =	sld [smem:$0x3F9F]  }
0x1a: {  	s8 =	sadd.s32 $0xFFFFE003, lr  }
0x1b: {  	s9 =	sadd.s32 $0xFFFFFEF7, lr;
	s5 =	simm.s32 $0xFFFFFFFF;
	p2 =	slt.u32 s8, $0xFFFFF086  }
0x1c: {  	p1 =	slt.u32 s9, $0xF7A;
	s5 =	simm.s32 @!p2 $0x0  }
0x1d: {  	s5 =	simm.s32 @p1 $0x1;
	p0 =	seq.s32 s7, s2  }
0x1e: {  	s7 =	smul.u32 @!p0 $0xF7A, s2;
	p2 =	seq.s32 @!p0 s5, $0x0  }
0x1f: {  	s9 =	smul.u32 $0xF7A, s1;
	s8 =	simm.s32 @!p0 $0x1BF5;
	p2 =	por !p2, p0  }
0x20: {  	[sflag:s8] =	ssyncset.s32 @!p0 $0xFFFFF086;
	s6 =	sadd.s32 @!p0 s3, s7;
	s7 =	simm.s32 @!p0 $0x108  }
0x21: {  	s3 =	sadd.s32 s3, s9;
	s6 =	sadd.s32 @!p0 $0x88, s6;
	s7 =	simm.s32 @p2 $0x1082  }
0x22: {  	[simem:s7], [sflag:s8] =	dma.local @!p0 [hbm:s6], $0xF7A  }
0x23: {  	s9 =	sor.u32 $0xD0000000, s2;
	s6 =	simm.s32 $0x108;
	_ =	swait.ge @!p0 [sflag:s8], $0x0  }
0x24: {  	s3 =	sadd.s32 $0x88, s3;
	s6 =	simm.s32 @!p1 $0x1082;
	[sflag:s4] =	ssyncset.s32 $0xFFFFF086  }
0x25: {  	[simem:s6], [sflag:s4] =	dma.local [hbm:s3], $0xF7A  }
0x26: {  	[smem:$0x3F9F] =	sst s1;
	(tag) =	ssettag s2;
	_ =	strace s9  }
0x27: {  	s1 =	sld [smem:$0x3FAF]  }
0x28: {  	s2 =	sld [smem:$0x3FB0]  }
0x29: {  	s4 =	sld [smem:$0x3FB2]  }
0x2a: {  	p0 =	seq.s32 s5, $0x0;
	s5 =	sld [smem:$0x3FB3]  }
0x2b: {  	s6 =	sld [smem:$0x3FB4]  }
0x2c: {  	s7 =	sld [smem:$0x3FB5]  }
0x2d: {  	s3 =	simm.s32 $0x108;
	s8 =	sld [smem:$0x3FB6]  }
0x2e: {  	s3 =	simm.s32 @!p0 $0x1082;
	s9 =	sld [smem:$0x3FB7]  }
0x2f: {  	lr =	sadd.s32 s0, s3;
	s0 =	sld [smem:$0x3FAE]  }
0x30: {  	s3 =	sld [smem:$0x3FB1]  }
0x31: {  	[smem:$0x3FBA] =	sst s10  }
0x32: {  	s10 =	sld [smem:$0x3FB8];
	_ =	sdelay $0x3  }
0x33: {  	p0 =	seq.s32 s10, $0x1;
	s10 =	sld [smem:$0x3FBA];
	_ =	sdelay $0x3  }
0x34: {  	[smem:$0x3FBA] =	sst s10  }
0x35: {  	s10 =	sld [smem:$0x3FB9];
	_ =	sdelay $0x3  }
0x36: {  	p1 =	seq.s32 s10, $0x1;
	s10 =	sld [smem:$0x3FBA];
	_ =	sdelay $0x3  }
0x37: {  	[smem:$0x3FBA] =	sst s10  }
0x38: {  	s10 =	sld [smem:$0x3FBB]  }
0x39: {  	_ = 	snop;
	(pc) =	sbr.ind lr, $3  }
0x3a: {  	_ = 	snop  }
0x3b: {  	_ = 	snop  }
0x3c: {  	p2 =	seq.s32 s10, $0x1;
	s10 =	sld [smem:$0x3FBA]  }
0x3d: {  	_ =	shalt  }
0x3e: {  	_ =	shalt  }
0x3f: {  	_ =	shalt  }
0x40: {  	_ =	shalt  }
0x41: {  	_ =	shalt  }
0x42: {  	_ =	shalt  }
0x43: {  	_ =	shalt  }
0x44: {  	_ =	shalt  }
0x45: {  	_ =	shalt  }
0x46: {  	_ =	shalt  }
0x47: {  	_ =	shalt  }
0x48: {  	_ =	shalt  }
0x49: {  	_ =	shalt  }
0x4a: {  	_ =	shalt  }
0x4b: {  	_ =	shalt  }
0x4c: {  	_ =	shalt  }
0x4d: {  	_ =	shalt  }
0x4e: {  	_ =	shalt  }
0x4f: {  	_ =	shalt  }
0x50: {  	_ =	shalt  }
0x51: {  	_ =	shalt  }
0x52: {  	_ =	shalt  }
0x53: {  	_ =	shalt  }
0x54: {  	_ =	shalt  }
0x55: {  	_ =	shalt  }
0x56: {  	_ =	shalt  }
0x57: {  	_ =	shalt  }
0x58: {  	_ =	shalt  }
0x59: {  	_ =	shalt  }
0x5a: {  	_ =	shalt  }
0x5b: {  	_ =	shalt  }
0x5c: {  	_ =	shalt  }
0x5d: {  	_ =	shalt  }
0x5e: {  	_ =	shalt  }
0x5f: {  	_ =	shalt  }
0x60: {  	_ =	shalt  }
0x61: {  	_ =	shalt  }
0x62: {  	_ =	shalt  }
0x63: {  	_ =	shalt  }
0x64: {  	_ =	shalt  }
0x65: {  	_ =	shalt  }
0x66: {  	_ =	shalt  }
0x67: {  	_ =	shalt  }
0x68: {  	_ =	shalt  }
0x69: {  	_ =	shalt  }
0x6a: {  	_ =	shalt  }
0x6b: {  	_ =	shalt  }
0x6c: {  	_ =	shalt  }
0x6d: {  	_ =	shalt  }
0x6e: {  	_ =	shalt  }
0x6f: {  	_ =	shalt  }
0x70: {  	_ =	shalt  }
0x71: {  	_ =	shalt  }
0x72: {  	_ =	shalt  }
0x73: {  	_ =	shalt  }
0x74: {  	_ =	shalt  }
0x75: {  	_ =	shalt  }
0x76: {  	_ =	shalt  }
0x77: {  	_ =	shalt  }
0x78: {  	_ =	shalt  }
0x79: {  	_ =	shalt  }
0x7a: {  	_ =	shalt  }
0x7b: {  	_ =	shalt  }
0x7c: {  	_ =	shalt  }
0x7d: {  	_ =	shalt  }
0x7e: {  	_ =	shalt  }
0x7f: {  	_ =	shalt  }
0x80: {  	_ =	shalt  }
0x81: {  	_ =	shalt  }
0x82: {  	_ =	shalt  }
0x83: {  	_ =	shalt  }
0x84: {  	_ =	shalt  }
0x85: {  	_ =	shalt  }
0x86: {  	_ =	shalt  }
0x87: {  	_ =	shalt  }
.Lfunc_end0:
.L_simem_size_0:
called_computation_lowered:
.L_overlay_start_0:
0x88: {  	s2 =	sld [smem:$0x3FD9]  }
0x89: {  	s3 =	sld [smem:$0x3FFE];
	_ =	sdelay $0x1  }
0x8a: {  	s1 =	srdreg.scid  }
0x8b: {  	s0 =	sand.u32 $0x1, s1  }
0x8c: {  	s17 =	sshll.u32 s0, $0xA;
	s2 =	sadd.s32 s3, s2  }
0x8d: {  	s2 =	sadd.s32 s2, s17  }
0x8e: {  	[smem:$0x3FC6] =	sst s2  }
0x8f: {  	_ = 	snop  }
0x90: {  	s2 =	sld [smem:$0x3FC8]  }
0x91: {  	s18 =	sld [smem:$0x3FD0];
	(tm) =	ssettm $0x1  }
0x92: {  	s4 =	sld [smem:$0x3FFB];
	_ =	sdelay $0x3  }
0x93: {  	_ =	strace s4  }
0x94: {  	s4 =	sld [smem:$0x3FFC];
	_ =	sdelay $0x3  }
0x95: {  	_ =	strace s4  }
0x96: {  	s4 =	sld [smem:$0x3FFD];
	_ =	sdelay $0x3  }
0x97: {  	_ =	strace s4  }
0x98: {  	_ =	strace $0x8FFFFFFF  }
0x99: {  	s19 =	sld [smem:$0x3FDB];
	_ =	sdelay $0x1  }
0x9a: {  	s5 =	simm.s32 $_scs_section_size  }
0x9b: {  	s6 =	simm.s32 $_size__tile_overlayer_lowered;
	s7 =	simm.s32 $_tile_overlayer_lowered  }
0x9c: {  	s22 =	simm.s32 $0x1BFF;
	s21 =	sshll.u32 s7, $0x1;
	s4 =	sadd.s32 s5, s19  }
0x9d: {  	s8 =	simm.s32 $0x0;
	s20 =	sshll.u32 s6, $0x1;
	s6 =	sadd.s32 s21, s4  }
0x9e: {  	[timem:s8], [sflag:s22] =	dma.local [hbm:s6], s20  }
0x9f: {  	_ =	swait.ge [sflag:s22], s20  }
0xa0: {  	s5 =	ssub.s32 $0x0, s20;
	[sflag:s22] =	ssyncset.done $0x0  }
0xa1: {  	[sflag:s22] =	ssyncadd.s32 s5;
	_ =	sdelay $0x1  }
0xa2: {  	s23 =	simm.s32 $0x1B8B  }
0xa3: {  	_ =	swait.ge [sflag:s23], $0x1  }
0xa4: {  	[sflag:s23] =	ssyncset.done $0x0  }
0xa5: {  	s25 =	simm.s32 $0x1B8E;
	s24 =	sld [smem:$0x3FFE];
	[sflag:s23] =	ssyncadd.s32 $0xFFFFFFFF  }
0xa6: {  	s26 =	simm.s32 $execute0_lowered;
	[smem:$0x3FD2] =	sst s25  }
0xa7: {  	s6 =	sshll.u32 s26, $0x1;
	_ =	strace $0x80000046;
	[dreg:$0x1] =	wrdreg $0xFFFFFFFF  }
0xa8: {  	s28 =	simm.s32 $_size_execute0_lowered;
	s4 =	sadd.s32 s4, s6;
	[dreg:$0x0] =	wrdreg $0x0  }
0xa9: {  	s6 =	sshll.u32 s28, $0x1;
	[dreg:$0x2] =	wrdreg s4  }
0xaa: {  	[dreg:$0x3] =	wrdreg s6  }
0xab: {  	[dreg:$0x4] =	wrdreg $0xC0  }
0xac: {  	_ =	task [dreg:s8], $0x5FFFF  }
0xad: {  	[dreg:$0x1] =	wrdreg $0xFFFFFFFF  }
0xae: {  	[dreg:$0x0] =	wrdreg $0x60  }
0xaf: {  	[dreg:$0x2] =	wrdreg s24  }
0xb0: {  	[dreg:$0x3] =	wrdreg s2  }
0xb1: {  	[dreg:$0x4] =	wrdreg s18  }
0xb2: {  	[dreg:$0x5] =	wrdreg $0x9  }
0xb3: {  	_ =	task.clear_ibuf [dreg:s8], $0x6FFFF;
	_ =	strace $0x90000046  }
0xb4: {  	s29 =	simm.s32 $0x9;
	_ =	strace $0x80000048  }
0xb5: {  	_ =	swait.ge [sflag:s29], $0x1  }
0xb6: {  	[sflag:s29] =	ssyncadd.s32 $0xFFFFFFFF  }
0xb7: {  	_ =	strace $0x90000048  }
0xb8: {  	_ =	sfence  }
0xb9: {  	s30 =	sld [smem:$0x0];
	_ =	sdelay $0x2  }
0xba: {  	s31 =	sshll.u32 s1, $0xD;
	s1 =	sshrl.u32 s1, $0x2  }
0xbb: {  	s3 =	sand.u32 $0x4000, s31;
	s1 =	sadd.s32 s1, s30  }
0xbc: {  	s0 =	sor.u32 s3, s0;
	s1 =	sshll.u32 s1, $0x11  }
0xbd: {  	s0 =	sor.u32 s1, s0  }
0xbe: {  	s0 =	sadd.s32 $0x8F2B, s0  }
0xbf: {  	[sflag:s0] =	ssyncadd.remote.s32 $0x1  }
0xc0: {  	_ =	sfence.sel $0xFFFF  }
0xc1: {  	[dreg:$0x0] =	wrdreg $0xFFFFFFFF;
	(pc) =	sbr.abs _section_cstart, $3  }
0xc2: {  	[dreg:$0x1] =	wrdreg $0xFFFFFFFF  }
0xc3: {  	_ =	task.clear_ibuf [dreg:s8], $0x2FFFF;
	_ =	strace $0x9FFFFFFF  }
0xc4: {  	(tm) =	ssettm $0x7FFFFFFF  }
0xc5: {  	_ =	shalt  }
tec
execute0_lowered:
.L_overlay_start_1:
0x0: {  	(tag) =	ssettag $0x1  }
0x1: {  	s2 =	srdreg.scid  }
0x2: {  	s6 =	stileid.u32;
	s2 =	sand.u32 $0x1, s2  }
0x3: {  	s0 =	rddreg [dreg:$0x0];
	s3 =	sshll.u32 s6, $0xB;
	s4 =	sshll.u32 s2, $0xA  }
0x4: {  	s1 =	rddreg [dreg:$0x2];
	s3 =	sor.u32 s4, s3  }
0x5: {  	s7 =	simm.s32 $0x0;
	s4 =	sshrl.u32 s3, $0x3;
	s3 =	sshll.u32 s3, $0x4  }
0x6: {  	[smem:$0x7FF] =	sst s7;
	s0 =	sadd.s32 s4, s0;
	s3 =	sadd.s32 s1, s3  }
0x7: {  	_ =	strace $0x80000047;
	s0 =	sadd.s32 $0x400, s0;
	[dreg:$0x6] =	wrdreg s3  }
0x8: {  	s21 =	sadd.s32 $0x800, s3;
	[dreg:$0x5] =	wrdreg s0  }
0x9: {  	s26 =	sshll.u32 s6, $0xF;
	s22 =	sadd.s32 $0x1000, s3;
	[dreg:$0x7] =	wrdreg s21  }
0xa: {  	s5 =	ssub.s32 $0x2, s2;
	s23 =	sadd.s32 $0x1800, s3;
	[dreg:$0x8] =	wrdreg s22  }
0xb: {  	s29 =	sshll.u32 s2, $0xE;
	s24 =	sadd.s32 $0x2000, s3;
	[dreg:$0x9] =	wrdreg s23  }
.Ltmp0:
0xc: {  	s25 =	sadd.s32 $0x2800, s3;
	[dreg:$0xa] =	wrdreg s24;
	(pc) =	sbr.rel .LBB2_1-.Ltmp0, $4  }
0xd: {  	s20 =	sshrl.u32 s5, $0x1;
	s28 =	sadd.s32 $0x3000, s3;
	[dreg:$0xb] =	wrdreg s25  }
0xe: {  	s4 =	ssub.s32 s5, s20;
	s30 =	sadd.s32 $0x3800, s3;
	[dreg:$0xc] =	wrdreg s28  }
0xf: {  	s31 =	smax.u32 s4, $0x1;
	s0 =	sadd.s32 s26, s1;
	[dreg:$0xd] =	wrdreg s30  }
0x10: {  	v0 =	vimm.f32 $0.0e+00;
	v1 =	vimm.s32 $0x0;
	s3 =	simm.s32 $0x0;
	[dreg:$0xe] =	wrdreg s31;
	s14 =	sadd.s32 s29, s0  }
.LBB2_6:
0x11: {  	[sflag:s2] =	ssyncadd.s32 $0xFFFFFF80;
	s3 =	rddreg [dreg:$0xf]  }
.LBB2_7:
0x12: {  	s3 =	sadd.s32 $0x1, s3;
	s0 =	rddreg [dreg:$0xe]  }
0x13: {  	p0 =	sne.s32 s3, s0  }
.Ltmp1:
0x14: {  	_ = 	snop;
	(pc) =	sbr.rel @!p0 .LBB2_8-.Ltmp1, $1  }
0x15: {  	_ =	sdelay $0x3  }
.LBB2_1:
0x16: {  	[dreg:$0xf] =	wrdreg s3  }
0x17: {  	s0 =	rddreg [dreg:$0x5];
	s15 =	simm.s32 $0xE  }
0x18: {  	[tilespmem:s7], [sflag:$0xE] =	stream.linear.gather [hbm4b:s0+s7], $0x400, $0x38;
	[tilespmem:$0x19000] =	vst v63  }
0x19: {  	_ =	swait.ge [sflag:s15], $0x400  }
0x1a: {  	[sflag:s15] =	ssyncset.done $0x0  }
0x1b: {  	[sflag:s15] =	ssyncadd.s32 $0xFFFFFC00  }
0x1c: {  	[tilespmem:$0x18800] =	vst v0  }
0x1d: {  	[tilespmem:$0x18810] =	vst v0  }
0x1e: {  	[tilespmem:$0x18820] =	vst v0  }
0x1f: {  	[tilespmem:$0x18830] =	vst v0  }
0x20: {  	[tilespmem:$0x18840] =	vst v0  }
0x21: {  	[tilespmem:$0x18850] =	vst v0  }
0x22: {  	[tilespmem:$0x18860] =	vst v0  }
0x23: {  	[tilespmem:$0x18870] =	vst v0  }
0x24: {  	[tilespmem:$0x18880] =	vst v0  }
0x25: {  	[tilespmem:$0x18890] =	vst v0  }
0x26: {  	[tilespmem:$0x188A0] =	vst v0  }
0x27: {  	[tilespmem:$0x188B0] =	vst v0  }
0x28: {  	[tilespmem:$0x188C0] =	vst v0  }
0x29: {  	[tilespmem:$0x188D0] =	vst v0  }
0x2a: {  	[tilespmem:$0x188E0] =	vst v0  }
0x2b: {  	[tilespmem:$0x188F0] =	vst v0  }
0x2c: {  	[tilespmem:$0x18900] =	vst v0  }
0x2d: {  	[tilespmem:$0x18910] =	vst v0  }
0x2e: {  	[tilespmem:$0x18920] =	vst v0  }
0x2f: {  	[tilespmem:$0x18930] =	vst v0  }
0x30: {  	[tilespmem:$0x18940] =	vst v0  }
0x31: {  	[tilespmem:$0x18950] =	vst v0  }
0x32: {  	[tilespmem:$0x18960] =	vst v0  }
0x33: {  	[tilespmem:$0x18970] =	vst v0  }
0x34: {  	[tilespmem:$0x18980] =	vst v0  }
0x35: {  	[tilespmem:$0x18990] =	vst v0  }
0x36: {  	[tilespmem:$0x189A0] =	vst v0  }
0x37: {  	[tilespmem:$0x189B0] =	vst v0  }
0x38: {  	[tilespmem:$0x189C0] =	vst v0  }
0x39: {  	[tilespmem:$0x189D0] =	vst v0  }
0x3a: {  	[tilespmem:$0x189E0] =	vst v0  }
0x3b: {  	[tilespmem:$0x189F0] =	vst v0  }
0x3c: {  	[tilespmem:$0x18A00] =	vst v0  }
0x3d: {  	[tilespmem:$0x18A10] =	vst v0  }
0x3e: {  	[tilespmem:$0x18A20] =	vst v0  }
0x3f: {  	[tilespmem:$0x18A30] =	vst v0  }
0x40: {  	[tilespmem:$0x18A40] =	vst v0  }
0x41: {  	[tilespmem:$0x18A50] =	vst v0  }
0x42: {  	[tilespmem:$0x18A60] =	vst v0  }
0x43: {  	[tilespmem:$0x18A70] =	vst v0  }
0x44: {  	[tilespmem:$0x18A80] =	vst v0  }
0x45: {  	[tilespmem:$0x18A90] =	vst v0  }
0x46: {  	[tilespmem:$0x18AA0] =	vst v0  }
0x47: {  	[tilespmem:$0x18AB0] =	vst v0  }
0x48: {  	[tilespmem:$0x18AC0] =	vst v0  }
0x49: {  	[tilespmem:$0x18AD0] =	vst v0  }
0x4a: {  	[tilespmem:$0x18AE0] =	vst v0  }
0x4b: {  	[tilespmem:$0x18AF0] =	vst v0  }
0x4c: {  	[tilespmem:$0x18B00] =	vst v0  }
0x4d: {  	[tilespmem:$0x18B10] =	vst v0  }
0x4e: {  	[tilespmem:$0x18B20] =	vst v0  }
0x4f: {  	[tilespmem:$0x18B30] =	vst v0  }
0x50: {  	[tilespmem:$0x18B40] =	vst v0  }
0x51: {  	[tilespmem:$0x18B50] =	vst v0  }
0x52: {  	[tilespmem:$0x18B60] =	vst v0  }
0x53: {  	[tilespmem:$0x18B70] =	vst v0  }
0x54: {  	[tilespmem:$0x18B80] =	vst v0  }
0x55: {  	[tilespmem:$0x18B90] =	vst v0  }
0x56: {  	[tilespmem:$0x18BA0] =	vst v0  }
0x57: {  	[tilespmem:$0x18BB0] =	vst v0  }
0x58: {  	[tilespmem:$0x18BC0] =	vst v0  }
0x59: {  	[tilespmem:$0x18BD0] =	vst v0  }
0x5a: {  	[tilespmem:$0x18BE0] =	vst v0  }
0x5b: {  	[tilespmem:$0x18BF0] =	vst v0  }
0x5c: {  	[tilespmem:$0x18C00] =	vst v0  }
0x5d: {  	[tilespmem:$0x18C10] =	vst v0  }
0x5e: {  	[tilespmem:$0x18C20] =	vst v0  }
0x5f: {  	[tilespmem:$0x18C30] =	vst v0  }
0x60: {  	[tilespmem:$0x18C40] =	vst v0  }
0x61: {  	[tilespmem:$0x18C50] =	vst v0  }
0x62: {  	[tilespmem:$0x18C60] =	vst v0  }
0x63: {  	[tilespmem:$0x18C70] =	vst v0  }
0x64: {  	[tilespmem:$0x18C80] =	vst v0  }
0x65: {  	[tilespmem:$0x18C90] =	vst v0  }
0x66: {  	[tilespmem:$0x18CA0] =	vst v0  }
0x67: {  	[tilespmem:$0x18CB0] =	vst v0  }
0x68: {  	[tilespmem:$0x18CC0] =	vst v0  }
0x69: {  	[tilespmem:$0x18CD0] =	vst v0  }
0x6a: {  	[tilespmem:$0x18CE0] =	vst v0  }
0x6b: {  	[tilespmem:$0x18CF0] =	vst v0  }
0x6c: {  	[tilespmem:$0x18D00] =	vst v0  }
0x6d: {  	[tilespmem:$0x18D10] =	vst v0  }
0x6e: {  	[tilespmem:$0x18D20] =	vst v0  }
0x6f: {  	[tilespmem:$0x18D30] =	vst v0  }
0x70: {  	[tilespmem:$0x18D40] =	vst v0  }
0x71: {  	[tilespmem:$0x18D50] =	vst v0  }
0x72: {  	[tilespmem:$0x18D60] =	vst v0  }
0x73: {  	[tilespmem:$0x18D70] =	vst v0  }
0x74: {  	[tilespmem:$0x18D80] =	vst v0  }
0x75: {  	[tilespmem:$0x18D90] =	vst v0  }
0x76: {  	[tilespmem:$0x18DA0] =	vst v0  }
0x77: {  	[tilespmem:$0x18DB0] =	vst v0  }
0x78: {  	[tilespmem:$0x18DC0] =	vst v0  }
0x79: {  	[tilespmem:$0x18DD0] =	vst v0  }
0x7a: {  	[tilespmem:$0x18DE0] =	vst v0  }
0x7b: {  	[tilespmem:$0x18DF0] =	vst v0  }
0x7c: {  	[tilespmem:$0x18E00] =	vst v0  }
0x7d: {  	[tilespmem:$0x18E10] =	vst v0  }
0x7e: {  	[tilespmem:$0x18E20] =	vst v0  }
0x7f: {  	[tilespmem:$0x18E30] =	vst v0  }
0x80: {  	[tilespmem:$0x18E40] =	vst v0  }
0x81: {  	[tilespmem:$0x18E50] =	vst v0  }
0x82: {  	[tilespmem:$0x18E60] =	vst v0  }
0x83: {  	[tilespmem:$0x18E70] =	vst v0  }
0x84: {  	[tilespmem:$0x18E80] =	vst v0  }
0x85: {  	[tilespmem:$0x18E90] =	vst v0  }
0x86: {  	[tilespmem:$0x18EA0] =	vst v0  }
0x87: {  	[tilespmem:$0x18EB0] =	vst v0  }
0x88: {  	[tilespmem:$0x18EC0] =	vst v0  }
0x89: {  	[tilespmem:$0x18ED0] =	vst v0  }
0x8a: {  	[tilespmem:$0x18EE0] =	vst v0  }
0x8b: {  	[tilespmem:$0x18EF0] =	vst v0  }
0x8c: {  	[tilespmem:$0x18F00] =	vst v0  }
0x8d: {  	[tilespmem:$0x18F10] =	vst v0  }
0x8e: {  	[tilespmem:$0x18F20] =	vst v0  }
0x8f: {  	[tilespmem:$0x18F30] =	vst v0  }
0x90: {  	[tilespmem:$0x18F40] =	vst v0  }
0x91: {  	[tilespmem:$0x18F50] =	vst v0  }
0x92: {  	[tilespmem:$0x18F60] =	vst v0  }
0x93: {  	[tilespmem:$0x18F70] =	vst v0  }
0x94: {  	[tilespmem:$0x18F80] =	vst v0;
	v2 =	vld [tilespmem:$0x0]  }
0x95: {  	[tilespmem:$0x18F90] =	vst v0;
	v3 =	vld [tilespmem:$0x10]  }
0x96: {  	[tilespmem:$0x18FA0] =	vst v0;
	v4 =	vld [tilespmem:$0x20]  }
0x97: {  	[tilespmem:$0x18FB0] =	vst v0;
	v5 =	vld [tilespmem:$0x30]  }
0x98: {  	[tilespmem:$0x18FC0] =	vst v0;
	v6 =	vld [tilespmem:$0x40]  }
0x99: {  	[tilespmem:$0x18FD0] =	vst v0;
	v7 =	vld [tilespmem:$0x50];
	vm0 =	vgt.s32 v2, $0x0  }
0x9a: {  	[tilespmem:$0x18FE0] =	vst v0;
	v8 =	vld [tilespmem:$0x60];
	vm12 =	vgt.s32 v3, $0x0;
	v2 =	vnsel vm0, $0x0, v2  }
0x9b: {  	[tilespmem:$0x18FF0] =	vst v0;
	v9 =	vld [tilespmem:$0x70];
	vm13 =	vgt.s32 v4, $0x0;
	v3 =	vnsel vm12, $0x0, v3;
	v2 =	vmin.u32 v2, $0x1869F  }
0x9c: {  	vm14 =	vgt.s32 v5, $0x0;
	[tilespmem:$0x400] =	vst v2;
	v2 =	vmin.u32 v3, $0x1869F;
	v3 =	vnsel vm13, $0x0, v4  }
0x9d: {  	vm15 =	vgt.s32 v6, $0x0;
	[tilespmem:$0x410] =	vst v2;
	v2 =	vmin.u32 v3, $0x1869F;
	v3 =	vnsel vm14, $0x0, v5  }
0x9e: {  	vm4 =	vgt.s32 v7, $0x0;
	[tilespmem:$0x420] =	vst v2;
	v2 =	vmin.u32 v3, $0x1869F;
	v3 =	vnsel vm15, $0x0, v6  }
0x9f: {  	vm5 =	vgt.s32 v8, $0x0;
	[tilespmem:$0x430] =	vst v2;
	v2 =	vmin.u32 v3, $0x1869F;
	v3 =	vnsel vm4, $0x0, v7  }
0xa0: {  	vm6 =	vgt.s32 v9, $0x0;
	[tilespmem:$0x440] =	vst v2;
	v2 =	vmin.u32 v3, $0x1869F;
	v3 =	vnsel vm5, $0x0, v8  }
0xa1: {  	[tilespmem:$0x450] =	vst v2;
	v2 =	vmin.u32 v3, $0x1869F;
	v3 =	vnsel vm6, $0x0, v9  }
0xa2: {  	s2 =	simm.s32 $0x80;
	[tilespmem:$0x460] =	vst v2;
	v2 =	vmin.u32 v3, $0x1869F  }
0xa3: {  	s1 =	simm.s32 $0x400;
	s3 =	simm.s32 $0x800;
	s0 =	rddreg [dreg:$0x1];
	[tilespmem:$0x470] =	vst v2  }
0xa4: {  	[tilespmem:s3], [sflag:$0x1] =	stream.indirect.gather [hbm4b:s0+s2], $0x80, s1, s2, $0xb8;
	[tilespmem:$0x19000] =	vst v63  }
0xa5: {  	v2 =	vld [tilespmem:$0x80]  }
0xa6: {  	v3 =	vld [tilespmem:$0x90]  }
0xa7: {  	v20 =	vld [tilespmem:$0xA0]  }
0xa8: {  	v21 =	vld [tilespmem:$0xB0]  }
0xa9: {  	v22 =	vld [tilespmem:$0xC0]  }
0xaa: {  	v23 =	vld [tilespmem:$0xD0];
	vm7 =	vgt.s32 v2, $0x0  }
0xab: {  	v24 =	vld [tilespmem:$0xE0];
	vm8 =	vgt.s32 v3, $0x0;
	v2 =	vnsel vm7, $0x0, v2  }
0xac: {  	v25 =	vld [tilespmem:$0xF0];
	vm9 =	vgt.s32 v20, $0x0;
	v3 =	vnsel vm8, $0x0, v3;
	v2 =	vmin.u32 v2, $0x1869F  }
0xad: {  	vm10 =	vgt.s32 v21, $0x0;
	[tilespmem:$0x480] =	vst v2;
	v2 =	vmin.u32 v3, $0x1869F;
	v3 =	vnsel vm9, $0x0, v20  }
0xae: {  	vm11 =	vgt.s32 v22, $0x0;
	[tilespmem:$0x490] =	vst v2;
	v2 =	vmin.u32 v3, $0x1869F;
	v3 =	vnsel vm10, $0x0, v21  }
0xaf: {  	vm12 =	vgt.s32 v23, $0x0;
	[tilespmem:$0x4A0] =	vst v2;
	v2 =	vmin.u32 v3, $0x1869F;
	v3 =	vnsel vm11, $0x0, v22  }
0xb0: {  	vm13 =	vgt.s32 v24, $0x0;
	[tilespmem:$0x4B0] =	vst v2;
	v2 =	vmin.u32 v3, $0x1869F;
	v3 =	vnsel vm12, $0x0, v23  }
0xb1: {  	vm14 =	vgt.s32 v25, $0x0;
	[tilespmem:$0x4C0] =	vst v2;
	v2 =	vmin.u32 v3, $0x1869F;
	v3 =	vnsel vm13, $0x0, v24  }
0xb2: {  	[tilespmem:$0x4D0] =	vst v2;
	v2 =	vmin.u32 v3, $0x1869F;
	v3 =	vnsel vm14, $0x0, v25  }
0xb3: {  	[tilespmem:$0x4E0] =	vst v2;
	v2 =	vmin.u32 v3, $0x1869F  }
0xb4: {  	s16 =	simm.s32 $0x480;
	s4 =	simm.s32 $0x4800;
	[tilespmem:$0x4F0] =	vst v2  }
0xb5: {  	[tilespmem:s4], [sflag:$0x2] =	stream.indirect.gather [hbm4b:s0+s2], $0x80, s16, s2, $0xb8;
	[tilespmem:$0x19000] =	vst v63  }
0xb6: {  	v2 =	vld [tilespmem:$0x100]  }
0xb7: {  	v3 =	vld [tilespmem:$0x110]  }
0xb8: {  	v26 =	vld [tilespmem:$0x120]  }
0xb9: {  	v27 =	vld [tilespmem:$0x130]  }
0xba: {  	v28 =	vld [tilespmem:$0x140]  }
0xbb: {  	v29 =	vld [tilespmem:$0x150];
	vm15 =	vgt.s32 v2, $0x0  }
0xbc: {  	v30 =	vld [tilespmem:$0x160];
	vm4 =	vgt.s32 v3, $0x0;
	v2 =	vnsel vm15, $0x0, v2  }
0xbd: {  	v31 =	vld [tilespmem:$0x170];
	vm5 =	vgt.s32 v26, $0x0;
	v3 =	vnsel vm4, $0x0, v3;
	v2 =	vmin.u32 v2, $0x1869F  }
0xbe: {  	vm6 =	vgt.s32 v27, $0x0;
	[tilespmem:$0x500] =	vst v2;
	v2 =	vmin.u32 v3, $0x1869F;
	v3 =	vnsel vm5, $0x0, v26  }
0xbf: {  	vm7 =	vgt.s32 v28, $0x0;
	[tilespmem:$0x510] =	vst v2;
	v2 =	vmin.u32 v3, $0x1869F;
	v3 =	vnsel vm6, $0x0, v27  }
0xc0: {  	vm8 =	vgt.s32 v29, $0x0;
	[tilespmem:$0x520] =	vst v2;
	v2 =	vmin.u32 v3, $0x1869F;
	v3 =	vnsel vm7, $0x0, v28  }
0xc1: {  	vm9 =	vgt.s32 v30, $0x0;
	[tilespmem:$0x530] =	vst v2;
	v2 =	vmin.u32 v3, $0x1869F;
	v3 =	vnsel vm8, $0x0, v29  }
0xc2: {  	vm10 =	vgt.s32 v31, $0x0;
	[tilespmem:$0x540] =	vst v2;
	v2 =	vmin.u32 v3, $0x1869F;
	v3 =	vnsel vm9, $0x0, v30  }
0xc3: {  	[tilespmem:$0x550] =	vst v2;
	v2 =	vmin.u32 v3, $0x1869F;
	v3 =	vnsel vm10, $0x0, v31  }
0xc4: {  	[tilespmem:$0x560] =	vst v2;
	v2 =	vmin.u32 v3, $0x1869F  }
0xc5: {  	s17 =	simm.s32 $0x500;
	s5 =	simm.s32 $0x8800;
	[tilespmem:$0x570] =	vst v2  }
0xc6: {  	[tilespmem:s5], [sflag:$0x3] =	stream.indirect.gather [hbm4b:s0+s2], $0x80, s17, s2, $0xb8;
	[tilespmem:$0x19000] =	vst v63  }
0xc7: {  	v2 =	vld [tilespmem:$0x180]  }
0xc8: {  	v3 =	vld [tilespmem:$0x190]  }
0xc9: {  	v32 =	vld [tilespmem:$0x1A0]  }
0xca: {  	v33 =	vld [tilespmem:$0x1B0]  }
0xcb: {  	v34 =	vld [tilespmem:$0x1C0]  }
0xcc: {  	v35 =	vld [tilespmem:$0x1D0];
	vm11 =	vgt.s32 v2, $0x0  }
0xcd: {  	v36 =	vld [tilespmem:$0x1E0];
	vm12 =	vgt.s32 v3, $0x0;
	v2 =	vnsel vm11, $0x0, v2  }
0xce: {  	v37 =	vld [tilespmem:$0x1F0];
	vm13 =	vgt.s32 v32, $0x0;
	v3 =	vnsel vm12, $0x0, v3;
	v2 =	vmin.u32 v2, $0x1869F  }
0xcf: {  	vm14 =	vgt.s32 v33, $0x0;
	[tilespmem:$0x580] =	vst v2;
	v2 =	vmin.u32 v3, $0x1869F;
	v3 =	vnsel vm13, $0x0, v32  }
0xd0: {  	vm15 =	vgt.s32 v34, $0x0;
	[tilespmem:$0x590] =	vst v2;
	v2 =	vmin.u32 v3, $0x1869F;
	v3 =	vnsel vm14, $0x0, v33  }
0xd1: {  	vm4 =	vgt.s32 v35, $0x0;
	[tilespmem:$0x5A0] =	vst v2;
	v2 =	vmin.u32 v3, $0x1869F;
	v3 =	vnsel vm15, $0x0, v34  }
0xd2: {  	vm5 =	vgt.s32 v36, $0x0;
	[tilespmem:$0x5B0] =	vst v2;
	v2 =	vmin.u32 v3, $0x1869F;
	v3 =	vnsel vm4, $0x0, v35  }
0xd3: {  	vm6 =	vgt.s32 v37, $0x0;
	[tilespmem:$0x5C0] =	vst v2;
	v2 =	vmin.u32 v3, $0x1869F;
	v3 =	vnsel vm5, $0x0, v36  }
0xd4: {  	[tilespmem:$0x5D0] =	vst v2;
	v2 =	vmin.u32 v3, $0x1869F;
	v3 =	vnsel vm6, $0x0, v37  }
0xd5: {  	[tilespmem:$0x5E0] =	vst v2;
	v2 =	vmin.u32 v3, $0x1869F  }
0xd6: {  	s18 =	simm.s32 $0x580;
	s6 =	simm.s32 $0xC800;
	[tilespmem:$0x5F0] =	vst v2  }
0xd7: {  	[tilespmem:s6], [sflag:$0x4] =	stream.indirect.gather [hbm4b:s0+s2], $0x80, s18, s2, $0xb8;
	[tilespmem:$0x19000] =	vst v63  }
0xd8: {  	v2 =	vld [tilespmem:$0x200]  }
0xd9: {  	v3 =	vld [tilespmem:$0x210]  }
0xda: {  	v38 =	vld [tilespmem:$0x220]  }
0xdb: {  	v39 =	vld [tilespmem:$0x230]  }
0xdc: {  	v40 =	vld [tilespmem:$0x240]  }
0xdd: {  	v41 =	vld [tilespmem:$0x250];
	vm7 =	vgt.s32 v2, $0x0  }
0xde: {  	v42 =	vld [tilespmem:$0x260];
	vm8 =	vgt.s32 v3, $0x0;
	v2 =	vnsel vm7, $0x0, v2  }
0xdf: {  	v43 =	vld [tilespmem:$0x270];
	vm9 =	vgt.s32 v38, $0x0;
	v3 =	vnsel vm8, $0x0, v3;
	v2 =	vmin.u32 v2, $0x1869F  }
0xe0: {  	vm10 =	vgt.s32 v39, $0x0;
	[tilespmem:$0x600] =	vst v2;
	v2 =	vmin.u32 v3, $0x1869F;
	v3 =	vnsel vm9, $0x0, v38  }
0xe1: {  	vm11 =	vgt.s32 v40, $0x0;
	[tilespmem:$0x610] =	vst v2;
	v2 =	vmin.u32 v3, $0x1869F;
	v3 =	vnsel vm10, $0x0, v39  }
0xe2: {  	vm12 =	vgt.s32 v41, $0x0;
	[tilespmem:$0x620] =	vst v2;
	v2 =	vmin.u32 v3, $0x1869F;
	v3 =	vnsel vm11, $0x0, v40  }
0xe3: {  	vm13 =	vgt.s32 v42, $0x0;
	[tilespmem:$0x630] =	vst v2;
	v2 =	vmin.u32 v3, $0x1869F;
	v3 =	vnsel vm12, $0x0, v41  }
0xe4: {  	vm14 =	vgt.s32 v43, $0x0;
	[tilespmem:$0x640] =	vst v2;
	v2 =	vmin.u32 v3, $0x1869F;
	v3 =	vnsel vm13, $0x0, v42  }
0xe5: {  	[tilespmem:$0x650] =	vst v2;
	v2 =	vmin.u32 v3, $0x1869F;
	v3 =	vnsel vm14, $0x0, v43  }
0xe6: {  	[tilespmem:$0x660] =	vst v2;
	v2 =	vmin.u32 v3, $0x1869F  }
0xe7: {  	s19 =	simm.s32 $0x600;
	s8 =	simm.s32 $0x10800;
	[tilespmem:$0x670] =	vst v2  }
0xe8: {  	[tilespmem:s8], [sflag:$0x5] =	stream.indirect.gather [hbm4b:s0+s2], $0x80, s19, s2, $0xb8;
	[tilespmem:$0x19000] =	vst v63  }
0xe9: {  	v2 =	vld [tilespmem:$0x280]  }
0xea: {  	v3 =	vld [tilespmem:$0x290]  }
0xeb: {  	v44 =	vld [tilespmem:$0x2A0]  }
0xec: {  	v45 =	vld [tilespmem:$0x2B0]  }
0xed: {  	v46 =	vld [tilespmem:$0x2C0]  }
0xee: {  	v47 =	vld [tilespmem:$0x2D0];
	vm15 =	vgt.s32 v2, $0x0  }
0xef: {  	v48 =	vld [tilespmem:$0x2E0];
	vm4 =	vgt.s32 v3, $0x0;
	v2 =	vnsel vm15, $0x0, v2  }
0xf0: {  	v49 =	vld [tilespmem:$0x2F0];
	vm5 =	vgt.s32 v44, $0x0;
	v3 =	vnsel vm4, $0x0, v3;
	v2 =	vmin.u32 v2, $0x1869F  }
0xf1: {  	vm6 =	vgt.s32 v45, $0x0;
	[tilespmem:$0x680] =	vst v2;
	v2 =	vmin.u32 v3, $0x1869F;
	v3 =	vnsel vm5, $0x0, v44  }
0xf2: {  	vm7 =	vgt.s32 v46, $0x0;
	[tilespmem:$0x690] =	vst v2;
	v2 =	vmin.u32 v3, $0x1869F;
	v3 =	vnsel vm6, $0x0, v45  }
0xf3: {  	vm8 =	vgt.s32 v47, $0x0;
	[tilespmem:$0x6A0] =	vst v2;
	v2 =	vmin.u32 v3, $0x1869F;
	v3 =	vnsel vm7, $0x0, v46  }
0xf4: {  	vm9 =	vgt.s32 v48, $0x0;
	[tilespmem:$0x6B0] =	vst v2;
	v2 =	vmin.u32 v3, $0x1869F;
	v3 =	vnsel vm8, $0x0, v47  }
0xf5: {  	vm10 =	vgt.s32 v49, $0x0;
	[tilespmem:$0x6C0] =	vst v2;
	v2 =	vmin.u32 v3, $0x1869F;
	v3 =	vnsel vm9, $0x0, v48  }
0xf6: {  	[tilespmem:$0x6D0] =	vst v2;
	v2 =	vmin.u32 v3, $0x1869F;
	v3 =	vnsel vm10, $0x0, v49  }
0xf7: {  	[tilespmem:$0x6E0] =	vst v2;
	v2 =	vmin.u32 v3, $0x1869F  }
0xf8: {  	s20 =	simm.s32 $0x680;
	s9 =	simm.s32 $0x14800;
	[tilespmem:$0x6F0] =	vst v2  }
0xf9: {  	[tilespmem:s9], [sflag:$0x6] =	stream.indirect.gather [hbm4b:s0+s2], $0x80, s20, s2, $0xb8;
	[tilespmem:$0x19000] =	vst v63  }
0xfa: {  	v2 =	vld [tilespmem:$0x300]  }
0xfb: {  	v3 =	vld [tilespmem:$0x310]  }
0xfc: {  	v50 =	vld [tilespmem:$0x320]  }
0xfd: {  	v51 =	vld [tilespmem:$0x330]  }
0xfe: {  	v52 =	vld [tilespmem:$0x340]  }
0xff: {  	v53 =	vld [tilespmem:$0x350];
	vm11 =	vgt.s32 v2, $0x0  }
0x100: {  	v54 =	vld [tilespmem:$0x360];
	vm12 =	vgt.s32 v3, $0x0;
	v2 =	vnsel vm11, $0x0, v2  }
0x101: {  	v55 =	vld [tilespmem:$0x370];
	vm13 =	vgt.s32 v50, $0x0;
	v3 =	vnsel vm12, $0x0, v3;
	v2 =	vmin.u32 v2, $0x1869F  }
0x102: {  	v56 =	vld [tilespmem:$0x380];
	vm14 =	vgt.s32 v51, $0x0;
	[tilespmem:$0x700] =	vst v2;
	v2 =	vmin.u32 v3, $0x1869F;
	v3 =	vnsel vm13, $0x0, v50  }
0x103: {  	v57 =	vld [tilespmem:$0x390];
	vm15 =	vgt.s32 v52, $0x0;
	[tilespmem:$0x710] =	vst v2;
	v2 =	vmin.u32 v3, $0x1869F;
	v3 =	vnsel vm14, $0x0, v51  }
0x104: {  	v58 =	vld [tilespmem:$0x3A0];
	vm4 =	vgt.s32 v53, $0x0;
	[tilespmem:$0x720] =	vst v2;
	v2 =	vmin.u32 v3, $0x1869F;
	v3 =	vnsel vm15, $0x0, v52  }
0x105: {  	v59 =	vld [tilespmem:$0x3B0];
	vm5 =	vgt.s32 v54, $0x0;
	[tilespmem:$0x730] =	vst v2;
	v2 =	vmin.u32 v3, $0x1869F;
	v3 =	vnsel vm4, $0x0, v53  }
0x106: {  	v60 =	vld [tilespmem:$0x3C0];
	vm6 =	vgt.s32 v55, $0x0;
	[tilespmem:$0x740] =	vst v2;
	v2 =	vmin.u32 v3, $0x1869F;
	v3 =	vnsel vm5, $0x0, v54  }
0x107: {  	v61 =	vld [tilespmem:$0x3D0];
	vm7 =	vgt.s32 v56, $0x0;
	[tilespmem:$0x750] =	vst v2;
	v2 =	vmin.u32 v3, $0x1869F;
	v3 =	vnsel vm6, $0x0, v55  }
0x108: {  	v62 =	vld [tilespmem:$0x3E0];
	vm8 =	vgt.s32 v57, $0x0;
	[tilespmem:$0x760] =	vst v2;
	v2 =	vmin.u32 v3, $0x1869F;
	v3 =	vnsel vm7, $0x0, v56  }
0x109: {  	v63 =	vld [tilespmem:$0x3F0];
	vm9 =	vgt.s32 v58, $0x0;
	[tilespmem:$0x770] =	vst v2;
	v2 =	vmin.u32 v3, $0x1869F;
	v3 =	vnsel vm8, $0x0, v57  }
0x10a: {  	vm10 =	vgt.s32 v59, $0x0;
	[tilespmem:$0x780] =	vst v2;
	v2 =	vmin.u32 v3, $0x1869F;
	v3 =	vnsel vm9, $0x0, v58  }
0x10b: {  	vm11 =	vgt.s32 v60, $0x0;
	[tilespmem:$0x790] =	vst v2;
	v2 =	vmin.u32 v3, $0x1869F;
	v3 =	vnsel vm10, $0x0, v59  }
0x10c: {  	vm12 =	vgt.s32 v61, $0x0;
	[tilespmem:$0x7A0] =	vst v2;
	v2 =	vmin.u32 v3, $0x1869F;
	v3 =	vnsel vm11, $0x0, v60  }
0x10d: {  	vm13 =	vgt.s32 v62, $0x0;
	[tilespmem:$0x7B0] =	vst v2;
	v2 =	vmin.u32 v3, $0x1869F;
	v3 =	vnsel vm12, $0x0, v61  }
0x10e: {  	vm14 =	vgt.s32 v63, $0x0;
	[tilespmem:$0x7C0] =	vst v2;
	v2 =	vmin.u32 v3, $0x1869F;
	v3 =	vnsel vm13, $0x0, v62  }
0x10f: {  	[tilespmem:$0x7D0] =	vst v2;
	v2 =	vnsel vm14, $0x0, v63;
	v3 =	vmin.u32 v3, $0x1869F  }
0x110: {  	[tilespmem:$0x7E0] =	vst v3;
	v2 =	vmin.u32 v2, $0x1869F  }
0x111: {  	s10 =	simm.s32 $0x1;
	[tilespmem:$0x7F0] =	vst v2  }
0x112: {  	_ =	swait.ge [sflag:s10], $0x4000  }
0x113: {  	[sflag:s10] =	ssyncset.done $0x0  }
0x114: {  	s11 =	simm.s32 $0x7;
	s21 =	rddreg [dreg:$0x6];
	[sflag:s10] =	ssyncadd.s32 $0xFFFFC000  }
0x115: {  	[hbm4b:s21+s7] =	stream.linear.scatter [tilespmem:s3], [sflag:$0x7], $0x4000, $0x38;
	[tilespmem:$0x19000] =	vst v63  }
0x116: {  	_ =	swait.ge [sflag:s11], $0x4000  }
0x117: {  	[sflag:s11] =	ssyncset.done $0x0  }
0x118: {  	s22 =	simm.s32 $0x700;
	s12 =	simm.s32 $0x2;
	[sflag:s11] =	ssyncadd.s32 $0xFFFFC000  }
0x119: {  	[tilespmem:s3], [sflag:$0x1] =	stream.indirect.gather [hbm4b:s0+s2], $0x80, s22, s2, $0xb8;
	[tilespmem:$0x19000] =	vst v63  }
0x11a: {  	_ =	swait.ge [sflag:s12], $0x4000  }
0x11b: {  	[sflag:s12] =	ssyncset.done $0x0  }
0x11c: {  	s24 =	simm.s32 $0x8;
	s23 =	rddreg [dreg:$0x7];
	[sflag:s12] =	ssyncadd.s32 $0xFFFFC000  }
0x11d: {  	[hbm4b:s23+s7] =	stream.linear.scatter [tilespmem:s4], [sflag:$0x8], $0x4000, $0x38;
	[tilespmem:$0x19000] =	vst v63  }
0x11e: {  	_ =	swait.ge [sflag:s24], $0x4000  }
0x11f: {  	[sflag:s24] =	ssyncset.done $0x0  }
0x120: {  	s13 =	simm.s32 $0x780;
	s25 =	simm.s32 $0x3;
	[sflag:s24] =	ssyncadd.s32 $0xFFFFC000  }
0x121: {  	[tilespmem:s4], [sflag:$0x2] =	stream.indirect.gather [hbm4b:s0+s2], $0x80, s13, s2, $0xb8;
	[tilespmem:$0x19000] =	vst v63  }
0x122: {  	_ =	swait.ge [sflag:s25], $0x4000  }
0x123: {  	[sflag:s25] =	ssyncset.done $0x0  }
0x124: {  	s2 =	simm.s32 $0x4;
	s26 =	rddreg [dreg:$0x8];
	[sflag:s25] =	ssyncadd.s32 $0xFFFFC000  }
0x125: {  	[hbm4b:s26+s7] =	stream.linear.scatter [tilespmem:s5], [sflag:$0x9], $0x4000, $0x38;
	[tilespmem:$0x19000] =	vst v63  }
0x126: {  	_ =	swait.ge [sflag:s2], $0x4000  }
0x127: {  	[sflag:s2] =	ssyncset.done $0x0  }
0x128: {  	s5 =	rddreg [dreg:$0x9];
	[sflag:s2] =	ssyncadd.s32 $0xFFFFC000  }
0x129: {  	[hbm4b:s5+s7] =	stream.linear.scatter [tilespmem:s6], [sflag:$0xA], $0x4000, $0x38;
	[tilespmem:$0x19000] =	vst v63  }
0x12a: {  	s6 =	simm.s32 $0x5  }
0x12b: {  	_ =	swait.ge [sflag:s6], $0x4000  }
0x12c: {  	[sflag:s6] =	ssyncset.done $0x0  }
0x12d: {  	s15 =	simm.s32 $0x6;
	s13 =	rddreg [dreg:$0xa];
	[sflag:s6] =	ssyncadd.s32 $0xFFFFC000  }
0x12e: {  	[hbm4b:s13+s7] =	stream.linear.scatter [tilespmem:s8], [sflag:$0xB], $0x4000, $0x38;
	[tilespmem:$0x19000] =	vst v63  }
0x12f: {  	_ =	swait.ge [sflag:s15], $0x4000  }
0x130: {  	[sflag:s15] =	ssyncset.done $0x0  }
0x131: {  	s16 =	rddreg [dreg:$0xb];
	[sflag:s15] =	ssyncadd.s32 $0xFFFFC000  }
0x132: {  	[hbm4b:s16+s7] =	stream.linear.scatter [tilespmem:s9], [sflag:$0xC], $0x4000, $0x38;
	[tilespmem:$0x19000] =	vst v63  }
0x133: {  	_ =	swait.ge [sflag:s10], $0x4000  }
0x134: {  	[sflag:s10] =	ssyncset.done $0x0  }
0x135: {  	s17 =	rddreg [dreg:$0xc];
	[sflag:s10] =	ssyncadd.s32 $0xFFFFC000  }
0x136: {  	[hbm4b:s17+s7] =	stream.linear.scatter [tilespmem:s3], [sflag:$0x7], $0x4000, $0x38;
	[tilespmem:$0x19000] =	vst v63  }
0x137: {  	_ =	swait.ge [sflag:s12], $0x4000  }
0x138: {  	[sflag:s12] =	ssyncset.done $0x0  }
0x139: {  	s19 =	simm.s32 $0x9;
	s18 =	rddreg [dreg:$0xd];
	[sflag:s12] =	ssyncadd.s32 $0xFFFFC000  }
0x13a: {  	[hbm4b:s18+s7] =	stream.linear.scatter [tilespmem:s4], [sflag:$0x8], $0x4000, $0x38;
	[tilespmem:$0x19000] =	vst v63  }
0x13b: {  	_ =	swait.ge [sflag:s19], $0x4000  }
0x13c: {  	[sflag:s19] =	ssyncset.done $0x0  }
0x13d: {  	s20 =	simm.s32 $0xA;
	[sflag:s19] =	ssyncadd.s32 $0xFFFFC000  }
0x13e: {  	_ =	swait.ge [sflag:s20], $0x4000  }
0x13f: {  	[sflag:s20] =	ssyncset.done $0x0  }
0x140: {  	s21 =	simm.s32 $0xB;
	[sflag:s20] =	ssyncadd.s32 $0xFFFFC000  }
0x141: {  	_ =	swait.ge [sflag:s21], $0x4000  }
0x142: {  	[sflag:s21] =	ssyncset.done $0x0  }
0x143: {  	s22 =	simm.s32 $0xC;
	[sflag:s21] =	ssyncadd.s32 $0xFFFFC000  }
0x144: {  	_ =	swait.ge [sflag:s22], $0x4000  }
0x145: {  	[sflag:s22] =	ssyncset.done $0x0  }
0x146: {  	[sflag:s22] =	ssyncadd.s32 $0xFFFFC000  }
0x147: {  	_ =	swait.ge [sflag:s11], $0x4000  }
0x148: {  	[sflag:s11] =	ssyncset.done $0x0  }
0x149: {  	[sflag:s11] =	ssyncadd.s32 $0xFFFFC000  }
0x14a: {  	_ =	swait.ge [sflag:s24], $0x4000  }
0x14b: {  	[sflag:s24] =	ssyncset.done $0x0  }
0x14c: {  	[sflag:s24] =	ssyncadd.s32 $0xFFFFC000  }
0x14d: {  	v2 =	vld [tilespmem:s7+$0x0];
	_ =	sdelay $0x4  }
0x14e: {  	vm15 =	veq.s32 v2, $0xFFFFFF38  }
0x14f: {  	v2 =	vsel vm15, $0x1, v1  }
0x150: {  	(v2sf) =	vpush v2, $0x6  }
0x151: {  	(v2sf) =	vpush v2, $0xC  }
0x152: {  	(v2sf) =	vpush v2, $0x2  }
0x153: {  	(v2sf) =	vpush v2, $0x3  }
0x154: {  	(v2sf) =	vpush v2, $0x0;
	_ =	sdelay $0x2  }
0x155: {  	(v2sf) =	vpush v2, $0x9;
	_ =	sdelay $0x1  }
0x156: {  	(v2sf) =	vpush v2, $0x8  }
0x157: {  	(v2sf) =	vpush v2, $0x5;
	_ =	sdelay $0x1  }
0x158: {  	(v2sf) =	vpush v2, $0x4  }
0x159: {  	(v2sf) =	vpush v2, $0x1;
	_ =	sdelay $0x1  }
0x15a: {  	s10 =	simm.s32 $0x10;
	s11 =	spop (v2sf)  }
0x15b: {  	s22 =	simm.s32 $0x100;
	s9 =	spop (v2sf);
	p1 =	seq.s32 s11, $0x0  }
0x15c: {  	s0 =	spop (v2sf);
	p4 =	seq.s32 s9, $0x0;
	s8 =	sadd.s32 @!p1 $0x0, s14  }
0x15d: {  	s4 =	spop (v2sf);
	p2 =	seq.s32 s0, $0x0;
	s5 =	simm.s32 @!p4 $0x0  }
0x15e: {  	s29 =	simm.s32 @!p4 $0x18800;
	s25 =	sadd.s32 @!p1 $0x60, s8;
	s23 =	spop (v2sf)  }
0x15f: {  	(v2sf) =	vpush v2, $0xD;
	p0 =	seq.s32 s4, $0x0;
	s1 =	simm.s32 @!p2 $0x0;
	s13 =	sadd.s32 @!p2 $0x0, s14  }
0x160: {  	(v2sf) =	vpush v2, $0x7;
	s15 =	simm.s32 @!p2 $0x18800;
	s5 =	simm.s32 @p4 $0x1;
	s24 =	sadd.s32 $0x0, s23  }
0x161: {  	s26 =	spop (v2sf);
	s3 =	sadd.s32 @!p0 $0x0, s14;
	s6 =	simm.s32 @!p0 $0x0  }
0x162: {  	s7 =	simm.s32 @!p0 $0x18800;
	p3 =	seq.s32 s23, $0x0;
	[smem:$0x7FC] =	sst s5  }
0x163: {  	(v2sf) =	vpush v2, $0xA;
	s17 =	sadd.s32 @!p2 $0x20, s13;
	s12 =	spop (v2sf);
	s16 =	sadd.s32 @!p3 $0x0, s14  }
0x164: {  	s13 =	simm.s32 @!p3 $0x0;
	s19 =	simm.s32 @!p3 $0x18800;
	s5 =	spop (v2sf)  }
0x165: {  	[hbm4b:s16+s13] =	stream.linear.scatter @!p3 [tilespmem:s19], [sflag:$0xD], $0x80, $0x38;
	[tilespmem:$0x19000] =	vst v63  }
0x166: {  	s3 =	sadd.s32 @!p0 $0x30, s3;
	p3 =	seq.s32 s12, $0x0;
	s21 =	spop (v2sf)  }
0x167: {  	p4 =	seq.s32 s5, $0x0;
	s31 =	simm.s32 @!p3 $0x0;
	s18 =	spop (v2sf)  }
0x168: {  	s20 =	sadd.s32 @!p4 $0x0, s14;
	p6 =	seq.s32 s21, $0x0;
	p5 =	seq.s32 s18, $0x0  }
0x169: {  	s19 =	simm.s32 @!p4 $0x18800;
	s2 =	sadd.s32 s18, s24;
	s8 =	sadd.s32 @!p5 $0x0, s14  }
0x16a: {  	s16 =	simm.s32 @!p5 $0x18800;
	s18 =	simm.s32 @!p5 $0x0;
	s8 =	sadd.s32 @!p5 $0x10, s8  }
0x16b: {  	[hbm4b:s8+s18] =	stream.linear.scatter @!p5 [tilespmem:s16], [sflag:$0xD], $0x80, $0x38;
	[tilespmem:$0x19000] =	vst v63  }
0x16c: {  	s28 =	sadd.s32 @!p4 $0x50, s20;
	s24 =	simm.s32 $0x0;
	s0 =	sadd.s32 s0, s2  }
0x16d: {  	[hbm4b:s17+s1] =	stream.linear.scatter @!p2 [tilespmem:s15], [sflag:$0xD], $0x80, $0x38;
	[tilespmem:$0x19000] =	vst v63  }
0x16e: {  	s4 =	sadd.s32 s4, s0;
	s13 =	spop (v2sf);
	s1 =	sadd.s32 @!p6 $0x0, s14  }
0x16f: {  	s17 =	sadd.s32 @!p3 $0x0, s14;
	s23 =	spop (v2sf);
	p2 =	seq.s32 s13, $0x0  }
0x170: {  	s17 =	sadd.s32 @!p3 $0x80, s17;
	s2 =	simm.s32 @!p2 $0x0;
	p5 =	seq.s32 s23, $0x0  }
0x171: {  	[hbm4b:s3+s6] =	stream.linear.scatter @!p0 [tilespmem:s7], [sflag:$0xD], $0x80, $0x38;
	[tilespmem:$0x19000] =	vst v63  }
0x172: {  	s15 =	spop (v2sf);
	s6 =	simm.s32 @!p3 $0x18800;
	s7 =	simm.s32 @!p6 $0x18800  }
0x173: {  	s3 =	simm.s32 @!p4 $0x0;
	p0 =	seq.s32 s26, $0x0;
	s2 =	simm.s32 @p2 $0x1  }
0x174: {  	s8 =	sadd.s32 @!p5 $0x0, s14;
	p2 =	por p1, p1;
	s16 =	simm.s32 @!p5 $0x18800  }
0x175: {  	s18 =	simm.s32 @!p5 $0x0;
	[smem:$0x7FD] =	sst s2;
	s2 =	sadd.s32 @!p6 $0x40, s1  }
0x176: {  	(v2sf) =	vpush v2, $0xB;
	s1 =	simm.s32 @!p1 $0x18800;
	s30 =	sadd.s32 @!p5 $0x70, s8;
	s8 =	simm.s32 @!p6 $0x0  }
.LBB2_2:
0x177: {  	_ = 	snop  }
0x178: {  	[hbm4b:s2+s8] =	stream.linear.scatter @!p6 [tilespmem:s7], [sflag:$0xD], $0x80, $0x38;
	[tilespmem:$0x19000] =	vst v63  }
0x179: {  	s21 =	sadd.s32 s21, s4  }
0x17a: {  	[hbm4b:s28+s3] =	stream.linear.scatter @!p4 [tilespmem:s19], [sflag:$0xD], $0x80, $0x38;
	[tilespmem:$0x19000] =	vst v63  }
0x17b: {  	s4 =	simm.s32 @!p2 $0x0;
	p6 =	seq.s32 s15, $0x0;
	(v2sf) =	vpush v2, $0xE;
	s20 =	sld [smem:$0x7FD]  }
0x17c: {  	[hbm4b:s25+s4] =	stream.linear.scatter @!p2 [tilespmem:s1], [sflag:$0xD], $0x80, $0x38;
	[tilespmem:$0x19000] =	vst v63  }
0x17d: {  	s2 =	sadd.s32 s5, s21;
	s5 =	simm.s32 @!p0 $0x0;
	s7 =	sadd.s32 @!p6 s24, s14  }
0x17e: {  	[hbm4b:s30+s18] =	stream.linear.scatter @!p5 [tilespmem:s16], [sflag:$0xD], $0x80, $0x38;
	[tilespmem:$0x19000] =	vst v63  }
0x17f: {  	s8 =	simm.s32 @!p6 $0x0;
	(v2sf) =	vpush v2, $0xF;
	s3 =	sadd.s32 @!p0 s24, s14;
	s19 =	simm.s32 @!p0 $0x18800  }
0x180: {  	[hbm4b:s17+s31] =	stream.linear.scatter @!p3 [tilespmem:s6], [sflag:$0xD], $0x80, $0x38;
	[tilespmem:$0x19000] =	vst v63  }
0x181: {  	s2 =	sadd.s32 s11, s2;
	s3 =	sadd.s32 @!p0 $0x90, s3;
	s1 =	sadd.s32 @!p6 $0xA0, s7  }
0x182: {  	[hbm4b:s3+s5] =	stream.linear.scatter @!p0 [tilespmem:s19], [sflag:$0xD], $0x80, $0x38;
	[tilespmem:$0x19000] =	vst v63  }
0x183: {  	s4 =	simm.s32 @!p6 $0x18800;
	p2 =	seq.s32 s20, $0x1;
	s18 =	sld [smem:$0x7FC]  }
0x184: {  	[hbm4b:s1+s8] =	stream.linear.scatter @!p6 [tilespmem:s4], [sflag:$0xD], $0x80, $0x38;
	[tilespmem:$0x19000] =	vst v63  }
0x185: {  	s2 =	sadd.s32 s23, s2;
	s20 =	sadd.s32 @!p2 s24, s14;
	s25 =	spop (v2sf)  }
0x186: {  	s17 =	sadd.s32 @!p2 $0xD0, s20;
	p3 =	seq.s32 s18, $0x1;
	p1 =	seq.s32 s25, $0x0  }
0x187: {  	s19 =	sadd.s32 s12, s2;
	s11 =	sadd.s32 @!p1 s24, s14;
	s16 =	simm.s32 @!p1 $0x0  }
0x188: {  	s3 =	simm.s32 @!p1 $0x18800;
	s6 =	sadd.s32 @!p1 $0xB0, s11;
	s11 =	sadd.s32 @!p3 s24, s14  }
0x189: {  	[hbm4b:s6+s16] =	stream.linear.scatter @!p1 [tilespmem:s3], [sflag:$0xD], $0x80, $0x38;
	[tilespmem:$0x19000] =	vst v63  }
0x18a: {  	s2 =	simm.s32 @!p3 $0x0;
	s20 =	spop (v2sf);
	s5 =	sadd.s32 @!p3 $0xC0, s11  }
0x18b: {  	[hbm4b:s5+s2] =	stream.linear.scatter @!p3 [tilespmem:s29], [sflag:$0xD], $0x80, $0x38;
	[tilespmem:$0x19000] =	vst v63  }
0x18c: {  	s4 =	simm.s32 @!p2 $0x0;
	p0 =	seq.s32 s20, $0x0;
	s3 =	simm.s32 @!p2 $0x18800  }
0x18d: {  	[hbm4b:s17+s4] =	stream.linear.scatter @!p2 [tilespmem:s3], [sflag:$0xD], $0x80, $0x38;
	[tilespmem:$0x19000] =	vst v63  }
0x18e: {  	s21 =	spop (v2sf);
	s3 =	sadd.s32 @!p0 s24, s14  }
0x18f: {  	s5 =	simm.s32 @!p0 $0x0;
	s4 =	simm.s32 @!p0 $0x18800;
	s3 =	sadd.s32 @!p0 $0xE0, s3  }
0x190: {  	[hbm4b:s3+s5] =	stream.linear.scatter @!p0 [tilespmem:s4], [sflag:$0xD], $0x80, $0x38;
	[tilespmem:$0x19000] =	vst v63  }
0x191: {  	p0 =	seq.s32 s21, $0x0  }
0x192: {  	s3 =	sadd.s32 @!p0 s24, s14  }
0x193: {  	s4 =	simm.s32 @!p0 $0x18800;
	s5 =	simm.s32 @!p0 $0x0;
	s3 =	sadd.s32 @!p0 $0xF0, s3  }
0x194: {  	[hbm4b:s3+s5] =	stream.linear.scatter @!p0 [tilespmem:s4], [sflag:$0xD], $0x80, $0x38;
	[tilespmem:$0x19000] =	vst v63  }
0x195: {  	v2 =	vld [tilespmem:s10+$0x0];
	_ =	sdelay $0x4  }
0x196: {  	vm0 =	veq.s32 v2, $0xFFFFFF38  }
0x197: {  	v2 =	vsel vm0, $0x1, v1  }
0x198: {  	(v2sf) =	vpush v2, $0x6  }
0x199: {  	(v2sf) =	vpush v2, $0xC  }
0x19a: {  	(v2sf) =	vpush v2, $0x2  }
0x19b: {  	(v2sf) =	vpush v2, $0x3  }
0x19c: {  	(v2sf) =	vpush v2, $0x0;
	_ =	sdelay $0x1  }
0x19d: {  	(v2sf) =	vpush v2, $0x9  }
0x19e: {  	(v2sf) =	vpush v2, $0x8  }
0x19f: {  	s1 =	sadd.s32 s26, s19  }
0x1a0: {  	s1 =	sadd.s32 s15, s1;
	(v2sf) =	vpush v2, $0x5  }
0x1a1: {  	s1 =	sadd.s32 s25, s1  }
0x1a2: {  	s1 =	sadd.s32 s9, s1;
	(v2sf) =	vpush v2, $0x4  }
0x1a3: {  	s0 =	smov.u32 s22;
	s22 =	sadd.s32 $0x100, s22;
	s1 =	sadd.s32 s13, s1;
	(v2sf) =	vpush v2, $0x1  }
0x1a4: {  	s1 =	sadd.s32 s20, s1;
	p0 =	seq.s32 s22, $0x4000  }
0x1a5: {  	s1 =	sadd.s32 s21, s1;
	s24 =	smov.u32 s0;
	s2 =	simm.s32 @!p0 $0x0  }
0x1a6: {  	s10 =	sadd.s32 $0x10, s10;
	s2 =	simm.s32 @p0 $0x1;
	s11 =	spop (v2sf)  }
0x1a7: {  	[smem:$0x7FB] =	sst s2;
	s29 =	spop (v2sf);
	p1 =	seq.s32 s11, $0x0  }
0x1a8: {  	s23 =	spop (v2sf);
	p4 =	seq.s32 s29, $0x0;
	s6 =	sadd.s32 @!p1 s24, s14  }
0x1a9: {  	s0 =	spop (v2sf);
	p3 =	seq.s32 s23, $0x0;
	s4 =	simm.s32 @!p4 $0x0  }
0x1aa: {  	(v2sf) =	vpush v2, $0xD;
	s26 =	simm.s32 @!p4 $0x18800;
	s25 =	sadd.s32 @!p1 $0x60, s6;
	s7 =	spop (v2sf)  }
0x1ab: {  	p0 =	seq.s32 s0, $0x0;
	s3 =	simm.s32 @!p3 $0x0;
	s4 =	simm.s32 @p4 $0x1  }
0x1ac: {  	s8 =	spop (v2sf);
	s5 =	sadd.s32 @!p0 s24, s14;
	p2 =	seq.s32 s7, $0x0  }
0x1ad: {  	[dreg:$0x4] =	wrdreg s8;
	s18 =	sadd.s32 @!p0 $0x30, s5;
	s12 =	spop (v2sf)  }
0x1ae: {  	s5 =	sadd.s32 @!p3 s24, s14;
	s8 =	sadd.s32 @!p2 s24, s14;
	s13 =	simm.s32 @!p2 $0x0  }
0x1af: {  	s15 =	simm.s32 @!p2 $0x18800;
	s16 =	sadd.s32 @!p3 $0x20, s5;
	s5 =	spop (v2sf)  }
0x1b0: {  	[hbm4b:s8+s13] =	stream.linear.scatter @!p2 [tilespmem:s15], [sflag:$0xD], $0x80, $0x38;
	[tilespmem:$0x19000] =	vst v63  }
0x1b1: {  	s1 =	sadd.s32 s1, s7;
	p4 =	seq.s32 s5, $0x0;
	s21 =	spop (v2sf)  }
0x1b2: {  	(v2sf) =	vpush v2, $0x7;
	s7 =	simm.s32 @!p3 $0x18800;
	s17 =	sadd.s32 @!p4 s24, s14;
	s9 =	spop (v2sf)  }
0x1b3: {  	[smem:$0x7FC] =	sst s4;
	p5 =	seq.s32 s9, $0x0;
	s28 =	sadd.s32 @!p4 $0x50, s17  }
0x1b4: {  	(v2sf) =	vpush v2, $0xA;
	s1 =	sadd.s32 s9, s1;
	s6 =	sadd.s32 @!p5 s24, s14;
	s17 =	simm.s32 @!p5 $0x18800  }
0x1b5: {  	s9 =	sadd.s32 s23, s1;
	s1 =	simm.s32 @!p5 $0x0;
	s6 =	sadd.s32 @!p5 $0x10, s6  }
0x1b6: {  	[hbm4b:s6+s1] =	stream.linear.scatter @!p5 [tilespmem:s17], [sflag:$0xD], $0x80, $0x38;
	[tilespmem:$0x19000] =	vst v63  }
0x1b7: {  	s4 =	simm.s32 @!p0 $0x0;
	s20 =	simm.s32 @!p0 $0x18800;
	p6 =	seq.s32 s21, $0x0  }
0x1b8: {  	[hbm4b:s16+s3] =	stream.linear.scatter @!p3 [tilespmem:s7], [sflag:$0xD], $0x80, $0x38;
	[tilespmem:$0x19000] =	vst v63  }
0x1b9: {  	s19 =	simm.s32 @!p4 $0x18800;
	s8 =	simm.s32 @!p6 $0x0;
	s13 =	spop (v2sf)  }
0x1ba: {  	[hbm4b:s18+s4] =	stream.linear.scatter @!p0 [tilespmem:s20], [sflag:$0xD], $0x80, $0x38;
	[tilespmem:$0x19000] =	vst v63  }
0x1bb: {  	s1 =	sadd.s32 @!p6 s24, s14;
	p3 =	seq.s32 s12, $0x0;
	p2 =	seq.s32 s13, $0x0  }
0x1bc: {  	s7 =	simm.s32 @!p6 $0x18800;
	s20 =	sld [smem:$0x7FB];
	s2 =	simm.s32 @!p2 $0x0  }
0x1bd: {  	s17 =	sadd.s32 @!p3 s24, s14;
	s6 =	simm.s32 @!p3 $0x18800;
	s2 =	simm.s32 @p2 $0x1  }
0x1be: {  	s31 =	simm.s32 @!p3 $0x0;
	p2 =	por p1, p1;
	[smem:$0x7FD] =	sst s2  }
0x1bf: {  	s2 =	sadd.s32 @!p6 $0x40, s1;
	s1 =	simm.s32 @!p1 $0x18800;
	p1 =	seq.s32 s20, $0x1  }
.Ltmp2:
0x1c0: {  	s4 =	sadd.s32 s0, s9;
	s9 =	smov.u32 s29;
	(pc) =	sbr.rel @!p1 .LBB2_2-.Ltmp2, $4  }
0x1c1: {  	s29 =	smov.u32 s26;
	s26 =	rddreg [dreg:$0x4];
	s23 =	spop (v2sf)  }
0x1c2: {  	s17 =	sadd.s32 @!p3 $0x80, s17;
	p0 =	seq.s32 s26, $0x0;
	p5 =	seq.s32 s23, $0x0  }
0x1c3: {  	s15 =	spop (v2sf);
	s3 =	sadd.s32 @!p5 s24, s14;
	s16 =	simm.s32 @!p5 $0x18800  }
0x1c4: {  	(v2sf) =	vpush v2, $0xB;
	s18 =	simm.s32 @!p5 $0x0;
	s30 =	sadd.s32 @!p5 $0x70, s3;
	s3 =	simm.s32 @!p4 $0x0  }
0x1c5: {  	[hbm4b:s2+s8] =	stream.linear.scatter @!p6 [tilespmem:s7], [sflag:$0xD], $0x80, $0x38;
	[tilespmem:$0x19000] =	vst v63  }
0x1c6: {  	_ = 	snop  }
0x1c7: {  	[hbm4b:s28+s3] =	stream.linear.scatter @!p4 [tilespmem:s19], [sflag:$0xD], $0x80, $0x38;
	[tilespmem:$0x19000] =	vst v63  }
0x1c8: {  	s0 =	simm.s32 @!p2 $0x0  }
0x1c9: {  	[hbm4b:s25+s0] =	stream.linear.scatter @!p2 [tilespmem:s1], [sflag:$0xD], $0x80, $0x38;
	[tilespmem:$0x19000] =	vst v63  }
0x1ca: {  	_ = 	snop  }
0x1cb: {  	[hbm4b:s30+s18] =	stream.linear.scatter @!p5 [tilespmem:s16], [sflag:$0xD], $0x80, $0x38;
	[tilespmem:$0x19000] =	vst v63  }
0x1cc: {  	s0 =	sadd.s32 @!p0 s24, s14  }
0x1cd: {  	[hbm4b:s17+s31] =	stream.linear.scatter @!p3 [tilespmem:s6], [sflag:$0xD], $0x80, $0x38;
	[tilespmem:$0x19000] =	vst v63  }
0x1ce: {  	s2 =	simm.s32 @!p0 $0x18800;
	s1 =	simm.s32 @!p0 $0x0;
	s0 =	sadd.s32 @!p0 $0x90, s0  }
0x1cf: {  	(v2sf) =	vpush v2, $0xE;
	[hbm4b:s0+s1] =	stream.linear.scatter @!p0 [tilespmem:s2], [sflag:$0xD], $0x80, $0x38;
	[tilespmem:$0x19000] =	vst v63  }
0x1d0: {  	p0 =	seq.s32 s15, $0x0  }
0x1d1: {  	s0 =	sadd.s32 @!p0 s24, s14  }
0x1d2: {  	s1 =	simm.s32 @!p0 $0x0;
	s2 =	simm.s32 @!p0 $0x18800;
	s0 =	sadd.s32 @!p0 $0xA0, s0  }
0x1d3: {  	[hbm4b:s0+s1] =	stream.linear.scatter @!p0 [tilespmem:s2], [sflag:$0xD], $0x80, $0x38;
	[tilespmem:$0x19000] =	vst v63  }
0x1d4: {  	s22 =	spop (v2sf)  }
0x1d5: {  	p0 =	seq.s32 s22, $0x0  }
0x1d6: {  	s25 =	sld [smem:$0x7FC];
	(v2sf) =	vpush v2, $0xF;
	s0 =	sadd.s32 @!p0 s24, s14  }
0x1d7: {  	s1 =	simm.s32 @!p0 $0x0;
	s2 =	simm.s32 @!p0 $0x18800;
	s0 =	sadd.s32 @!p0 $0xB0, s0  }
0x1d8: {  	[hbm4b:s0+s1] =	stream.linear.scatter @!p0 [tilespmem:s2], [sflag:$0xD], $0x80, $0x38;
	[tilespmem:$0x19000] =	vst v63  }
0x1d9: {  	p0 =	seq.s32 s25, $0x1  }
0x1da: {  	s28 =	sld [smem:$0x7FD];
	s0 =	sadd.s32 @!p0 s24, s14  }
0x1db: {  	s1 =	simm.s32 @!p0 $0x0;
	s0 =	sadd.s32 @!p0 $0xC0, s0  }
0x1dc: {  	[hbm4b:s0+s1] =	stream.linear.scatter @!p0 [tilespmem:s29], [sflag:$0xD], $0x80, $0x38;
	[tilespmem:$0x19000] =	vst v63  }
0x1dd: {  	p0 =	seq.s32 s28, $0x1  }
0x1de: {  	s29 =	spop (v2sf);
	s0 =	sadd.s32 @!p0 s24, s14  }
0x1df: {  	s1 =	simm.s32 @!p0 $0x0;
	s2 =	simm.s32 @!p0 $0x18800;
	s0 =	sadd.s32 @!p0 $0xD0, s0  }
0x1e0: {  	[hbm4b:s0+s1] =	stream.linear.scatter @!p0 [tilespmem:s2], [sflag:$0xD], $0x80, $0x38;
	[tilespmem:$0x19000] =	vst v63  }
0x1e1: {  	p0 =	seq.s32 s29, $0x0  }
0x1e2: {  	s0 =	sadd.s32 @!p0 s24, s14  }
0x1e3: {  	s1 =	simm.s32 @!p0 $0x18800;
	s2 =	simm.s32 @!p0 $0x0;
	s0 =	sadd.s32 @!p0 $0xE0, s0  }
0x1e4: {  	[hbm4b:s0+s2] =	stream.linear.scatter @!p0 [tilespmem:s1], [sflag:$0xD], $0x80, $0x38;
	[tilespmem:$0x19000] =	vst v63  }
0x1e5: {  	s30 =	spop (v2sf)  }
0x1e6: {  	p0 =	seq.s32 s30, $0x0  }
0x1e7: {  	s31 =	sadd.s32 s21, s4;
	s1 =	sadd.s32 @!p0 s24, s14  }
0x1e8: {  	s2 =	simm.s32 @!p0 $0x18800;
	s7 =	simm.s32 @!p0 $0x0;
	s1 =	sadd.s32 @!p0 $0xF0, s1  }
0x1e9: {  	[hbm4b:s1+s7] =	stream.linear.scatter @!p0 [tilespmem:s2], [sflag:$0xD], $0x80, $0x38;
	[tilespmem:$0x19000] =	vst v63  }
0x1ea: {  	s1 =	sadd.s32 s5, s31  }
0x1eb: {  	s1 =	sadd.s32 s11, s1  }
0x1ec: {  	s1 =	sadd.s32 s23, s1  }
0x1ed: {  	s1 =	sadd.s32 s12, s1  }
0x1ee: {  	s1 =	sadd.s32 s26, s1  }
0x1ef: {  	s1 =	sadd.s32 s15, s1  }
0x1f0: {  	s1 =	sadd.s32 s22, s1  }
0x1f1: {  	s1 =	sadd.s32 s9, s1  }
0x1f2: {  	s1 =	sadd.s32 s13, s1  }
0x1f3: {  	s1 =	sadd.s32 s29, s1  }
0x1f4: {  	s0 =	sadd.s32 s30, s1  }
0x1f5: {  	p0 =	sgt.s32 s0, $0x0  }
.Ltmp3:
0x1f6: {  	_ = 	snop;
	(pc) =	sbr.rel @!p0 .LBB2_7-.Ltmp3, $3  }
0x1f7: {  	_ =	sdelay $0x1  }
0x1f8: {  	s3 =	rddreg [dreg:$0xf]  }
0x1f9: {  	s7 =	simm.s32 $0x0;
	s2 =	simm.s32 $0xD;
	s1 =	simm.s32 $0x0  }
0x1fa: {  	s1 =	sadd.s32 $0x1, s1  }
0x1fb: {  	p0 =	slt.s32 s1, s0  }
.Ltmp4:
0x1fc: {  	_ = 	snop;
	(pc) =	sbr.rel @!p0 .LBB2_6-.Ltmp4, $3  }
0x1fd: {  	_ =	sdelay $0x1  }
0x1fe: {  	_ =	swait.ge [sflag:s2], $0x80  }
0x1ff: {  	[sflag:s2] =	ssyncset.done $0x0  }
.LBB2_5:
0x200: {  	s1 =	sadd.s32 $0x1, s1  }
0x201: {  	[sflag:s2] =	ssyncadd.s32 $0xFFFFFF80;
	p0 =	slt.s32 s1, s0  }
.Ltmp5:
0x202: {  	(pc) =	sbr.rel @p0 .LBB2_5-.Ltmp5, $3  }
0x203: {  	_ =	sdelay $0x1  }
0x204: {  	_ =	swait.ge [sflag:s2], $0x80  }
0x205: {  	[sflag:s2] =	ssyncset.done $0x0  }
.Ltmp6:
0x206: {  	_ = 	snop;
	(pc) =	sbr.rel .LBB2_6-.Ltmp6, $1  }
0x207: {  	_ =	sdelay $0x3  }
.LBB2_8:
0x208: {  	_ =	sfence.sel $0x180000  }
0x209: {  	[bflag:$0x0] =	sbarrier.arrive $0xFFFF  }
0x20a: {  	_ =	strace $0x90000047  }
0x20b: {  	s0 =	stileid.u32;
	[bflag:$0x2] =	sbarrier.arrive $0xFFFF  }
0x20c: {  	p0 =	sne.s32 s0, $0x0;
	s0 =	rddreg [dreg:$0x3]  }
0x20d: {  	s0 =	sadd.s32 @!p0 $0x100000, s0  }
0x20e: {  	[sflag:s0] =	ssyncadd.tile.s32 @!p0 $0x1;
	_ =	shalt  }
.Lfunc_end2:
_tile_overlayer_lowered:
.L_overlay_start_2:
0x20f: {  	(tag) =	ssettag $0x2  }
0x210: {  	s0 =	rddreg [dreg:$0x0];
	s2 =	stileid.u32  }
0x211: {  	s1 =	rddreg [dreg:$0x1];
	p0 =	sne.s32 s2, $0x0  }
0x212: {  	s3 =	rddreg [dreg:$0x2];
	[bflag:$0x3] =	sbarrier.arrive $0xFFFF;
	s2 =	simm.s32 @!p0 $0x1C0E  }
0x213: {  	[timem:s3], [sflag:s2] =	dma.local @!p0 [hbm:s0], s1  }
0x214: {  	s0 =	simm.s32 @!p0 $0xE  }
0x215: {  	_ =	swait.ge @!p0 [sflag:s0], s1  }
0x216: {  	s1 =	ssub.s32 @!p0 $0x0, s1;
	[sflag:s0] =	ssyncset.done @!p0 $0x0  }
0x217: {  	[sflag:s0] =	ssyncadd.s32 @!p0 s1  }
0x218: {  	[bflag:$0x3] =	sbarrier.arrive $0xFFFF  }
0x219: {  	_ =	shalt  }

</sc_bundles>
